<compile_context>
chip_gen: v7x
topology: tpu7x:2x2x1
jax: 0.10.2.dev20260603
libtpu: 0.0.44.dev20260713+nightly
codegen_flags: <defaults>
</compile_context>

<pallas_src>
import functools

import jax
import jax.numpy as jnp
from jax import lax
from jax.experimental import pallas as pl
from jax.experimental.pallas import tpu as pltpu
from jax.experimental.pallas import tpu_sc as plsc

B = 8
N = 577
NP = 2308
D = 768
H = 12
HD = D // H
T_OLD = B * N
NPAD = 640
TOT = B * NPAD



_ROWS_A = 128


def _lnqkv_body(x_ref, g_ref, b_ref, wq_ref, bq_ref, wk_ref, bk_ref,
                wv_ref, bv_ref, q_ref, k_ref, v_ref, xo_ref):
    xb = x_ref[...]
    mu = jnp.mean(xb, axis=1, keepdims=True)
    xc = xb - mu
    var = jnp.mean(xc * xc, axis=1, keepdims=True)
    hn = (xc * lax.rsqrt(var + 1e-5) * g_ref[...] + b_ref[...]).astype(jnp.bfloat16)
    q_ref[...] = jnp.dot(hn, wq_ref[...], preferred_element_type=jnp.float32) + bq_ref[...]
    k_ref[...] = jnp.dot(hn, wk_ref[...], preferred_element_type=jnp.float32) + bk_ref[...]
    v_ref[...] = jnp.dot(hn, wv_ref[...], preferred_element_type=jnp.float32) + bv_ref[...]
    xo_ref[...] = xb


def _lnqkv(x, g, b, wqT, bq, wkT, bk, wvT, bv):
    grid = (pl.cdiv(NP, _ROWS_A),)
    row_spec = pl.BlockSpec((_ROWS_A, D), lambda i: (i, 0))
    full_spec = pl.BlockSpec((D, D), lambda i: (0, 0))
    vec_spec = pl.BlockSpec((1, D), lambda i: (0, 0))
    return pl.pallas_call(
        _lnqkv_body,
        grid=grid,
        in_specs=[row_spec, vec_spec, vec_spec,
                  full_spec, vec_spec, full_spec, vec_spec, full_spec, vec_spec],
        out_specs=[row_spec, row_spec, row_spec, row_spec],
        out_shape=[jax.ShapeDtypeStruct((NP, D), jnp.float32)] * 4,
    )(x, g.reshape(1, D), b.reshape(1, D), wqT, bq.reshape(1, D),
      wkT, bk.reshape(1, D), wvT, bv.reshape(1, D))



_NC, _NS = 2, 16
_NW = _NC * _NS
_PER_W = TOT // _NW
_CHUNK = 80
_NCH = _PER_W // _CHUNK


def _sc_gather(idx, lh, lq, lk, lv, fh, fq, fk, fv):
    mesh = plsc.VectorSubcoreMesh(core_axis_name="c", subcore_axis_name="s")
    FCH = 64
    NFC = 3
    FCAP = _PER_W + FCH
    FDUMP = FCAP

    @functools.partial(
        pl.kernel,
        mesh=mesh,
        compiler_params=pltpu.CompilerParams(needs_layout_passes=False),
        out_type=[jax.ShapeDtypeStruct((TOT, D), jnp.float32)] * 4,
        scratch_types=[
            pltpu.VMEM((_NCH, _CHUNK), jnp.int32),
            pltpu.VMEM((_NCH, _CHUNK), jnp.int32),
            pltpu.VMEM((FCAP + 16,), jnp.int32),
            pltpu.VMEM((FCAP + 16,), jnp.int32),
            pltpu.VMEM((NFC, FCH), jnp.int32),
            pltpu.VMEM((16,), jnp.int32),
            pltpu.VMEM((_CHUNK, D), jnp.float32),
            pltpu.VMEM((_CHUNK, D), jnp.float32),
            pltpu.SemaphoreType.DMA,
            pltpu.SemaphoreType.DMA,
            pltpu.SemaphoreType.DMA,
            pltpu.SemaphoreType.DMA,
            pltpu.SemaphoreType.DMA,
        ],
    )
    def gather_kernel(idx_hbm, lh_hbm, lq_hbm, lk_hbm, lv_hbm,
                      fh_hbm, fq_hbm, fk_hbm, fv_hbm,
                      oh, oq, ok, ov,
                      idx_v, oidx_v, flidx, flpos, fpos2, cnt_v, rows_v, rows_w,
                      semg0, semg1, sems0, sems1, sem):
        wid = lax.axis_index("s") * _NC + lax.axis_index("c")
        base = wid * _PER_W
        for c in range(_NCH):
            pltpu.sync_copy(idx_hbm.at[pl.ds(base + c * _CHUNK, _CHUNK)],
                            idx_v.at[c])
        bw = lax.shift_right_logical(wid, 2)
        iota = lax.iota(jnp.int32, 16)
        for j in range((FCAP + 16) // 16):
            flidx[pl.ds(16 * j, 16)] = (iota * 4 + 16 * j + wid) & 2047
            flpos[pl.ds(16 * j, 16)] = (
                bw * NPAD + N + ((16 * j + iota) & 31))
        c_f = 0
        for c in range(_NCH):
            for g in range(_CHUNK // 16):
                sl = pl.ds(g * 16, 16)
                iv = idx_v[c, sl]
                pos = base + c * _CHUNK + g * 16 + iota
                is_fresh = iv >= T_OLD
                oidx_v[c, sl] = jnp.where(is_fresh, pos & 4095, iv)
                cum = plsc.cumsum(is_fresh.astype(jnp.int32))
                dest = jnp.where(is_fresh, c_f + cum - 1, FDUMP + iota)
                plsc.store_scatter(flidx, [dest], iv - T_OLD)
                plsc.store_scatter(flpos, [dest], pos)
                cnt_v[...] = plsc.all_reduce_population_count(is_fresh)
                c_f = c_f + cnt_v[...][0]
        for c in range(NFC):
            for t in range(FCH // 16):
                fpos2[c, pl.ds(16 * t, 16)] = flpos[pl.ds(FCH * c + 16 * t, 16)]
        tensors = ((lh_hbm, fh_hbm, oh), (lq_hbm, fq_hbm, oq),
                   (lk_hbm, fk_hbm, ok), (lv_hbm, fv_hbm, ov))
        ops = [(l, o, c) for (l, _f, o) in tensors for c in range(_NCH)]
        bufs, semg, sems = (rows_v, rows_w), (semg0, semg1), (sems0, sems1)
        wb = [None, None]
        for i, (l_hbm, o_hbm, c) in enumerate(ops):
            b = i & 1
            if wb[b] is not None:
                wb[b].wait()
            pltpu.async_copy(l_hbm.at[oidx_v.at[c]], bufs[b], semg[b]).wait()
            wb[b] = pltpu.async_copy(
                bufs[b], o_hbm.at[pl.ds(base + c * _CHUNK, _CHUNK)], sems[b])
        wb[0].wait()
        wb[1].wait()
        for _l_hbm, f_hbm, o_hbm in tensors:
            for c in range(NFC):
                @pl.when(FCH * c < c_f)
                def _fresh_chunk(c=c, f_hbm=f_hbm, o_hbm=o_hbm):
                    sub = rows_v.at[pl.ds(0, FCH)]
                    pltpu.async_copy(
                        f_hbm.at[flidx.at[pl.ds(FCH * c, FCH)]], sub, sem).wait()
                    pltpu.async_copy(sub, o_hbm.at[fpos2.at[c]], sem).wait()

    return gather_kernel(idx, lh, lq, lk, lv, fh, fq, fk, fv)



def _attn_body(q_ref, k_ref, v_ref, hs_ref, wo_ref, bo_ref, out_ref):
    scale = HD ** -0.5
    q = (q_ref[:N, :] * scale).astype(jnp.bfloat16)
    rmask = lax.broadcasted_iota(jnp.int32, (NPAD, 1), 0) < N
    k = jnp.where(rmask, k_ref[...], 0.0).astype(jnp.bfloat16)
    v = jnp.where(rmask, v_ref[...], 0.0).astype(jnp.bfloat16)
    outs = []
    for h in range(H):
        sl = slice(h * HD, (h + 1) * HD)
        s = lax.dot_general(q[:, sl], k[:, sl], (((1,), (1,)), ((), ())),
                            preferred_element_type=jnp.float32)
        p = jnp.exp(s)
        num = jnp.dot(p.astype(jnp.bfloat16), v[:, sl],
                      preferred_element_type=jnp.float32)
        den = jnp.sum(p, axis=1, keepdims=True) - float(NPAD - N)
        outs.append(num / den)
    ao = jnp.concatenate(outs, axis=1).astype(jnp.bfloat16)
    y = jnp.dot(ao, wo_ref[...], preferred_element_type=jnp.float32)
    out_ref[0] = y + bo_ref[...] + hs_ref[:N, :]


def _attn(q_g, k_g, v_g, hs_g, woT, bo):
    pad_spec = pl.BlockSpec((NPAD, D), lambda b: (b, 0))
    return pl.pallas_call(
        _attn_body,
        grid=(B,),
        in_specs=[pad_spec, pad_spec, pad_spec, pad_spec,
                  pl.BlockSpec((D, D), lambda b: (0, 0)),
                  pl.BlockSpec((1, D), lambda b: (0, 0))],
        out_specs=pl.BlockSpec((1, N, D), lambda b: (b, 0, 0)),
        out_shape=jax.ShapeDtypeStruct((B, N, D), jnp.float32),
    )(q_g, k_g, v_g, hs_g, woT, bo.reshape(1, D))



def kernel(gather_idxs, hidden_states, last_hidden_states, last_query_states,
           last_key_states, last_value_states, ln1_g, ln1_b,
           Wq, bq, Wk, bk, Wv, bv, Wo, bo):
    bf = jnp.bfloat16
    x = hidden_states.reshape(NP, D)
    q, k, v, x_std = _lnqkv(x, ln1_g, ln1_b, Wq.T.astype(bf), bq,
                            Wk.T.astype(bf), bk, Wv.T.astype(bf), bv)

    idx = gather_idxs.astype(jnp.int32)
    filler = (jnp.arange(NPAD - N, dtype=jnp.int32)[None, :]
              + N * jnp.arange(B, dtype=jnp.int32)[:, None]) % T_OLD
    idx_flat = jnp.concatenate([idx, filler], axis=1).reshape(TOT)

    hs_g, q_g, k_g, v_g = _sc_gather(
        idx_flat,
        last_hidden_states.reshape(T_OLD, D), last_query_states.reshape(T_OLD, D),
        last_key_states.reshape(T_OLD, D), last_value_states.reshape(T_OLD, D),
        x_std, q, k, v)
    return _attn(q_g, k_g, v_g, hs_g, Wo.T.astype(bf), bo)

# --- scband reference (transcript-rebuilt; emitter-appended) ---
"""Pipeline reference for scband-optimized-sim-encoder-layer-37383395344611 (READ-ONLY COPY).

The authoritative reference and input builder live on the scoring server;
editing this copy changes nothing except your own understanding.
"""

import jax, jax.numpy as jnp
import numpy as np

B = 8
N = 577
NP = 2308
D = 768
H = 12
HD = D // H


def setup_inputs(seed: int = 0) -> dict:
    key = jax.random.key(seed)
    ks = jax.random.split(key, 12)
    gather_idxs = jax.random.randint(ks[0], (B, N), 0, B * N + NP)
    hidden_states = jax.random.normal(ks[1], (1, NP, D), dtype=jnp.float32)
    last_hidden_states = jax.random.normal(ks[2], (B, N, D), dtype=jnp.float32)
    last_query_states = jax.random.normal(ks[3], (B, N, D), dtype=jnp.float32)
    last_key_states = jax.random.normal(ks[4], (B, N, D), dtype=jnp.float32)
    last_value_states = jax.random.normal(ks[5], (B, N, D), dtype=jnp.float32)
    ln1_g = jnp.ones((D,), dtype=jnp.float32)
    ln1_b = jnp.zeros((D,), dtype=jnp.float32)
    Wq = jax.random.normal(ks[6], (D, D), dtype=jnp.float32) * 0.02
    bq = jnp.zeros((D,), dtype=jnp.float32)
    Wk = jax.random.normal(ks[7], (D, D), dtype=jnp.float32) * 0.02
    bk = jnp.zeros((D,), dtype=jnp.float32)
    Wv = jax.random.normal(ks[8], (D, D), dtype=jnp.float32) * 0.02
    bv = jnp.zeros((D,), dtype=jnp.float32)
    Wo = jax.random.normal(ks[9], (D, D), dtype=jnp.float32) * 0.02
    bo = jnp.zeros((D,), dtype=jnp.float32)
    return {
        'gather_idxs': gather_idxs,
        'hidden_states': hidden_states,
        'last_hidden_states': last_hidden_states,
        'last_query_states': last_query_states,
        'last_key_states': last_key_states,
        'last_value_states': last_value_states,
        'ln1_g': ln1_g, 'ln1_b': ln1_b,
        'Wq': Wq, 'bq': bq, 'Wk': Wk, 'bk': bk,
        'Wv': Wv, 'bv': bv, 'Wo': Wo, 'bo': bo,
    }


def _layer_norm(x, g, b):
    mu = x.mean(axis=-1, keepdims=True)
    var = ((x - mu) ** 2).mean(axis=-1, keepdims=True)
    return (x - mu) / jnp.sqrt(var + 1e-5) * g + b


def _gather_batched_states(gather_idx, lhs_states, rhs_states):
    # lhs: [B, N, D] cached states; rhs: [1, NP, D] freshly computed tokens
    d = lhs_states.shape[-1]
    cat = jnp.concatenate([lhs_states.reshape(-1, d), rhs_states.reshape(-1, d)], axis=0)
    return cat[gather_idx]  # [B, N, D] gather along token axis


def reference(gather_idxs, hidden_states, last_hidden_states, last_query_states,
              last_key_states, last_value_states, ln1_g, ln1_b,
              Wq, bq, Wk, bk, Wv, bv, Wo, bo):
    # layer_norm1 + q/k/v projection on the (compressed) computed token set [1, NP, D]
    hn = _layer_norm(hidden_states, ln1_g, ln1_b)
    q = hn @ Wq.T + bq
    k = hn @ Wk.T + bk
    v = hn @ Wv.T + bv
    # scatter/gather reuse: mix cached per-batch states with fresh computed states
    hs_g = _gather_batched_states(gather_idxs, last_hidden_states, hidden_states)
    q_g = _gather_batched_states(gather_idxs, last_query_states, q)
    k_g = _gather_batched_states(gather_idxs, last_key_states, k)
    v_g = _gather_batched_states(gather_idxs, last_value_states, v)
    # self attention (CLIP-style) on gathered full token grid
    scale = HD ** -0.5
    qs = (q_g * scale).reshape(B, N, H, HD).transpose(0, 2, 1, 3).reshape(B * H, N, HD)
    ks_ = k_g.reshape(B, N, H, HD).transpose(0, 2, 1, 3).reshape(B * H, N, HD)
    vs = v_g.reshape(B, N, H, HD).transpose(0, 2, 1, 3).reshape(B * H, N, HD)
    attn_weights = jax.nn.softmax(qs @ ks_.transpose(0, 2, 1), axis=-1)
    attn_out = attn_weights @ vs
    attn_out = attn_out.reshape(B, H, N, HD).transpose(0, 2, 1, 3).reshape(B, N, D)
    attn_out = attn_out @ Wo.T + bo
    # residual with gathered hidden states (post-gather encoder layer output)
    return hs_g + attn_out

if __name__ == "__main__":
    import jax
    _d = setup_inputs()
    print(jax.jit(kernel)(*tuple(_d.values())))

</pallas_src>

<mosaic_0001>
#map = affine_map<(d0, d1) -> (0)>
#map1 = affine_map<(d0, d1) -> (0, 0)>
module attributes {stable_mosaic.version = 14 : i64} {
  func.func @gather_kernel(%arg0: i32, %arg1: i32, %arg2: memref<5120xi32, #tpu.memory_space<hbm>>, %arg3: memref<4616x768xf32, #tpu.memory_space<hbm>>, %arg4: memref<4616x768xf32, #tpu.memory_space<hbm>>, %arg5: memref<4616x768xf32, #tpu.memory_space<hbm>>, %arg6: memref<4616x768xf32, #tpu.memory_space<hbm>>, %arg7: memref<2308x768xf32, #tpu.memory_space<hbm>>, %arg8: memref<2308x768xf32, #tpu.memory_space<hbm>>, %arg9: memref<2308x768xf32, #tpu.memory_space<hbm>>, %arg10: memref<2308x768xf32, #tpu.memory_space<hbm>>, %arg11: memref<5120x768xf32, #tpu.memory_space<hbm>>, %arg12: memref<5120x768xf32, #tpu.memory_space<hbm>>, %arg13: memref<5120x768xf32, #tpu.memory_space<hbm>>, %arg14: memref<5120x768xf32, #tpu.memory_space<hbm>>, %arg15: memref<2x80xi32, #tpu.memory_space<vmem>>, %arg16: memref<2x80xi32, #tpu.memory_space<vmem>>, %arg17: memref<240xi32, #tpu.memory_space<vmem>>, %arg18: memref<240xi32, #tpu.memory_space<vmem>>, %arg19: memref<3x64xi32, #tpu.memory_space<vmem>>, %arg20: memref<16xi32, #tpu.memory_space<vmem>>, %arg21: memref<80x768xf32, #tpu.memory_space<vmem>>, %arg22: memref<80x768xf32, #tpu.memory_space<vmem>>, %arg23: memref<!tpu.dma_semaphore, #tpu.memory_space<semaphore_mem>>, %arg24: memref<!tpu.dma_semaphore, #tpu.memory_space<semaphore_mem>>, %arg25: memref<!tpu.dma_semaphore, #tpu.memory_space<semaphore_mem>>, %arg26: memref<!tpu.dma_semaphore, #tpu.memory_space<semaphore_mem>>, %arg27: memref<!tpu.dma_semaphore, #tpu.memory_space<semaphore_mem>>) attributes {dimension_semantics = [#tpu.dimension_semantics<core_parallel>, #tpu.dimension_semantics<subcore_parallel>], iteration_bounds = array<i64: 2, 16>, scalar_prefetch = 0 : i64, scratch_operands = 13 : i64, tpu.core_type = #tpu.core_type<sc_vector_subcore>, window_params = [{transform_indices = #map}, {transform_indices = #map1}, {transform_indices = #map1}, {transform_indices = #map1}, {transform_indices = #map1}, {transform_indices = #map1}, {transform_indices = #map1}, {transform_indices = #map1}, {transform_indices = #map1}, {transform_indices = #map1}, {transform_indices = #map1}, {transform_indices = #map1}, {transform_indices = #map1}]} {
    %mul3A = arith.constant 2 : i32
    %mul3A_0 = arith.muli %arg1, %mul3A : i32
    %add3A = arith.addi %mul3A_0, %arg0 : i32
    %mul3A_1 = arith.constant 160 : i32
    %mul3A_2 = arith.muli %add3A, %mul3A_1 : i32
    %add3A_3 = arith.constant 0 : i32
    %add3A_4 = arith.addi %mul3A_2, %add3A_3 : i32
    %run_scoped3A = arith.constant 0 : i32
    "tpu.region"() ({
      %run_scoped3A_1174 = tpu.sem_alloc : memref<!tpu.dma_semaphore, #tpu.memory_space<semaphore_mem>>
      %dma_start3A_1175 = arith.constant 0 : i32
      %dma_start3A_1176 = tpu.memref_slice %arg15[%run_scoped3A, %dma_start3A_1175] : memref<2x80xi32, #tpu.memory_space<vmem>> -> memref<1x80xi32, #tpu.memory_space<vmem>>
      %dma_start3A_1177 = tpu.memref_squeeze %dma_start3A_1176 : memref<1x80xi32, #tpu.memory_space<vmem>> -> memref<80xi32, #tpu.memory_space<vmem>>
      %dma_start3A_1178 = tpu.memref_slice %arg2[%add3A_4] : memref<5120xi32, #tpu.memory_space<hbm>> -> memref<80xi32, #tpu.memory_space<hbm>>
      %dma_start3A_1179 = arith.constant 0 : i32
      %dma_start3A_1180 = tpu.memref_slice %arg15[%run_scoped3A, %dma_start3A_1179] : memref<2x80xi32, #tpu.memory_space<vmem>> -> memref<1x80xi32, #tpu.memory_space<vmem>>
      %dma_start3A_1181 = tpu.memref_squeeze %dma_start3A_1180 : memref<1x80xi32, #tpu.memory_space<vmem>> -> memref<80xi32, #tpu.memory_space<vmem>>
      %dma_start3A_1182 = tpu.memref_slice %arg2[%add3A_4] : memref<5120xi32, #tpu.memory_space<hbm>> -> memref<80xi32, #tpu.memory_space<hbm>>
      tpu.enqueue_dma source(%dma_start3A_1182 : memref<80xi32, #tpu.memory_space<hbm>>) target(%dma_start3A_1181 : memref<80xi32, #tpu.memory_space<vmem>>) target_semaphore(%run_scoped3A_1174 : memref<!tpu.dma_semaphore, #tpu.memory_space<semaphore_mem>>)
      %dma_wait3A_1183 = arith.constant 0 : i32
      %dma_wait3A_1184 = tpu.memref_slice %arg15[%run_scoped3A, %dma_wait3A_1183] : memref<2x80xi32, #tpu.memory_space<vmem>> -> memref<1x80xi32, #tpu.memory_space<vmem>>
      %dma_wait3A_1185 = tpu.memref_squeeze %dma_wait3A_1184 : memref<1x80xi32, #tpu.memory_space<vmem>> -> memref<80xi32, #tpu.memory_space<vmem>>
      %dma_wait3A_1186 = tpu.memref_slice %arg2[%add3A_4] : memref<5120xi32, #tpu.memory_space<hbm>> -> memref<80xi32, #tpu.memory_space<hbm>>
      %dma_wait3A_1187 = arith.constant 0 : i32
      %dma_wait3A_1188 = tpu.memref_slice %arg15[%run_scoped3A, %dma_wait3A_1187] : memref<2x80xi32, #tpu.memory_space<vmem>> -> memref<1x80xi32, #tpu.memory_space<vmem>>
      %dma_wait3A_1189 = tpu.memref_squeeze %dma_wait3A_1188 : memref<1x80xi32, #tpu.memory_space<vmem>> -> memref<80xi32, #tpu.memory_space<vmem>>
      %dma_wait3A_1190 = tpu.memref_slice %arg2[%add3A_4] : memref<5120xi32, #tpu.memory_space<hbm>> -> memref<80xi32, #tpu.memory_space<hbm>>
      tpu.wait_dma2 semaphore(%run_scoped3A_1174 : memref<!tpu.dma_semaphore, #tpu.memory_space<semaphore_mem>>) src(%dma_wait3A_1190 : memref<80xi32, #tpu.memory_space<hbm>>) dst(%dma_wait3A_1189 : memref<80xi32, #tpu.memory_space<vmem>>)
      tpu.yield
    }) : () -> ()
    %add3A_5 = arith.constant 80 : i32
    %add3A_6 = arith.addi %mul3A_2, %add3A_5 : i32
    %run_scoped3A_7 = arith.constant 1 : i32
    "tpu.region"() ({
      %run_scoped3A_1174 = tpu.sem_alloc : memref<!tpu.dma_semaphore, #tpu.memory_space<semaphore_mem>>
      %dma_start3A_1175 = arith.constant 0 : i32
      %dma_start3A_1176 = tpu.memref_slice %arg15[%run_scoped3A_7, %dma_start3A_1175] : memref<2x80xi32, #tpu.memory_space<vmem>> -> memref<1x80xi32, #tpu.memory_space<vmem>>
      %dma_start3A_1177 = tpu.memref_squeeze %dma_start3A_1176 : memref<1x80xi32, #tpu.memory_space<vmem>> -> memref<80xi32, #tpu.memory_space<vmem>>
      %dma_start3A_1178 = tpu.memref_slice %arg2[%add3A_6] : memref<5120xi32, #tpu.memory_space<hbm>> -> memref<80xi32, #tpu.memory_space<hbm>>
      %dma_start3A_1179 = arith.constant 0 : i32
      %dma_start3A_1180 = tpu.memref_slice %arg15[%run_scoped3A_7, %dma_start3A_1179] : memref<2x80xi32, #tpu.memory_space<vmem>> -> memref<1x80xi32, #tpu.memory_space<vmem>>
      %dma_start3A_1181 = tpu.memref_squeeze %dma_start3A_1180 : memref<1x80xi32, #tpu.memory_space<vmem>> -> memref<80xi32, #tpu.memory_space<vmem>>
      %dma_start3A_1182 = tpu.memref_slice %arg2[%add3A_6] : memref<5120xi32, #tpu.memory_space<hbm>> -> memref<80xi32, #tpu.memory_space<hbm>>
      tpu.enqueue_dma source(%dma_start3A_1182 : memref<80xi32, #tpu.memory_space<hbm>>) target(%dma_start3A_1181 : memref<80xi32, #tpu.memory_space<vmem>>) target_semaphore(%run_scoped3A_1174 : memref<!tpu.dma_semaphore, #tpu.memory_space<semaphore_mem>>)
      %dma_wait3A_1183 = arith.constant 0 : i32
      %dma_wait3A_1184 = tpu.memref_slice %arg15[%run_scoped3A_7, %dma_wait3A_1183] : memref<2x80xi32, #tpu.memory_space<vmem>> -> memref<1x80xi32, #tpu.memory_space<vmem>>
      %dma_wait3A_1185 = tpu.memref_squeeze %dma_wait3A_1184 : memref<1x80xi32, #tpu.memory_space<vmem>> -> memref<80xi32, #tpu.memory_space<vmem>>
      %dma_wait3A_1186 = tpu.memref_slice %arg2[%add3A_6] : memref<5120xi32, #tpu.memory_space<hbm>> -> memref<80xi32, #tpu.memory_space<hbm>>
      %dma_wait3A_1187 = arith.constant 0 : i32
      %dma_wait3A_1188 = tpu.memref_slice %arg15[%run_scoped3A_7, %dma_wait3A_1187] : memref<2x80xi32, #tpu.memory_space<vmem>> -> memref<1x80xi32, #tpu.memory_space<vmem>>
      %dma_wait3A_1189 = tpu.memref_squeeze %dma_wait3A_1188 : memref<1x80xi32, #tpu.memory_space<vmem>> -> memref<80xi32, #tpu.memory_space<vmem>>
      %dma_wait3A_1190 = tpu.memref_slice %arg2[%add3A_6] : memref<5120xi32, #tpu.memory_space<hbm>> -> memref<80xi32, #tpu.memory_space<hbm>>
      tpu.wait_dma2 semaphore(%run_scoped3A_1174 : memref<!tpu.dma_semaphore, #tpu.memory_space<semaphore_mem>>) src(%dma_wait3A_1190 : memref<80xi32, #tpu.memory_space<hbm>>) dst(%dma_wait3A_1189 : memref<80xi32, #tpu.memory_space<vmem>>)
      tpu.yield
    }) : () -> ()
    %shift_right_logical3A = arith.constant 2 : i32
    %shift_right_logical3A_8 = arith.shrui %add3A, %shift_right_logical3A : i32
    %iota3A = tpu.iota {dimensions = array<i32: 0>} : vector<16xi32>
    %mul3A_9 = arith.constant 4 : i32
    %mul3A_10 = vector.broadcast %mul3A_9 : i32 to vector<16xi32>
    %mul3A_11 = arith.muli %iota3A, %mul3A_10 : vector<16xi32>
    %add3A_12 = arith.constant 0 : i32
    %add3A_13 = vector.broadcast %add3A_12 : i32 to vector<16xi32>
    %add3A_14 = arith.addi %mul3A_11, %add3A_13 : vector<16xi32>
    %add3A_15 = vector.broadcast %add3A : i32 to vector<16xi32>
    %add3A_16 = arith.addi %add3A_14, %add3A_15 : vector<16xi32>
    %and3A = arith.constant 2047 : i32
    %and3A_17 = vector.broadcast %and3A : i32 to vector<16xi32>
    %and3A_18 = arith.andi %add3A_16, %and3A_17 : vector<16xi32>
    %swap3A = arith.constant 0 : index
    %swap3A_19 = tpu.vector_load %arg17[%swap3A] {strides = array<i32>} : memref<240xi32, #tpu.memory_space<vmem>>, vector<16xi32>,
    tpu.vector_store %arg17[%swap3A], %and3A_18 {strides = array<i32>} : memref<240xi32, #tpu.memory_space<vmem>>, vector<16xi32>,
    %mul3A_20 = arith.constant 640 : i32
    %mul3A_21 = arith.muli %shift_right_logical3A_8, %mul3A_20 : i32
    %add3A_22 = arith.constant 577 : i32
    %add3A_23 = arith.addi %mul3A_21, %add3A_22 : i32
    %add3A_24 = arith.constant 0 : i32
    %add3A_25 = vector.broadcast %add3A_24 : i32 to vector<16xi32>
    %add3A_26 = arith.addi %add3A_25, %iota3A : vector<16xi32>
    %and3A_27 = arith.constant 31 : i32
    %and3A_28 = vector.broadcast %and3A_27 : i32 to vector<16xi32>
    %and3A_29 = arith.andi %add3A_26, %and3A_28 : vector<16xi32>
    %add3A_30 = vector.broadcast %add3A_23 : i32 to vector<16xi32>
    %add3A_31 = arith.addi %add3A_30, %and3A_29 : vector<16xi32>
    %swap3A_32 = arith.constant 0 : index
    %swap3A_33 = tpu.vector_load %arg18[%swap3A_32] {strides = array<i32>} : memref<240xi32, #tpu.memory_space<vmem>>, vector<16xi32>,
    tpu.vector_store %arg18[%swap3A_32], %add3A_31 {strides = array<i32>} : memref<240xi32, #tpu.memory_space<vmem>>, vector<16xi32>,
    %mul3A_34 = arith.constant 4 : i32
    %mul3A_35 = vector.broadcast %mul3A_34 : i32 to vector<16xi32>
    %mul3A_36 = arith.muli %iota3A, %mul3A_35 : vector<16xi32>
    %add3A_37 = arith.constant 16 : i32
    %add3A_38 = vector.broadcast %add3A_37 : i32 to vector<16xi32>
    %add3A_39 = arith.addi %mul3A_36, %add3A_38 : vector<16xi32>
    %add3A_40 = vector.broadcast %add3A : i32 to vector<16xi32>
    %add3A_41 = arith.addi %add3A_39, %add3A_40 : vector<16xi32>
    %and3A_42 = arith.constant 2047 : i32
    %and3A_43 = vector.broadcast %and3A_42 : i32 to vector<16xi32>
    %and3A_44 = arith.andi %add3A_41, %and3A_43 : vector<16xi32>
    %swap3A_45 = arith.constant 16 : index
    %swap3A_46 = tpu.vector_load %arg17[%swap3A_45] {strides = array<i32>} : memref<240xi32, #tpu.memory_space<vmem>>, vector<16xi32>,
    tpu.vector_store %arg17[%swap3A_45], %and3A_44 {strides = array<i32>} : memref<240xi32, #tpu.memory_space<vmem>>, vector<16xi32>,
    %mul3A_47 = arith.constant 640 : i32
    %mul3A_48 = arith.muli %shift_right_logical3A_8, %mul3A_47 : i32
    %add3A_49 = arith.constant 577 : i32
    %add3A_50 = arith.addi %mul3A_48, %add3A_49 : i32
    %add3A_51 = arith.constant 16 : i32
    %add3A_52 = vector.broadcast %add3A_51 : i32 to vector<16xi32>
    %add3A_53 = arith.addi %add3A_52, %iota3A : vector<16xi32>
    %and3A_54 = arith.constant 31 : i32
    %and3A_55 = vector.broadcast %and3A_54 : i32 to vector<16xi32>
    %and3A_56 = arith.andi %add3A_53, %and3A_55 : vector<16xi32>
    %add3A_57 = vector.broadcast %add3A_50 : i32 to vector<16xi32>
    %add3A_58 = arith.addi %add3A_57, %and3A_56 : vector<16xi32>
    %swap3A_59 = arith.constant 16 : index
    %swap3A_60 = tpu.vector_load %arg18[%swap3A_59] {strides = array<i32>} : memref<240xi32, #tpu.memory_space<vmem>>, vector<16xi32>,
    tpu.vector_store %arg18[%swap3A_59], %add3A_58 {strides = array<i32>} : memref<240xi32, #tpu.memory_space<vmem>>, vector<16xi32>,
    %mul3A_61 = arith.constant 4 : i32
    %mul3A_62 = vector.broadcast %mul3A_61 : i32 to vector<16xi32>
    %mul3A_63 = arith.muli %iota3A, %mul3A_62 : vector<16xi32>
    %add3A_64 = arith.constant 32 : i32
    %add3A_65 = vector.broadcast %add3A_64 : i32 to vector<16xi32>
    %add3A_66 = arith.addi %mul3A_63, %add3A_65 : vector<16xi32>
    %add3A_67 = vector.broadcast %add3A : i32 to vector<16xi32>
    %add3A_68 = arith.addi %add3A_66, %add3A_67 : vector<16xi32>
    %and3A_69 = arith.constant 2047 : i32
    %and3A_70 = vector.broadcast %and3A_69 : i32 to vector<16xi32>
    %and3A_71 = arith.andi %add3A_68, %and3A_70 : vector<16xi32>
    %swap3A_72 = arith.constant 32 : index
    %swap3A_73 = tpu.vector_load %arg17[%swap3A_72] {strides = array<i32>} : memref<240xi32, #tpu.memory_space<vmem>>, vector<16xi32>,
    tpu.vector_store %arg17[%swap3A_72], %and3A_71 {strides = array<i32>} : memref<240xi32, #tpu.memory_space<vmem>>, vector<16xi32>,
    %mul3A_74 = arith.constant 640 : i32
    %mul3A_75 = arith.muli %shift_right_logical3A_8, %mul3A_74 : i32
    %add3A_76 = arith.constant 577 : i32
    %add3A_77 = arith.addi %mul3A_75, %add3A_76 : i32
    %add3A_78 = arith.constant 32 : i32
    %add3A_79 = vector.broadcast %add3A_78 : i32 to vector<16xi32>
    %add3A_80 = arith.addi %add3A_79, %iota3A : vector<16xi32>
    %and3A_81 = arith.constant 31 : i32
    %and3A_82 = vector.broadcast %and3A_81 : i32 to vector<16xi32>
    %and3A_83 = arith.andi %add3A_80, %and3A_82 : vector<16xi32>
    %add3A_84 = vector.broadcast %add3A_77 : i32 to vector<16xi32>
    %add3A_85 = arith.addi %add3A_84, %and3A_83 : vector<16xi32>
    %swap3A_86 = arith.constant 32 : index
    %swap3A_87 = tpu.vector_load %arg18[%swap3A_86] {strides = array<i32>} : memref<240xi32, #tpu.memory_space<vmem>>, vector<16xi32>,
    tpu.vector_store %arg18[%swap3A_86], %add3A_85 {strides = array<i32>} : memref<240xi32, #tpu.memory_space<vmem>>, vector<16xi32>,
    %mul3A_88 = arith.constant 4 : i32
    %mul3A_89 = vector.broadcast %mul3A_88 : i32 to vector<16xi32>
    %mul3A_90 = arith.muli %iota3A, %mul3A_89 : vector<16xi32>
    %add3A_91 = arith.constant 48 : i32
    %add3A_92 = vector.broadcast %add3A_91 : i32 to vector<16xi32>
    %add3A_93 = arith.addi %mul3A_90, %add3A_92 : vector<16xi32>
    %add3A_94 = vector.broadcast %add3A : i32 to vector<16xi32>
    %add3A_95 = arith.addi %add3A_93, %add3A_94 : vector<16xi32>
    %and3A_96 = arith.constant 2047 : i32
    %and3A_97 = vector.broadcast %and3A_96 : i32 to vector<16xi32>
    %and3A_98 = arith.andi %add3A_95, %and3A_97 : vector<16xi32>
    %swap3A_99 = arith.constant 48 : index
    %swap3A_100 = tpu.vector_load %arg17[%swap3A_99] {strides = array<i32>} : memref<240xi32, #tpu.memory_space<vmem>>, vector<16xi32>,
    tpu.vector_store %arg17[%swap3A_99], %and3A_98 {strides = array<i32>} : memref<240xi32, #tpu.memory_space<vmem>>, vector<16xi32>,
    %mul3A_101 = arith.constant 640 : i32
    %mul3A_102 = arith.muli %shift_right_logical3A_8, %mul3A_101 : i32
    %add3A_103 = arith.constant 577 : i32
    %add3A_104 = arith.addi %mul3A_102, %add3A_103 : i32
    %add3A_105 = arith.constant 48 : i32
    %add3A_106 = vector.broadcast %add3A_105 : i32 to vector<16xi32>
    %add3A_107 = arith.addi %add3A_106, %iota3A : vector<16xi32>
    %and3A_108 = arith.constant 31 : i32
    %and3A_109 = vector.broadcast %and3A_108 : i32 to vector<16xi32>
    %and3A_110 = arith.andi %add3A_107, %and3A_109 : vector<16xi32>
    %add3A_111 = vector.broadcast %add3A_104 : i32 to vector<16xi32>
    %add3A_112 = arith.addi %add3A_111, %and3A_110 : vector<16xi32>
    %swap3A_113 = arith.constant 48 : index
    %swap3A_114 = tpu.vector_load %arg18[%swap3A_113] {strides = array<i32>} : memref<240xi32, #tpu.memory_space<vmem>>, vector<16xi32>,
    tpu.vector_store %arg18[%swap3A_113], %add3A_112 {strides = array<i32>} : memref<240xi32, #tpu.memory_space<vmem>>, vector<16xi32>,
    %mul3A_115 = arith.constant 4 : i32
    %mul3A_116 = vector.broadcast %mul3A_115 : i32 to vector<16xi32>
    %mul3A_117 = arith.muli %iota3A, %mul3A_116 : vector<16xi32>
    %add3A_118 = arith.constant 64 : i32
    %add3A_119 = vector.broadcast %add3A_118 : i32 to vector<16xi32>
    %add3A_120 = arith.addi %mul3A_117, %add3A_119 : vector<16xi32>
    %add3A_121 = vector.broadcast %add3A : i32 to vector<16xi32>
    %add3A_122 = arith.addi %add3A_120, %add3A_121 : vector<16xi32>
    %and3A_123 = arith.constant 2047 : i32
    %and3A_124 = vector.broadcast %and3A_123 : i32 to vector<16xi32>
    %and3A_125 = arith.andi %add3A_122, %and3A_124 : vector<16xi32>
    %swap3A_126 = arith.constant 64 : index
    %swap3A_127 = tpu.vector_load %arg17[%swap3A_126] {strides = array<i32>} : memref<240xi32, #tpu.memory_space<vmem>>, vector<16xi32>,
    tpu.vector_store %arg17[%swap3A_126], %and3A_125 {strides = array<i32>} : memref<240xi32, #tpu.memory_space<vmem>>, vector<16xi32>,
    %mul3A_128 = arith.constant 640 : i32
    %mul3A_129 = arith.muli %shift_right_logical3A_8, %mul3A_128 : i32
    %add3A_130 = arith.constant 577 : i32
    %add3A_131 = arith.addi %mul3A_129, %add3A_130 : i32
    %add3A_132 = arith.constant 64 : i32
    %add3A_133 = vector.broadcast %add3A_132 : i32 to vector<16xi32>
    %add3A_134 = arith.addi %add3A_133, %iota3A : vector<16xi32>
    %and3A_135 = arith.constant 31 : i32
    %and3A_136 = vector.broadcast %and3A_135 : i32 to vector<16xi32>
    %and3A_137 = arith.andi %add3A_134, %and3A_136 : vector<16xi32>
    %add3A_138 = vector.broadcast %add3A_131 : i32 to vector<16xi32>
    %add3A_139 = arith.addi %add3A_138, %and3A_137 : vector<16xi32>
    %swap3A_140 = arith.constant 64 : index
    %swap3A_141 = tpu.vector_load %arg18[%swap3A_140] {strides = array<i32>} : memref<240xi32, #tpu.memory_space<vmem>>, vector<16xi32>,
    tpu.vector_store %arg18[%swap3A_140], %add3A_139 {strides = array<i32>} : memref<240xi32, #tpu.memory_space<vmem>>, vector<16xi32>,
    %mul3A_142 = arith.constant 4 : i32
    %mul3A_143 = vector.broadcast %mul3A_142 : i32 to vector<16xi32>
    %mul3A_144 = arith.muli %iota3A, %mul3A_143 : vector<16xi32>
    %add3A_145 = arith.constant 80 : i32
    %add3A_146 = vector.broadcast %add3A_145 : i32 to vector<16xi32>
    %add3A_147 = arith.addi %mul3A_144, %add3A_146 : vector<16xi32>
    %add3A_148 = vector.broadcast %add3A : i32 to vector<16xi32>
    %add3A_149 = arith.addi %add3A_147, %add3A_148 : vector<16xi32>
    %and3A_150 = arith.constant 2047 : i32
    %and3A_151 = vector.broadcast %and3A_150 : i32 to vector<16xi32>
    %and3A_152 = arith.andi %add3A_149, %and3A_151 : vector<16xi32>
    %swap3A_153 = arith.constant 80 : index
    %swap3A_154 = tpu.vector_load %arg17[%swap3A_153] {strides = array<i32>} : memref<240xi32, #tpu.memory_space<vmem>>, vector<16xi32>,
    tpu.vector_store %arg17[%swap3A_153], %and3A_152 {strides = array<i32>} : memref<240xi32, #tpu.memory_space<vmem>>, vector<16xi32>,
    %mul3A_155 = arith.constant 640 : i32
    %mul3A_156 = arith.muli %shift_right_logical3A_8, %mul3A_155 : i32
    %add3A_157 = arith.constant 577 : i32
    %add3A_158 = arith.addi %mul3A_156, %add3A_157 : i32
    %add3A_159 = arith.constant 80 : i32
    %add3A_160 = vector.broadcast %add3A_159 : i32 to vector<16xi32>
    %add3A_161 = arith.addi %add3A_160, %iota3A : vector<16xi32>
    %and3A_162 = arith.constant 31 : i32
    %and3A_163 = vector.broadcast %and3A_162 : i32 to vector<16xi32>
    %and3A_164 = arith.andi %add3A_161, %and3A_163 : vector<16xi32>
    %add3A_165 = vector.broadcast %add3A_158 : i32 to vector<16xi32>
    %add3A_166 = arith.addi %add3A_165, %and3A_164 : vector<16xi32>
    %swap3A_167 = arith.constant 80 : index
    %swap3A_168 = tpu.vector_load %arg18[%swap3A_167] {strides = array<i32>} : memref<240xi32, #tpu.memory_space<vmem>>, vector<16xi32>,
    tpu.vector_store %arg18[%swap3A_167], %add3A_166 {strides = array<i32>} : memref<240xi32, #tpu.memory_space<vmem>>, vector<16xi32>,
    %mul3A_169 = arith.constant 4 : i32
    %mul3A_170 = vector.broadcast %mul3A_169 : i32 to vector<16xi32>
    %mul3A_171 = arith.muli %iota3A, %mul3A_170 : vector<16xi32>
    %add3A_172 = arith.constant 96 : i32
    %add3A_173 = vector.broadcast %add3A_172 : i32 to vector<16xi32>
    %add3A_174 = arith.addi %mul3A_171, %add3A_173 : vector<16xi32>
    %add3A_175 = vector.broadcast %add3A : i32 to vector<16xi32>
    %add3A_176 = arith.addi %add3A_174, %add3A_175 : vector<16xi32>
    %and3A_177 = arith.constant 2047 : i32
    %and3A_178 = vector.broadcast %and3A_177 : i32 to vector<16xi32>
    %and3A_179 = arith.andi %add3A_176, %and3A_178 : vector<16xi32>
    %swap3A_180 = arith.constant 96 : index
    %swap3A_181 = tpu.vector_load %arg17[%swap3A_180] {strides = array<i32>} : memref<240xi32, #tpu.memory_space<vmem>>, vector<16xi32>,
    tpu.vector_store %arg17[%swap3A_180], %and3A_179 {strides = array<i32>} : memref<240xi32, #tpu.memory_space<vmem>>, vector<16xi32>,
    %mul3A_182 = arith.constant 640 : i32
    %mul3A_183 = arith.muli %shift_right_logical3A_8, %mul3A_182 : i32
    %add3A_184 = arith.constant 577 : i32
    %add3A_185 = arith.addi %mul3A_183, %add3A_184 : i32
    %add3A_186 = arith.constant 96 : i32
    %add3A_187 = vector.broadcast %add3A_186 : i32 to vector<16xi32>
    %add3A_188 = arith.addi %add3A_187, %iota3A : vector<16xi32>
    %and3A_189 = arith.constant 31 : i32
    %and3A_190 = vector.broadcast %and3A_189 : i32 to vector<16xi32>
    %and3A_191 = arith.andi %add3A_188, %and3A_190 : vector<16xi32>
    %add3A_192 = vector.broadcast %add3A_185 : i32 to vector<16xi32>
    %add3A_193 = arith.addi %add3A_192, %and3A_191 : vector<16xi32>
    %swap3A_194 = arith.constant 96 : index
    %swap3A_195 = tpu.vector_load %arg18[%swap3A_194] {strides = array<i32>} : memref<240xi32, #tpu.memory_space<vmem>>, vector<16xi32>,
    tpu.vector_store %arg18[%swap3A_194], %add3A_193 {strides = array<i32>} : memref<240xi32, #tpu.memory_space<vmem>>, vector<16xi32>,
    %mul3A_196 = arith.constant 4 : i32
    %mul3A_197 = vector.broadcast %mul3A_196 : i32 to vector<16xi32>
    %mul3A_198 = arith.muli %iota3A, %mul3A_197 : vector<16xi32>
    %add3A_199 = arith.constant 112 : i32
    %add3A_200 = vector.broadcast %add3A_199 : i32 to vector<16xi32>
    %add3A_201 = arith.addi %mul3A_198, %add3A_200 : vector<16xi32>
    %add3A_202 = vector.broadcast %add3A : i32 to vector<16xi32>
    %add3A_203 = arith.addi %add3A_201, %add3A_202 : vector<16xi32>
    %and3A_204 = arith.constant 2047 : i32
    %and3A_205 = vector.broadcast %and3A_204 : i32 to vector<16xi32>
    %and3A_206 = arith.andi %add3A_203, %and3A_205 : vector<16xi32>
    %swap3A_207 = arith.constant 112 : index
    %swap3A_208 = tpu.vector_load %arg17[%swap3A_207] {strides = array<i32>} : memref<240xi32, #tpu.memory_space<vmem>>, vector<16xi32>,
    tpu.vector_store %arg17[%swap3A_207], %and3A_206 {strides = array<i32>} : memref<240xi32, #tpu.memory_space<vmem>>, vector<16xi32>,
    %mul3A_209 = arith.constant 640 : i32
    %mul3A_210 = arith.muli %shift_right_logical3A_8, %mul3A_209 : i32
    %add3A_211 = arith.constant 577 : i32
    %add3A_212 = arith.addi %mul3A_210, %add3A_211 : i32
    %add3A_213 = arith.constant 112 : i32
    %add3A_214 = vector.broadcast %add3A_213 : i32 to vector<16xi32>
    %add3A_215 = arith.addi %add3A_214, %iota3A : vector<16xi32>
    %and3A_216 = arith.constant 31 : i32
    %and3A_217 = vector.broadcast %and3A_216 : i32 to vector<16xi32>
    %and3A_218 = arith.andi %add3A_215, %and3A_217 : vector<16xi32>
    %add3A_219 = vector.broadcast %add3A_212 : i32 to vector<16xi32>
    %add3A_220 = arith.addi %add3A_219, %and3A_218 : vector<16xi32>
    %swap3A_221 = arith.constant 112 : index
    %swap3A_222 = tpu.vector_load %arg18[%swap3A_221] {strides = array<i32>} : memref<240xi32, #tpu.memory_space<vmem>>, vector<16xi32>,
    tpu.vector_store %arg18[%swap3A_221], %add3A_220 {strides = array<i32>} : memref<240xi32, #tpu.memory_space<vmem>>, vector<16xi32>,
    %mul3A_223 = arith.constant 4 : i32
    %mul3A_224 = vector.broadcast %mul3A_223 : i32 to vector<16xi32>
    %mul3A_225 = arith.muli %iota3A, %mul3A_224 : vector<16xi32>
    %add3A_226 = arith.constant 128 : i32
    %add3A_227 = vector.broadcast %add3A_226 : i32 to vector<16xi32>
    %add3A_228 = arith.addi %mul3A_225, %add3A_227 : vector<16xi32>
    %add3A_229 = vector.broadcast %add3A : i32 to vector<16xi32>
    %add3A_230 = arith.addi %add3A_228, %add3A_229 : vector<16xi32>
    %and3A_231 = arith.constant 2047 : i32
    %and3A_232 = vector.broadcast %and3A_231 : i32 to vector<16xi32>
    %and3A_233 = arith.andi %add3A_230, %and3A_232 : vector<16xi32>
    %swap3A_234 = arith.constant 128 : index
    %swap3A_235 = tpu.vector_load %arg17[%swap3A_234] {strides = array<i32>} : memref<240xi32, #tpu.memory_space<vmem>>, vector<16xi32>,
    tpu.vector_store %arg17[%swap3A_234], %and3A_233 {strides = array<i32>} : memref<240xi32, #tpu.memory_space<vmem>>, vector<16xi32>,
    %mul3A_236 = arith.constant 640 : i32
    %mul3A_237 = arith.muli %shift_right_logical3A_8, %mul3A_236 : i32
    %add3A_238 = arith.constant 577 : i32
    %add3A_239 = arith.addi %mul3A_237, %add3A_238 : i32
    %add3A_240 = arith.constant 128 : i32
    %add3A_241 = vector.broadcast %add3A_240 : i32 to vector<16xi32>
    %add3A_242 = arith.addi %add3A_241, %iota3A : vector<16xi32>
    %and3A_243 = arith.constant 31 : i32
    %and3A_244 = vector.broadcast %and3A_243 : i32 to vector<16xi32>
    %and3A_245 = arith.andi %add3A_242, %and3A_244 : vector<16xi32>
    %add3A_246 = vector.broadcast %add3A_239 : i32 to vector<16xi32>
    %add3A_247 = arith.addi %add3A_246, %and3A_245 : vector<16xi32>
    %swap3A_248 = arith.constant 128 : index
    %swap3A_249 = tpu.vector_load %arg18[%swap3A_248] {strides = array<i32>} : memref<240xi32, #tpu.memory_space<vmem>>, vector<16xi32>,
    tpu.vector_store %arg18[%swap3A_248], %add3A_247 {strides = array<i32>} : memref<240xi32, #tpu.memory_space<vmem>>, vector<16xi32>,
    %mul3A_250 = arith.constant 4 : i32
    %mul3A_251 = vector.broadcast %mul3A_250 : i32 to vector<16xi32>
    %mul3A_252 = arith.muli %iota3A, %mul3A_251 : vector<16xi32>
    %add3A_253 = arith.constant 144 : i32
    %add3A_254 = vector.broadcast %add3A_253 : i32 to vector<16xi32>
    %add3A_255 = arith.addi %mul3A_252, %add3A_254 : vector<16xi32>
    %add3A_256 = vector.broadcast %add3A : i32 to vector<16xi32>
    %add3A_257 = arith.addi %add3A_255, %add3A_256 : vector<16xi32>
    %and3A_258 = arith.constant 2047 : i32
    %and3A_259 = vector.broadcast %and3A_258 : i32 to vector<16xi32>
    %and3A_260 = arith.andi %add3A_257, %and3A_259 : vector<16xi32>
    %swap3A_261 = arith.constant 144 : index
    %swap3A_262 = tpu.vector_load %arg17[%swap3A_261] {strides = array<i32>} : memref<240xi32, #tpu.memory_space<vmem>>, vector<16xi32>,
    tpu.vector_store %arg17[%swap3A_261], %and3A_260 {strides = array<i32>} : memref<240xi32, #tpu.memory_space<vmem>>, vector<16xi32>,
    %mul3A_263 = arith.constant 640 : i32
    %mul3A_264 = arith.muli %shift_right_logical3A_8, %mul3A_263 : i32
    %add3A_265 = arith.constant 577 : i32
    %add3A_266 = arith.addi %mul3A_264, %add3A_265 : i32
    %add3A_267 = arith.constant 144 : i32
    %add3A_268 = vector.broadcast %add3A_267 : i32 to vector<16xi32>
    %add3A_269 = arith.addi %add3A_268, %iota3A : vector<16xi32>
    %and3A_270 = arith.constant 31 : i32
    %and3A_271 = vector.broadcast %and3A_270 : i32 to vector<16xi32>
    %and3A_272 = arith.andi %add3A_269, %and3A_271 : vector<16xi32>
    %add3A_273 = vector.broadcast %add3A_266 : i32 to vector<16xi32>
    %add3A_274 = arith.addi %add3A_273, %and3A_272 : vector<16xi32>
    %swap3A_275 = arith.constant 144 : index
    %swap3A_276 = tpu.vector_load %arg18[%swap3A_275] {strides = array<i32>} : memref<240xi32, #tpu.memory_space<vmem>>, vector<16xi32>,
    tpu.vector_store %arg18[%swap3A_275], %add3A_274 {strides = array<i32>} : memref<240xi32, #tpu.memory_space<vmem>>, vector<16xi32>,
    %mul3A_277 = arith.constant 4 : i32
    %mul3A_278 = vector.broadcast %mul3A_277 : i32 to vector<16xi32>
    %mul3A_279 = arith.muli %iota3A, %mul3A_278 : vector<16xi32>
    %add3A_280 = arith.constant 160 : i32
    %add3A_281 = vector.broadcast %add3A_280 : i32 to vector<16xi32>
    %add3A_282 = arith.addi %mul3A_279, %add3A_281 : vector<16xi32>
    %add3A_283 = vector.broadcast %add3A : i32 to vector<16xi32>
    %add3A_284 = arith.addi %add3A_282, %add3A_283 : vector<16xi32>
    %and3A_285 = arith.constant 2047 : i32
    %and3A_286 = vector.broadcast %and3A_285 : i32 to vector<16xi32>
    %and3A_287 = arith.andi %add3A_284, %and3A_286 : vector<16xi32>
    %swap3A_288 = arith.constant 160 : index
    %swap3A_289 = tpu.vector_load %arg17[%swap3A_288] {strides = array<i32>} : memref<240xi32, #tpu.memory_space<vmem>>, vector<16xi32>,
    tpu.vector_store %arg17[%swap3A_288], %and3A_287 {strides = array<i32>} : memref<240xi32, #tpu.memory_space<vmem>>, vector<16xi32>,
    %mul3A_290 = arith.constant 640 : i32
    %mul3A_291 = arith.muli %shift_right_logical3A_8, %mul3A_290 : i32
    %add3A_292 = arith.constant 577 : i32
    %add3A_293 = arith.addi %mul3A_291, %add3A_292 : i32
    %add3A_294 = arith.constant 160 : i32
    %add3A_295 = vector.broadcast %add3A_294 : i32 to vector<16xi32>
    %add3A_296 = arith.addi %add3A_295, %iota3A : vector<16xi32>
    %and3A_297 = arith.constant 31 : i32
    %and3A_298 = vector.broadcast %and3A_297 : i32 to vector<16xi32>
    %and3A_299 = arith.andi %add3A_296, %and3A_298 : vector<16xi32>
    %add3A_300 = vector.broadcast %add3A_293 : i32 to vector<16xi32>
    %add3A_301 = arith.addi %add3A_300, %and3A_299 : vector<16xi32>
    %swap3A_302 = arith.constant 160 : index
    %swap3A_303 = tpu.vector_load %arg18[%swap3A_302] {strides = array<i32>} : memref<240xi32, #tpu.memory_space<vmem>>, vector<16xi32>,
    tpu.vector_store %arg18[%swap3A_302], %add3A_301 {strides = array<i32>} : memref<240xi32, #tpu.memory_space<vmem>>, vector<16xi32>,
    %mul3A_304 = arith.constant 4 : i32
    %mul3A_305 = vector.broadcast %mul3A_304 : i32 to vector<16xi32>
    %mul3A_306 = arith.muli %iota3A, %mul3A_305 : vector<16xi32>
    %add3A_307 = arith.constant 176 : i32
    %add3A_308 = vector.broadcast %add3A_307 : i32 to vector<16xi32>
    %add3A_309 = arith.addi %mul3A_306, %add3A_308 : vector<16xi32>
    %add3A_310 = vector.broadcast %add3A : i32 to vector<16xi32>
    %add3A_311 = arith.addi %add3A_309, %add3A_310 : vector<16xi32>
    %and3A_312 = arith.constant 2047 : i32
    %and3A_313 = vector.broadcast %and3A_312 : i32 to vector<16xi32>
    %and3A_314 = arith.andi %add3A_311, %and3A_313 : vector<16xi32>
    %swap3A_315 = arith.constant 176 : index
    %swap3A_316 = tpu.vector_load %arg17[%swap3A_315] {strides = array<i32>} : memref<240xi32, #tpu.memory_space<vmem>>, vector<16xi32>,
    tpu.vector_store %arg17[%swap3A_315], %and3A_314 {strides = array<i32>} : memref<240xi32, #tpu.memory_space<vmem>>, vector<16xi32>,
    %mul3A_317 = arith.constant 640 : i32
    %mul3A_318 = arith.muli %shift_right_logical3A_8, %mul3A_317 : i32
    %add3A_319 = arith.constant 577 : i32
    %add3A_320 = arith.addi %mul3A_318, %add3A_319 : i32
    %add3A_321 = arith.constant 176 : i32
    %add3A_322 = vector.broadcast %add3A_321 : i32 to vector<16xi32>
    %add3A_323 = arith.addi %add3A_322, %iota3A : vector<16xi32>
    %and3A_324 = arith.constant 31 : i32
    %and3A_325 = vector.broadcast %and3A_324 : i32 to vector<16xi32>
    %and3A_326 = arith.andi %add3A_323, %and3A_325 : vector<16xi32>
    %add3A_327 = vector.broadcast %add3A_320 : i32 to vector<16xi32>
    %add3A_328 = arith.addi %add3A_327, %and3A_326 : vector<16xi32>
    %swap3A_329 = arith.constant 176 : index
    %swap3A_330 = tpu.vector_load %arg18[%swap3A_329] {strides = array<i32>} : memref<240xi32, #tpu.memory_space<vmem>>, vector<16xi32>,
    tpu.vector_store %arg18[%swap3A_329], %add3A_328 {strides = array<i32>} : memref<240xi32, #tpu.memory_space<vmem>>, vector<16xi32>,
    %mul3A_331 = arith.constant 4 : i32
    %mul3A_332 = vector.broadcast %mul3A_331 : i32 to vector<16xi32>
    %mul3A_333 = arith.muli %iota3A, %mul3A_332 : vector<16xi32>
    %add3A_334 = arith.constant 192 : i32
    %add3A_335 = vector.broadcast %add3A_334 : i32 to vector<16xi32>
    %add3A_336 = arith.addi %mul3A_333, %add3A_335 : vector<16xi32>
    %add3A_337 = vector.broadcast %add3A : i32 to vector<16xi32>
    %add3A_338 = arith.addi %add3A_336, %add3A_337 : vector<16xi32>
    %and3A_339 = arith.constant 2047 : i32
    %and3A_340 = vector.broadcast %and3A_339 : i32 to vector<16xi32>
    %and3A_341 = arith.andi %add3A_338, %and3A_340 : vector<16xi32>
    %swap3A_342 = arith.constant 192 : index
    %swap3A_343 = tpu.vector_load %arg17[%swap3A_342] {strides = array<i32>} : memref<240xi32, #tpu.memory_space<vmem>>, vector<16xi32>,
    tpu.vector_store %arg17[%swap3A_342], %and3A_341 {strides = array<i32>} : memref<240xi32, #tpu.memory_space<vmem>>, vector<16xi32>,
    %mul3A_344 = arith.constant 640 : i32
    %mul3A_345 = arith.muli %shift_right_logical3A_8, %mul3A_344 : i32
    %add3A_346 = arith.constant 577 : i32
    %add3A_347 = arith.addi %mul3A_345, %add3A_346 : i32
    %add3A_348 = arith.constant 192 : i32
    %add3A_349 = vector.broadcast %add3A_348 : i32 to vector<16xi32>
    %add3A_350 = arith.addi %add3A_349, %iota3A : vector<16xi32>
    %and3A_351 = arith.constant 31 : i32
    %and3A_352 = vector.broadcast %and3A_351 : i32 to vector<16xi32>
    %and3A_353 = arith.andi %add3A_350, %and3A_352 : vector<16xi32>
    %add3A_354 = vector.broadcast %add3A_347 : i32 to vector<16xi32>
    %add3A_355 = arith.addi %add3A_354, %and3A_353 : vector<16xi32>
    %swap3A_356 = arith.constant 192 : index
    %swap3A_357 = tpu.vector_load %arg18[%swap3A_356] {strides = array<i32>} : memref<240xi32, #tpu.memory_space<vmem>>, vector<16xi32>,
    tpu.vector_store %arg18[%swap3A_356], %add3A_355 {strides = array<i32>} : memref<240xi32, #tpu.memory_space<vmem>>, vector<16xi32>,
    %mul3A_358 = arith.constant 4 : i32
    %mul3A_359 = vector.broadcast %mul3A_358 : i32 to vector<16xi32>
    %mul3A_360 = arith.muli %iota3A, %mul3A_359 : vector<16xi32>
    %add3A_361 = arith.constant 208 : i32
    %add3A_362 = vector.broadcast %add3A_361 : i32 to vector<16xi32>
    %add3A_363 = arith.addi %mul3A_360, %add3A_362 : vector<16xi32>
    %add3A_364 = vector.broadcast %add3A : i32 to vector<16xi32>
    %add3A_365 = arith.addi %add3A_363, %add3A_364 : vector<16xi32>
    %and3A_366 = arith.constant 2047 : i32
    %and3A_367 = vector.broadcast %and3A_366 : i32 to vector<16xi32>
    %and3A_368 = arith.andi %add3A_365, %and3A_367 : vector<16xi32>
    %swap3A_369 = arith.constant 208 : index
    %swap3A_370 = tpu.vector_load %arg17[%swap3A_369] {strides = array<i32>} : memref<240xi32, #tpu.memory_space<vmem>>, vector<16xi32>,
    tpu.vector_store %arg17[%swap3A_369], %and3A_368 {strides = array<i32>} : memref<240xi32, #tpu.memory_space<vmem>>, vector<16xi32>,
    %mul3A_371 = arith.constant 640 : i32
    %mul3A_372 = arith.muli %shift_right_logical3A_8, %mul3A_371 : i32
    %add3A_373 = arith.constant 577 : i32
    %add3A_374 = arith.addi %mul3A_372, %add3A_373 : i32
    %add3A_375 = arith.constant 208 : i32
    %add3A_376 = vector.broadcast %add3A_375 : i32 to vector<16xi32>
    %add3A_377 = arith.addi %add3A_376, %iota3A : vector<16xi32>
    %and3A_378 = arith.constant 31 : i32
    %and3A_379 = vector.broadcast %and3A_378 : i32 to vector<16xi32>
    %and3A_380 = arith.andi %add3A_377, %and3A_379 : vector<16xi32>
    %add3A_381 = vector.broadcast %add3A_374 : i32 to vector<16xi32>
    %add3A_382 = arith.addi %add3A_381, %and3A_380 : vector<16xi32>
    %swap3A_383 = arith.constant 208 : index
    %swap3A_384 = tpu.vector_load %arg18[%swap3A_383] {strides = array<i32>} : memref<240xi32, #tpu.memory_space<vmem>>, vector<16xi32>,
    tpu.vector_store %arg18[%swap3A_383], %add3A_382 {strides = array<i32>} : memref<240xi32, #tpu.memory_space<vmem>>, vector<16xi32>,
    %mul3A_385 = arith.constant 4 : i32
    %mul3A_386 = vector.broadcast %mul3A_385 : i32 to vector<16xi32>
    %mul3A_387 = arith.muli %iota3A, %mul3A_386 : vector<16xi32>
    %add3A_388 = arith.constant 224 : i32
    %add3A_389 = vector.broadcast %add3A_388 : i32 to vector<16xi32>
    %add3A_390 = arith.addi %mul3A_387, %add3A_389 : vector<16xi32>
    %add3A_391 = vector.broadcast %add3A : i32 to vector<16xi32>
    %add3A_392 = arith.addi %add3A_390, %add3A_391 : vector<16xi32>
    %and3A_393 = arith.constant 2047 : i32
    %and3A_394 = vector.broadcast %and3A_393 : i32 to vector<16xi32>
    %and3A_395 = arith.andi %add3A_392, %and3A_394 : vector<16xi32>
    %swap3A_396 = arith.constant 224 : index
    %swap3A_397 = tpu.vector_load %arg17[%swap3A_396] {strides = array<i32>} : memref<240xi32, #tpu.memory_space<vmem>>, vector<16xi32>,
    tpu.vector_store %arg17[%swap3A_396], %and3A_395 {strides = array<i32>} : memref<240xi32, #tpu.memory_space<vmem>>, vector<16xi32>,
    %mul3A_398 = arith.constant 640 : i32
    %mul3A_399 = arith.muli %shift_right_logical3A_8, %mul3A_398 : i32
    %add3A_400 = arith.constant 577 : i32
    %add3A_401 = arith.addi %mul3A_399, %add3A_400 : i32
    %add3A_402 = arith.constant 224 : i32
    %add3A_403 = vector.broadcast %add3A_402 : i32 to vector<16xi32>
    %add3A_404 = arith.addi %add3A_403, %iota3A : vector<16xi32>
    %and3A_405 = arith.constant 31 : i32
    %and3A_406 = vector.broadcast %and3A_405 : i32 to vector<16xi32>
    %and3A_407 = arith.andi %add3A_404, %and3A_406 : vector<16xi32>
    %add3A_408 = vector.broadcast %add3A_401 : i32 to vector<16xi32>
    %add3A_409 = arith.addi %add3A_408, %and3A_407 : vector<16xi32>
    %swap3A_410 = arith.constant 224 : index
    %swap3A_411 = tpu.vector_load %arg18[%swap3A_410] {strides = array<i32>} : memref<240xi32, #tpu.memory_space<vmem>>, vector<16xi32>,
    tpu.vector_store %arg18[%swap3A_410], %add3A_409 {strides = array<i32>} : memref<240xi32, #tpu.memory_space<vmem>>, vector<16xi32>,
    %get3A = arith.constant 0 : i32
    %get3A_412 = arith.index_cast %get3A : i32 to index
    %get3A_413 = arith.constant 0 : index
    %get3A_414 = tpu.vector_load %arg15[%get3A_412, %get3A_413] {strides = array<i32>} : memref<2x80xi32, #tpu.memory_space<vmem>>, vector<16xi32>,
    %add3A_415 = arith.constant 0 : i32
    %add3A_416 = arith.addi %mul3A_2, %add3A_415 : i32
    %add3A_417 = arith.constant 0 : i32
    %add3A_418 = arith.addi %add3A_416, %add3A_417 : i32
    %add3A_419 = vector.broadcast %add3A_418 : i32 to vector<16xi32>
    %add3A_420 = arith.addi %add3A_419, %iota3A : vector<16xi32>
    %ge3A = arith.constant 4616 : i32
    %ge3A_421 = vector.broadcast %ge3A : i32 to vector<16xi32>
    %ge3A_422 = arith.cmpi sge, %get3A_414, %ge3A_421 : vector<16xi32>
    %and3A_423 = arith.constant 4095 : i32
    %and3A_424 = vector.broadcast %and3A_423 : i32 to vector<16xi32>
    %and3A_425 = arith.andi %add3A_420, %and3A_424 : vector<16xi32>
    %select_n3A = arith.select %ge3A_422, %and3A_425, %get3A_414 : vector<16xi1>, vector<16xi32>
    %swap3A_426 = arith.constant 0 : i32
    %swap3A_427 = arith.index_cast %swap3A_426 : i32 to index
    %swap3A_428 = arith.constant 0 : index
    %swap3A_429 = tpu.vector_load %arg16[%swap3A_427, %swap3A_428] {strides = array<i32>} : memref<2x80xi32, #tpu.memory_space<vmem>>, vector<16xi32>,
    tpu.vector_store %arg16[%swap3A_427, %swap3A_428], %select_n3A {strides = array<i32>} : memref<2x80xi32, #tpu.memory_space<vmem>>, vector<16xi32>,
    %convert_element_type3A = arith.extui %ge3A_422 : vector<16xi1> to vector<16xi32>
    %broadcast_in_dim3A = arith.constant true
    %broadcast_in_dim3A_430 = vector.broadcast %broadcast_in_dim3A : i1 to vector<16xi1>
    %masked_cumsum3A = tpu.scan <sum>, %convert_element_type3A masked %broadcast_in_dim3A_430 : vector<16xi32>, vector<16xi1> -> vector<16xi32>
    %add3A_431 = arith.constant 0 : i32
    %add3A_432 = vector.broadcast %add3A_431 : i32 to vector<16xi32>
    %add3A_433 = arith.addi %add3A_432, %masked_cumsum3A : vector<16xi32>
    %sub3A = arith.constant 1 : i32
    %sub3A_434 = vector.broadcast %sub3A : i32 to vector<16xi32>
    %sub3A_435 = arith.subi %add3A_433, %sub3A_434 : vector<16xi32>
    %add3A_436 = arith.constant 224 : i32
    %add3A_437 = vector.broadcast %add3A_436 : i32 to vector<16xi32>
    %add3A_438 = arith.addi %add3A_437, %iota3A : vector<16xi32>
    %select_n3A_439 = arith.select %ge3A_422, %sub3A_435, %add3A_438 : vector<16xi1>, vector<16xi32>
    %sub3A_440 = arith.constant 4616 : i32
    %sub3A_441 = vector.broadcast %sub3A_440 : i32 to vector<16xi32>
    %sub3A_442 = arith.subi %get3A_414, %sub3A_441 : vector<16xi32>
    tpu.vector_store_idx %arg17[%select_n3A_439], %sub3A_442 : memref<240xi32, #tpu.memory_space<vmem>>[vector<16xi32>], vector<16xi32>,
    tpu.vector_store_idx %arg18[%select_n3A_439], %add3A_420 : memref<240xi32, #tpu.memory_space<vmem>>[vector<16xi32>], vector<16xi32>,
    %all_reduce_population_count3A = tpu.all_reduce %ge3A_422 {dim = 0 : i64, kind = #tpu.reduction_kind<sum>} : vector<16xi1> -> vector<16xi32>
    %swap3A_443 = arith.constant 0 : index
    %swap3A_444 = tpu.vector_load %arg20[%swap3A_443] {strides = array<i32>} : memref<16xi32, #tpu.memory_space<vmem>>, vector<16xi32>,
    tpu.vector_store %arg20[%swap3A_443], %all_reduce_population_count3A {strides = array<i32>} : memref<16xi32, #tpu.memory_space<vmem>>, vector<16xi32>,
    %get3A_445 = arith.constant 0 : index
    %get3A_446 = tpu.vector_load %arg20[%get3A_445] {strides = array<i32>} : memref<16xi32, #tpu.memory_space<vmem>>, vector<16xi32>,
    %slice3A = vector.extract_strided_slice %get3A_446 {offsets = [0], sizes = [1], strides = [1]} : vector<16xi32> to vector<1xi32>
    %squeeze3A = vector.extract %slice3A[0] : i32 from vector<1xi32>
    %add3A_447 = arith.constant 0 : i32
    %add3A_448 = arith.addi %add3A_447, %squeeze3A : i32
    %get3A_449 = arith.constant 0 : i32
    %get3A_450 = arith.index_cast %get3A_449 : i32 to index
    %get3A_451 = arith.constant 16 : index
    %get3A_452 = tpu.vector_load %arg15[%get3A_450, %get3A_451] {strides = array<i32>} : memref<2x80xi32, #tpu.memory_space<vmem>>, vector<16xi32>,
    %add3A_453 = arith.constant 0 : i32
    %add3A_454 = arith.addi %mul3A_2, %add3A_453 : i32
    %add3A_455 = arith.constant 16 : i32
    %add3A_456 = arith.addi %add3A_454, %add3A_455 : i32
    %add3A_457 = vector.broadcast %add3A_456 : i32 to vector<16xi32>
    %add3A_458 = arith.addi %add3A_457, %iota3A : vector<16xi32>
    %ge3A_459 = arith.constant 4616 : i32
    %ge3A_460 = vector.broadcast %ge3A_459 : i32 to vector<16xi32>
    %ge3A_461 = arith.cmpi sge, %get3A_452, %ge3A_460 : vector<16xi32>
    %and3A_462 = arith.constant 4095 : i32
    %and3A_463 = vector.broadcast %and3A_462 : i32 to vector<16xi32>
    %and3A_464 = arith.andi %add3A_458, %and3A_463 : vector<16xi32>
    %select_n3A_465 = arith.select %ge3A_461, %and3A_464, %get3A_452 : vector<16xi1>, vector<16xi32>
    %swap3A_466 = arith.constant 0 : i32
    %swap3A_467 = arith.index_cast %swap3A_466 : i32 to index
    %swap3A_468 = arith.constant 16 : index
    %swap3A_469 = tpu.vector_load %arg16[%swap3A_467, %swap3A_468] {strides = array<i32>} : memref<2x80xi32, #tpu.memory_space<vmem>>, vector<16xi32>,
    tpu.vector_store %arg16[%swap3A_467, %swap3A_468], %select_n3A_465 {strides = array<i32>} : memref<2x80xi32, #tpu.memory_space<vmem>>, vector<16xi32>,
    %convert_element_type3A_470 = arith.extui %ge3A_461 : vector<16xi1> to vector<16xi32>
    %broadcast_in_dim3A_471 = arith.constant true
    %broadcast_in_dim3A_472 = vector.broadcast %broadcast_in_dim3A_471 : i1 to vector<16xi1>
    %masked_cumsum3A_473 = tpu.scan <sum>, %convert_element_type3A_470 masked %broadcast_in_dim3A_472 : vector<16xi32>, vector<16xi1> -> vector<16xi32>
    %add3A_474 = vector.broadcast %add3A_448 : i32 to vector<16xi32>
    %add3A_475 = arith.addi %add3A_474, %masked_cumsum3A_473 : vector<16xi32>
    %sub3A_476 = arith.constant 1 : i32
    %sub3A_477 = vector.broadcast %sub3A_476 : i32 to vector<16xi32>
    %sub3A_478 = arith.subi %add3A_475, %sub3A_477 : vector<16xi32>
    %add3A_479 = arith.constant 224 : i32
    %add3A_480 = vector.broadcast %add3A_479 : i32 to vector<16xi32>
    %add3A_481 = arith.addi %add3A_480, %iota3A : vector<16xi32>
    %select_n3A_482 = arith.select %ge3A_461, %sub3A_478, %add3A_481 : vector<16xi1>, vector<16xi32>
    %sub3A_483 = arith.constant 4616 : i32
    %sub3A_484 = vector.broadcast %sub3A_483 : i32 to vector<16xi32>
    %sub3A_485 = arith.subi %get3A_452, %sub3A_484 : vector<16xi32>
    tpu.vector_store_idx %arg17[%select_n3A_482], %sub3A_485 : memref<240xi32, #tpu.memory_space<vmem>>[vector<16xi32>], vector<16xi32>,
    tpu.vector_store_idx %arg18[%select_n3A_482], %add3A_458 : memref<240xi32, #tpu.memory_space<vmem>>[vector<16xi32>], vector<16xi32>,
    %all_reduce_population_count3A_486 = tpu.all_reduce %ge3A_461 {dim = 0 : i64, kind = #tpu.reduction_kind<sum>} : vector<16xi1> -> vector<16xi32>
    %swap3A_487 = arith.constant 0 : index
    %swap3A_488 = tpu.vector_load %arg20[%swap3A_487] {strides = array<i32>} : memref<16xi32, #tpu.memory_space<vmem>>, vector<16xi32>,
    tpu.vector_store %arg20[%swap3A_487], %all_reduce_population_count3A_486 {strides = array<i32>} : memref<16xi32, #tpu.memory_space<vmem>>, vector<16xi32>,
    %get3A_489 = arith.constant 0 : index
    %get3A_490 = tpu.vector_load %arg20[%get3A_489] {strides = array<i32>} : memref<16xi32, #tpu.memory_space<vmem>>, vector<16xi32>,
    %slice3A_491 = vector.extract_strided_slice %get3A_490 {offsets = [0], sizes = [1], strides = [1]} : vector<16xi32> to vector<1xi32>
    %squeeze3A_492 = vector.extract %slice3A_491[0] : i32 from vector<1xi32>
    %add3A_493 = arith.addi %add3A_448, %squeeze3A_492 : i32
    %get3A_494 = arith.constant 0 : i32
    %get3A_495 = arith.index_cast %get3A_494 : i32 to index
    %get3A_496 = arith.constant 32 : index
    %get3A_497 = tpu.vector_load %arg15[%get3A_495, %get3A_496] {strides = array<i32>} : memref<2x80xi32, #tpu.memory_space<vmem>>, vector<16xi32>,
    %add3A_498 = arith.constant 0 : i32
    %add3A_499 = arith.addi %mul3A_2, %add3A_498 : i32
    %add3A_500 = arith.constant 32 : i32
    %add3A_501 = arith.addi %add3A_499, %add3A_500 : i32
    %add3A_502 = vector.broadcast %add3A_501 : i32 to vector<16xi32>
    %add3A_503 = arith.addi %add3A_502, %iota3A : vector<16xi32>
    %ge3A_504 = arith.constant 4616 : i32
    %ge3A_505 = vector.broadcast %ge3A_504 : i32 to vector<16xi32>
    %ge3A_506 = arith.cmpi sge, %get3A_497, %ge3A_505 : vector<16xi32>
    %and3A_507 = arith.constant 4095 : i32
    %and3A_508 = vector.broadcast %and3A_507 : i32 to vector<16xi32>
    %and3A_509 = arith.andi %add3A_503, %and3A_508 : vector<16xi32>
    %select_n3A_510 = arith.select %ge3A_506, %and3A_509, %get3A_497 : vector<16xi1>, vector<16xi32>
    %swap3A_511 = arith.constant 0 : i32
    %swap3A_512 = arith.index_cast %swap3A_511 : i32 to index
    %swap3A_513 = arith.constant 32 : index
    %swap3A_514 = tpu.vector_load %arg16[%swap3A_512, %swap3A_513] {strides = array<i32>} : memref<2x80xi32, #tpu.memory_space<vmem>>, vector<16xi32>,
    tpu.vector_store %arg16[%swap3A_512, %swap3A_513], %select_n3A_510 {strides = array<i32>} : memref<2x80xi32, #tpu.memory_space<vmem>>, vector<16xi32>,
    %convert_element_type3A_515 = arith.extui %ge3A_506 : vector<16xi1> to vector<16xi32>
    %broadcast_in_dim3A_516 = arith.constant true
    %broadcast_in_dim3A_517 = vector.broadcast %broadcast_in_dim3A_516 : i1 to vector<16xi1>
    %masked_cumsum3A_518 = tpu.scan <sum>, %convert_element_type3A_515 masked %broadcast_in_dim3A_517 : vector<16xi32>, vector<16xi1> -> vector<16xi32>
    %add3A_519 = vector.broadcast %add3A_493 : i32 to vector<16xi32>
    %add3A_520 = arith.addi %add3A_519, %masked_cumsum3A_518 : vector<16xi32>
    %sub3A_521 = arith.constant 1 : i32
    %sub3A_522 = vector.broadcast %sub3A_521 : i32 to vector<16xi32>
    %sub3A_523 = arith.subi %add3A_520, %sub3A_522 : vector<16xi32>
    %add3A_524 = arith.constant 224 : i32
    %add3A_525 = vector.broadcast %add3A_524 : i32 to vector<16xi32>
    %add3A_526 = arith.addi %add3A_525, %iota3A : vector<16xi32>
    %select_n3A_527 = arith.select %ge3A_506, %sub3A_523, %add3A_526 : vector<16xi1>, vector<16xi32>
    %sub3A_528 = arith.constant 4616 : i32
    %sub3A_529 = vector.broadcast %sub3A_528 : i32 to vector<16xi32>
    %sub3A_530 = arith.subi %get3A_497, %sub3A_529 : vector<16xi32>
    tpu.vector_store_idx %arg17[%select_n3A_527], %sub3A_530 : memref<240xi32, #tpu.memory_space<vmem>>[vector<16xi32>], vector<16xi32>,
    tpu.vector_store_idx %arg18[%select_n3A_527], %add3A_503 : memref<240xi32, #tpu.memory_space<vmem>>[vector<16xi32>], vector<16xi32>,
    %all_reduce_population_count3A_531 = tpu.all_reduce %ge3A_506 {dim = 0 : i64, kind = #tpu.reduction_kind<sum>} : vector<16xi1> -> vector<16xi32>
    %swap3A_532 = arith.constant 0 : index
    %swap3A_533 = tpu.vector_load %arg20[%swap3A_532] {strides = array<i32>} : memref<16xi32, #tpu.memory_space<vmem>>, vector<16xi32>,
    tpu.vector_store %arg20[%swap3A_532], %all_reduce_population_count3A_531 {strides = array<i32>} : memref<16xi32, #tpu.memory_space<vmem>>, vector<16xi32>,
    %get3A_534 = arith.constant 0 : index
    %get3A_535 = tpu.vector_load %arg20[%get3A_534] {strides = array<i32>} : memref<16xi32, #tpu.memory_space<vmem>>, vector<16xi32>,
    %slice3A_536 = vector.extract_strided_slice %get3A_535 {offsets = [0], sizes = [1], strides = [1]} : vector<16xi32> to vector<1xi32>
    %squeeze3A_537 = vector.extract %slice3A_536[0] : i32 from vector<1xi32>
    %add3A_538 = arith.addi %add3A_493, %squeeze3A_537 : i32
    %get3A_539 = arith.constant 0 : i32
    %get3A_540 = arith.index_cast %get3A_539 : i32 to index
    %get3A_541 = arith.constant 48 : index
    %get3A_542 = tpu.vector_load %arg15[%get3A_540, %get3A_541] {strides = array<i32>} : memref<2x80xi32, #tpu.memory_space<vmem>>, vector<16xi32>,
    %add3A_543 = arith.constant 0 : i32
    %add3A_544 = arith.addi %mul3A_2, %add3A_543 : i32
    %add3A_545 = arith.constant 48 : i32
    %add3A_546 = arith.addi %add3A_544, %add3A_545 : i32
    %add3A_547 = vector.broadcast %add3A_546 : i32 to vector<16xi32>
    %add3A_548 = arith.addi %add3A_547, %iota3A : vector<16xi32>
    %ge3A_549 = arith.constant 4616 : i32
    %ge3A_550 = vector.broadcast %ge3A_549 : i32 to vector<16xi32>
    %ge3A_551 = arith.cmpi sge, %get3A_542, %ge3A_550 : vector<16xi32>
    %and3A_552 = arith.constant 4095 : i32
    %and3A_553 = vector.broadcast %and3A_552 : i32 to vector<16xi32>
    %and3A_554 = arith.andi %add3A_548, %and3A_553 : vector<16xi32>
    %select_n3A_555 = arith.select %ge3A_551, %and3A_554, %get3A_542 : vector<16xi1>, vector<16xi32>
    %swap3A_556 = arith.constant 0 : i32
    %swap3A_557 = arith.index_cast %swap3A_556 : i32 to index
    %swap3A_558 = arith.constant 48 : index
    %swap3A_559 = tpu.vector_load %arg16[%swap3A_557, %swap3A_558] {strides = array<i32>} : memref<2x80xi32, #tpu.memory_space<vmem>>, vector<16xi32>,
    tpu.vector_store %arg16[%swap3A_557, %swap3A_558], %select_n3A_555 {strides = array<i32>} : memref<2x80xi32, #tpu.memory_space<vmem>>, vector<16xi32>,
    %convert_element_type3A_560 = arith.extui %ge3A_551 : vector<16xi1> to vector<16xi32>
    %broadcast_in_dim3A_561 = arith.constant true
    %broadcast_in_dim3A_562 = vector.broadcast %broadcast_in_dim3A_561 : i1 to vector<16xi1>
    %masked_cumsum3A_563 = tpu.scan <sum>, %convert_element_type3A_560 masked %broadcast_in_dim3A_562 : vector<16xi32>, vector<16xi1> -> vector<16xi32>
    %add3A_564 = vector.broadcast %add3A_538 : i32 to vector<16xi32>
    %add3A_565 = arith.addi %add3A_564, %masked_cumsum3A_563 : vector<16xi32>
    %sub3A_566 = arith.constant 1 : i32
    %sub3A_567 = vector.broadcast %sub3A_566 : i32 to vector<16xi32>
    %sub3A_568 = arith.subi %add3A_565, %sub3A_567 : vector<16xi32>
    %add3A_569 = arith.constant 224 : i32
    %add3A_570 = vector.broadcast %add3A_569 : i32 to vector<16xi32>
    %add3A_571 = arith.addi %add3A_570, %iota3A : vector<16xi32>
    %select_n3A_572 = arith.select %ge3A_551, %sub3A_568, %add3A_571 : vector<16xi1>, vector<16xi32>
    %sub3A_573 = arith.constant 4616 : i32
    %sub3A_574 = vector.broadcast %sub3A_573 : i32 to vector<16xi32>
    %sub3A_575 = arith.subi %get3A_542, %sub3A_574 : vector<16xi32>
    tpu.vector_store_idx %arg17[%select_n3A_572], %sub3A_575 : memref<240xi32, #tpu.memory_space<vmem>>[vector<16xi32>], vector<16xi32>,
    tpu.vector_store_idx %arg18[%select_n3A_572], %add3A_548 : memref<240xi32, #tpu.memory_space<vmem>>[vector<16xi32>], vector<16xi32>,
    %all_reduce_population_count3A_576 = tpu.all_reduce %ge3A_551 {dim = 0 : i64, kind = #tpu.reduction_kind<sum>} : vector<16xi1> -> vector<16xi32>
    %swap3A_577 = arith.constant 0 : index
    %swap3A_578 = tpu.vector_load %arg20[%swap3A_577] {strides = array<i32>} : memref<16xi32, #tpu.memory_space<vmem>>, vector<16xi32>,
    tpu.vector_store %arg20[%swap3A_577], %all_reduce_population_count3A_576 {strides = array<i32>} : memref<16xi32, #tpu.memory_space<vmem>>, vector<16xi32>,
    %get3A_579 = arith.constant 0 : index
    %get3A_580 = tpu.vector_load %arg20[%get3A_579] {strides = array<i32>} : memref<16xi32, #tpu.memory_space<vmem>>, vector<16xi32>,
    %slice3A_581 = vector.extract_strided_slice %get3A_580 {offsets = [0], sizes = [1], strides = [1]} : vector<16xi32> to vector<1xi32>
    %squeeze3A_582 = vector.extract %slice3A_581[0] : i32 from vector<1xi32>
    %add3A_583 = arith.addi %add3A_538, %squeeze3A_582 : i32
    %get3A_584 = arith.constant 0 : i32
    %get3A_585 = arith.index_cast %get3A_584 : i32 to index
    %get3A_586 = arith.constant 64 : index
    %get3A_587 = tpu.vector_load %arg15[%get3A_585, %get3A_586] {strides = array<i32>} : memref<2x80xi32, #tpu.memory_space<vmem>>, vector<16xi32>,
    %add3A_588 = arith.constant 0 : i32
    %add3A_589 = arith.addi %mul3A_2, %add3A_588 : i32
    %add3A_590 = arith.constant 64 : i32
    %add3A_591 = arith.addi %add3A_589, %add3A_590 : i32
    %add3A_592 = vector.broadcast %add3A_591 : i32 to vector<16xi32>
    %add3A_593 = arith.addi %add3A_592, %iota3A : vector<16xi32>
    %ge3A_594 = arith.constant 4616 : i32
    %ge3A_595 = vector.broadcast %ge3A_594 : i32 to vector<16xi32>
    %ge3A_596 = arith.cmpi sge, %get3A_587, %ge3A_595 : vector<16xi32>
    %and3A_597 = arith.constant 4095 : i32
    %and3A_598 = vector.broadcast %and3A_597 : i32 to vector<16xi32>
    %and3A_599 = arith.andi %add3A_593, %and3A_598 : vector<16xi32>
    %select_n3A_600 = arith.select %ge3A_596, %and3A_599, %get3A_587 : vector<16xi1>, vector<16xi32>
    %swap3A_601 = arith.constant 0 : i32
    %swap3A_602 = arith.index_cast %swap3A_601 : i32 to index
    %swap3A_603 = arith.constant 64 : index
    %swap3A_604 = tpu.vector_load %arg16[%swap3A_602, %swap3A_603] {strides = array<i32>} : memref<2x80xi32, #tpu.memory_space<vmem>>, vector<16xi32>,
    tpu.vector_store %arg16[%swap3A_602, %swap3A_603], %select_n3A_600 {strides = array<i32>} : memref<2x80xi32, #tpu.memory_space<vmem>>, vector<16xi32>,
    %convert_element_type3A_605 = arith.extui %ge3A_596 : vector<16xi1> to vector<16xi32>
    %broadcast_in_dim3A_606 = arith.constant true
    %broadcast_in_dim3A_607 = vector.broadcast %broadcast_in_dim3A_606 : i1 to vector<16xi1>
    %masked_cumsum3A_608 = tpu.scan <sum>, %convert_element_type3A_605 masked %broadcast_in_dim3A_607 : vector<16xi32>, vector<16xi1> -> vector<16xi32>
    %add3A_609 = vector.broadcast %add3A_583 : i32 to vector<16xi32>
    %add3A_610 = arith.addi %add3A_609, %masked_cumsum3A_608 : vector<16xi32>
    %sub3A_611 = arith.constant 1 : i32
    %sub3A_612 = vector.broadcast %sub3A_611 : i32 to vector<16xi32>
    %sub3A_613 = arith.subi %add3A_610, %sub3A_612 : vector<16xi32>
    %add3A_614 = arith.constant 224 : i32
    %add3A_615 = vector.broadcast %add3A_614 : i32 to vector<16xi32>
    %add3A_616 = arith.addi %add3A_615, %iota3A : vector<16xi32>
    %select_n3A_617 = arith.select %ge3A_596, %sub3A_613, %add3A_616 : vector<16xi1>, vector<16xi32>
    %sub3A_618 = arith.constant 4616 : i32
    %sub3A_619 = vector.broadcast %sub3A_618 : i32 to vector<16xi32>
    %sub3A_620 = arith.subi %get3A_587, %sub3A_619 : vector<16xi32>
    tpu.vector_store_idx %arg17[%select_n3A_617], %sub3A_620 : memref<240xi32, #tpu.memory_space<vmem>>[vector<16xi32>], vector<16xi32>,
    tpu.vector_store_idx %arg18[%select_n3A_617], %add3A_593 : memref<240xi32, #tpu.memory_space<vmem>>[vector<16xi32>], vector<16xi32>,
    %all_reduce_population_count3A_621 = tpu.all_reduce %ge3A_596 {dim = 0 : i64, kind = #tpu.reduction_kind<sum>} : vector<16xi1> -> vector<16xi32>
    %swap3A_622 = arith.constant 0 : index
    %swap3A_623 = tpu.vector_load %arg20[%swap3A_622] {strides = array<i32>} : memref<16xi32, #tpu.memory_space<vmem>>, vector<16xi32>,
    tpu.vector_store %arg20[%swap3A_622], %all_reduce_population_count3A_621 {strides = array<i32>} : memref<16xi32, #tpu.memory_space<vmem>>, vector<16xi32>,
    %get3A_624 = arith.constant 0 : index
    %get3A_625 = tpu.vector_load %arg20[%get3A_624] {strides = array<i32>} : memref<16xi32, #tpu.memory_space<vmem>>, vector<16xi32>,
    %slice3A_626 = vector.extract_strided_slice %get3A_625 {offsets = [0], sizes = [1], strides = [1]} : vector<16xi32> to vector<1xi32>
    %squeeze3A_627 = vector.extract %slice3A_626[0] : i32 from vector<1xi32>
    %add3A_628 = arith.addi %add3A_583, %squeeze3A_627 : i32
    %get3A_629 = arith.constant 1 : i32
    %get3A_630 = arith.index_cast %get3A_629 : i32 to index
    %get3A_631 = arith.constant 0 : index
    %get3A_632 = tpu.vector_load %arg15[%get3A_630, %get3A_631] {strides = array<i32>} : memref<2x80xi32, #tpu.memory_space<vmem>>, vector<16xi32>,
    %add3A_633 = arith.constant 80 : i32
    %add3A_634 = arith.addi %mul3A_2, %add3A_633 : i32
    %add3A_635 = arith.constant 0 : i32
    %add3A_636 = arith.addi %add3A_634, %add3A_635 : i32
    %add3A_637 = vector.broadcast %add3A_636 : i32 to vector<16xi32>
    %add3A_638 = arith.addi %add3A_637, %iota3A : vector<16xi32>
    %ge3A_639 = arith.constant 4616 : i32
    %ge3A_640 = vector.broadcast %ge3A_639 : i32 to vector<16xi32>
    %ge3A_641 = arith.cmpi sge, %get3A_632, %ge3A_640 : vector<16xi32>
    %and3A_642 = arith.constant 4095 : i32
    %and3A_643 = vector.broadcast %and3A_642 : i32 to vector<16xi32>
    %and3A_644 = arith.andi %add3A_638, %and3A_643 : vector<16xi32>
    %select_n3A_645 = arith.select %ge3A_641, %and3A_644, %get3A_632 : vector<16xi1>, vector<16xi32>
    %swap3A_646 = arith.constant 1 : i32
    %swap3A_647 = arith.index_cast %swap3A_646 : i32 to index
    %swap3A_648 = arith.constant 0 : index
    %swap3A_649 = tpu.vector_load %arg16[%swap3A_647, %swap3A_648] {strides = array<i32>} : memref<2x80xi32, #tpu.memory_space<vmem>>, vector<16xi32>,
    tpu.vector_store %arg16[%swap3A_647, %swap3A_648], %select_n3A_645 {strides = array<i32>} : memref<2x80xi32, #tpu.memory_space<vmem>>, vector<16xi32>,
    %convert_element_type3A_650 = arith.extui %ge3A_641 : vector<16xi1> to vector<16xi32>
    %broadcast_in_dim3A_651 = arith.constant true
    %broadcast_in_dim3A_652 = vector.broadcast %broadcast_in_dim3A_651 : i1 to vector<16xi1>
    %masked_cumsum3A_653 = tpu.scan <sum>, %convert_element_type3A_650 masked %broadcast_in_dim3A_652 : vector<16xi32>, vector<16xi1> -> vector<16xi32>
    %add3A_654 = vector.broadcast %add3A_628 : i32 to vector<16xi32>
    %add3A_655 = arith.addi %add3A_654, %masked_cumsum3A_653 : vector<16xi32>
    %sub3A_656 = arith.constant 1 : i32
    %sub3A_657 = vector.broadcast %sub3A_656 : i32 to vector<16xi32>
    %sub3A_658 = arith.subi %add3A_655, %sub3A_657 : vector<16xi32>
    %add3A_659 = arith.constant 224 : i32
    %add3A_660 = vector.broadcast %add3A_659 : i32 to vector<16xi32>
    %add3A_661 = arith.addi %add3A_660, %iota3A : vector<16xi32>
    %select_n3A_662 = arith.select %ge3A_641, %sub3A_658, %add3A_661 : vector<16xi1>, vector<16xi32>
    %sub3A_663 = arith.constant 4616 : i32
    %sub3A_664 = vector.broadcast %sub3A_663 : i32 to vector<16xi32>
    %sub3A_665 = arith.subi %get3A_632, %sub3A_664 : vector<16xi32>
    tpu.vector_store_idx %arg17[%select_n3A_662], %sub3A_665 : memref<240xi32, #tpu.memory_space<vmem>>[vector<16xi32>], vector<16xi32>,
    tpu.vector_store_idx %arg18[%select_n3A_662], %add3A_638 : memref<240xi32, #tpu.memory_space<vmem>>[vector<16xi32>], vector<16xi32>,
    %all_reduce_population_count3A_666 = tpu.all_reduce %ge3A_641 {dim = 0 : i64, kind = #tpu.reduction_kind<sum>} : vector<16xi1> -> vector<16xi32>
    %swap3A_667 = arith.constant 0 : index
    %swap3A_668 = tpu.vector_load %arg20[%swap3A_667] {strides = array<i32>} : memref<16xi32, #tpu.memory_space<vmem>>, vector<16xi32>,
    tpu.vector_store %arg20[%swap3A_667], %all_reduce_population_count3A_666 {strides = array<i32>} : memref<16xi32, #tpu.memory_space<vmem>>, vector<16xi32>,
    %get3A_669 = arith.constant 0 : index
    %get3A_670 = tpu.vector_load %arg20[%get3A_669] {strides = array<i32>} : memref<16xi32, #tpu.memory_space<vmem>>, vector<16xi32>,
    %slice3A_671 = vector.extract_strided_slice %get3A_670 {offsets = [0], sizes = [1], strides = [1]} : vector<16xi32> to vector<1xi32>
    %squeeze3A_672 = vector.extract %slice3A_671[0] : i32 from vector<1xi32>
    %add3A_673 = arith.addi %add3A_628, %squeeze3A_672 : i32
    %get3A_674 = arith.constant 1 : i32
    %get3A_675 = arith.index_cast %get3A_674 : i32 to index
    %get3A_676 = arith.constant 16 : index
    %get3A_677 = tpu.vector_load %arg15[%get3A_675, %get3A_676] {strides = array<i32>} : memref<2x80xi32, #tpu.memory_space<vmem>>, vector<16xi32>,
    %add3A_678 = arith.constant 80 : i32
    %add3A_679 = arith.addi %mul3A_2, %add3A_678 : i32
    %add3A_680 = arith.constant 16 : i32
    %add3A_681 = arith.addi %add3A_679, %add3A_680 : i32
    %add3A_682 = vector.broadcast %add3A_681 : i32 to vector<16xi32>
    %add3A_683 = arith.addi %add3A_682, %iota3A : vector<16xi32>
    %ge3A_684 = arith.constant 4616 : i32
    %ge3A_685 = vector.broadcast %ge3A_684 : i32 to vector<16xi32>
    %ge3A_686 = arith.cmpi sge, %get3A_677, %ge3A_685 : vector<16xi32>
    %and3A_687 = arith.constant 4095 : i32
    %and3A_688 = vector.broadcast %and3A_687 : i32 to vector<16xi32>
    %and3A_689 = arith.andi %add3A_683, %and3A_688 : vector<16xi32>
    %select_n3A_690 = arith.select %ge3A_686, %and3A_689, %get3A_677 : vector<16xi1>, vector<16xi32>
    %swap3A_691 = arith.constant 1 : i32
    %swap3A_692 = arith.index_cast %swap3A_691 : i32 to index
    %swap3A_693 = arith.constant 16 : index
    %swap3A_694 = tpu.vector_load %arg16[%swap3A_692, %swap3A_693] {strides = array<i32>} : memref<2x80xi32, #tpu.memory_space<vmem>>, vector<16xi32>,
    tpu.vector_store %arg16[%swap3A_692, %swap3A_693], %select_n3A_690 {strides = array<i32>} : memref<2x80xi32, #tpu.memory_space<vmem>>, vector<16xi32>,
    %convert_element_type3A_695 = arith.extui %ge3A_686 : vector<16xi1> to vector<16xi32>
    %broadcast_in_dim3A_696 = arith.constant true
    %broadcast_in_dim3A_697 = vector.broadcast %broadcast_in_dim3A_696 : i1 to vector<16xi1>
    %masked_cumsum3A_698 = tpu.scan <sum>, %convert_element_type3A_695 masked %broadcast_in_dim3A_697 : vector<16xi32>, vector<16xi1> -> vector<16xi32>
    %add3A_699 = vector.broadcast %add3A_673 : i32 to vector<16xi32>
    %add3A_700 = arith.addi %add3A_699, %masked_cumsum3A_698 : vector<16xi32>
    %sub3A_701 = arith.constant 1 : i32
    %sub3A_702 = vector.broadcast %sub3A_701 : i32 to vector<16xi32>
    %sub3A_703 = arith.subi %add3A_700, %sub3A_702 : vector<16xi32>
    %add3A_704 = arith.constant 224 : i32
    %add3A_705 = vector.broadcast %add3A_704 : i32 to vector<16xi32>
    %add3A_706 = arith.addi %add3A_705, %iota3A : vector<16xi32>
    %select_n3A_707 = arith.select %ge3A_686, %sub3A_703, %add3A_706 : vector<16xi1>, vector<16xi32>
    %sub3A_708 = arith.constant 4616 : i32
    %sub3A_709 = vector.broadcast %sub3A_708 : i32 to vector<16xi32>
    %sub3A_710 = arith.subi %get3A_677, %sub3A_709 : vector<16xi32>
    tpu.vector_store_idx %arg17[%select_n3A_707], %sub3A_710 : memref<240xi32, #tpu.memory_space<vmem>>[vector<16xi32>], vector<16xi32>,
    tpu.vector_store_idx %arg18[%select_n3A_707], %add3A_683 : memref<240xi32, #tpu.memory_space<vmem>>[vector<16xi32>], vector<16xi32>,
    %all_reduce_population_count3A_711 = tpu.all_reduce %ge3A_686 {dim = 0 : i64, kind = #tpu.reduction_kind<sum>} : vector<16xi1> -> vector<16xi32>
    %swap3A_712 = arith.constant 0 : index
    %swap3A_713 = tpu.vector_load %arg20[%swap3A_712] {strides = array<i32>} : memref<16xi32, #tpu.memory_space<vmem>>, vector<16xi32>,
    tpu.vector_store %arg20[%swap3A_712], %all_reduce_population_count3A_711 {strides = array<i32>} : memref<16xi32, #tpu.memory_space<vmem>>, vector<16xi32>,
    %get3A_714 = arith.constant 0 : index
    %get3A_715 = tpu.vector_load %arg20[%get3A_714] {strides = array<i32>} : memref<16xi32, #tpu.memory_space<vmem>>, vector<16xi32>,
    %slice3A_716 = vector.extract_strided_slice %get3A_715 {offsets = [0], sizes = [1], strides = [1]} : vector<16xi32> to vector<1xi32>
    %squeeze3A_717 = vector.extract %slice3A_716[0] : i32 from vector<1xi32>
    %add3A_718 = arith.addi %add3A_673, %squeeze3A_717 : i32
    %get3A_719 = arith.constant 1 : i32
    %get3A_720 = arith.index_cast %get3A_719 : i32 to index
    %get3A_721 = arith.constant 32 : index
    %get3A_722 = tpu.vector_load %arg15[%get3A_720, %get3A_721] {strides = array<i32>} : memref<2x80xi32, #tpu.memory_space<vmem>>, vector<16xi32>,
    %add3A_723 = arith.constant 80 : i32
    %add3A_724 = arith.addi %mul3A_2, %add3A_723 : i32
    %add3A_725 = arith.constant 32 : i32
    %add3A_726 = arith.addi %add3A_724, %add3A_725 : i32
    %add3A_727 = vector.broadcast %add3A_726 : i32 to vector<16xi32>
    %add3A_728 = arith.addi %add3A_727, %iota3A : vector<16xi32>
    %ge3A_729 = arith.constant 4616 : i32
    %ge3A_730 = vector.broadcast %ge3A_729 : i32 to vector<16xi32>
    %ge3A_731 = arith.cmpi sge, %get3A_722, %ge3A_730 : vector<16xi32>
    %and3A_732 = arith.constant 4095 : i32
    %and3A_733 = vector.broadcast %and3A_732 : i32 to vector<16xi32>
    %and3A_734 = arith.andi %add3A_728, %and3A_733 : vector<16xi32>
    %select_n3A_735 = arith.select %ge3A_731, %and3A_734, %get3A_722 : vector<16xi1>, vector<16xi32>
    %swap3A_736 = arith.constant 1 : i32
    %swap3A_737 = arith.index_cast %swap3A_736 : i32 to index
    %swap3A_738 = arith.constant 32 : index
    %swap3A_739 = tpu.vector_load %arg16[%swap3A_737, %swap3A_738] {strides = array<i32>} : memref<2x80xi32, #tpu.memory_space<vmem>>, vector<16xi32>,
    tpu.vector_store %arg16[%swap3A_737, %swap3A_738], %select_n3A_735 {strides = array<i32>} : memref<2x80xi32, #tpu.memory_space<vmem>>, vector<16xi32>,
    %convert_element_type3A_740 = arith.extui %ge3A_731 : vector<16xi1> to vector<16xi32>
    %broadcast_in_dim3A_741 = arith.constant true
    %broadcast_in_dim3A_742 = vector.broadcast %broadcast_in_dim3A_741 : i1 to vector<16xi1>
    %masked_cumsum3A_743 = tpu.scan <sum>, %convert_element_type3A_740 masked %broadcast_in_dim3A_742 : vector<16xi32>, vector<16xi1> -> vector<16xi32>
    %add3A_744 = vector.broadcast %add3A_718 : i32 to vector<16xi32>
    %add3A_745 = arith.addi %add3A_744, %masked_cumsum3A_743 : vector<16xi32>
    %sub3A_746 = arith.constant 1 : i32
    %sub3A_747 = vector.broadcast %sub3A_746 : i32 to vector<16xi32>
    %sub3A_748 = arith.subi %add3A_745, %sub3A_747 : vector<16xi32>
    %add3A_749 = arith.constant 224 : i32
    %add3A_750 = vector.broadcast %add3A_749 : i32 to vector<16xi32>
    %add3A_751 = arith.addi %add3A_750, %iota3A : vector<16xi32>
    %select_n3A_752 = arith.select %ge3A_731, %sub3A_748, %add3A_751 : vector<16xi1>, vector<16xi32>
    %sub3A_753 = arith.constant 4616 : i32
    %sub3A_754 = vector.broadcast %sub3A_753 : i32 to vector<16xi32>
    %sub3A_755 = arith.subi %get3A_722, %sub3A_754 : vector<16xi32>
    tpu.vector_store_idx %arg17[%select_n3A_752], %sub3A_755 : memref<240xi32, #tpu.memory_space<vmem>>[vector<16xi32>], vector<16xi32>,
    tpu.vector_store_idx %arg18[%select_n3A_752], %add3A_728 : memref<240xi32, #tpu.memory_space<vmem>>[vector<16xi32>], vector<16xi32>,
    %all_reduce_population_count3A_756 = tpu.all_reduce %ge3A_731 {dim = 0 : i64, kind = #tpu.reduction_kind<sum>} : vector<16xi1> -> vector<16xi32>
    %swap3A_757 = arith.constant 0 : index
    %swap3A_758 = tpu.vector_load %arg20[%swap3A_757] {strides = array<i32>} : memref<16xi32, #tpu.memory_space<vmem>>, vector<16xi32>,
    tpu.vector_store %arg20[%swap3A_757], %all_reduce_population_count3A_756 {strides = array<i32>} : memref<16xi32, #tpu.memory_space<vmem>>, vector<16xi32>,
    %get3A_759 = arith.constant 0 : index
    %get3A_760 = tpu.vector_load %arg20[%get3A_759] {strides = array<i32>} : memref<16xi32, #tpu.memory_space<vmem>>, vector<16xi32>,
    %slice3A_761 = vector.extract_strided_slice %get3A_760 {offsets = [0], sizes = [1], strides = [1]} : vector<16xi32> to vector<1xi32>
    %squeeze3A_762 = vector.extract %slice3A_761[0] : i32 from vector<1xi32>
    %add3A_763 = arith.addi %add3A_718, %squeeze3A_762 : i32
    %get3A_764 = arith.constant 1 : i32
    %get3A_765 = arith.index_cast %get3A_764 : i32 to index
    %get3A_766 = arith.constant 48 : index
    %get3A_767 = tpu.vector_load %arg15[%get3A_765, %get3A_766] {strides = array<i32>} : memref<2x80xi32, #tpu.memory_space<vmem>>, vector<16xi32>,
    %add3A_768 = arith.constant 80 : i32
    %add3A_769 = arith.addi %mul3A_2, %add3A_768 : i32
    %add3A_770 = arith.constant 48 : i32
    %add3A_771 = arith.addi %add3A_769, %add3A_770 : i32
    %add3A_772 = vector.broadcast %add3A_771 : i32 to vector<16xi32>
    %add3A_773 = arith.addi %add3A_772, %iota3A : vector<16xi32>
    %ge3A_774 = arith.constant 4616 : i32
    %ge3A_775 = vector.broadcast %ge3A_774 : i32 to vector<16xi32>
    %ge3A_776 = arith.cmpi sge, %get3A_767, %ge3A_775 : vector<16xi32>
    %and3A_777 = arith.constant 4095 : i32
    %and3A_778 = vector.broadcast %and3A_777 : i32 to vector<16xi32>
    %and3A_779 = arith.andi %add3A_773, %and3A_778 : vector<16xi32>
    %select_n3A_780 = arith.select %ge3A_776, %and3A_779, %get3A_767 : vector<16xi1>, vector<16xi32>
    %swap3A_781 = arith.constant 1 : i32
    %swap3A_782 = arith.index_cast %swap3A_781 : i32 to index
    %swap3A_783 = arith.constant 48 : index
    %swap3A_784 = tpu.vector_load %arg16[%swap3A_782, %swap3A_783] {strides = array<i32>} : memref<2x80xi32, #tpu.memory_space<vmem>>, vector<16xi32>,
    tpu.vector_store %arg16[%swap3A_782, %swap3A_783], %select_n3A_780 {strides = array<i32>} : memref<2x80xi32, #tpu.memory_space<vmem>>, vector<16xi32>,
    %convert_element_type3A_785 = arith.extui %ge3A_776 : vector<16xi1> to vector<16xi32>
    %broadcast_in_dim3A_786 = arith.constant true
    %broadcast_in_dim3A_787 = vector.broadcast %broadcast_in_dim3A_786 : i1 to vector<16xi1>
    %masked_cumsum3A_788 = tpu.scan <sum>, %convert_element_type3A_785 masked %broadcast_in_dim3A_787 : vector<16xi32>, vector<16xi1> -> vector<16xi32>
    %add3A_789 = vector.broadcast %add3A_763 : i32 to vector<16xi32>
    %add3A_790 = arith.addi %add3A_789, %masked_cumsum3A_788 : vector<16xi32>
    %sub3A_791 = arith.constant 1 : i32
    %sub3A_792 = vector.broadcast %sub3A_791 : i32 to vector<16xi32>
    %sub3A_793 = arith.subi %add3A_790, %sub3A_792 : vector<16xi32>
    %add3A_794 = arith.constant 224 : i32
    %add3A_795 = vector.broadcast %add3A_794 : i32 to vector<16xi32>
    %add3A_796 = arith.addi %add3A_795, %iota3A : vector<16xi32>
    %select_n3A_797 = arith.select %ge3A_776, %sub3A_793, %add3A_796 : vector<16xi1>, vector<16xi32>
    %sub3A_798 = arith.constant 4616 : i32
    %sub3A_799 = vector.broadcast %sub3A_798 : i32 to vector<16xi32>
    %sub3A_800 = arith.subi %get3A_767, %sub3A_799 : vector<16xi32>
    tpu.vector_store_idx %arg17[%select_n3A_797], %sub3A_800 : memref<240xi32, #tpu.memory_space<vmem>>[vector<16xi32>], vector<16xi32>,
    tpu.vector_store_idx %arg18[%select_n3A_797], %add3A_773 : memref<240xi32, #tpu.memory_space<vmem>>[vector<16xi32>], vector<16xi32>,
    %all_reduce_population_count3A_801 = tpu.all_reduce %ge3A_776 {dim = 0 : i64, kind = #tpu.reduction_kind<sum>} : vector<16xi1> -> vector<16xi32>
    %swap3A_802 = arith.constant 0 : index
    %swap3A_803 = tpu.vector_load %arg20[%swap3A_802] {strides = array<i32>} : memref<16xi32, #tpu.memory_space<vmem>>, vector<16xi32>,
    tpu.vector_store %arg20[%swap3A_802], %all_reduce_population_count3A_801 {strides = array<i32>} : memref<16xi32, #tpu.memory_space<vmem>>, vector<16xi32>,
    %get3A_804 = arith.constant 0 : index
    %get3A_805 = tpu.vector_load %arg20[%get3A_804] {strides = array<i32>} : memref<16xi32, #tpu.memory_space<vmem>>, vector<16xi32>,
    %slice3A_806 = vector.extract_strided_slice %get3A_805 {offsets = [0], sizes = [1], strides = [1]} : vector<16xi32> to vector<1xi32>
    %squeeze3A_807 = vector.extract %slice3A_806[0] : i32 from vector<1xi32>
    %add3A_808 = arith.addi %add3A_763, %squeeze3A_807 : i32
    %get3A_809 = arith.constant 1 : i32
    %get3A_810 = arith.index_cast %get3A_809 : i32 to index
    %get3A_811 = arith.constant 64 : index
    %get3A_812 = tpu.vector_load %arg15[%get3A_810, %get3A_811] {strides = array<i32>} : memref<2x80xi32, #tpu.memory_space<vmem>>, vector<16xi32>,
    %add3A_813 = arith.constant 80 : i32
    %add3A_814 = arith.addi %mul3A_2, %add3A_813 : i32
    %add3A_815 = arith.constant 64 : i32
    %add3A_816 = arith.addi %add3A_814, %add3A_815 : i32
    %add3A_817 = vector.broadcast %add3A_816 : i32 to vector<16xi32>
    %add3A_818 = arith.addi %add3A_817, %iota3A : vector<16xi32>
    %ge3A_819 = arith.constant 4616 : i32
    %ge3A_820 = vector.broadcast %ge3A_819 : i32 to vector<16xi32>
    %ge3A_821 = arith.cmpi sge, %get3A_812, %ge3A_820 : vector<16xi32>
    %and3A_822 = arith.constant 4095 : i32
    %and3A_823 = vector.broadcast %and3A_822 : i32 to vector<16xi32>
    %and3A_824 = arith.andi %add3A_818, %and3A_823 : vector<16xi32>
    %select_n3A_825 = arith.select %ge3A_821, %and3A_824, %get3A_812 : vector<16xi1>, vector<16xi32>
    %swap3A_826 = arith.constant 1 : i32
    %swap3A_827 = arith.index_cast %swap3A_826 : i32 to index
    %swap3A_828 = arith.constant 64 : index
    %swap3A_829 = tpu.vector_load %arg16[%swap3A_827, %swap3A_828] {strides = array<i32>} : memref<2x80xi32, #tpu.memory_space<vmem>>, vector<16xi32>,
    tpu.vector_store %arg16[%swap3A_827, %swap3A_828], %select_n3A_825 {strides = array<i32>} : memref<2x80xi32, #tpu.memory_space<vmem>>, vector<16xi32>,
    %convert_element_type3A_830 = arith.extui %ge3A_821 : vector<16xi1> to vector<16xi32>
    %broadcast_in_dim3A_831 = arith.constant true
    %broadcast_in_dim3A_832 = vector.broadcast %broadcast_in_dim3A_831 : i1 to vector<16xi1>
    %masked_cumsum3A_833 = tpu.scan <sum>, %convert_element_type3A_830 masked %broadcast_in_dim3A_832 : vector<16xi32>, vector<16xi1> -> vector<16xi32>
    %add3A_834 = vector.broadcast %add3A_808 : i32 to vector<16xi32>
    %add3A_835 = arith.addi %add3A_834, %masked_cumsum3A_833 : vector<16xi32>
    %sub3A_836 = arith.constant 1 : i32
    %sub3A_837 = vector.broadcast %sub3A_836 : i32 to vector<16xi32>
    %sub3A_838 = arith.subi %add3A_835, %sub3A_837 : vector<16xi32>
    %add3A_839 = arith.constant 224 : i32
    %add3A_840 = vector.broadcast %add3A_839 : i32 to vector<16xi32>
    %add3A_841 = arith.addi %add3A_840, %iota3A : vector<16xi32>
    %select_n3A_842 = arith.select %ge3A_821, %sub3A_838, %add3A_841 : vector<16xi1>, vector<16xi32>
    %sub3A_843 = arith.constant 4616 : i32
    %sub3A_844 = vector.broadcast %sub3A_843 : i32 to vector<16xi32>
    %sub3A_845 = arith.subi %get3A_812, %sub3A_844 : vector<16xi32>
    tpu.vector_store_idx %arg17[%select_n3A_842], %sub3A_845 : memref<240xi32, #tpu.memory_space<vmem>>[vector<16xi32>], vector<16xi32>,
    tpu.vector_store_idx %arg18[%select_n3A_842], %add3A_818 : memref<240xi32, #tpu.memory_space<vmem>>[vector<16xi32>], vector<16xi32>,
    %all_reduce_population_count3A_846 = tpu.all_reduce %ge3A_821 {dim = 0 : i64, kind = #tpu.reduction_kind<sum>} : vector<16xi1> -> vector<16xi32>
    %swap3A_847 = arith.constant 0 : index
    %swap3A_848 = tpu.vector_load %arg20[%swap3A_847] {strides = array<i32>} : memref<16xi32, #tpu.memory_space<vmem>>, vector<16xi32>,
    tpu.vector_store %arg20[%swap3A_847], %all_reduce_population_count3A_846 {strides = array<i32>} : memref<16xi32, #tpu.memory_space<vmem>>, vector<16xi32>,
    %get3A_849 = arith.constant 0 : index
    %get3A_850 = tpu.vector_load %arg20[%get3A_849] {strides = array<i32>} : memref<16xi32, #tpu.memory_space<vmem>>, vector<16xi32>,
    %slice3A_851 = vector.extract_strided_slice %get3A_850 {offsets = [0], sizes = [1], strides = [1]} : vector<16xi32> to vector<1xi32>
    %squeeze3A_852 = vector.extract %slice3A_851[0] : i32 from vector<1xi32>
    %add3A_853 = arith.addi %add3A_808, %squeeze3A_852 : i32
    %get3A_854 = arith.constant 0 : index
    %get3A_855 = tpu.vector_load %arg18[%get3A_854] {strides = array<i32>} : memref<240xi32, #tpu.memory_space<vmem>>, vector<16xi32>,
    %swap3A_856 = arith.constant 0 : i32
    %swap3A_857 = arith.index_cast %swap3A_856 : i32 to index
    %swap3A_858 = arith.constant 0 : index
    %swap3A_859 = tpu.vector_load %arg19[%swap3A_857, %swap3A_858] {strides = array<i32>} : memref<3x64xi32, #tpu.memory_space<vmem>>, vector<16xi32>,
    tpu.vector_store %arg19[%swap3A_857, %swap3A_858], %get3A_855 {strides = array<i32>} : memref<3x64xi32, #tpu.memory_space<vmem>>, vector<16xi32>,
    %get3A_860 = arith.constant 16 : index
    %get3A_861 = tpu.vector_load %arg18[%get3A_860] {strides = array<i32>} : memref<240xi32, #tpu.memory_space<vmem>>, vector<16xi32>,
    %swap3A_862 = arith.constant 0 : i32
    %swap3A_863 = arith.index_cast %swap3A_862 : i32 to index
    %swap3A_864 = arith.constant 16 : index
    %swap3A_865 = tpu.vector_load %arg19[%swap3A_863, %swap3A_864] {strides = array<i32>} : memref<3x64xi32, #tpu.memory_space<vmem>>, vector<16xi32>,
    tpu.vector_store %arg19[%swap3A_863, %swap3A_864], %get3A_861 {strides = array<i32>} : memref<3x64xi32, #tpu.memory_space<vmem>>, vector<16xi32>,
    %get3A_866 = arith.constant 32 : index
    %get3A_867 = tpu.vector_load %arg18[%get3A_866] {strides = array<i32>} : memref<240xi32, #tpu.memory_space<vmem>>, vector<16xi32>,
    %swap3A_868 = arith.constant 0 : i32
    %swap3A_869 = arith.index_cast %swap3A_868 : i32 to index
    %swap3A_870 = arith.constant 32 : index
    %swap3A_871 = tpu.vector_load %arg19[%swap3A_869, %swap3A_870] {strides = array<i32>} : memref<3x64xi32, #tpu.memory_space<vmem>>, vector<16xi32>,
    tpu.vector_store %arg19[%swap3A_869, %swap3A_870], %get3A_867 {strides = array<i32>} : memref<3x64xi32, #tpu.memory_space<vmem>>, vector<16xi32>,
    %get3A_872 = arith.constant 48 : index
    %get3A_873 = tpu.vector_load %arg18[%get3A_872] {strides = array<i32>} : memref<240xi32, #tpu.memory_space<vmem>>, vector<16xi32>,
    %swap3A_874 = arith.constant 0 : i32
    %swap3A_875 = arith.index_cast %swap3A_874 : i32 to index
    %swap3A_876 = arith.constant 48 : index
    %swap3A_877 = tpu.vector_load %arg19[%swap3A_875, %swap3A_876] {strides = array<i32>} : memref<3x64xi32, #tpu.memory_space<vmem>>, vector<16xi32>,
    tpu.vector_store %arg19[%swap3A_875, %swap3A_876], %get3A_873 {strides = array<i32>} : memref<3x64xi32, #tpu.memory_space<vmem>>, vector<16xi32>,
    %get3A_878 = arith.constant 64 : index
    %get3A_879 = tpu.vector_load %arg18[%get3A_878] {strides = array<i32>} : memref<240xi32, #tpu.memory_space<vmem>>, vector<16xi32>,
    %swap3A_880 = arith.constant 1 : i32
    %swap3A_881 = arith.index_cast %swap3A_880 : i32 to index
    %swap3A_882 = arith.constant 0 : index
    %swap3A_883 = tpu.vector_load %arg19[%swap3A_881, %swap3A_882] {strides = array<i32>} : memref<3x64xi32, #tpu.memory_space<vmem>>, vector<16xi32>,
    tpu.vector_store %arg19[%swap3A_881, %swap3A_882], %get3A_879 {strides = array<i32>} : memref<3x64xi32, #tpu.memory_space<vmem>>, vector<16xi32>,
    %get3A_884 = arith.constant 80 : index
    %get3A_885 = tpu.vector_load %arg18[%get3A_884] {strides = array<i32>} : memref<240xi32, #tpu.memory_space<vmem>>, vector<16xi32>,
    %swap3A_886 = arith.constant 1 : i32
    %swap3A_887 = arith.index_cast %swap3A_886 : i32 to index
    %swap3A_888 = arith.constant 16 : index
    %swap3A_889 = tpu.vector_load %arg19[%swap3A_887, %swap3A_888] {strides = array<i32>} : memref<3x64xi32, #tpu.memory_space<vmem>>, vector<16xi32>,
    tpu.vector_store %arg19[%swap3A_887, %swap3A_888], %get3A_885 {strides = array<i32>} : memref<3x64xi32, #tpu.memory_space<vmem>>, vector<16xi32>,
    %get3A_890 = arith.constant 96 : index
    %get3A_891 = tpu.vector_load %arg18[%get3A_890] {strides = array<i32>} : memref<240xi32, #tpu.memory_space<vmem>>, vector<16xi32>,
    %swap3A_892 = arith.constant 1 : i32
    %swap3A_893 = arith.index_cast %swap3A_892 : i32 to index
    %swap3A_894 = arith.constant 32 : index
    %swap3A_895 = tpu.vector_load %arg19[%swap3A_893, %swap3A_894] {strides = array<i32>} : memref<3x64xi32, #tpu.memory_space<vmem>>, vector<16xi32>,
    tpu.vector_store %arg19[%swap3A_893, %swap3A_894], %get3A_891 {strides = array<i32>} : memref<3x64xi32, #tpu.memory_space<vmem>>, vector<16xi32>,
    %get3A_896 = arith.constant 112 : index
    %get3A_897 = tpu.vector_load %arg18[%get3A_896] {strides = array<i32>} : memref<240xi32, #tpu.memory_space<vmem>>, vector<16xi32>,
    %swap3A_898 = arith.constant 1 : i32
    %swap3A_899 = arith.index_cast %swap3A_898 : i32 to index
    %swap3A_900 = arith.constant 48 : index
    %swap3A_901 = tpu.vector_load %arg19[%swap3A_899, %swap3A_900] {strides = array<i32>} : memref<3x64xi32, #tpu.memory_space<vmem>>, vector<16xi32>,
    tpu.vector_store %arg19[%swap3A_899, %swap3A_900], %get3A_897 {strides = array<i32>} : memref<3x64xi32, #tpu.memory_space<vmem>>, vector<16xi32>,
    %get3A_902 = arith.constant 128 : index
    %get3A_903 = tpu.vector_load %arg18[%get3A_902] {strides = array<i32>} : memref<240xi32, #tpu.memory_space<vmem>>, vector<16xi32>,
    %swap3A_904 = arith.constant 2 : i32
    %swap3A_905 = arith.index_cast %swap3A_904 : i32 to index
    %swap3A_906 = arith.constant 0 : index
    %swap3A_907 = tpu.vector_load %arg19[%swap3A_905, %swap3A_906] {strides = array<i32>} : memref<3x64xi32, #tpu.memory_space<vmem>>, vector<16xi32>,
    tpu.vector_store %arg19[%swap3A_905, %swap3A_906], %get3A_903 {strides = array<i32>} : memref<3x64xi32, #tpu.memory_space<vmem>>, vector<16xi32>,
    %get3A_908 = arith.constant 144 : index
    %get3A_909 = tpu.vector_load %arg18[%get3A_908] {strides = array<i32>} : memref<240xi32, #tpu.memory_space<vmem>>, vector<16xi32>,
    %swap3A_910 = arith.constant 2 : i32
    %swap3A_911 = arith.index_cast %swap3A_910 : i32 to index
    %swap3A_912 = arith.constant 16 : index
    %swap3A_913 = tpu.vector_load %arg19[%swap3A_911, %swap3A_912] {strides = array<i32>} : memref<3x64xi32, #tpu.memory_space<vmem>>, vector<16xi32>,
    tpu.vector_store %arg19[%swap3A_911, %swap3A_912], %get3A_909 {strides = array<i32>} : memref<3x64xi32, #tpu.memory_space<vmem>>, vector<16xi32>,
    %get3A_914 = arith.constant 160 : index
    %get3A_915 = tpu.vector_load %arg18[%get3A_914] {strides = array<i32>} : memref<240xi32, #tpu.memory_space<vmem>>, vector<16xi32>,
    %swap3A_916 = arith.constant 2 : i32
    %swap3A_917 = arith.index_cast %swap3A_916 : i32 to index
    %swap3A_918 = arith.constant 32 : index
    %swap3A_919 = tpu.vector_load %arg19[%swap3A_917, %swap3A_918] {strides = array<i32>} : memref<3x64xi32, #tpu.memory_space<vmem>>, vector<16xi32>,
    tpu.vector_store %arg19[%swap3A_917, %swap3A_918], %get3A_915 {strides = array<i32>} : memref<3x64xi32, #tpu.memory_space<vmem>>, vector<16xi32>,
    %get3A_920 = arith.constant 176 : index
    %get3A_921 = tpu.vector_load %arg18[%get3A_920] {strides = array<i32>} : memref<240xi32, #tpu.memory_space<vmem>>, vector<16xi32>,
    %swap3A_922 = arith.constant 2 : i32
    %swap3A_923 = arith.index_cast %swap3A_922 : i32 to index
    %swap3A_924 = arith.constant 48 : index
    %swap3A_925 = tpu.vector_load %arg19[%swap3A_923, %swap3A_924] {strides = array<i32>} : memref<3x64xi32, #tpu.memory_space<vmem>>, vector<16xi32>,
    tpu.vector_store %arg19[%swap3A_923, %swap3A_924], %get3A_921 {strides = array<i32>} : memref<3x64xi32, #tpu.memory_space<vmem>>, vector<16xi32>,
    %dma_start3A = arith.constant 0 : i32
    %dma_start3A_926 = arith.constant 0 : i32
    %dma_start3A_927 = tpu.memref_slice %arg16[%dma_start3A, %dma_start3A_926] : memref<2x80xi32, #tpu.memory_space<vmem>> -> memref<1x80xi32, #tpu.memory_space<vmem>>
    %dma_start3A_928 = tpu.memref_squeeze %dma_start3A_927 : memref<1x80xi32, #tpu.memory_space<vmem>> -> memref<80xi32, #tpu.memory_space<vmem>>
    %dma_start3A_929 = arith.constant 0 : i32
    %dma_start3A_930 = arith.constant 0 : i32
    %dma_start3A_931 = tpu.memref_slice %arg3[%dma_start3A_929, %dma_start3A_930] : memref<4616x768xf32, #tpu.memory_space<hbm>> -> memref<4616x768xf32, #tpu.memory_space<hbm>>
    tpu.enqueue_indirect_dma source(%dma_start3A_931 : memref<4616x768xf32, #tpu.memory_space<hbm>>) target(%arg21 : memref<80x768xf32, #tpu.memory_space<vmem>>) offsets(%dma_start3A_928 : memref<80xi32, #tpu.memory_space<vmem>>) semaphore(%arg23 : memref<!tpu.dma_semaphore, #tpu.memory_space<semaphore_mem>>)
    %dma_wait3A = arith.constant 0 : i32
    %dma_wait3A_932 = arith.constant 0 : i32
    %dma_wait3A_933 = tpu.memref_slice %arg16[%dma_wait3A, %dma_wait3A_932] : memref<2x80xi32, #tpu.memory_space<vmem>> -> memref<1x80xi32, #tpu.memory_space<vmem>>
    %dma_wait3A_934 = tpu.memref_squeeze %dma_wait3A_933 : memref<1x80xi32, #tpu.memory_space<vmem>> -> memref<80xi32, #tpu.memory_space<vmem>>
    %dma_wait3A_935 = arith.constant 0 : i32
    %dma_wait3A_936 = arith.constant 0 : i32
    %dma_wait3A_937 = tpu.memref_slice %arg3[%dma_wait3A_935, %dma_wait3A_936] : memref<4616x768xf32, #tpu.memory_space<hbm>> -> memref<4616x768xf32, #tpu.memory_space<hbm>>
    tpu.wait_indirect_dma semaphore(%arg23 : memref<!tpu.dma_semaphore, #tpu.memory_space<semaphore_mem>>) src(%dma_wait3A_937 : memref<4616x768xf32, #tpu.memory_space<hbm>>) dst(%arg21 : memref<80x768xf32, #tpu.memory_space<vmem>>)
    %add3A_938 = arith.constant 0 : i32
    %add3A_939 = arith.addi %mul3A_2, %add3A_938 : i32
    %dma_start3A_940 = arith.constant 0 : i32
    %dma_start3A_941 = tpu.memref_slice %arg11[%add3A_939, %dma_start3A_940] : memref<5120x768xf32, #tpu.memory_space<hbm>> -> memref<80x768xf32, #tpu.memory_space<hbm>>
    %dma_start3A_942 = arith.constant 0 : i32
    %dma_start3A_943 = tpu.memref_slice %arg11[%add3A_939, %dma_start3A_942] : memref<5120x768xf32, #tpu.memory_space<hbm>> -> memref<80x768xf32, #tpu.memory_space<hbm>>
    tpu.enqueue_dma source(%arg21 : memref<80x768xf32, #tpu.memory_space<vmem>>) target(%dma_start3A_943 : memref<80x768xf32, #tpu.memory_space<hbm>>) target_semaphore(%arg25 : memref<!tpu.dma_semaphore, #tpu.memory_space<semaphore_mem>>)
    %dma_start3A_944 = arith.constant 1 : i32
    %dma_start3A_945 = arith.constant 0 : i32
    %dma_start3A_946 = tpu.memref_slice %arg16[%dma_start3A_944, %dma_start3A_945] : memref<2x80xi32, #tpu.memory_space<vmem>> -> memref<1x80xi32, #tpu.memory_space<vmem>>
    %dma_start3A_947 = tpu.memref_squeeze %dma_start3A_946 : memref<1x80xi32, #tpu.memory_space<vmem>> -> memref<80xi32, #tpu.memory_space<vmem>>
    %dma_start3A_948 = arith.constant 0 : i32
    %dma_start3A_949 = arith.constant 0 : i32
    %dma_start3A_950 = tpu.memref_slice %arg3[%dma_start3A_948, %dma_start3A_949] : memref<4616x768xf32, #tpu.memory_space<hbm>> -> memref<4616x768xf32, #tpu.memory_space<hbm>>
    tpu.enqueue_indirect_dma source(%dma_start3A_950 : memref<4616x768xf32, #tpu.memory_space<hbm>>) target(%arg22 : memref<80x768xf32, #tpu.memory_space<vmem>>) offsets(%dma_start3A_947 : memref<80xi32, #tpu.memory_space<vmem>>) semaphore(%arg24 : memref<!tpu.dma_semaphore, #tpu.memory_space<semaphore_mem>>)
    %dma_wait3A_951 = arith.constant 1 : i32
    %dma_wait3A_952 = arith.constant 0 : i32
    %dma_wait3A_953 = tpu.memref_slice %arg16[%dma_wait3A_951, %dma_wait3A_952] : memref<2x80xi32, #tpu.memory_space<vmem>> -> memref<1x80xi32, #tpu.memory_space<vmem>>
    %dma_wait3A_954 = tpu.memref_squeeze %dma_wait3A_953 : memref<1x80xi32, #tpu.memory_space<vmem>> -> memref<80xi32, #tpu.memory_space<vmem>>
    %dma_wait3A_955 = arith.constant 0 : i32
    %dma_wait3A_956 = arith.constant 0 : i32
    %dma_wait3A_957 = tpu.memref_slice %arg3[%dma_wait3A_955, %dma_wait3A_956] : memref<4616x768xf32, #tpu.memory_space<hbm>> -> memref<4616x768xf32, #tpu.memory_space<hbm>>
    tpu.wait_indirect_dma semaphore(%arg24 : memref<!tpu.dma_semaphore, #tpu.memory_space<semaphore_mem>>) src(%dma_wait3A_957 : memref<4616x768xf32, #tpu.memory_space<hbm>>) dst(%arg22 : memref<80x768xf32, #tpu.memory_space<vmem>>)
    %add3A_958 = arith.constant 80 : i32
    %add3A_959 = arith.addi %mul3A_2, %add3A_958 : i32
    %dma_start3A_960 = arith.constant 0 : i32
    %dma_start3A_961 = tpu.memref_slice %arg11[%add3A_959, %dma_start3A_960] : memref<5120x768xf32, #tpu.memory_space<hbm>> -> memref<80x768xf32, #tpu.memory_space<hbm>>
    %dma_start3A_962 = arith.constant 0 : i32
    %dma_start3A_963 = tpu.memref_slice %arg11[%add3A_959, %dma_start3A_962] : memref<5120x768xf32, #tpu.memory_space<hbm>> -> memref<80x768xf32, #tpu.memory_space<hbm>>
    tpu.enqueue_dma source(%arg22 : memref<80x768xf32, #tpu.memory_space<vmem>>) target(%dma_start3A_963 : memref<80x768xf32, #tpu.memory_space<hbm>>) target_semaphore(%arg26 : memref<!tpu.dma_semaphore, #tpu.memory_space<semaphore_mem>>)
    %dma_wait3A_964 = arith.constant 0 : i32
    %dma_wait3A_965 = tpu.memref_slice %arg11[%add3A_939, %dma_wait3A_964] : memref<5120x768xf32, #tpu.memory_space<hbm>> -> memref<80x768xf32, #tpu.memory_space<hbm>>
    %dma_wait3A_966 = arith.constant 0 : i32
    %dma_wait3A_967 = tpu.memref_slice %arg11[%add3A_939, %dma_wait3A_966] : memref<5120x768xf32, #tpu.memory_space<hbm>> -> memref<80x768xf32, #tpu.memory_space<hbm>>
    tpu.wait_dma2 semaphore(%arg25 : memref<!tpu.dma_semaphore, #tpu.memory_space<semaphore_mem>>) src(%arg21 : memref<80x768xf32, #tpu.memory_space<vmem>>) dst(%dma_wait3A_967 : memref<80x768xf32, #tpu.memory_space<hbm>>)
    %dma_start3A_968 = arith.constant 0 : i32
    %dma_start3A_969 = arith.constant 0 : i32
    %dma_start3A_970 = tpu.memref_slice %arg16[%dma_start3A_968, %dma_start3A_969] : memref<2x80xi32, #tpu.memory_space<vmem>> -> memref<1x80xi32, #tpu.memory_space<vmem>>
    %dma_start3A_971 = tpu.memref_squeeze %dma_start3A_970 : memref<1x80xi32, #tpu.memory_space<vmem>> -> memref<80xi32, #tpu.memory_space<vmem>>
    %dma_start3A_972 = arith.constant 0 : i32
    %dma_start3A_973 = arith.constant 0 : i32
    %dma_start3A_974 = tpu.memref_slice %arg4[%dma_start3A_972, %dma_start3A_973] : memref<4616x768xf32, #tpu.memory_space<hbm>> -> memref<4616x768xf32, #tpu.memory_space<hbm>>
    tpu.enqueue_indirect_dma source(%dma_start3A_974 : memref<4616x768xf32, #tpu.memory_space<hbm>>) target(%arg21 : memref<80x768xf32, #tpu.memory_space<vmem>>) offsets(%dma_start3A_971 : memref<80xi32, #tpu.memory_space<vmem>>) semaphore(%arg23 : memref<!tpu.dma_semaphore, #tpu.memory_space<semaphore_mem>>)
    %dma_wait3A_975 = arith.constant 0 : i32
    %dma_wait3A_976 = arith.constant 0 : i32
    %dma_wait3A_977 = tpu.memref_slice %arg16[%dma_wait3A_975, %dma_wait3A_976] : memref<2x80xi32, #tpu.memory_space<vmem>> -> memref<1x80xi32, #tpu.memory_space<vmem>>
    %dma_wait3A_978 = tpu.memref_squeeze %dma_wait3A_977 : memref<1x80xi32, #tpu.memory_space<vmem>> -> memref<80xi32, #tpu.memory_space<vmem>>
    %dma_wait3A_979 = arith.constant 0 : i32
    %dma_wait3A_980 = arith.constant 0 : i32
    %dma_wait3A_981 = tpu.memref_slice %arg4[%dma_wait3A_979, %dma_wait3A_980] : memref<4616x768xf32, #tpu.memory_space<hbm>> -> memref<4616x768xf32, #tpu.memory_space<hbm>>
    tpu.wait_indirect_dma semaphore(%arg23 : memref<!tpu.dma_semaphore, #tpu.memory_space<semaphore_mem>>) src(%dma_wait3A_981 : memref<4616x768xf32, #tpu.memory_space<hbm>>) dst(%arg21 : memref<80x768xf32, #tpu.memory_space<vmem>>)
    %add3A_982 = arith.constant 0 : i32
    %add3A_983 = arith.addi %mul3A_2, %add3A_982 : i32
    %dma_start3A_984 = arith.constant 0 : i32
    %dma_start3A_985 = tpu.memref_slice %arg12[%add3A_983, %dma_start3A_984] : memref<5120x768xf32, #tpu.memory_space<hbm>> -> memref<80x768xf32, #tpu.memory_space<hbm>>
    %dma_start3A_986 = arith.constant 0 : i32
    %dma_start3A_987 = tpu.memref_slice %arg12[%add3A_983, %dma_start3A_986] : memref<5120x768xf32, #tpu.memory_space<hbm>> -> memref<80x768xf32, #tpu.memory_space<hbm>>
    tpu.enqueue_dma source(%arg21 : memref<80x768xf32, #tpu.memory_space<vmem>>) target(%dma_start3A_987 : memref<80x768xf32, #tpu.memory_space<hbm>>) target_semaphore(%arg25 : memref<!tpu.dma_semaphore, #tpu.memory_space<semaphore_mem>>)
    %dma_wait3A_988 = arith.constant 0 : i32
    %dma_wait3A_989 = tpu.memref_slice %arg11[%add3A_959, %dma_wait3A_988] : memref<5120x768xf32, #tpu.memory_space<hbm>> -> memref<80x768xf32, #tpu.memory_space<hbm>>
    %dma_wait3A_990 = arith.constant 0 : i32
    %dma_wait3A_991 = tpu.memref_slice %arg11[%add3A_959, %dma_wait3A_990] : memref<5120x768xf32, #tpu.memory_space<hbm>> -> memref<80x768xf32, #tpu.memory_space<hbm>>
    tpu.wait_dma2 semaphore(%arg26 : memref<!tpu.dma_semaphore, #tpu.memory_space<semaphore_mem>>) src(%arg22 : memref<80x768xf32, #tpu.memory_space<vmem>>) dst(%dma_wait3A_991 : memref<80x768xf32, #tpu.memory_space<hbm>>)
    %dma_start3A_992 = arith.constant 1 : i32
    %dma_start3A_993 = arith.constant 0 : i32
    %dma_start3A_994 = tpu.memref_slice %arg16[%dma_start3A_992, %dma_start3A_993] : memref<2x80xi32, #tpu.memory_space<vmem>> -> memref<1x80xi32, #tpu.memory_space<vmem>>
    %dma_start3A_995 = tpu.memref_squeeze %dma_start3A_994 : memref<1x80xi32, #tpu.memory_space<vmem>> -> memref<80xi32, #tpu.memory_space<vmem>>
    %dma_start3A_996 = arith.constant 0 : i32
    %dma_start3A_997 = arith.constant 0 : i32
    %dma_start3A_998 = tpu.memref_slice %arg4[%dma_start3A_996, %dma_start3A_997] : memref<4616x768xf32, #tpu.memory_space<hbm>> -> memref<4616x768xf32, #tpu.memory_space<hbm>>
    tpu.enqueue_indirect_dma source(%dma_start3A_998 : memref<4616x768xf32, #tpu.memory_space<hbm>>) target(%arg22 : memref<80x768xf32, #tpu.memory_space<vmem>>) offsets(%dma_start3A_995 : memref<80xi32, #tpu.memory_space<vmem>>) semaphore(%arg24 : memref<!tpu.dma_semaphore, #tpu.memory_space<semaphore_mem>>)
    %dma_wait3A_999 = arith.constant 1 : i32
    %dma_wait3A_1000 = arith.constant 0 : i32
    %dma_wait3A_1001 = tpu.memref_slice %arg16[%dma_wait3A_999, %dma_wait3A_1000] : memref<2x80xi32, #tpu.memory_space<vmem>> -> memref<1x80xi32, #tpu.memory_space<vmem>>
    %dma_wait3A_1002 = tpu.memref_squeeze %dma_wait3A_1001 : memref<1x80xi32, #tpu.memory_space<vmem>> -> memref<80xi32, #tpu.memory_space<vmem>>
    %dma_wait3A_1003 = arith.constant 0 : i32
    %dma_wait3A_1004 = arith.constant 0 : i32
    %dma_wait3A_1005 = tpu.memref_slice %arg4[%dma_wait3A_1003, %dma_wait3A_1004] : memref<4616x768xf32, #tpu.memory_space<hbm>> -> memref<4616x768xf32, #tpu.memory_space<hbm>>
    tpu.wait_indirect_dma semaphore(%arg24 : memref<!tpu.dma_semaphore, #tpu.memory_space<semaphore_mem>>) src(%dma_wait3A_1005 : memref<4616x768xf32, #tpu.memory_space<hbm>>) dst(%arg22 : memref<80x768xf32, #tpu.memory_space<vmem>>)
    %add3A_1006 = arith.constant 80 : i32
    %add3A_1007 = arith.addi %mul3A_2, %add3A_1006 : i32
    %dma_start3A_1008 = arith.constant 0 : i32
    %dma_start3A_1009 = tpu.memref_slice %arg12[%add3A_1007, %dma_start3A_1008] : memref<5120x768xf32, #tpu.memory_space<hbm>> -> memref<80x768xf32, #tpu.memory_space<hbm>>
    %dma_start3A_1010 = arith.constant 0 : i32
    %dma_start3A_1011 = tpu.memref_slice %arg12[%add3A_1007, %dma_start3A_1010] : memref<5120x768xf32, #tpu.memory_space<hbm>> -> memref<80x768xf32, #tpu.memory_space<hbm>>
    tpu.enqueue_dma source(%arg22 : memref<80x768xf32, #tpu.memory_space<vmem>>) target(%dma_start3A_1011 : memref<80x768xf32, #tpu.memory_space<hbm>>) target_semaphore(%arg26 : memref<!tpu.dma_semaphore, #tpu.memory_space<semaphore_mem>>)
    %dma_wait3A_1012 = arith.constant 0 : i32
    %dma_wait3A_1013 = tpu.memref_slice %arg12[%add3A_983, %dma_wait3A_1012] : memref<5120x768xf32, #tpu.memory_space<hbm>> -> memref<80x768xf32, #tpu.memory_space<hbm>>
    %dma_wait3A_1014 = arith.constant 0 : i32
    %dma_wait3A_1015 = tpu.memref_slice %arg12[%add3A_983, %dma_wait3A_1014] : memref<5120x768xf32, #tpu.memory_space<hbm>> -> memref<80x768xf32, #tpu.memory_space<hbm>>
    tpu.wait_dma2 semaphore(%arg25 : memref<!tpu.dma_semaphore, #tpu.memory_space<semaphore_mem>>) src(%arg21 : memref<80x768xf32, #tpu.memory_space<vmem>>) dst(%dma_wait3A_1015 : memref<80x768xf32, #tpu.memory_space<hbm>>)
    %dma_start3A_1016 = arith.constant 0 : i32
    %dma_start3A_1017 = arith.constant 0 : i32
    %dma_start3A_1018 = tpu.memref_slice %arg16[%dma_start3A_1016, %dma_start3A_1017] : memref<2x80xi32, #tpu.memory_space<vmem>> -> memref<1x80xi32, #tpu.memory_space<vmem>>
    %dma_start3A_1019 = tpu.memref_squeeze %dma_start3A_1018 : memref<1x80xi32, #tpu.memory_space<vmem>> -> memref<80xi32, #tpu.memory_space<vmem>>
    %dma_start3A_1020 = arith.constant 0 : i32
    %dma_start3A_1021 = arith.constant 0 : i32
    %dma_start3A_1022 = tpu.memref_slice %arg5[%dma_start3A_1020, %dma_start3A_1021] : memref<4616x768xf32, #tpu.memory_space<hbm>> -> memref<4616x768xf32, #tpu.memory_space<hbm>>
    tpu.enqueue_indirect_dma source(%dma_start3A_1022 : memref<4616x768xf32, #tpu.memory_space<hbm>>) target(%arg21 : memref<80x768xf32, #tpu.memory_space<vmem>>) offsets(%dma_start3A_1019 : memref<80xi32, #tpu.memory_space<vmem>>) semaphore(%arg23 : memref<!tpu.dma_semaphore, #tpu.memory_space<semaphore_mem>>)
    %dma_wait3A_1023 = arith.constant 0 : i32
    %dma_wait3A_1024 = arith.constant 0 : i32
    %dma_wait3A_1025 = tpu.memref_slice %arg16[%dma_wait3A_1023, %dma_wait3A_1024] : memref<2x80xi32, #tpu.memory_space<vmem>> -> memref<1x80xi32, #tpu.memory_space<vmem>>
    %dma_wait3A_1026 = tpu.memref_squeeze %dma_wait3A_1025 : memref<1x80xi32, #tpu.memory_space<vmem>> -> memref<80xi32, #tpu.memory_space<vmem>>
    %dma_wait3A_1027 = arith.constant 0 : i32
    %dma_wait3A_1028 = arith.constant 0 : i32
    %dma_wait3A_1029 = tpu.memref_slice %arg5[%dma_wait3A_1027, %dma_wait3A_1028] : memref<4616x768xf32, #tpu.memory_space<hbm>> -> memref<4616x768xf32, #tpu.memory_space<hbm>>
    tpu.wait_indirect_dma semaphore(%arg23 : memref<!tpu.dma_semaphore, #tpu.memory_space<semaphore_mem>>) src(%dma_wait3A_1029 : memref<4616x768xf32, #tpu.memory_space<hbm>>) dst(%arg21 : memref<80x768xf32, #tpu.memory_space<vmem>>)
    %add3A_1030 = arith.constant 0 : i32
    %add3A_1031 = arith.addi %mul3A_2, %add3A_1030 : i32
    %dma_start3A_1032 = arith.constant 0 : i32
    %dma_start3A_1033 = tpu.memref_slice %arg13[%add3A_1031, %dma_start3A_1032] : memref<5120x768xf32, #tpu.memory_space<hbm>> -> memref<80x768xf32, #tpu.memory_space<hbm>>
    %dma_start3A_1034 = arith.constant 0 : i32
    %dma_start3A_1035 = tpu.memref_slice %arg13[%add3A_1031, %dma_start3A_1034] : memref<5120x768xf32, #tpu.memory_space<hbm>> -> memref<80x768xf32, #tpu.memory_space<hbm>>
    tpu.enqueue_dma source(%arg21 : memref<80x768xf32, #tpu.memory_space<vmem>>) target(%dma_start3A_1035 : memref<80x768xf32, #tpu.memory_space<hbm>>) target_semaphore(%arg25 : memref<!tpu.dma_semaphore, #tpu.memory_space<semaphore_mem>>)
    %dma_wait3A_1036 = arith.constant 0 : i32
    %dma_wait3A_1037 = tpu.memref_slice %arg12[%add3A_1007, %dma_wait3A_1036] : memref<5120x768xf32, #tpu.memory_space<hbm>> -> memref<80x768xf32, #tpu.memory_space<hbm>>
    %dma_wait3A_1038 = arith.constant 0 : i32
    %dma_wait3A_1039 = tpu.memref_slice %arg12[%add3A_1007, %dma_wait3A_1038] : memref<5120x768xf32, #tpu.memory_space<hbm>> -> memref<80x768xf32, #tpu.memory_space<hbm>>
    tpu.wait_dma2 semaphore(%arg26 : memref<!tpu.dma_semaphore, #tpu.memory_space<semaphore_mem>>) src(%arg22 : memref<80x768xf32, #tpu.memory_space<vmem>>) dst(%dma_wait3A_1039 : memref<80x768xf32, #tpu.memory_space<hbm>>)
    %dma_start3A_1040 = arith.constant 1 : i32
    %dma_start3A_1041 = arith.constant 0 : i32
    %dma_start3A_1042 = tpu.memref_slice %arg16[%dma_start3A_1040, %dma_start3A_1041] : memref<2x80xi32, #tpu.memory_space<vmem>> -> memref<1x80xi32, #tpu.memory_space<vmem>>
    %dma_start3A_1043 = tpu.memref_squeeze %dma_start3A_1042 : memref<1x80xi32, #tpu.memory_space<vmem>> -> memref<80xi32, #tpu.memory_space<vmem>>
    %dma_start3A_1044 = arith.constant 0 : i32
    %dma_start3A_1045 = arith.constant 0 : i32
    %dma_start3A_1046 = tpu.memref_slice %arg5[%dma_start3A_1044, %dma_start3A_1045] : memref<4616x768xf32, #tpu.memory_space<hbm>> -> memref<4616x768xf32, #tpu.memory_space<hbm>>
    tpu.enqueue_indirect_dma source(%dma_start3A_1046 : memref<4616x768xf32, #tpu.memory_space<hbm>>) target(%arg22 : memref<80x768xf32, #tpu.memory_space<vmem>>) offsets(%dma_start3A_1043 : memref<80xi32, #tpu.memory_space<vmem>>) semaphore(%arg24 : memref<!tpu.dma_semaphore, #tpu.memory_space<semaphore_mem>>)
    %dma_wait3A_1047 = arith.constant 1 : i32
    %dma_wait3A_1048 = arith.constant 0 : i32
    %dma_wait3A_1049 = tpu.memref_slice %arg16[%dma_wait3A_1047, %dma_wait3A_1048] : memref<2x80xi32, #tpu.memory_space<vmem>> -> memref<1x80xi32, #tpu.memory_space<vmem>>
    %dma_wait3A_1050 = tpu.memref_squeeze %dma_wait3A_1049 : memref<1x80xi32, #tpu.memory_space<vmem>> -> memref<80xi32, #tpu.memory_space<vmem>>
    %dma_wait3A_1051 = arith.constant 0 : i32
    %dma_wait3A_1052 = arith.constant 0 : i32
    %dma_wait3A_1053 = tpu.memref_slice %arg5[%dma_wait3A_1051, %dma_wait3A_1052] : memref<4616x768xf32, #tpu.memory_space<hbm>> -> memref<4616x768xf32, #tpu.memory_space<hbm>>
    tpu.wait_indirect_dma semaphore(%arg24 : memref<!tpu.dma_semaphore, #tpu.memory_space<semaphore_mem>>) src(%dma_wait3A_1053 : memref<4616x768xf32, #tpu.memory_space<hbm>>) dst(%arg22 : memref<80x768xf32, #tpu.memory_space<vmem>>)
    %add3A_1054 = arith.constant 80 : i32
    %add3A_1055 = arith.addi %mul3A_2, %add3A_1054 : i32
    %dma_start3A_1056 = arith.constant 0 : i32
    %dma_start3A_1057 = tpu.memref_slice %arg13[%add3A_1055, %dma_start3A_1056] : memref<5120x768xf32, #tpu.memory_space<hbm>> -> memref<80x768xf32, #tpu.memory_space<hbm>>
    %dma_start3A_1058 = arith.constant 0 : i32
    %dma_start3A_1059 = tpu.memref_slice %arg13[%add3A_1055, %dma_start3A_1058] : memref<5120x768xf32, #tpu.memory_space<hbm>> -> memref<80x768xf32, #tpu.memory_space<hbm>>
    tpu.enqueue_dma source(%arg22 : memref<80x768xf32, #tpu.memory_space<vmem>>) target(%dma_start3A_1059 : memref<80x768xf32, #tpu.memory_space<hbm>>) target_semaphore(%arg26 : memref<!tpu.dma_semaphore, #tpu.memory_space<semaphore_mem>>)
    %dma_wait3A_1060 = arith.constant 0 : i32
    %dma_wait3A_1061 = tpu.memref_slice %arg13[%add3A_1031, %dma_wait3A_1060] : memref<5120x768xf32, #tpu.memory_space<hbm>> -> memref<80x768xf32, #tpu.memory_space<hbm>>
    %dma_wait3A_1062 = arith.constant 0 : i32
    %dma_wait3A_1063 = tpu.memref_slice %arg13[%add3A_1031, %dma_wait3A_1062] : memref<5120x768xf32, #tpu.memory_space<hbm>> -> memref<80x768xf32, #tpu.memory_space<hbm>>
    tpu.wait_dma2 semaphore(%arg25 : memref<!tpu.dma_semaphore, #tpu.memory_space<semaphore_mem>>) src(%arg21 : memref<80x768xf32, #tpu.memory_space<vmem>>) dst(%dma_wait3A_1063 : memref<80x768xf32, #tpu.memory_space<hbm>>)
    %dma_start3A_1064 = arith.constant 0 : i32
    %dma_start3A_1065 = arith.constant 0 : i32
    %dma_start3A_1066 = tpu.memref_slice %arg16[%dma_start3A_1064, %dma_start3A_1065] : memref<2x80xi32, #tpu.memory_space<vmem>> -> memref<1x80xi32, #tpu.memory_space<vmem>>
    %dma_start3A_1067 = tpu.memref_squeeze %dma_start3A_1066 : memref<1x80xi32, #tpu.memory_space<vmem>> -> memref<80xi32, #tpu.memory_space<vmem>>
    %dma_start3A_1068 = arith.constant 0 : i32
    %dma_start3A_1069 = arith.constant 0 : i32
    %dma_start3A_1070 = tpu.memref_slice %arg6[%dma_start3A_1068, %dma_start3A_1069] : memref<4616x768xf32, #tpu.memory_space<hbm>> -> memref<4616x768xf32, #tpu.memory_space<hbm>>
    tpu.enqueue_indirect_dma source(%dma_start3A_1070 : memref<4616x768xf32, #tpu.memory_space<hbm>>) target(%arg21 : memref<80x768xf32, #tpu.memory_space<vmem>>) offsets(%dma_start3A_1067 : memref<80xi32, #tpu.memory_space<vmem>>) semaphore(%arg23 : memref<!tpu.dma_semaphore, #tpu.memory_space<semaphore_mem>>)
    %dma_wait3A_1071 = arith.constant 0 : i32
    %dma_wait3A_1072 = arith.constant 0 : i32
    %dma_wait3A_1073 = tpu.memref_slice %arg16[%dma_wait3A_1071, %dma_wait3A_1072] : memref<2x80xi32, #tpu.memory_space<vmem>> -> memref<1x80xi32, #tpu.memory_space<vmem>>
    %dma_wait3A_1074 = tpu.memref_squeeze %dma_wait3A_1073 : memref<1x80xi32, #tpu.memory_space<vmem>> -> memref<80xi32, #tpu.memory_space<vmem>>
    %dma_wait3A_1075 = arith.constant 0 : i32
    %dma_wait3A_1076 = arith.constant 0 : i32
    %dma_wait3A_1077 = tpu.memref_slice %arg6[%dma_wait3A_1075, %dma_wait3A_1076] : memref<4616x768xf32, #tpu.memory_space<hbm>> -> memref<4616x768xf32, #tpu.memory_space<hbm>>
    tpu.wait_indirect_dma semaphore(%arg23 : memref<!tpu.dma_semaphore, #tpu.memory_space<semaphore_mem>>) src(%dma_wait3A_1077 : memref<4616x768xf32, #tpu.memory_space<hbm>>) dst(%arg21 : memref<80x768xf32, #tpu.memory_space<vmem>>)
    %add3A_1078 = arith.constant 0 : i32
    %add3A_1079 = arith.addi %mul3A_2, %add3A_1078 : i32
    %dma_start3A_1080 = arith.constant 0 : i32
    %dma_start3A_1081 = tpu.memref_slice %arg14[%add3A_1079, %dma_start3A_1080] : memref<5120x768xf32, #tpu.memory_space<hbm>> -> memref<80x768xf32, #tpu.memory_space<hbm>>
    %dma_start3A_1082 = arith.constant 0 : i32
    %dma_start3A_1083 = tpu.memref_slice %arg14[%add3A_1079, %dma_start3A_1082] : memref<5120x768xf32, #tpu.memory_space<hbm>> -> memref<80x768xf32, #tpu.memory_space<hbm>>
    tpu.enqueue_dma source(%arg21 : memref<80x768xf32, #tpu.memory_space<vmem>>) target(%dma_start3A_1083 : memref<80x768xf32, #tpu.memory_space<hbm>>) target_semaphore(%arg25 : memref<!tpu.dma_semaphore, #tpu.memory_space<semaphore_mem>>)
    %dma_wait3A_1084 = arith.constant 0 : i32
    %dma_wait3A_1085 = tpu.memref_slice %arg13[%add3A_1055, %dma_wait3A_1084] : memref<5120x768xf32, #tpu.memory_space<hbm>> -> memref<80x768xf32, #tpu.memory_space<hbm>>
    %dma_wait3A_1086 = arith.constant 0 : i32
    %dma_wait3A_1087 = tpu.memref_slice %arg13[%add3A_1055, %dma_wait3A_1086] : memref<5120x768xf32, #tpu.memory_space<hbm>> -> memref<80x768xf32, #tpu.memory_space<hbm>>
    tpu.wait_dma2 semaphore(%arg26 : memref<!tpu.dma_semaphore, #tpu.memory_space<semaphore_mem>>) src(%arg22 : memref<80x768xf32, #tpu.memory_space<vmem>>) dst(%dma_wait3A_1087 : memref<80x768xf32, #tpu.memory_space<hbm>>)
    %dma_start3A_1088 = arith.constant 1 : i32
    %dma_start3A_1089 = arith.constant 0 : i32
    %dma_start3A_1090 = tpu.memref_slice %arg16[%dma_start3A_1088, %dma_start3A_1089] : memref<2x80xi32, #tpu.memory_space<vmem>> -> memref<1x80xi32, #tpu.memory_space<vmem>>
    %dma_start3A_1091 = tpu.memref_squeeze %dma_start3A_1090 : memref<1x80xi32, #tpu.memory_space<vmem>> -> memref<80xi32, #tpu.memory_space<vmem>>
    %dma_start3A_1092 = arith.constant 0 : i32
    %dma_start3A_1093 = arith.constant 0 : i32
    %dma_start3A_1094 = tpu.memref_slice %arg6[%dma_start3A_1092, %dma_start3A_1093] : memref<4616x768xf32, #tpu.memory_space<hbm>> -> memref<4616x768xf32, #tpu.memory_space<hbm>>
    tpu.enqueue_indirect_dma source(%dma_start3A_1094 : memref<4616x768xf32, #tpu.memory_space<hbm>>) target(%arg22 : memref<80x768xf32, #tpu.memory_space<vmem>>) offsets(%dma_start3A_1091 : memref<80xi32, #tpu.memory_space<vmem>>) semaphore(%arg24 : memref<!tpu.dma_semaphore, #tpu.memory_space<semaphore_mem>>)
    %dma_wait3A_1095 = arith.constant 1 : i32
    %dma_wait3A_1096 = arith.constant 0 : i32
    %dma_wait3A_1097 = tpu.memref_slice %arg16[%dma_wait3A_1095, %dma_wait3A_1096] : memref<2x80xi32, #tpu.memory_space<vmem>> -> memref<1x80xi32, #tpu.memory_space<vmem>>
    %dma_wait3A_1098 = tpu.memref_squeeze %dma_wait3A_1097 : memref<1x80xi32, #tpu.memory_space<vmem>> -> memref<80xi32, #tpu.memory_space<vmem>>
    %dma_wait3A_1099 = arith.constant 0 : i32
    %dma_wait3A_1100 = arith.constant 0 : i32
    %dma_wait3A_1101 = tpu.memref_slice %arg6[%dma_wait3A_1099, %dma_wait3A_1100] : memref<4616x768xf32, #tpu.memory_space<hbm>> -> memref<4616x768xf32, #tpu.memory_space<hbm>>
    tpu.wait_indirect_dma semaphore(%arg24 : memref<!tpu.dma_semaphore, #tpu.memory_space<semaphore_mem>>) src(%dma_wait3A_1101 : memref<4616x768xf32, #tpu.memory_space<hbm>>) dst(%arg22 : memref<80x768xf32, #tpu.memory_space<vmem>>)
    %add3A_1102 = arith.constant 80 : i32
    %add3A_1103 = arith.addi %mul3A_2, %add3A_1102 : i32
    %dma_start3A_1104 = arith.constant 0 : i32
    %dma_start3A_1105 = tpu.memref_slice %arg14[%add3A_1103, %dma_start3A_1104] : memref<5120x768xf32, #tpu.memory_space<hbm>> -> memref<80x768xf32, #tpu.memory_space<hbm>>
    %dma_start3A_1106 = arith.constant 0 : i32
    %dma_start3A_1107 = tpu.memref_slice %arg14[%add3A_1103, %dma_start3A_1106] : memref<5120x768xf32, #tpu.memory_space<hbm>> -> memref<80x768xf32, #tpu.memory_space<hbm>>
    tpu.enqueue_dma source(%arg22 : memref<80x768xf32, #tpu.memory_space<vmem>>) target(%dma_start3A_1107 : memref<80x768xf32, #tpu.memory_space<hbm>>) target_semaphore(%arg26 : memref<!tpu.dma_semaphore, #tpu.memory_space<semaphore_mem>>)
    %dma_wait3A_1108 = arith.constant 0 : i32
    %dma_wait3A_1109 = tpu.memref_slice %arg14[%add3A_1079, %dma_wait3A_1108] : memref<5120x768xf32, #tpu.memory_space<hbm>> -> memref<80x768xf32, #tpu.memory_space<hbm>>
    %dma_wait3A_1110 = arith.constant 0 : i32
    %dma_wait3A_1111 = tpu.memref_slice %arg14[%add3A_1079, %dma_wait3A_1110] : memref<5120x768xf32, #tpu.memory_space<hbm>> -> memref<80x768xf32, #tpu.memory_space<hbm>>
    tpu.wait_dma2 semaphore(%arg25 : memref<!tpu.dma_semaphore, #tpu.memory_space<semaphore_mem>>) src(%arg21 : memref<80x768xf32, #tpu.memory_space<vmem>>) dst(%dma_wait3A_1111 : memref<80x768xf32, #tpu.memory_space<hbm>>)
    %dma_wait3A_1112 = arith.constant 0 : i32
    %dma_wait3A_1113 = tpu.memref_slice %arg14[%add3A_1103, %dma_wait3A_1112] : memref<5120x768xf32, #tpu.memory_space<hbm>> -> memref<80x768xf32, #tpu.memory_space<hbm>>
    %dma_wait3A_1114 = arith.constant 0 : i32
    %dma_wait3A_1115 = tpu.memref_slice %arg14[%add3A_1103, %dma_wait3A_1114] : memref<5120x768xf32, #tpu.memory_space<hbm>> -> memref<80x768xf32, #tpu.memory_space<hbm>>
    tpu.wait_dma2 semaphore(%arg26 : memref<!tpu.dma_semaphore, #tpu.memory_space<semaphore_mem>>) src(%arg22 : memref<80x768xf32, #tpu.memory_space<vmem>>) dst(%dma_wait3A_1115 : memref<80x768xf32, #tpu.memory_space<hbm>>)
    %gt3A = arith.constant 0 : i32
    %gt3A_1116 = arith.cmpi sgt, %add3A_853, %gt3A : i32
    %convert_element_type3A_1117 = arith.extui %gt3A_1116 : i1 to i32
    %cond3A = arith.constant 0 : i32
    %cond3A_1118 = arith.cmpi ne, %convert_element_type3A_1117, %cond3A : i32
    scf.if %cond3A_1118 {
      %dma_start3A_1174 = arith.constant 0 : i32
      %dma_start3A_1175 = arith.constant 0 : i32
      %dma_start3A_1176 = tpu.memref_slice %arg21[%dma_start3A_1174, %dma_start3A_1175] : memref<80x768xf32, #tpu.memory_space<vmem>> -> memref<64x768xf32, #tpu.memory_space<vmem>>
      %dma_start3A_1177 = arith.constant 0 : i32
      %dma_start3A_1178 = tpu.memref_slice %arg17[%dma_start3A_1177] : memref<240xi32, #tpu.memory_space<vmem>> -> memref<64xi32, #tpu.memory_space<vmem>>
      %dma_start3A_1179 = arith.constant 0 : i32
      %dma_start3A_1180 = arith.constant 0 : i32
      %dma_start3A_1181 = tpu.memref_slice %arg7[%dma_start3A_1179, %dma_start3A_1180] : memref<2308x768xf32, #tpu.memory_space<hbm>> -> memref<2308x768xf32, #tpu.memory_space<hbm>>
      tpu.enqueue_indirect_dma source(%dma_start3A_1181 : memref<2308x768xf32, #tpu.memory_space<hbm>>) target(%dma_start3A_1176 : memref<64x768xf32, #tpu.memory_space<vmem>>) offsets(%dma_start3A_1178 : memref<64xi32, #tpu.memory_space<vmem>>) semaphore(%arg27 : memref<!tpu.dma_semaphore, #tpu.memory_space<semaphore_mem>>)
      %dma_wait3A_1182 = arith.constant 0 : i32
      %dma_wait3A_1183 = arith.constant 0 : i32
      %dma_wait3A_1184 = tpu.memref_slice %arg21[%dma_wait3A_1182, %dma_wait3A_1183] : memref<80x768xf32, #tpu.memory_space<vmem>> -> memref<64x768xf32, #tpu.memory_space<vmem>>
      %dma_wait3A_1185 = arith.constant 0 : i32
      %dma_wait3A_1186 = tpu.memref_slice %arg17[%dma_wait3A_1185] : memref<240xi32, #tpu.memory_space<vmem>> -> memref<64xi32, #tpu.memory_space<vmem>>
      %dma_wait3A_1187 = arith.constant 0 : i32
      %dma_wait3A_1188 = arith.constant 0 : i32
      %dma_wait3A_1189 = tpu.memref_slice %arg7[%dma_wait3A_1187, %dma_wait3A_1188] : memref<2308x768xf32, #tpu.memory_space<hbm>> -> memref<2308x768xf32, #tpu.memory_space<hbm>>
      tpu.wait_indirect_dma semaphore(%arg27 : memref<!tpu.dma_semaphore, #tpu.memory_space<semaphore_mem>>) src(%dma_wait3A_1189 : memref<2308x768xf32, #tpu.memory_space<hbm>>) dst(%dma_wait3A_1184 : memref<64x768xf32, #tpu.memory_space<vmem>>)
      %dma_start3A_1190 = arith.constant 0 : i32
      %dma_start3A_1191 = arith.constant 0 : i32
      %dma_start3A_1192 = arith.constant 0 : i32
      %dma_start3A_1193 = tpu.memref_slice %arg21[%dma_start3A_1191, %dma_start3A_1192] : memref<80x768xf32, #tpu.memory_space<vmem>> -> memref<64x768xf32, #tpu.memory_space<vmem>>
      %dma_start3A_1194 = arith.constant 0 : i32
      %dma_start3A_1195 = tpu.memref_slice %arg19[%dma_start3A_1190, %dma_start3A_1194] : memref<3x64xi32, #tpu.memory_space<vmem>> -> memref<1x64xi32, #tpu.memory_space<vmem>>
      %dma_start3A_1196 = tpu.memref_squeeze %dma_start3A_1195 : memref<1x64xi32, #tpu.memory_space<vmem>> -> memref<64xi32, #tpu.memory_space<vmem>>
      %dma_start3A_1197 = arith.constant 0 : i32
      %dma_start3A_1198 = arith.constant 0 : i32
      %dma_start3A_1199 = tpu.memref_slice %arg11[%dma_start3A_1197, %dma_start3A_1198] : memref<5120x768xf32, #tpu.memory_space<hbm>> -> memref<5120x768xf32, #tpu.memory_space<hbm>>
      tpu.enqueue_indirect_dma source(%dma_start3A_1193 : memref<64x768xf32, #tpu.memory_space<vmem>>) target(%dma_start3A_1199 : memref<5120x768xf32, #tpu.memory_space<hbm>>) offsets(%dma_start3A_1196 : memref<64xi32, #tpu.memory_space<vmem>>) semaphore(%arg27 : memref<!tpu.dma_semaphore, #tpu.memory_space<semaphore_mem>>)
      %dma_wait3A_1200 = arith.constant 0 : i32
      %dma_wait3A_1201 = arith.constant 0 : i32
      %dma_wait3A_1202 = arith.constant 0 : i32
      %dma_wait3A_1203 = tpu.memref_slice %arg21[%dma_wait3A_1201, %dma_wait3A_1202] : memref<80x768xf32, #tpu.memory_space<vmem>> -> memref<64x768xf32, #tpu.memory_space<vmem>>
      %dma_wait3A_1204 = arith.constant 0 : i32
      %dma_wait3A_1205 = tpu.memref_slice %arg19[%dma_wait3A_1200, %dma_wait3A_1204] : memref<3x64xi32, #tpu.memory_space<vmem>> -> memref<1x64xi32, #tpu.memory_space<vmem>>
      %dma_wait3A_1206 = tpu.memref_squeeze %dma_wait3A_1205 : memref<1x64xi32, #tpu.memory_space<vmem>> -> memref<64xi32, #tpu.memory_space<vmem>>
      %dma_wait3A_1207 = arith.constant 0 : i32
      %dma_wait3A_1208 = arith.constant 0 : i32
      %dma_wait3A_1209 = tpu.memref_slice %arg11[%dma_wait3A_1207, %dma_wait3A_1208] : memref<5120x768xf32, #tpu.memory_space<hbm>> -> memref<5120x768xf32, #tpu.memory_space<hbm>>
      tpu.wait_indirect_dma semaphore(%arg27 : memref<!tpu.dma_semaphore, #tpu.memory_space<semaphore_mem>>) src(%dma_wait3A_1203 : memref<64x768xf32, #tpu.memory_space<vmem>>) dst(%dma_wait3A_1209 : memref<5120x768xf32, #tpu.memory_space<hbm>>)
    } else {
    }
    %gt3A_1119 = arith.constant 64 : i32
    %gt3A_1120 = arith.cmpi sgt, %add3A_853, %gt3A_1119 : i32
    %convert_element_type3A_1121 = arith.extui %gt3A_1120 : i1 to i32
    %cond3A_1122 = arith.constant 0 : i32
    %cond3A_1123 = arith.cmpi ne, %convert_element_type3A_1121, %cond3A_1122 : i32
    scf.if %cond3A_1123 {
      %dma_start3A_1174 = arith.constant 0 : i32
      %dma_start3A_1175 = arith.constant 0 : i32
      %dma_start3A_1176 = tpu.memref_slice %arg21[%dma_start3A_1174, %dma_start3A_1175] : memref<80x768xf32, #tpu.memory_space<vmem>> -> memref<64x768xf32, #tpu.memory_space<vmem>>
      %dma_start3A_1177 = arith.constant 64 : i32
      %dma_start3A_1178 = tpu.memref_slice %arg17[%dma_start3A_1177] : memref<240xi32, #tpu.memory_space<vmem>> -> memref<64xi32, #tpu.memory_space<vmem>>
      %dma_start3A_1179 = arith.constant 0 : i32
      %dma_start3A_1180 = arith.constant 0 : i32
      %dma_start3A_1181 = tpu.memref_slice %arg7[%dma_start3A_1179, %dma_start3A_1180] : memref<2308x768xf32, #tpu.memory_space<hbm>> -> memref<2308x768xf32, #tpu.memory_space<hbm>>
      tpu.enqueue_indirect_dma source(%dma_start3A_1181 : memref<2308x768xf32, #tpu.memory_space<hbm>>) target(%dma_start3A_1176 : memref<64x768xf32, #tpu.memory_space<vmem>>) offsets(%dma_start3A_1178 : memref<64xi32, #tpu.memory_space<vmem>>) semaphore(%arg27 : memref<!tpu.dma_semaphore, #tpu.memory_space<semaphore_mem>>)
      %dma_wait3A_1182 = arith.constant 0 : i32
      %dma_wait3A_1183 = arith.constant 0 : i32
      %dma_wait3A_1184 = tpu.memref_slice %arg21[%dma_wait3A_1182, %dma_wait3A_1183] : memref<80x768xf32, #tpu.memory_space<vmem>> -> memref<64x768xf32, #tpu.memory_space<vmem>>
      %dma_wait3A_1185 = arith.constant 64 : i32
      %dma_wait3A_1186 = tpu.memref_slice %arg17[%dma_wait3A_1185] : memref<240xi32, #tpu.memory_space<vmem>> -> memref<64xi32, #tpu.memory_space<vmem>>
      %dma_wait3A_1187 = arith.constant 0 : i32
      %dma_wait3A_1188 = arith.constant 0 : i32
      %dma_wait3A_1189 = tpu.memref_slice %arg7[%dma_wait3A_1187, %dma_wait3A_1188] : memref<2308x768xf32, #tpu.memory_space<hbm>> -> memref<2308x768xf32, #tpu.memory_space<hbm>>
      tpu.wait_indirect_dma semaphore(%arg27 : memref<!tpu.dma_semaphore, #tpu.memory_space<semaphore_mem>>) src(%dma_wait3A_1189 : memref<2308x768xf32, #tpu.memory_space<hbm>>) dst(%dma_wait3A_1184 : memref<64x768xf32, #tpu.memory_space<vmem>>)
      %dma_start3A_1190 = arith.constant 1 : i32
      %dma_start3A_1191 = arith.constant 0 : i32
      %dma_start3A_1192 = arith.constant 0 : i32
      %dma_start3A_1193 = tpu.memref_slice %arg21[%dma_start3A_1191, %dma_start3A_1192] : memref<80x768xf32, #tpu.memory_space<vmem>> -> memref<64x768xf32, #tpu.memory_space<vmem>>
      %dma_start3A_1194 = arith.constant 0 : i32
      %dma_start3A_1195 = tpu.memref_slice %arg19[%dma_start3A_1190, %dma_start3A_1194] : memref<3x64xi32, #tpu.memory_space<vmem>> -> memref<1x64xi32, #tpu.memory_space<vmem>>
      %dma_start3A_1196 = tpu.memref_squeeze %dma_start3A_1195 : memref<1x64xi32, #tpu.memory_space<vmem>> -> memref<64xi32, #tpu.memory_space<vmem>>
      %dma_start3A_1197 = arith.constant 0 : i32
      %dma_start3A_1198 = arith.constant 0 : i32
      %dma_start3A_1199 = tpu.memref_slice %arg11[%dma_start3A_1197, %dma_start3A_1198] : memref<5120x768xf32, #tpu.memory_space<hbm>> -> memref<5120x768xf32, #tpu.memory_space<hbm>>
      tpu.enqueue_indirect_dma source(%dma_start3A_1193 : memref<64x768xf32, #tpu.memory_space<vmem>>) target(%dma_start3A_1199 : memref<5120x768xf32, #tpu.memory_space<hbm>>) offsets(%dma_start3A_1196 : memref<64xi32, #tpu.memory_space<vmem>>) semaphore(%arg27 : memref<!tpu.dma_semaphore, #tpu.memory_space<semaphore_mem>>)
      %dma_wait3A_1200 = arith.constant 1 : i32
      %dma_wait3A_1201 = arith.constant 0 : i32
      %dma_wait3A_1202 = arith.constant 0 : i32
      %dma_wait3A_1203 = tpu.memref_slice %arg21[%dma_wait3A_1201, %dma_wait3A_1202] : memref<80x768xf32, #tpu.memory_space<vmem>> -> memref<64x768xf32, #tpu.memory_space<vmem>>
      %dma_wait3A_1204 = arith.constant 0 : i32
      %dma_wait3A_1205 = tpu.memref_slice %arg19[%dma_wait3A_1200, %dma_wait3A_1204] : memref<3x64xi32, #tpu.memory_space<vmem>> -> memref<1x64xi32, #tpu.memory_space<vmem>>
      %dma_wait3A_1206 = tpu.memref_squeeze %dma_wait3A_1205 : memref<1x64xi32, #tpu.memory_space<vmem>> -> memref<64xi32, #tpu.memory_space<vmem>>
      %dma_wait3A_1207 = arith.constant 0 : i32
      %dma_wait3A_1208 = arith.constant 0 : i32
      %dma_wait3A_1209 = tpu.memref_slice %arg11[%dma_wait3A_1207, %dma_wait3A_1208] : memref<5120x768xf32, #tpu.memory_space<hbm>> -> memref<5120x768xf32, #tpu.memory_space<hbm>>
      tpu.wait_indirect_dma semaphore(%arg27 : memref<!tpu.dma_semaphore, #tpu.memory_space<semaphore_mem>>) src(%dma_wait3A_1203 : memref<64x768xf32, #tpu.memory_space<vmem>>) dst(%dma_wait3A_1209 : memref<5120x768xf32, #tpu.memory_space<hbm>>)
    } else {
    }
    %gt3A_1124 = arith.constant 128 : i32
    %gt3A_1125 = arith.cmpi sgt, %add3A_853, %gt3A_1124 : i32
    %convert_element_type3A_1126 = arith.extui %gt3A_1125 : i1 to i32
    %cond3A_1127 = arith.constant 0 : i32
    %cond3A_1128 = arith.cmpi ne, %convert_element_type3A_1126, %cond3A_1127 : i32
    scf.if %cond3A_1128 {
      %dma_start3A_1174 = arith.constant 0 : i32
      %dma_start3A_1175 = arith.constant 0 : i32
      %dma_start3A_1176 = tpu.memref_slice %arg21[%dma_start3A_1174, %dma_start3A_1175] : memref<80x768xf32, #tpu.memory_space<vmem>> -> memref<64x768xf32, #tpu.memory_space<vmem>>
      %dma_start3A_1177 = arith.constant 128 : i32
      %dma_start3A_1178 = tpu.memref_slice %arg17[%dma_start3A_1177] : memref<240xi32, #tpu.memory_space<vmem>> -> memref<64xi32, #tpu.memory_space<vmem>>
      %dma_start3A_1179 = arith.constant 0 : i32
      %dma_start3A_1180 = arith.constant 0 : i32
      %dma_start3A_1181 = tpu.memref_slice %arg7[%dma_start3A_1179, %dma_start3A_1180] : memref<2308x768xf32, #tpu.memory_space<hbm>> -> memref<2308x768xf32, #tpu.memory_space<hbm>>
      tpu.enqueue_indirect_dma source(%dma_start3A_1181 : memref<2308x768xf32, #tpu.memory_space<hbm>>) target(%dma_start3A_1176 : memref<64x768xf32, #tpu.memory_space<vmem>>) offsets(%dma_start3A_1178 : memref<64xi32, #tpu.memory_space<vmem>>) semaphore(%arg27 : memref<!tpu.dma_semaphore, #tpu.memory_space<semaphore_mem>>)
      %dma_wait3A_1182 = arith.constant 0 : i32
      %dma_wait3A_1183 = arith.constant 0 : i32
      %dma_wait3A_1184 = tpu.memref_slice %arg21[%dma_wait3A_1182, %dma_wait3A_1183] : memref<80x768xf32, #tpu.memory_space<vmem>> -> memref<64x768xf32, #tpu.memory_space<vmem>>
      %dma_wait3A_1185 = arith.constant 128 : i32
      %dma_wait3A_1186 = tpu.memref_slice %arg17[%dma_wait3A_1185] : memref<240xi32, #tpu.memory_space<vmem>> -> memref<64xi32, #tpu.memory_space<vmem>>
      %dma_wait3A_1187 = arith.constant 0 : i32
      %dma_wait3A_1188 = arith.constant 0 : i32
      %dma_wait3A_1189 = tpu.memref_slice %arg7[%dma_wait3A_1187, %dma_wait3A_1188] : memref<2308x768xf32, #tpu.memory_space<hbm>> -> memref<2308x768xf32, #tpu.memory_space<hbm>>
      tpu.wait_indirect_dma semaphore(%arg27 : memref<!tpu.dma_semaphore, #tpu.memory_space<semaphore_mem>>) src(%dma_wait3A_1189 : memref<2308x768xf32, #tpu.memory_space<hbm>>) dst(%dma_wait3A_1184 : memref<64x768xf32, #tpu.memory_space<vmem>>)
      %dma_start3A_1190 = arith.constant 2 : i32
      %dma_start3A_1191 = arith.constant 0 : i32
      %dma_start3A_1192 = arith.constant 0 : i32
      %dma_start3A_1193 = tpu.memref_slice %arg21[%dma_start3A_1191, %dma_start3A_1192] : memref<80x768xf32, #tpu.memory_space<vmem>> -> memref<64x768xf32, #tpu.memory_space<vmem>>
      %dma_start3A_1194 = arith.constant 0 : i32
      %dma_start3A_1195 = tpu.memref_slice %arg19[%dma_start3A_1190, %dma_start3A_1194] : memref<3x64xi32, #tpu.memory_space<vmem>> -> memref<1x64xi32, #tpu.memory_space<vmem>>
      %dma_start3A_1196 = tpu.memref_squeeze %dma_start3A_1195 : memref<1x64xi32, #tpu.memory_space<vmem>> -> memref<64xi32, #tpu.memory_space<vmem>>
      %dma_start3A_1197 = arith.constant 0 : i32
      %dma_start3A_1198 = arith.constant 0 : i32
      %dma_start3A_1199 = tpu.memref_slice %arg11[%dma_start3A_1197, %dma_start3A_1198] : memref<5120x768xf32, #tpu.memory_space<hbm>> -> memref<5120x768xf32, #tpu.memory_space<hbm>>
      tpu.enqueue_indirect_dma source(%dma_start3A_1193 : memref<64x768xf32, #tpu.memory_space<vmem>>) target(%dma_start3A_1199 : memref<5120x768xf32, #tpu.memory_space<hbm>>) offsets(%dma_start3A_1196 : memref<64xi32, #tpu.memory_space<vmem>>) semaphore(%arg27 : memref<!tpu.dma_semaphore, #tpu.memory_space<semaphore_mem>>)
      %dma_wait3A_1200 = arith.constant 2 : i32
      %dma_wait3A_1201 = arith.constant 0 : i32
      %dma_wait3A_1202 = arith.constant 0 : i32
      %dma_wait3A_1203 = tpu.memref_slice %arg21[%dma_wait3A_1201, %dma_wait3A_1202] : memref<80x768xf32, #tpu.memory_space<vmem>> -> memref<64x768xf32, #tpu.memory_space<vmem>>
      %dma_wait3A_1204 = arith.constant 0 : i32
      %dma_wait3A_1205 = tpu.memref_slice %arg19[%dma_wait3A_1200, %dma_wait3A_1204] : memref<3x64xi32, #tpu.memory_space<vmem>> -> memref<1x64xi32, #tpu.memory_space<vmem>>
      %dma_wait3A_1206 = tpu.memref_squeeze %dma_wait3A_1205 : memref<1x64xi32, #tpu.memory_space<vmem>> -> memref<64xi32, #tpu.memory_space<vmem>>
      %dma_wait3A_1207 = arith.constant 0 : i32
      %dma_wait3A_1208 = arith.constant 0 : i32
      %dma_wait3A_1209 = tpu.memref_slice %arg11[%dma_wait3A_1207, %dma_wait3A_1208] : memref<5120x768xf32, #tpu.memory_space<hbm>> -> memref<5120x768xf32, #tpu.memory_space<hbm>>
      tpu.wait_indirect_dma semaphore(%arg27 : memref<!tpu.dma_semaphore, #tpu.memory_space<semaphore_mem>>) src(%dma_wait3A_1203 : memref<64x768xf32, #tpu.memory_space<vmem>>) dst(%dma_wait3A_1209 : memref<5120x768xf32, #tpu.memory_space<hbm>>)
    } else {
    }
    %gt3A_1129 = arith.constant 0 : i32
    %gt3A_1130 = arith.cmpi sgt, %add3A_853, %gt3A_1129 : i32
    %convert_element_type3A_1131 = arith.extui %gt3A_1130 : i1 to i32
    %cond3A_1132 = arith.constant 0 : i32
    %cond3A_1133 = arith.cmpi ne, %convert_element_type3A_1131, %cond3A_1132 : i32
    scf.if %cond3A_1133 {
      %dma_start3A_1174 = arith.constant 0 : i32
      %dma_start3A_1175 = arith.constant 0 : i32
      %dma_start3A_1176 = tpu.memref_slice %arg21[%dma_start3A_1174, %dma_start3A_1175] : memref<80x768xf32, #tpu.memory_space<vmem>> -> memref<64x768xf32, #tpu.memory_space<vmem>>
      %dma_start3A_1177 = arith.constant 0 : i32
      %dma_start3A_1178 = tpu.memref_slice %arg17[%dma_start3A_1177] : memref<240xi32, #tpu.memory_space<vmem>> -> memref<64xi32, #tpu.memory_space<vmem>>
      %dma_start3A_1179 = arith.constant 0 : i32
      %dma_start3A_1180 = arith.constant 0 : i32
      %dma_start3A_1181 = tpu.memref_slice %arg8[%dma_start3A_1179, %dma_start3A_1180] : memref<2308x768xf32, #tpu.memory_space<hbm>> -> memref<2308x768xf32, #tpu.memory_space<hbm>>
      tpu.enqueue_indirect_dma source(%dma_start3A_1181 : memref<2308x768xf32, #tpu.memory_space<hbm>>) target(%dma_start3A_1176 : memref<64x768xf32, #tpu.memory_space<vmem>>) offsets(%dma_start3A_1178 : memref<64xi32, #tpu.memory_space<vmem>>) semaphore(%arg27 : memref<!tpu.dma_semaphore, #tpu.memory_space<semaphore_mem>>)
      %dma_wait3A_1182 = arith.constant 0 : i32
      %dma_wait3A_1183 = arith.constant 0 : i32
      %dma_wait3A_1184 = tpu.memref_slice %arg21[%dma_wait3A_1182, %dma_wait3A_1183] : memref<80x768xf32, #tpu.memory_space<vmem>> -> memref<64x768xf32, #tpu.memory_space<vmem>>
      %dma_wait3A_1185 = arith.constant 0 : i32
      %dma_wait3A_1186 = tpu.memref_slice %arg17[%dma_wait3A_1185] : memref<240xi32, #tpu.memory_space<vmem>> -> memref<64xi32, #tpu.memory_space<vmem>>
      %dma_wait3A_1187 = arith.constant 0 : i32
      %dma_wait3A_1188 = arith.constant 0 : i32
      %dma_wait3A_1189 = tpu.memref_slice %arg8[%dma_wait3A_1187, %dma_wait3A_1188] : memref<2308x768xf32, #tpu.memory_space<hbm>> -> memref<2308x768xf32, #tpu.memory_space<hbm>>
      tpu.wait_indirect_dma semaphore(%arg27 : memref<!tpu.dma_semaphore, #tpu.memory_space<semaphore_mem>>) src(%dma_wait3A_1189 : memref<2308x768xf32, #tpu.memory_space<hbm>>) dst(%dma_wait3A_1184 : memref<64x768xf32, #tpu.memory_space<vmem>>)
      %dma_start3A_1190 = arith.constant 0 : i32
      %dma_start3A_1191 = arith.constant 0 : i32
      %dma_start3A_1192 = arith.constant 0 : i32
      %dma_start3A_1193 = tpu.memref_slice %arg21[%dma_start3A_1191, %dma_start3A_1192] : memref<80x768xf32, #tpu.memory_space<vmem>> -> memref<64x768xf32, #tpu.memory_space<vmem>>
      %dma_start3A_1194 = arith.constant 0 : i32
      %dma_start3A_1195 = tpu.memref_slice %arg19[%dma_start3A_1190, %dma_start3A_1194] : memref<3x64xi32, #tpu.memory_space<vmem>> -> memref<1x64xi32, #tpu.memory_space<vmem>>
      %dma_start3A_1196 = tpu.memref_squeeze %dma_start3A_1195 : memref<1x64xi32, #tpu.memory_space<vmem>> -> memref<64xi32, #tpu.memory_space<vmem>>
      %dma_start3A_1197 = arith.constant 0 : i32
      %dma_start3A_1198 = arith.constant 0 : i32
      %dma_start3A_1199 = tpu.memref_slice %arg12[%dma_start3A_1197, %dma_start3A_1198] : memref<5120x768xf32, #tpu.memory_space<hbm>> -> memref<5120x768xf32, #tpu.memory_space<hbm>>
      tpu.enqueue_indirect_dma source(%dma_start3A_1193 : memref<64x768xf32, #tpu.memory_space<vmem>>) target(%dma_start3A_1199 : memref<5120x768xf32, #tpu.memory_space<hbm>>) offsets(%dma_start3A_1196 : memref<64xi32, #tpu.memory_space<vmem>>) semaphore(%arg27 : memref<!tpu.dma_semaphore, #tpu.memory_space<semaphore_mem>>)
      %dma_wait3A_1200 = arith.constant 0 : i32
      %dma_wait3A_1201 = arith.constant 0 : i32
      %dma_wait3A_1202 = arith.constant 0 : i32
      %dma_wait3A_1203 = tpu.memref_slice %arg21[%dma_wait3A_1201, %dma_wait3A_1202] : memref<80x768xf32, #tpu.memory_space<vmem>> -> memref<64x768xf32, #tpu.memory_space<vmem>>
      %dma_wait3A_1204 = arith.constant 0 : i32
      %dma_wait3A_1205 = tpu.memref_slice %arg19[%dma_wait3A_1200, %dma_wait3A_1204] : memref<3x64xi32, #tpu.memory_space<vmem>> -> memref<1x64xi32, #tpu.memory_space<vmem>>
      %dma_wait3A_1206 = tpu.memref_squeeze %dma_wait3A_1205 : memref<1x64xi32, #tpu.memory_space<vmem>> -> memref<64xi32, #tpu.memory_space<vmem>>
      %dma_wait3A_1207 = arith.constant 0 : i32
      %dma_wait3A_1208 = arith.constant 0 : i32
      %dma_wait3A_1209 = tpu.memref_slice %arg12[%dma_wait3A_1207, %dma_wait3A_1208] : memref<5120x768xf32, #tpu.memory_space<hbm>> -> memref<5120x768xf32, #tpu.memory_space<hbm>>
      tpu.wait_indirect_dma semaphore(%arg27 : memref<!tpu.dma_semaphore, #tpu.memory_space<semaphore_mem>>) src(%dma_wait3A_1203 : memref<64x768xf32, #tpu.memory_space<vmem>>) dst(%dma_wait3A_1209 : memref<5120x768xf32, #tpu.memory_space<hbm>>)
    } else {
    }
    %gt3A_1134 = arith.constant 64 : i32
    %gt3A_1135 = arith.cmpi sgt, %add3A_853, %gt3A_1134 : i32
    %convert_element_type3A_1136 = arith.extui %gt3A_1135 : i1 to i32
    %cond3A_1137 = arith.constant 0 : i32
    %cond3A_1138 = arith.cmpi ne, %convert_element_type3A_1136, %cond3A_1137 : i32
    scf.if %cond3A_1138 {
      %dma_start3A_1174 = arith.constant 0 : i32
      %dma_start3A_1175 = arith.constant 0 : i32
      %dma_start3A_1176 = tpu.memref_slice %arg21[%dma_start3A_1174, %dma_start3A_1175] : memref<80x768xf32, #tpu.memory_space<vmem>> -> memref<64x768xf32, #tpu.memory_space<vmem>>
      %dma_start3A_1177 = arith.constant 64 : i32
      %dma_start3A_1178 = tpu.memref_slice %arg17[%dma_start3A_1177] : memref<240xi32, #tpu.memory_space<vmem>> -> memref<64xi32, #tpu.memory_space<vmem>>
      %dma_start3A_1179 = arith.constant 0 : i32
      %dma_start3A_1180 = arith.constant 0 : i32
      %dma_start3A_1181 = tpu.memref_slice %arg8[%dma_start3A_1179, %dma_start3A_1180] : memref<2308x768xf32, #tpu.memory_space<hbm>> -> memref<2308x768xf32, #tpu.memory_space<hbm>>
      tpu.enqueue_indirect_dma source(%dma_start3A_1181 : memref<2308x768xf32, #tpu.memory_space<hbm>>) target(%dma_start3A_1176 : memref<64x768xf32, #tpu.memory_space<vmem>>) offsets(%dma_start3A_1178 : memref<64xi32, #tpu.memory_space<vmem>>) semaphore(%arg27 : memref<!tpu.dma_semaphore, #tpu.memory_space<semaphore_mem>>)
      %dma_wait3A_1182 = arith.constant 0 : i32
      %dma_wait3A_1183 = arith.constant 0 : i32
      %dma_wait3A_1184 = tpu.memref_slice %arg21[%dma_wait3A_1182, %dma_wait3A_1183] : memref<80x768xf32, #tpu.memory_space<vmem>> -> memref<64x768xf32, #tpu.memory_space<vmem>>
      %dma_wait3A_1185 = arith.constant 64 : i32
      %dma_wait3A_1186 = tpu.memref_slice %arg17[%dma_wait3A_1185] : memref<240xi32, #tpu.memory_space<vmem>> -> memref<64xi32, #tpu.memory_space<vmem>>
      %dma_wait3A_1187 = arith.constant 0 : i32
      %dma_wait3A_1188 = arith.constant 0 : i32
      %dma_wait3A_1189 = tpu.memref_slice %arg8[%dma_wait3A_1187, %dma_wait3A_1188] : memref<2308x768xf32, #tpu.memory_space<hbm>> -> memref<2308x768xf32, #tpu.memory_space<hbm>>
      tpu.wait_indirect_dma semaphore(%arg27 : memref<!tpu.dma_semaphore, #tpu.memory_space<semaphore_mem>>) src(%dma_wait3A_1189 : memref<2308x768xf32, #tpu.memory_space<hbm>>) dst(%dma_wait3A_1184 : memref<64x768xf32, #tpu.memory_space<vmem>>)
      %dma_start3A_1190 = arith.constant 1 : i32
      %dma_start3A_1191 = arith.constant 0 : i32
      %dma_start3A_1192 = arith.constant 0 : i32
      %dma_start3A_1193 = tpu.memref_slice %arg21[%dma_start3A_1191, %dma_start3A_1192] : memref<80x768xf32, #tpu.memory_space<vmem>> -> memref<64x768xf32, #tpu.memory_space<vmem>>
      %dma_start3A_1194 = arith.constant 0 : i32
      %dma_start3A_1195 = tpu.memref_slice %arg19[%dma_start3A_1190, %dma_start3A_1194] : memref<3x64xi32, #tpu.memory_space<vmem>> -> memref<1x64xi32, #tpu.memory_space<vmem>>
      %dma_start3A_1196 = tpu.memref_squeeze %dma_start3A_1195 : memref<1x64xi32, #tpu.memory_space<vmem>> -> memref<64xi32, #tpu.memory_space<vmem>>
      %dma_start3A_1197 = arith.constant 0 : i32
      %dma_start3A_1198 = arith.constant 0 : i32
      %dma_start3A_1199 = tpu.memref_slice %arg12[%dma_start3A_1197, %dma_start3A_1198] : memref<5120x768xf32, #tpu.memory_space<hbm>> -> memref<5120x768xf32, #tpu.memory_space<hbm>>
      tpu.enqueue_indirect_dma source(%dma_start3A_1193 : memref<64x768xf32, #tpu.memory_space<vmem>>) target(%dma_start3A_1199 : memref<5120x768xf32, #tpu.memory_space<hbm>>) offsets(%dma_start3A_1196 : memref<64xi32, #tpu.memory_space<vmem>>) semaphore(%arg27 : memref<!tpu.dma_semaphore, #tpu.memory_space<semaphore_mem>>)
      %dma_wait3A_1200 = arith.constant 1 : i32
      %dma_wait3A_1201 = arith.constant 0 : i32
      %dma_wait3A_1202 = arith.constant 0 : i32
      %dma_wait3A_1203 = tpu.memref_slice %arg21[%dma_wait3A_1201, %dma_wait3A_1202] : memref<80x768xf32, #tpu.memory_space<vmem>> -> memref<64x768xf32, #tpu.memory_space<vmem>>
      %dma_wait3A_1204 = arith.constant 0 : i32
      %dma_wait3A_1205 = tpu.memref_slice %arg19[%dma_wait3A_1200, %dma_wait3A_1204] : memref<3x64xi32, #tpu.memory_space<vmem>> -> memref<1x64xi32, #tpu.memory_space<vmem>>
      %dma_wait3A_1206 = tpu.memref_squeeze %dma_wait3A_1205 : memref<1x64xi32, #tpu.memory_space<vmem>> -> memref<64xi32, #tpu.memory_space<vmem>>
      %dma_wait3A_1207 = arith.constant 0 : i32
      %dma_wait3A_1208 = arith.constant 0 : i32
      %dma_wait3A_1209 = tpu.memref_slice %arg12[%dma_wait3A_1207, %dma_wait3A_1208] : memref<5120x768xf32, #tpu.memory_space<hbm>> -> memref<5120x768xf32, #tpu.memory_space<hbm>>
      tpu.wait_indirect_dma semaphore(%arg27 : memref<!tpu.dma_semaphore, #tpu.memory_space<semaphore_mem>>) src(%dma_wait3A_1203 : memref<64x768xf32, #tpu.memory_space<vmem>>) dst(%dma_wait3A_1209 : memref<5120x768xf32, #tpu.memory_space<hbm>>)
    } else {
    }
    %gt3A_1139 = arith.constant 128 : i32
    %gt3A_1140 = arith.cmpi sgt, %add3A_853, %gt3A_1139 : i32
    %convert_element_type3A_1141 = arith.extui %gt3A_1140 : i1 to i32
    %cond3A_1142 = arith.constant 0 : i32
    %cond3A_1143 = arith.cmpi ne, %convert_element_type3A_1141, %cond3A_1142 : i32
    scf.if %cond3A_1143 {
      %dma_start3A_1174 = arith.constant 0 : i32
      %dma_start3A_1175 = arith.constant 0 : i32
      %dma_start3A_1176 = tpu.memref_slice %arg21[%dma_start3A_1174, %dma_start3A_1175] : memref<80x768xf32, #tpu.memory_space<vmem>> -> memref<64x768xf32, #tpu.memory_space<vmem>>
      %dma_start3A_1177 = arith.constant 128 : i32
      %dma_start3A_1178 = tpu.memref_slice %arg17[%dma_start3A_1177] : memref<240xi32, #tpu.memory_space<vmem>> -> memref<64xi32, #tpu.memory_space<vmem>>
      %dma_start3A_1179 = arith.constant 0 : i32
      %dma_start3A_1180 = arith.constant 0 : i32
      %dma_start3A_1181 = tpu.memref_slice %arg8[%dma_start3A_1179, %dma_start3A_1180] : memref<2308x768xf32, #tpu.memory_space<hbm>> -> memref<2308x768xf32, #tpu.memory_space<hbm>>
      tpu.enqueue_indirect_dma source(%dma_start3A_1181 : memref<2308x768xf32, #tpu.memory_space<hbm>>) target(%dma_start3A_1176 : memref<64x768xf32, #tpu.memory_space<vmem>>) offsets(%dma_start3A_1178 : memref<64xi32, #tpu.memory_space<vmem>>) semaphore(%arg27 : memref<!tpu.dma_semaphore, #tpu.memory_space<semaphore_mem>>)
      %dma_wait3A_1182 = arith.constant 0 : i32
      %dma_wait3A_1183 = arith.constant 0 : i32
      %dma_wait3A_1184 = tpu.memref_slice %arg21[%dma_wait3A_1182, %dma_wait3A_1183] : memref<80x768xf32, #tpu.memory_space<vmem>> -> memref<64x768xf32, #tpu.memory_space<vmem>>
      %dma_wait3A_1185 = arith.constant 128 : i32
      %dma_wait3A_1186 = tpu.memref_slice %arg17[%dma_wait3A_1185] : memref<240xi32, #tpu.memory_space<vmem>> -> memref<64xi32, #tpu.memory_space<vmem>>
      %dma_wait3A_1187 = arith.constant 0 : i32
      %dma_wait3A_1188 = arith.constant 0 : i32
      %dma_wait3A_1189 = tpu.memref_slice %arg8[%dma_wait3A_1187, %dma_wait3A_1188] : memref<2308x768xf32, #tpu.memory_space<hbm>> -> memref<2308x768xf32, #tpu.memory_space<hbm>>
      tpu.wait_indirect_dma semaphore(%arg27 : memref<!tpu.dma_semaphore, #tpu.memory_space<semaphore_mem>>) src(%dma_wait3A_1189 : memref<2308x768xf32, #tpu.memory_space<hbm>>) dst(%dma_wait3A_1184 : memref<64x768xf32, #tpu.memory_space<vmem>>)
      %dma_start3A_1190 = arith.constant 2 : i32
      %dma_start3A_1191 = arith.constant 0 : i32
      %dma_start3A_1192 = arith.constant 0 : i32
      %dma_start3A_1193 = tpu.memref_slice %arg21[%dma_start3A_1191, %dma_start3A_1192] : memref<80x768xf32, #tpu.memory_space<vmem>> -> memref<64x768xf32, #tpu.memory_space<vmem>>
      %dma_start3A_1194 = arith.constant 0 : i32
      %dma_start3A_1195 = tpu.memref_slice %arg19[%dma_start3A_1190, %dma_start3A_1194] : memref<3x64xi32, #tpu.memory_space<vmem>> -> memref<1x64xi32, #tpu.memory_space<vmem>>
      %dma_start3A_1196 = tpu.memref_squeeze %dma_start3A_1195 : memref<1x64xi32, #tpu.memory_space<vmem>> -> memref<64xi32, #tpu.memory_space<vmem>>
      %dma_start3A_1197 = arith.constant 0 : i32
      %dma_start3A_1198 = arith.constant 0 : i32
      %dma_start3A_1199 = tpu.memref_slice %arg12[%dma_start3A_1197, %dma_start3A_1198] : memref<5120x768xf32, #tpu.memory_space<hbm>> -> memref<5120x768xf32, #tpu.memory_space<hbm>>
      tpu.enqueue_indirect_dma source(%dma_start3A_1193 : memref<64x768xf32, #tpu.memory_space<vmem>>) target(%dma_start3A_1199 : memref<5120x768xf32, #tpu.memory_space<hbm>>) offsets(%dma_start3A_1196 : memref<64xi32, #tpu.memory_space<vmem>>) semaphore(%arg27 : memref<!tpu.dma_semaphore, #tpu.memory_space<semaphore_mem>>)
      %dma_wait3A_1200 = arith.constant 2 : i32
      %dma_wait3A_1201 = arith.constant 0 : i32
      %dma_wait3A_1202 = arith.constant 0 : i32
      %dma_wait3A_1203 = tpu.memref_slice %arg21[%dma_wait3A_1201, %dma_wait3A_1202] : memref<80x768xf32, #tpu.memory_space<vmem>> -> memref<64x768xf32, #tpu.memory_space<vmem>>
      %dma_wait3A_1204 = arith.constant 0 : i32
      %dma_wait3A_1205 = tpu.memref_slice %arg19[%dma_wait3A_1200, %dma_wait3A_1204] : memref<3x64xi32, #tpu.memory_space<vmem>> -> memref<1x64xi32, #tpu.memory_space<vmem>>
      %dma_wait3A_1206 = tpu.memref_squeeze %dma_wait3A_1205 : memref<1x64xi32, #tpu.memory_space<vmem>> -> memref<64xi32, #tpu.memory_space<vmem>>
      %dma_wait3A_1207 = arith.constant 0 : i32
      %dma_wait3A_1208 = arith.constant 0 : i32
      %dma_wait3A_1209 = tpu.memref_slice %arg12[%dma_wait3A_1207, %dma_wait3A_1208] : memref<5120x768xf32, #tpu.memory_space<hbm>> -> memref<5120x768xf32, #tpu.memory_space<hbm>>
      tpu.wait_indirect_dma semaphore(%arg27 : memref<!tpu.dma_semaphore, #tpu.memory_space<semaphore_mem>>) src(%dma_wait3A_1203 : memref<64x768xf32, #tpu.memory_space<vmem>>) dst(%dma_wait3A_1209 : memref<5120x768xf32, #tpu.memory_space<hbm>>)
    } else {
    }
    %gt3A_1144 = arith.constant 0 : i32
    %gt3A_1145 = arith.cmpi sgt, %add3A_853, %gt3A_1144 : i32
    %convert_element_type3A_1146 = arith.extui %gt3A_1145 : i1 to i32
    %cond3A_1147 = arith.constant 0 : i32
    %cond3A_1148 = arith.cmpi ne, %convert_element_type3A_1146, %cond3A_1147 : i32
    scf.if %cond3A_1148 {
      %dma_start3A_1174 = arith.constant 0 : i32
      %dma_start3A_1175 = arith.constant 0 : i32
      %dma_start3A_1176 = tpu.memref_slice %arg21[%dma_start3A_1174, %dma_start3A_1175] : memref<80x768xf32, #tpu.memory_space<vmem>> -> memref<64x768xf32, #tpu.memory_space<vmem>>
      %dma_start3A_1177 = arith.constant 0 : i32
      %dma_start3A_1178 = tpu.memref_slice %arg17[%dma_start3A_1177] : memref<240xi32, #tpu.memory_space<vmem>> -> memref<64xi32, #tpu.memory_space<vmem>>
      %dma_start3A_1179 = arith.constant 0 : i32
      %dma_start3A_1180 = arith.constant 0 : i32
      %dma_start3A_1181 = tpu.memref_slice %arg9[%dma_start3A_1179, %dma_start3A_1180] : memref<2308x768xf32, #tpu.memory_space<hbm>> -> memref<2308x768xf32, #tpu.memory_space<hbm>>
      tpu.enqueue_indirect_dma source(%dma_start3A_1181 : memref<2308x768xf32, #tpu.memory_space<hbm>>) target(%dma_start3A_1176 : memref<64x768xf32, #tpu.memory_space<vmem>>) offsets(%dma_start3A_1178 : memref<64xi32, #tpu.memory_space<vmem>>) semaphore(%arg27 : memref<!tpu.dma_semaphore, #tpu.memory_space<semaphore_mem>>)
      %dma_wait3A_1182 = arith.constant 0 : i32
      %dma_wait3A_1183 = arith.constant 0 : i32
      %dma_wait3A_1184 = tpu.memref_slice %arg21[%dma_wait3A_1182, %dma_wait3A_1183] : memref<80x768xf32, #tpu.memory_space<vmem>> -> memref<64x768xf32, #tpu.memory_space<vmem>>
      %dma_wait3A_1185 = arith.constant 0 : i32
      %dma_wait3A_1186 = tpu.memref_slice %arg17[%dma_wait3A_1185] : memref<240xi32, #tpu.memory_space<vmem>> -> memref<64xi32, #tpu.memory_space<vmem>>
      %dma_wait3A_1187 = arith.constant 0 : i32
      %dma_wait3A_1188 = arith.constant 0 : i32
      %dma_wait3A_1189 = tpu.memref_slice %arg9[%dma_wait3A_1187, %dma_wait3A_1188] : memref<2308x768xf32, #tpu.memory_space<hbm>> -> memref<2308x768xf32, #tpu.memory_space<hbm>>
      tpu.wait_indirect_dma semaphore(%arg27 : memref<!tpu.dma_semaphore, #tpu.memory_space<semaphore_mem>>) src(%dma_wait3A_1189 : memref<2308x768xf32, #tpu.memory_space<hbm>>) dst(%dma_wait3A_1184 : memref<64x768xf32, #tpu.memory_space<vmem>>)
      %dma_start3A_1190 = arith.constant 0 : i32
      %dma_start3A_1191 = arith.constant 0 : i32
      %dma_start3A_1192 = arith.constant 0 : i32
      %dma_start3A_1193 = tpu.memref_slice %arg21[%dma_start3A_1191, %dma_start3A_1192] : memref<80x768xf32, #tpu.memory_space<vmem>> -> memref<64x768xf32, #tpu.memory_space<vmem>>
      %dma_start3A_1194 = arith.constant 0 : i32
      %dma_start3A_1195 = tpu.memref_slice %arg19[%dma_start3A_1190, %dma_start3A_1194] : memref<3x64xi32, #tpu.memory_space<vmem>> -> memref<1x64xi32, #tpu.memory_space<vmem>>
      %dma_start3A_1196 = tpu.memref_squeeze %dma_start3A_1195 : memref<1x64xi32, #tpu.memory_space<vmem>> -> memref<64xi32, #tpu.memory_space<vmem>>
      %dma_start3A_1197 = arith.constant 0 : i32
      %dma_start3A_1198 = arith.constant 0 : i32
      %dma_start3A_1199 = tpu.memref_slice %arg13[%dma_start3A_1197, %dma_start3A_1198] : memref<5120x768xf32, #tpu.memory_space<hbm>> -> memref<5120x768xf32, #tpu.memory_space<hbm>>
      tpu.enqueue_indirect_dma source(%dma_start3A_1193 : memref<64x768xf32, #tpu.memory_space<vmem>>) target(%dma_start3A_1199 : memref<5120x768xf32, #tpu.memory_space<hbm>>) offsets(%dma_start3A_1196 : memref<64xi32, #tpu.memory_space<vmem>>) semaphore(%arg27 : memref<!tpu.dma_semaphore, #tpu.memory_space<semaphore_mem>>)
      %dma_wait3A_1200 = arith.constant 0 : i32
      %dma_wait3A_1201 = arith.constant 0 : i32
      %dma_wait3A_1202 = arith.constant 0 : i32
      %dma_wait3A_1203 = tpu.memref_slice %arg21[%dma_wait3A_1201, %dma_wait3A_1202] : memref<80x768xf32, #tpu.memory_space<vmem>> -> memref<64x768xf32, #tpu.memory_space<vmem>>
      %dma_wait3A_1204 = arith.constant 0 : i32
      %dma_wait3A_1205 = tpu.memref_slice %arg19[%dma_wait3A_1200, %dma_wait3A_1204] : memref<3x64xi32, #tpu.memory_space<vmem>> -> memref<1x64xi32, #tpu.memory_space<vmem>>
      %dma_wait3A_1206 = tpu.memref_squeeze %dma_wait3A_1205 : memref<1x64xi32, #tpu.memory_space<vmem>> -> memref<64xi32, #tpu.memory_space<vmem>>
      %dma_wait3A_1207 = arith.constant 0 : i32
      %dma_wait3A_1208 = arith.constant 0 : i32
      %dma_wait3A_1209 = tpu.memref_slice %arg13[%dma_wait3A_1207, %dma_wait3A_1208] : memref<5120x768xf32, #tpu.memory_space<hbm>> -> memref<5120x768xf32, #tpu.memory_space<hbm>>
      tpu.wait_indirect_dma semaphore(%arg27 : memref<!tpu.dma_semaphore, #tpu.memory_space<semaphore_mem>>) src(%dma_wait3A_1203 : memref<64x768xf32, #tpu.memory_space<vmem>>) dst(%dma_wait3A_1209 : memref<5120x768xf32, #tpu.memory_space<hbm>>)
    } else {
    }
    %gt3A_1149 = arith.constant 64 : i32
    %gt3A_1150 = arith.cmpi sgt, %add3A_853, %gt3A_1149 : i32
    %convert_element_type3A_1151 = arith.extui %gt3A_1150 : i1 to i32
    %cond3A_1152 = arith.constant 0 : i32
    %cond3A_1153 = arith.cmpi ne, %convert_element_type3A_1151, %cond3A_1152 : i32
    scf.if %cond3A_1153 {
      %dma_start3A_1174 = arith.constant 0 : i32
      %dma_start3A_1175 = arith.constant 0 : i32
      %dma_start3A_1176 = tpu.memref_slice %arg21[%dma_start3A_1174, %dma_start3A_1175] : memref<80x768xf32, #tpu.memory_space<vmem>> -> memref<64x768xf32, #tpu.memory_space<vmem>>
      %dma_start3A_1177 = arith.constant 64 : i32
      %dma_start3A_1178 = tpu.memref_slice %arg17[%dma_start3A_1177] : memref<240xi32, #tpu.memory_space<vmem>> -> memref<64xi32, #tpu.memory_space<vmem>>
      %dma_start3A_1179 = arith.constant 0 : i32
      %dma_start3A_1180 = arith.constant 0 : i32
      %dma_start3A_1181 = tpu.memref_slice %arg9[%dma_start3A_1179, %dma_start3A_1180] : memref<2308x768xf32, #tpu.memory_space<hbm>> -> memref<2308x768xf32, #tpu.memory_space<hbm>>
      tpu.enqueue_indirect_dma source(%dma_start3A_1181 : memref<2308x768xf32, #tpu.memory_space<hbm>>) target(%dma_start3A_1176 : memref<64x768xf32, #tpu.memory_space<vmem>>) offsets(%dma_start3A_1178 : memref<64xi32, #tpu.memory_space<vmem>>) semaphore(%arg27 : memref<!tpu.dma_semaphore, #tpu.memory_space<semaphore_mem>>)
      %dma_wait3A_1182 = arith.constant 0 : i32
      %dma_wait3A_1183 = arith.constant 0 : i32
      %dma_wait3A_1184 = tpu.memref_slice %arg21[%dma_wait3A_1182, %dma_wait3A_1183] : memref<80x768xf32, #tpu.memory_space<vmem>> -> memref<64x768xf32, #tpu.memory_space<vmem>>
      %dma_wait3A_1185 = arith.constant 64 : i32
      %dma_wait3A_1186 = tpu.memref_slice %arg17[%dma_wait3A_1185] : memref<240xi32, #tpu.memory_space<vmem>> -> memref<64xi32, #tpu.memory_space<vmem>>
      %dma_wait3A_1187 = arith.constant 0 : i32
      %dma_wait3A_1188 = arith.constant 0 : i32
      %dma_wait3A_1189 = tpu.memref_slice %arg9[%dma_wait3A_1187, %dma_wait3A_1188] : memref<2308x768xf32, #tpu.memory_space<hbm>> -> memref<2308x768xf32, #tpu.memory_space<hbm>>
      tpu.wait_indirect_dma semaphore(%arg27 : memref<!tpu.dma_semaphore, #tpu.memory_space<semaphore_mem>>) src(%dma_wait3A_1189 : memref<2308x768xf32, #tpu.memory_space<hbm>>) dst(%dma_wait3A_1184 : memref<64x768xf32, #tpu.memory_space<vmem>>)
      %dma_start3A_1190 = arith.constant 1 : i32
      %dma_start3A_1191 = arith.constant 0 : i32
      %dma_start3A_1192 = arith.constant 0 : i32
      %dma_start3A_1193 = tpu.memref_slice %arg21[%dma_start3A_1191, %dma_start3A_1192] : memref<80x768xf32, #tpu.memory_space<vmem>> -> memref<64x768xf32, #tpu.memory_space<vmem>>
      %dma_start3A_1194 = arith.constant 0 : i32
      %dma_start3A_1195 = tpu.memref_slice %arg19[%dma_start3A_1190, %dma_start3A_1194] : memref<3x64xi32, #tpu.memory_space<vmem>> -> memref<1x64xi32, #tpu.memory_space<vmem>>
      %dma_start3A_1196 = tpu.memref_squeeze %dma_start3A_1195 : memref<1x64xi32, #tpu.memory_space<vmem>> -> memref<64xi32, #tpu.memory_space<vmem>>
      %dma_start3A_1197 = arith.constant 0 : i32
      %dma_start3A_1198 = arith.constant 0 : i32
      %dma_start3A_1199 = tpu.memref_slice %arg13[%dma_start3A_1197, %dma_start3A_1198] : memref<5120x768xf32, #tpu.memory_space<hbm>> -> memref<5120x768xf32, #tpu.memory_space<hbm>>
      tpu.enqueue_indirect_dma source(%dma_start3A_1193 : memref<64x768xf32, #tpu.memory_space<vmem>>) target(%dma_start3A_1199 : memref<5120x768xf32, #tpu.memory_space<hbm>>) offsets(%dma_start3A_1196 : memref<64xi32, #tpu.memory_space<vmem>>) semaphore(%arg27 : memref<!tpu.dma_semaphore, #tpu.memory_space<semaphore_mem>>)
      %dma_wait3A_1200 = arith.constant 1 : i32
      %dma_wait3A_1201 = arith.constant 0 : i32
      %dma_wait3A_1202 = arith.constant 0 : i32
      %dma_wait3A_1203 = tpu.memref_slice %arg21[%dma_wait3A_1201, %dma_wait3A_1202] : memref<80x768xf32, #tpu.memory_space<vmem>> -> memref<64x768xf32, #tpu.memory_space<vmem>>
      %dma_wait3A_1204 = arith.constant 0 : i32
      %dma_wait3A_1205 = tpu.memref_slice %arg19[%dma_wait3A_1200, %dma_wait3A_1204] : memref<3x64xi32, #tpu.memory_space<vmem>> -> memref<1x64xi32, #tpu.memory_space<vmem>>
      %dma_wait3A_1206 = tpu.memref_squeeze %dma_wait3A_1205 : memref<1x64xi32, #tpu.memory_space<vmem>> -> memref<64xi32, #tpu.memory_space<vmem>>
      %dma_wait3A_1207 = arith.constant 0 : i32
      %dma_wait3A_1208 = arith.constant 0 : i32
      %dma_wait3A_1209 = tpu.memref_slice %arg13[%dma_wait3A_1207, %dma_wait3A_1208] : memref<5120x768xf32, #tpu.memory_space<hbm>> -> memref<5120x768xf32, #tpu.memory_space<hbm>>
      tpu.wait_indirect_dma semaphore(%arg27 : memref<!tpu.dma_semaphore, #tpu.memory_space<semaphore_mem>>) src(%dma_wait3A_1203 : memref<64x768xf32, #tpu.memory_space<vmem>>) dst(%dma_wait3A_1209 : memref<5120x768xf32, #tpu.memory_space<hbm>>)
    } else {
    }
    %gt3A_1154 = arith.constant 128 : i32
    %gt3A_1155 = arith.cmpi sgt, %add3A_853, %gt3A_1154 : i32
    %convert_element_type3A_1156 = arith.extui %gt3A_1155 : i1 to i32
    %cond3A_1157 = arith.constant 0 : i32
    %cond3A_1158 = arith.cmpi ne, %convert_element_type3A_1156, %cond3A_1157 : i32
    scf.if %cond3A_1158 {
      %dma_start3A_1174 = arith.constant 0 : i32
      %dma_start3A_1175 = arith.constant 0 : i32
      %dma_start3A_1176 = tpu.memref_slice %arg21[%dma_start3A_1174, %dma_start3A_1175] : memref<80x768xf32, #tpu.memory_space<vmem>> -> memref<64x768xf32, #tpu.memory_space<vmem>>
      %dma_start3A_1177 = arith.constant 128 : i32
      %dma_start3A_1178 = tpu.memref_slice %arg17[%dma_start3A_1177] : memref<240xi32, #tpu.memory_space<vmem>> -> memref<64xi32, #tpu.memory_space<vmem>>
      %dma_start3A_1179 = arith.constant 0 : i32
      %dma_start3A_1180 = arith.constant 0 : i32
      %dma_start3A_1181 = tpu.memref_slice %arg9[%dma_start3A_1179, %dma_start3A_1180] : memref<2308x768xf32, #tpu.memory_space<hbm>> -> memref<2308x768xf32, #tpu.memory_space<hbm>>
      tpu.enqueue_indirect_dma source(%dma_start3A_1181 : memref<2308x768xf32, #tpu.memory_space<hbm>>) target(%dma_start3A_1176 : memref<64x768xf32, #tpu.memory_space<vmem>>) offsets(%dma_start3A_1178 : memref<64xi32, #tpu.memory_space<vmem>>) semaphore(%arg27 : memref<!tpu.dma_semaphore, #tpu.memory_space<semaphore_mem>>)
      %dma_wait3A_1182 = arith.constant 0 : i32
      %dma_wait3A_1183 = arith.constant 0 : i32
      %dma_wait3A_1184 = tpu.memref_slice %arg21[%dma_wait3A_1182, %dma_wait3A_1183] : memref<80x768xf32, #tpu.memory_space<vmem>> -> memref<64x768xf32, #tpu.memory_space<vmem>>
      %dma_wait3A_1185 = arith.constant 128 : i32
      %dma_wait3A_1186 = tpu.memref_slice %arg17[%dma_wait3A_1185] : memref<240xi32, #tpu.memory_space<vmem>> -> memref<64xi32, #tpu.memory_space<vmem>>
      %dma_wait3A_1187 = arith.constant 0 : i32
      %dma_wait3A_1188 = arith.constant 0 : i32
      %dma_wait3A_1189 = tpu.memref_slice %arg9[%dma_wait3A_1187, %dma_wait3A_1188] : memref<2308x768xf32, #tpu.memory_space<hbm>> -> memref<2308x768xf32, #tpu.memory_space<hbm>>
      tpu.wait_indirect_dma semaphore(%arg27 : memref<!tpu.dma_semaphore, #tpu.memory_space<semaphore_mem>>) src(%dma_wait3A_1189 : memref<2308x768xf32, #tpu.memory_space<hbm>>) dst(%dma_wait3A_1184 : memref<64x768xf32, #tpu.memory_space<vmem>>)
      %dma_start3A_1190 = arith.constant 2 : i32
      %dma_start3A_1191 = arith.constant 0 : i32
      %dma_start3A_1192 = arith.constant 0 : i32
      %dma_start3A_1193 = tpu.memref_slice %arg21[%dma_start3A_1191, %dma_start3A_1192] : memref<80x768xf32, #tpu.memory_space<vmem>> -> memref<64x768xf32, #tpu.memory_space<vmem>>
      %dma_start3A_1194 = arith.constant 0 : i32
      %dma_start3A_1195 = tpu.memref_slice %arg19[%dma_start3A_1190, %dma_start3A_1194] : memref<3x64xi32, #tpu.memory_space<vmem>> -> memref<1x64xi32, #tpu.memory_space<vmem>>
      %dma_start3A_1196 = tpu.memref_squeeze %dma_start3A_1195 : memref<1x64xi32, #tpu.memory_space<vmem>> -> memref<64xi32, #tpu.memory_space<vmem>>
      %dma_start3A_1197 = arith.constant 0 : i32
      %dma_start3A_1198 = arith.constant 0 : i32
      %dma_start3A_1199 = tpu.memref_slice %arg13[%dma_start3A_1197, %dma_start3A_1198] : memref<5120x768xf32, #tpu.memory_space<hbm>> -> memref<5120x768xf32, #tpu.memory_space<hbm>>
      tpu.enqueue_indirect_dma source(%dma_start3A_1193 : memref<64x768xf32, #tpu.memory_space<vmem>>) target(%dma_start3A_1199 : memref<5120x768xf32, #tpu.memory_space<hbm>>) offsets(%dma_start3A_1196 : memref<64xi32, #tpu.memory_space<vmem>>) semaphore(%arg27 : memref<!tpu.dma_semaphore, #tpu.memory_space<semaphore_mem>>)
      %dma_wait3A_1200 = arith.constant 2 : i32
      %dma_wait3A_1201 = arith.constant 0 : i32
      %dma_wait3A_1202 = arith.constant 0 : i32
      %dma_wait3A_1203 = tpu.memref_slice %arg21[%dma_wait3A_1201, %dma_wait3A_1202] : memref<80x768xf32, #tpu.memory_space<vmem>> -> memref<64x768xf32, #tpu.memory_space<vmem>>
      %dma_wait3A_1204 = arith.constant 0 : i32
      %dma_wait3A_1205 = tpu.memref_slice %arg19[%dma_wait3A_1200, %dma_wait3A_1204] : memref<3x64xi32, #tpu.memory_space<vmem>> -> memref<1x64xi32, #tpu.memory_space<vmem>>
      %dma_wait3A_1206 = tpu.memref_squeeze %dma_wait3A_1205 : memref<1x64xi32, #tpu.memory_space<vmem>> -> memref<64xi32, #tpu.memory_space<vmem>>
      %dma_wait3A_1207 = arith.constant 0 : i32
      %dma_wait3A_1208 = arith.constant 0 : i32
      %dma_wait3A_1209 = tpu.memref_slice %arg13[%dma_wait3A_1207, %dma_wait3A_1208] : memref<5120x768xf32, #tpu.memory_space<hbm>> -> memref<5120x768xf32, #tpu.memory_space<hbm>>
      tpu.wait_indirect_dma semaphore(%arg27 : memref<!tpu.dma_semaphore, #tpu.memory_space<semaphore_mem>>) src(%dma_wait3A_1203 : memref<64x768xf32, #tpu.memory_space<vmem>>) dst(%dma_wait3A_1209 : memref<5120x768xf32, #tpu.memory_space<hbm>>)
    } else {
    }
    %gt3A_1159 = arith.constant 0 : i32
    %gt3A_1160 = arith.cmpi sgt, %add3A_853, %gt3A_1159 : i32
    %convert_element_type3A_1161 = arith.extui %gt3A_1160 : i1 to i32
    %cond3A_1162 = arith.constant 0 : i32
    %cond3A_1163 = arith.cmpi ne, %convert_element_type3A_1161, %cond3A_1162 : i32
    scf.if %cond3A_1163 {
      %dma_start3A_1174 = arith.constant 0 : i32
      %dma_start3A_1175 = arith.constant 0 : i32
      %dma_start3A_1176 = tpu.memref_slice %arg21[%dma_start3A_1174, %dma_start3A_1175] : memref<80x768xf32, #tpu.memory_space<vmem>> -> memref<64x768xf32, #tpu.memory_space<vmem>>
      %dma_start3A_1177 = arith.constant 0 : i32
      %dma_start3A_1178 = tpu.memref_slice %arg17[%dma_start3A_1177] : memref<240xi32, #tpu.memory_space<vmem>> -> memref<64xi32, #tpu.memory_space<vmem>>
      %dma_start3A_1179 = arith.constant 0 : i32
      %dma_start3A_1180 = arith.constant 0 : i32
      %dma_start3A_1181 = tpu.memref_slice %arg10[%dma_start3A_1179, %dma_start3A_1180] : memref<2308x768xf32, #tpu.memory_space<hbm>> -> memref<2308x768xf32, #tpu.memory_space<hbm>>
      tpu.enqueue_indirect_dma source(%dma_start3A_1181 : memref<2308x768xf32, #tpu.memory_space<hbm>>) target(%dma_start3A_1176 : memref<64x768xf32, #tpu.memory_space<vmem>>) offsets(%dma_start3A_1178 : memref<64xi32, #tpu.memory_space<vmem>>) semaphore(%arg27 : memref<!tpu.dma_semaphore, #tpu.memory_space<semaphore_mem>>)
      %dma_wait3A_1182 = arith.constant 0 : i32
      %dma_wait3A_1183 = arith.constant 0 : i32
      %dma_wait3A_1184 = tpu.memref_slice %arg21[%dma_wait3A_1182, %dma_wait3A_1183] : memref<80x768xf32, #tpu.memory_space<vmem>> -> memref<64x768xf32, #tpu.memory_space<vmem>>
      %dma_wait3A_1185 = arith.constant 0 : i32
      %dma_wait3A_1186 = tpu.memref_slice %arg17[%dma_wait3A_1185] : memref<240xi32, #tpu.memory_space<vmem>> -> memref<64xi32, #tpu.memory_space<vmem>>
      %dma_wait3A_1187 = arith.constant 0 : i32
      %dma_wait3A_1188 = arith.constant 0 : i32
      %dma_wait3A_1189 = tpu.memref_slice %arg10[%dma_wait3A_1187, %dma_wait3A_1188] : memref<2308x768xf32, #tpu.memory_space<hbm>> -> memref<2308x768xf32, #tpu.memory_space<hbm>>
      tpu.wait_indirect_dma semaphore(%arg27 : memref<!tpu.dma_semaphore, #tpu.memory_space<semaphore_mem>>) src(%dma_wait3A_1189 : memref<2308x768xf32, #tpu.memory_space<hbm>>) dst(%dma_wait3A_1184 : memref<64x768xf32, #tpu.memory_space<vmem>>)
      %dma_start3A_1190 = arith.constant 0 : i32
      %dma_start3A_1191 = arith.constant 0 : i32
      %dma_start3A_1192 = arith.constant 0 : i32
      %dma_start3A_1193 = tpu.memref_slice %arg21[%dma_start3A_1191, %dma_start3A_1192] : memref<80x768xf32, #tpu.memory_space<vmem>> -> memref<64x768xf32, #tpu.memory_space<vmem>>
      %dma_start3A_1194 = arith.constant 0 : i32
      %dma_start3A_1195 = tpu.memref_slice %arg19[%dma_start3A_1190, %dma_start3A_1194] : memref<3x64xi32, #tpu.memory_space<vmem>> -> memref<1x64xi32, #tpu.memory_space<vmem>>
      %dma_start3A_1196 = tpu.memref_squeeze %dma_start3A_1195 : memref<1x64xi32, #tpu.memory_space<vmem>> -> memref<64xi32, #tpu.memory_space<vmem>>
      %dma_start3A_1197 = arith.constant 0 : i32
      %dma_start3A_1198 = arith.constant 0 : i32
      %dma_start3A_1199 = tpu.memref_slice %arg14[%dma_start3A_1197, %dma_start3A_1198] : memref<5120x768xf32, #tpu.memory_space<hbm>> -> memref<5120x768xf32, #tpu.memory_space<hbm>>
      tpu.enqueue_indirect_dma source(%dma_start3A_1193 : memref<64x768xf32, #tpu.memory_space<vmem>>) target(%dma_start3A_1199 : memref<5120x768xf32, #tpu.memory_space<hbm>>) offsets(%dma_start3A_1196 : memref<64xi32, #tpu.memory_space<vmem>>) semaphore(%arg27 : memref<!tpu.dma_semaphore, #tpu.memory_space<semaphore_mem>>)
      %dma_wait3A_1200 = arith.constant 0 : i32
      %dma_wait3A_1201 = arith.constant 0 : i32
      %dma_wait3A_1202 = arith.constant 0 : i32
      %dma_wait3A_1203 = tpu.memref_slice %arg21[%dma_wait3A_1201, %dma_wait3A_1202] : memref<80x768xf32, #tpu.memory_space<vmem>> -> memref<64x768xf32, #tpu.memory_space<vmem>>
      %dma_wait3A_1204 = arith.constant 0 : i32
      %dma_wait3A_1205 = tpu.memref_slice %arg19[%dma_wait3A_1200, %dma_wait3A_1204] : memref<3x64xi32, #tpu.memory_space<vmem>> -> memref<1x64xi32, #tpu.memory_space<vmem>>
      %dma_wait3A_1206 = tpu.memref_squeeze %dma_wait3A_1205 : memref<1x64xi32, #tpu.memory_space<vmem>> -> memref<64xi32, #tpu.memory_space<vmem>>
      %dma_wait3A_1207 = arith.constant 0 : i32
      %dma_wait3A_1208 = arith.constant 0 : i32
      %dma_wait3A_1209 = tpu.memref_slice %arg14[%dma_wait3A_1207, %dma_wait3A_1208] : memref<5120x768xf32, #tpu.memory_space<hbm>> -> memref<5120x768xf32, #tpu.memory_space<hbm>>
      tpu.wait_indirect_dma semaphore(%arg27 : memref<!tpu.dma_semaphore, #tpu.memory_space<semaphore_mem>>) src(%dma_wait3A_1203 : memref<64x768xf32, #tpu.memory_space<vmem>>) dst(%dma_wait3A_1209 : memref<5120x768xf32, #tpu.memory_space<hbm>>)
    } else {
    }
    %gt3A_1164 = arith.constant 64 : i32
    %gt3A_1165 = arith.cmpi sgt, %add3A_853, %gt3A_1164 : i32
    %convert_element_type3A_1166 = arith.extui %gt3A_1165 : i1 to i32
    %cond3A_1167 = arith.constant 0 : i32
    %cond3A_1168 = arith.cmpi ne, %convert_element_type3A_1166, %cond3A_1167 : i32
    scf.if %cond3A_1168 {
      %dma_start3A_1174 = arith.constant 0 : i32
      %dma_start3A_1175 = arith.constant 0 : i32
      %dma_start3A_1176 = tpu.memref_slice %arg21[%dma_start3A_1174, %dma_start3A_1175] : memref<80x768xf32, #tpu.memory_space<vmem>> -> memref<64x768xf32, #tpu.memory_space<vmem>>
      %dma_start3A_1177 = arith.constant 64 : i32
      %dma_start3A_1178 = tpu.memref_slice %arg17[%dma_start3A_1177] : memref<240xi32, #tpu.memory_space<vmem>> -> memref<64xi32, #tpu.memory_space<vmem>>
      %dma_start3A_1179 = arith.constant 0 : i32
      %dma_start3A_1180 = arith.constant 0 : i32
      %dma_start3A_1181 = tpu.memref_slice %arg10[%dma_start3A_1179, %dma_start3A_1180] : memref<2308x768xf32, #tpu.memory_space<hbm>> -> memref<2308x768xf32, #tpu.memory_space<hbm>>
      tpu.enqueue_indirect_dma source(%dma_start3A_1181 : memref<2308x768xf32, #tpu.memory_space<hbm>>) target(%dma_start3A_1176 : memref<64x768xf32, #tpu.memory_space<vmem>>) offsets(%dma_start3A_1178 : memref<64xi32, #tpu.memory_space<vmem>>) semaphore(%arg27 : memref<!tpu.dma_semaphore, #tpu.memory_space<semaphore_mem>>)
      %dma_wait3A_1182 = arith.constant 0 : i32
      %dma_wait3A_1183 = arith.constant 0 : i32
      %dma_wait3A_1184 = tpu.memref_slice %arg21[%dma_wait3A_1182, %dma_wait3A_1183] : memref<80x768xf32, #tpu.memory_space<vmem>> -> memref<64x768xf32, #tpu.memory_space<vmem>>
      %dma_wait3A_1185 = arith.constant 64 : i32
      %dma_wait3A_1186 = tpu.memref_slice %arg17[%dma_wait3A_1185] : memref<240xi32, #tpu.memory_space<vmem>> -> memref<64xi32, #tpu.memory_space<vmem>>
      %dma_wait3A_1187 = arith.constant 0 : i32
      %dma_wait3A_1188 = arith.constant 0 : i32
      %dma_wait3A_1189 = tpu.memref_slice %arg10[%dma_wait3A_1187, %dma_wait3A_1188] : memref<2308x768xf32, #tpu.memory_space<hbm>> -> memref<2308x768xf32, #tpu.memory_space<hbm>>
      tpu.wait_indirect_dma semaphore(%arg27 : memref<!tpu.dma_semaphore, #tpu.memory_space<semaphore_mem>>) src(%dma_wait3A_1189 : memref<2308x768xf32, #tpu.memory_space<hbm>>) dst(%dma_wait3A_1184 : memref<64x768xf32, #tpu.memory_space<vmem>>)
      %dma_start3A_1190 = arith.constant 1 : i32
      %dma_start3A_1191 = arith.constant 0 : i32
      %dma_start3A_1192 = arith.constant 0 : i32
      %dma_start3A_1193 = tpu.memref_slice %arg21[%dma_start3A_1191, %dma_start3A_1192] : memref<80x768xf32, #tpu.memory_space<vmem>> -> memref<64x768xf32, #tpu.memory_space<vmem>>
      %dma_start3A_1194 = arith.constant 0 : i32
      %dma_start3A_1195 = tpu.memref_slice %arg19[%dma_start3A_1190, %dma_start3A_1194] : memref<3x64xi32, #tpu.memory_space<vmem>> -> memref<1x64xi32, #tpu.memory_space<vmem>>
      %dma_start3A_1196 = tpu.memref_squeeze %dma_start3A_1195 : memref<1x64xi32, #tpu.memory_space<vmem>> -> memref<64xi32, #tpu.memory_space<vmem>>
      %dma_start3A_1197 = arith.constant 0 : i32
      %dma_start3A_1198 = arith.constant 0 : i32
      %dma_start3A_1199 = tpu.memref_slice %arg14[%dma_start3A_1197, %dma_start3A_1198] : memref<5120x768xf32, #tpu.memory_space<hbm>> -> memref<5120x768xf32, #tpu.memory_space<hbm>>
      tpu.enqueue_indirect_dma source(%dma_start3A_1193 : memref<64x768xf32, #tpu.memory_space<vmem>>) target(%dma_start3A_1199 : memref<5120x768xf32, #tpu.memory_space<hbm>>) offsets(%dma_start3A_1196 : memref<64xi32, #tpu.memory_space<vmem>>) semaphore(%arg27 : memref<!tpu.dma_semaphore, #tpu.memory_space<semaphore_mem>>)
      %dma_wait3A_1200 = arith.constant 1 : i32
      %dma_wait3A_1201 = arith.constant 0 : i32
      %dma_wait3A_1202 = arith.constant 0 : i32
      %dma_wait3A_1203 = tpu.memref_slice %arg21[%dma_wait3A_1201, %dma_wait3A_1202] : memref<80x768xf32, #tpu.memory_space<vmem>> -> memref<64x768xf32, #tpu.memory_space<vmem>>
      %dma_wait3A_1204 = arith.constant 0 : i32
      %dma_wait3A_1205 = tpu.memref_slice %arg19[%dma_wait3A_1200, %dma_wait3A_1204] : memref<3x64xi32, #tpu.memory_space<vmem>> -> memref<1x64xi32, #tpu.memory_space<vmem>>
      %dma_wait3A_1206 = tpu.memref_squeeze %dma_wait3A_1205 : memref<1x64xi32, #tpu.memory_space<vmem>> -> memref<64xi32, #tpu.memory_space<vmem>>
      %dma_wait3A_1207 = arith.constant 0 : i32
      %dma_wait3A_1208 = arith.constant 0 : i32
      %dma_wait3A_1209 = tpu.memref_slice %arg14[%dma_wait3A_1207, %dma_wait3A_1208] : memref<5120x768xf32, #tpu.memory_space<hbm>> -> memref<5120x768xf32, #tpu.memory_space<hbm>>
      tpu.wait_indirect_dma semaphore(%arg27 : memref<!tpu.dma_semaphore, #tpu.memory_space<semaphore_mem>>) src(%dma_wait3A_1203 : memref<64x768xf32, #tpu.memory_space<vmem>>) dst(%dma_wait3A_1209 : memref<5120x768xf32, #tpu.memory_space<hbm>>)
    } else {
    }
    %gt3A_1169 = arith.constant 128 : i32
    %gt3A_1170 = arith.cmpi sgt, %add3A_853, %gt3A_1169 : i32
    %convert_element_type3A_1171 = arith.extui %gt3A_1170 : i1 to i32
    %cond3A_1172 = arith.constant 0 : i32
    %cond3A_1173 = arith.cmpi ne, %convert_element_type3A_1171, %cond3A_1172 : i32
    scf.if %cond3A_1173 {
      %dma_start3A_1174 = arith.constant 0 : i32
      %dma_start3A_1175 = arith.constant 0 : i32
      %dma_start3A_1176 = tpu.memref_slice %arg21[%dma_start3A_1174, %dma_start3A_1175] : memref<80x768xf32, #tpu.memory_space<vmem>> -> memref<64x768xf32, #tpu.memory_space<vmem>>
      %dma_start3A_1177 = arith.constant 128 : i32
      %dma_start3A_1178 = tpu.memref_slice %arg17[%dma_start3A_1177] : memref<240xi32, #tpu.memory_space<vmem>> -> memref<64xi32, #tpu.memory_space<vmem>>
      %dma_start3A_1179 = arith.constant 0 : i32
      %dma_start3A_1180 = arith.constant 0 : i32
      %dma_start3A_1181 = tpu.memref_slice %arg10[%dma_start3A_1179, %dma_start3A_1180] : memref<2308x768xf32, #tpu.memory_space<hbm>> -> memref<2308x768xf32, #tpu.memory_space<hbm>>
      tpu.enqueue_indirect_dma source(%dma_start3A_1181 : memref<2308x768xf32, #tpu.memory_space<hbm>>) target(%dma_start3A_1176 : memref<64x768xf32, #tpu.memory_space<vmem>>) offsets(%dma_start3A_1178 : memref<64xi32, #tpu.memory_space<vmem>>) semaphore(%arg27 : memref<!tpu.dma_semaphore, #tpu.memory_space<semaphore_mem>>)
      %dma_wait3A_1182 = arith.constant 0 : i32
      %dma_wait3A_1183 = arith.constant 0 : i32
      %dma_wait3A_1184 = tpu.memref_slice %arg21[%dma_wait3A_1182, %dma_wait3A_1183] : memref<80x768xf32, #tpu.memory_space<vmem>> -> memref<64x768xf32, #tpu.memory_space<vmem>>
      %dma_wait3A_1185 = arith.constant 128 : i32
      %dma_wait3A_1186 = tpu.memref_slice %arg17[%dma_wait3A_1185] : memref<240xi32, #tpu.memory_space<vmem>> -> memref<64xi32, #tpu.memory_space<vmem>>
      %dma_wait3A_1187 = arith.constant 0 : i32
      %dma_wait3A_1188 = arith.constant 0 : i32
      %dma_wait3A_1189 = tpu.memref_slice %arg10[%dma_wait3A_1187, %dma_wait3A_1188] : memref<2308x768xf32, #tpu.memory_space<hbm>> -> memref<2308x768xf32, #tpu.memory_space<hbm>>
      tpu.wait_indirect_dma semaphore(%arg27 : memref<!tpu.dma_semaphore, #tpu.memory_space<semaphore_mem>>) src(%dma_wait3A_1189 : memref<2308x768xf32, #tpu.memory_space<hbm>>) dst(%dma_wait3A_1184 : memref<64x768xf32, #tpu.memory_space<vmem>>)
      %dma_start3A_1190 = arith.constant 2 : i32
      %dma_start3A_1191 = arith.constant 0 : i32
      %dma_start3A_1192 = arith.constant 0 : i32
      %dma_start3A_1193 = tpu.memref_slice %arg21[%dma_start3A_1191, %dma_start3A_1192] : memref<80x768xf32, #tpu.memory_space<vmem>> -> memref<64x768xf32, #tpu.memory_space<vmem>>
      %dma_start3A_1194 = arith.constant 0 : i32
      %dma_start3A_1195 = tpu.memref_slice %arg19[%dma_start3A_1190, %dma_start3A_1194] : memref<3x64xi32, #tpu.memory_space<vmem>> -> memref<1x64xi32, #tpu.memory_space<vmem>>
      %dma_start3A_1196 = tpu.memref_squeeze %dma_start3A_1195 : memref<1x64xi32, #tpu.memory_space<vmem>> -> memref<64xi32, #tpu.memory_space<vmem>>
      %dma_start3A_1197 = arith.constant 0 : i32
      %dma_start3A_1198 = arith.constant 0 : i32
      %dma_start3A_1199 = tpu.memref_slice %arg14[%dma_start3A_1197, %dma_start3A_1198] : memref<5120x768xf32, #tpu.memory_space<hbm>> -> memref<5120x768xf32, #tpu.memory_space<hbm>>
      tpu.enqueue_indirect_dma source(%dma_start3A_1193 : memref<64x768xf32, #tpu.memory_space<vmem>>) target(%dma_start3A_1199 : memref<5120x768xf32, #tpu.memory_space<hbm>>) offsets(%dma_start3A_1196 : memref<64xi32, #tpu.memory_space<vmem>>) semaphore(%arg27 : memref<!tpu.dma_semaphore, #tpu.memory_space<semaphore_mem>>)
      %dma_wait3A_1200 = arith.constant 2 : i32
      %dma_wait3A_1201 = arith.constant 0 : i32
      %dma_wait3A_1202 = arith.constant 0 : i32
      %dma_wait3A_1203 = tpu.memref_slice %arg21[%dma_wait3A_1201, %dma_wait3A_1202] : memref<80x768xf32, #tpu.memory_space<vmem>> -> memref<64x768xf32, #tpu.memory_space<vmem>>
      %dma_wait3A_1204 = arith.constant 0 : i32
      %dma_wait3A_1205 = tpu.memref_slice %arg19[%dma_wait3A_1200, %dma_wait3A_1204] : memref<3x64xi32, #tpu.memory_space<vmem>> -> memref<1x64xi32, #tpu.memory_space<vmem>>
      %dma_wait3A_1206 = tpu.memref_squeeze %dma_wait3A_1205 : memref<1x64xi32, #tpu.memory_space<vmem>> -> memref<64xi32, #tpu.memory_space<vmem>>
      %dma_wait3A_1207 = arith.constant 0 : i32
      %dma_wait3A_1208 = arith.constant 0 : i32
      %dma_wait3A_1209 = tpu.memref_slice %arg14[%dma_wait3A_1207, %dma_wait3A_1208] : memref<5120x768xf32, #tpu.memory_space<hbm>> -> memref<5120x768xf32, #tpu.memory_space<hbm>>
      tpu.wait_indirect_dma semaphore(%arg27 : memref<!tpu.dma_semaphore, #tpu.memory_space<semaphore_mem>>) src(%dma_wait3A_1203 : memref<64x768xf32, #tpu.memory_space<vmem>>) dst(%dma_wait3A_1209 : memref<5120x768xf32, #tpu.memory_space<hbm>>)
    } else {
    }
    return
  }
}

module attributes {stable_mosaic.version = 14 : i64} {
  func.func @_lnqkv_body(%arg0: i32, %arg1: memref<128x768xf32, #tpu.memory_space<vmem>>, %arg2: memref<1x768xf32, #tpu.memory_space<vmem>>, %arg3: memref<1x768xf32, #tpu.memory_space<vmem>>, %arg4: memref<768x768xbf16, #tpu.memory_space<vmem>>, %arg5: memref<1x768xf32, #tpu.memory_space<vmem>>, %arg6: memref<768x768xbf16, #tpu.memory_space<vmem>>, %arg7: memref<1x768xf32, #tpu.memory_space<vmem>>, %arg8: memref<768x768xbf16, #tpu.memory_space<vmem>>, %arg9: memref<1x768xf32, #tpu.memory_space<vmem>>, %arg10: memref<128x768xf32, #tpu.memory_space<vmem>>, %arg11: memref<128x768xf32, #tpu.memory_space<vmem>>, %arg12: memref<128x768xf32, #tpu.memory_space<vmem>>, %arg13: memref<128x768xf32, #tpu.memory_space<vmem>>) attributes {dimension_semantics = [#tpu.dimension_semantics<arbitrary>], iteration_bounds = array<i64: 19>, scalar_prefetch = 0 : i64, scratch_operands = 0 : i64, tpu.core_type = #tpu.core_type<tc>, window_params = [{transform_indices = @transform_0, window_bounds = array<i64: 128, 768>}, {pipeline_mode = #tpu.pipeline_mode<synchronous>, transform_indices = @transform_1, window_bounds = array<i64: 1, 768>}, {pipeline_mode = #tpu.pipeline_mode<synchronous>, transform_indices = @transform_2, window_bounds = array<i64: 1, 768>}, {pipeline_mode = #tpu.pipeline_mode<synchronous>, transform_indices = @transform_3, window_bounds = array<i64: 768, 768>}, {pipeline_mode = #tpu.pipeline_mode<synchronous>, transform_indices = @transform_4, window_bounds = array<i64: 1, 768>}, {pipeline_mode = #tpu.pipeline_mode<synchronous>, transform_indices = @transform_5, window_bounds = array<i64: 768, 768>}, {pipeline_mode = #tpu.pipeline_mode<synchronous>, transform_indices = @transform_6, window_bounds = array<i64: 1, 768>}, {pipeline_mode = #tpu.pipeline_mode<synchronous>, transform_indices = @transform_7, window_bounds = array<i64: 768, 768>}, {pipeline_mode = #tpu.pipeline_mode<synchronous>, transform_indices = @transform_8, window_bounds = array<i64: 1, 768>}, {transform_indices = @transform_9, window_bounds = array<i64: 128, 768>}, {transform_indices = @transform_10, window_bounds = array<i64: 128, 768>}, {transform_indices = @transform_11, window_bounds = array<i64: 128, 768>}, {transform_indices = @transform_12, window_bounds = array<i64: 128, 768>}]} {
    %get3A = arith.constant 0 : index
    %get3A_0 = arith.constant 0 : index
    %get3A_1 = vector.load %arg1[%get3A, %get3A_0] : memref<128x768xf32, #tpu.memory_space<vmem>>, vector<128x768xf32>
    %reduce_sum3A = arith.constant dense<0.000000e+00> : vector<128xf32>
    %reduce_sum3A_2 = vector.multi_reduction <add>, %get3A_1, %reduce_sum3A [1] : vector<128x768xf32> to vector<128xf32>
    %broadcast_in_dim3A = vector.shape_cast %reduce_sum3A_2 : vector<128xf32> to vector<128x1xf32>
    %div3A = arith.constant 7.680000e+02 : f32
    %div3A_3 = vector.broadcast %div3A : f32 to vector<128x1xf32>
    %div3A_4 = arith.divf %broadcast_in_dim3A, %div3A_3 : vector<128x1xf32>
    %sub3A = vector.broadcast %div3A_4 : vector<128x1xf32> to vector<128x768xf32>
    %sub3A_5 = arith.subf %get3A_1, %sub3A : vector<128x768xf32>
    %mul3A = arith.mulf %sub3A_5, %sub3A_5 : vector<128x768xf32>
    %reduce_sum3A_6 = arith.constant dense<0.000000e+00> : vector<128xf32>
    %reduce_sum3A_7 = vector.multi_reduction <add>, %mul3A, %reduce_sum3A_6 [1] : vector<128x768xf32> to vector<128xf32>
    %broadcast_in_dim3A_8 = vector.shape_cast %reduce_sum3A_7 : vector<128xf32> to vector<128x1xf32>
    %div3A_9 = arith.constant 7.680000e+02 : f32
    %div3A_10 = vector.broadcast %div3A_9 : f32 to vector<128x1xf32>
    %div3A_11 = arith.divf %broadcast_in_dim3A_8, %div3A_10 : vector<128x1xf32>
    %add3A = arith.constant 9.99999974E-6 : f32
    %add3A_12 = vector.broadcast %add3A : f32 to vector<128x1xf32>
    %add3A_13 = arith.addf %div3A_11, %add3A_12 : vector<128x1xf32>
    %rsqrt3A = math.rsqrt %add3A_13 : vector<128x1xf32>
    %mul3A_14 = vector.broadcast %rsqrt3A : vector<128x1xf32> to vector<128x768xf32>
    %mul3A_15 = arith.mulf %sub3A_5, %mul3A_14 : vector<128x768xf32>
    %get3A_16 = arith.constant 0 : index
    %get3A_17 = arith.constant 0 : index
    %get3A_18 = vector.load %arg2[%get3A_16, %get3A_17] : memref<1x768xf32, #tpu.memory_space<vmem>>, vector<1x768xf32>
    %mul3A_19 = vector.broadcast %get3A_18 : vector<1x768xf32> to vector<128x768xf32>
    %mul3A_20 = arith.mulf %mul3A_15, %mul3A_19 : vector<128x768xf32>
    %get3A_21 = arith.constant 0 : index
    %get3A_22 = arith.constant 0 : index
    %get3A_23 = vector.load %arg3[%get3A_21, %get3A_22] : memref<1x768xf32, #tpu.memory_space<vmem>>, vector<1x768xf32>
    %add3A_24 = vector.broadcast %get3A_23 : vector<1x768xf32> to vector<128x768xf32>
    %add3A_25 = arith.addf %mul3A_20, %add3A_24 : vector<128x768xf32>
    %convert_element_type3A = arith.truncf %add3A_25 : vector<128x768xf32> to vector<128x768xbf16>
    %get3A_26 = arith.constant 0 : index
    %get3A_27 = arith.constant 0 : index
    %get3A_28 = vector.load %arg4[%get3A_26, %get3A_27] : memref<768x768xbf16, #tpu.memory_space<vmem>>, vector<768x768xbf16>
    %dot_general3A = arith.constant dense<0.000000e+00> : vector<128x768xf32>
    %dot_general3A_29 = tpu.matmul %convert_element_type3A, %get3A_28, %dot_general3A {dimension_numbers = #tpu.dot_dimension_numbers<[1], [0], [0], [1], [0, 0, 1, 1], [], []>, transpose_lhs_hint = false} : vector<128x768xbf16>, vector<768x768xbf16>, vector<128x768xf32> -> vector<128x768xf32>
    %get3A_30 = arith.constant 0 : index
    %get3A_31 = arith.constant 0 : index
    %get3A_32 = vector.load %arg5[%get3A_30, %get3A_31] : memref<1x768xf32, #tpu.memory_space<vmem>>, vector<1x768xf32>
    %add3A_33 = vector.broadcast %get3A_32 : vector<1x768xf32> to vector<128x768xf32>
    %add3A_34 = arith.addf %dot_general3A_29, %add3A_33 : vector<128x768xf32>
    %swap3A = arith.constant 0 : index
    %swap3A_35 = arith.constant 0 : index
    %swap3A_36 = vector.load %arg10[%swap3A, %swap3A_35] : memref<128x768xf32, #tpu.memory_space<vmem>>, vector<128x768xf32>
    tpu.vector_store %arg10[%swap3A, %swap3A_35], %add3A_34 {strides = array<i32>} : memref<128x768xf32, #tpu.memory_space<vmem>>, vector<128x768xf32>,
    %get3A_37 = arith.constant 0 : index
    %get3A_38 = arith.constant 0 : index
    %get3A_39 = vector.load %arg6[%get3A_37, %get3A_38] : memref<768x768xbf16, #tpu.memory_space<vmem>>, vector<768x768xbf16>
    %dot_general3A_40 = arith.constant dense<0.000000e+00> : vector<128x768xf32>
    %dot_general3A_41 = tpu.matmul %convert_element_type3A, %get3A_39, %dot_general3A_40 {dimension_numbers = #tpu.dot_dimension_numbers<[1], [0], [0], [1], [0, 0, 1, 1], [], []>, transpose_lhs_hint = false} : vector<128x768xbf16>, vector<768x768xbf16>, vector<128x768xf32> -> vector<128x768xf32>
    %get3A_42 = arith.constant 0 : index
    %get3A_43 = arith.constant 0 : index
    %get3A_44 = vector.load %arg7[%get3A_42, %get3A_43] : memref<1x768xf32, #tpu.memory_space<vmem>>, vector<1x768xf32>
    %add3A_45 = vector.broadcast %get3A_44 : vector<1x768xf32> to vector<128x768xf32>
    %add3A_46 = arith.addf %dot_general3A_41, %add3A_45 : vector<128x768xf32>
    %swap3A_47 = arith.constant 0 : index
    %swap3A_48 = arith.constant 0 : index
    %swap3A_49 = vector.load %arg11[%swap3A_47, %swap3A_48] : memref<128x768xf32, #tpu.memory_space<vmem>>, vector<128x768xf32>
    tpu.vector_store %arg11[%swap3A_47, %swap3A_48], %add3A_46 {strides = array<i32>} : memref<128x768xf32, #tpu.memory_space<vmem>>, vector<128x768xf32>,
    %get3A_50 = arith.constant 0 : index
    %get3A_51 = arith.constant 0 : index
    %get3A_52 = vector.load %arg8[%get3A_50, %get3A_51] : memref<768x768xbf16, #tpu.memory_space<vmem>>, vector<768x768xbf16>
    %dot_general3A_53 = arith.constant dense<0.000000e+00> : vector<128x768xf32>
    %dot_general3A_54 = tpu.matmul %convert_element_type3A, %get3A_52, %dot_general3A_53 {dimension_numbers = #tpu.dot_dimension_numbers<[1], [0], [0], [1], [0, 0, 1, 1], [], []>, transpose_lhs_hint = false} : vector<128x768xbf16>, vector<768x768xbf16>, vector<128x768xf32> -> vector<128x768xf32>
    %get3A_55 = arith.constant 0 : index
    %get3A_56 = arith.constant 0 : index
    %get3A_57 = vector.load %arg9[%get3A_55, %get3A_56] : memref<1x768xf32, #tpu.memory_space<vmem>>, vector<1x768xf32>
    %add3A_58 = vector.broadcast %get3A_57 : vector<1x768xf32> to vector<128x768xf32>
    %add3A_59 = arith.addf %dot_general3A_54, %add3A_58 : vector<128x768xf32>
    %swap3A_60 = arith.constant 0 : index
    %swap3A_61 = arith.constant 0 : index
    %swap3A_62 = vector.load %arg12[%swap3A_60, %swap3A_61] : memref<128x768xf32, #tpu.memory_space<vmem>>, vector<128x768xf32>
    tpu.vector_store %arg12[%swap3A_60, %swap3A_61], %add3A_59 {strides = array<i32>} : memref<128x768xf32, #tpu.memory_space<vmem>>, vector<128x768xf32>,
    %swap3A_63 = arith.constant 0 : index
    %swap3A_64 = arith.constant 0 : index
    %swap3A_65 = vector.load %arg13[%swap3A_63, %swap3A_64] : memref<128x768xf32, #tpu.memory_space<vmem>>, vector<128x768xf32>
    tpu.vector_store %arg13[%swap3A_63, %swap3A_64], %get3A_1 {strides = array<i32>} : memref<128x768xf32, #tpu.memory_space<vmem>>, vector<128x768xf32>,
    return
  }
  func.func @transform_0(%arg0: i32) -> (i32, i32) {
    %c0_i32 = arith.constant 0 : i32
    %c0_i32_0 = arith.constant 0 : i32
    return %arg0, %c0_i32 : i32, i32
  }
  func.func @transform_1(%arg0: i32) -> (i32, i32) {
    %c0_i32 = arith.constant 0 : i32
    %c0_i32_0 = arith.constant 0 : i32
    %c0_i32_1 = arith.constant 0 : i32
    return %c0_i32, %c0_i32_0 : i32, i32
  }
  func.func @transform_2(%arg0: i32) -> (i32, i32) {
    %c0_i32 = arith.constant 0 : i32
    %c0_i32_0 = arith.constant 0 : i32
    %c0_i32_1 = arith.constant 0 : i32
    return %c0_i32, %c0_i32_0 : i32, i32
  }
  func.func @transform_3(%arg0: i32) -> (i32, i32) {
    %c0_i32 = arith.constant 0 : i32
    %c0_i32_0 = arith.constant 0 : i32
    %c0_i32_1 = arith.constant 0 : i32
    return %c0_i32, %c0_i32_0 : i32, i32
  }
  func.func @transform_4(%arg0: i32) -> (i32, i32) {
    %c0_i32 = arith.constant 0 : i32
    %c0_i32_0 = arith.constant 0 : i32
    %c0_i32_1 = arith.constant 0 : i32
    return %c0_i32, %c0_i32_0 : i32, i32
  }
  func.func @transform_5(%arg0: i32) -> (i32, i32) {
    %c0_i32 = arith.constant 0 : i32
    %c0_i32_0 = arith.constant 0 : i32
    %c0_i32_1 = arith.constant 0 : i32
    return %c0_i32, %c0_i32_0 : i32, i32
  }
  func.func @transform_6(%arg0: i32) -> (i32, i32) {
    %c0_i32 = arith.constant 0 : i32
    %c0_i32_0 = arith.constant 0 : i32
    %c0_i32_1 = arith.constant 0 : i32
    return %c0_i32, %c0_i32_0 : i32, i32
  }
  func.func @transform_7(%arg0: i32) -> (i32, i32) {
    %c0_i32 = arith.constant 0 : i32
    %c0_i32_0 = arith.constant 0 : i32
    %c0_i32_1 = arith.constant 0 : i32
    return %c0_i32, %c0_i32_0 : i32, i32
  }
  func.func @transform_8(%arg0: i32) -> (i32, i32) {
    %c0_i32 = arith.constant 0 : i32
    %c0_i32_0 = arith.constant 0 : i32
    %c0_i32_1 = arith.constant 0 : i32
    return %c0_i32, %c0_i32_0 : i32, i32
  }
  func.func @transform_9(%arg0: i32) -> (i32, i32) {
    %c0_i32 = arith.constant 0 : i32
    %c0_i32_0 = arith.constant 0 : i32
    return %arg0, %c0_i32 : i32, i32
  }
  func.func @transform_10(%arg0: i32) -> (i32, i32) {
    %c0_i32 = arith.constant 0 : i32
    %c0_i32_0 = arith.constant 0 : i32
    return %arg0, %c0_i32 : i32, i32
  }
  func.func @transform_11(%arg0: i32) -> (i32, i32) {
    %c0_i32 = arith.constant 0 : i32
    %c0_i32_0 = arith.constant 0 : i32
    return %arg0, %c0_i32 : i32, i32
  }
  func.func @transform_12(%arg0: i32) -> (i32, i32) {
    %c0_i32 = arith.constant 0 : i32
    %c0_i32_0 = arith.constant 0 : i32
    return %arg0, %c0_i32 : i32, i32
  }
}

module attributes {stable_mosaic.version = 14 : i64} {
  func.func @_attn_body(%arg0: i32, %arg1: memref<640x768xf32, #tpu.memory_space<vmem>>, %arg2: memref<640x768xf32, #tpu.memory_space<vmem>>, %arg3: memref<640x768xf32, #tpu.memory_space<vmem>>, %arg4: memref<640x768xf32, #tpu.memory_space<vmem>>, %arg5: memref<768x768xbf16, #tpu.memory_space<vmem>>, %arg6: memref<1x768xf32, #tpu.memory_space<vmem>>, %arg7: memref<1x577x768xf32, #tpu.memory_space<vmem>>) attributes {dimension_semantics = [#tpu.dimension_semantics<arbitrary>], iteration_bounds = array<i64: 8>, scalar_prefetch = 0 : i64, scratch_operands = 0 : i64, tpu.core_type = #tpu.core_type<tc>, window_params = [{transform_indices = @transform_0, window_bounds = array<i64: 640, 768>}, {transform_indices = @transform_1, window_bounds = array<i64: 640, 768>}, {transform_indices = @transform_2, window_bounds = array<i64: 640, 768>}, {transform_indices = @transform_3, window_bounds = array<i64: 640, 768>}, {pipeline_mode = #tpu.pipeline_mode<synchronous>, transform_indices = @transform_4, window_bounds = array<i64: 768, 768>}, {pipeline_mode = #tpu.pipeline_mode<synchronous>, transform_indices = @transform_5, window_bounds = array<i64: 1, 768>}, {transform_indices = @transform_6, window_bounds = array<i64: 1, 577, 768>}]} {
    %get3A = arith.constant 0 : index
    %get3A_0 = arith.constant 0 : index
    %get3A_1 = vector.load %arg1[%get3A, %get3A_0] : memref<640x768xf32, #tpu.memory_space<vmem>>, vector<577x768xf32>
    %mul3A = arith.constant 1.250000e-01 : f32
    %mul3A_2 = vector.broadcast %mul3A : f32 to vector<577x768xf32>
    %mul3A_3 = arith.mulf %get3A_1, %mul3A_2 : vector<577x768xf32>
    %convert_element_type3A = arith.truncf %mul3A_3 : vector<577x768xf32> to vector<577x768xbf16>
    %iota3A = tpu.iota {dimensions = array<i32: 0>} : vector<640x1xi32>
    %lt3A = arith.constant 577 : i32
    %lt3A_4 = vector.broadcast %lt3A : i32 to vector<640x1xi32>
    %lt3A_5 = arith.cmpi slt, %iota3A, %lt3A_4 : vector<640x1xi32>
    %get3A_6 = arith.constant 0 : index
    %get3A_7 = arith.constant 0 : index
    %get3A_8 = vector.load %arg2[%get3A_6, %get3A_7] : memref<640x768xf32, #tpu.memory_space<vmem>>, vector<640x768xf32>
    %jit3A = arith.constant 0.000000e+00 : f32
    %broadcast_in_dim3A = vector.shape_cast %lt3A_5 : vector<640x1xi1> to vector<640x1xi1>
    %broadcast_in_dim3A_9 = vector.broadcast %broadcast_in_dim3A : vector<640x1xi1> to vector<640x768xi1>
    %broadcast_in_dim3A_10 = vector.broadcast %jit3A : f32 to vector<640x768xf32>
    %select_n3A = arith.select %broadcast_in_dim3A_9, %get3A_8, %broadcast_in_dim3A_10 : vector<640x768xi1>, vector<640x768xf32>
    %convert_element_type3A_11 = arith.truncf %select_n3A : vector<640x768xf32> to vector<640x768xbf16>
    %get3A_12 = arith.constant 0 : index
    %get3A_13 = arith.constant 0 : index
    %get3A_14 = vector.load %arg3[%get3A_12, %get3A_13] : memref<640x768xf32, #tpu.memory_space<vmem>>, vector<640x768xf32>
    %jit3A_15 = arith.constant 0.000000e+00 : f32
    %broadcast_in_dim3A_16 = vector.shape_cast %lt3A_5 : vector<640x1xi1> to vector<640x1xi1>
    %broadcast_in_dim3A_17 = vector.broadcast %broadcast_in_dim3A_16 : vector<640x1xi1> to vector<640x768xi1>
    %broadcast_in_dim3A_18 = vector.broadcast %jit3A_15 : f32 to vector<640x768xf32>
    %select_n3A_19 = arith.select %broadcast_in_dim3A_17, %get3A_14, %broadcast_in_dim3A_18 : vector<640x768xi1>, vector<640x768xf32>
    %convert_element_type3A_20 = arith.truncf %select_n3A_19 : vector<640x768xf32> to vector<640x768xbf16>
    %slice3A = vector.extract_strided_slice %convert_element_type3A {offsets = [0, 0], sizes = [577, 64], strides = [1, 1]} : vector<577x768xbf16> to vector<577x64xbf16>
    %slice3A_21 = vector.extract_strided_slice %convert_element_type3A_11 {offsets = [0, 0], sizes = [640, 64], strides = [1, 1]} : vector<640x768xbf16> to vector<640x64xbf16>
    %dot_general3A = arith.constant dense<0.000000e+00> : vector<577x640xf32>
    %dot_general3A_22 = tpu.matmul %slice3A, %slice3A_21, %dot_general3A {dimension_numbers = #tpu.dot_dimension_numbers<[1], [1], [0], [0], [0, 0, 1, 0], [], []>, transpose_lhs_hint = false} : vector<577x64xbf16>, vector<640x64xbf16>, vector<577x640xf32> -> vector<577x640xf32>
    %exp3A = math.exp %dot_general3A_22 : vector<577x640xf32>
    %convert_element_type3A_23 = arith.truncf %exp3A : vector<577x640xf32> to vector<577x640xbf16>
    %slice3A_24 = vector.extract_strided_slice %convert_element_type3A_20 {offsets = [0, 0], sizes = [640, 64], strides = [1, 1]} : vector<640x768xbf16> to vector<640x64xbf16>
    %dot_general3A_25 = arith.constant dense<0.000000e+00> : vector<577x64xf32>
    %dot_general3A_26 = tpu.matmul %convert_element_type3A_23, %slice3A_24, %dot_general3A_25 {dimension_numbers = #tpu.dot_dimension_numbers<[1], [0], [0], [1], [0, 0, 1, 1], [], []>, transpose_lhs_hint = false} : vector<577x640xbf16>, vector<640x64xbf16>, vector<577x64xf32> -> vector<577x64xf32>
    %reduce_sum3A = arith.constant dense<0.000000e+00> : vector<577xf32>
    %reduce_sum3A_27 = vector.multi_reduction <add>, %exp3A, %reduce_sum3A [1] : vector<577x640xf32> to vector<577xf32>
    %broadcast_in_dim3A_28 = vector.shape_cast %reduce_sum3A_27 : vector<577xf32> to vector<577x1xf32>
    %sub3A = arith.constant 6.300000e+01 : f32
    %sub3A_29 = vector.broadcast %sub3A : f32 to vector<577x1xf32>
    %sub3A_30 = arith.subf %broadcast_in_dim3A_28, %sub3A_29 : vector<577x1xf32>
    %div3A = vector.broadcast %sub3A_30 : vector<577x1xf32> to vector<577x64xf32>
    %div3A_31 = arith.divf %dot_general3A_26, %div3A : vector<577x64xf32>
    %slice3A_32 = vector.extract_strided_slice %convert_element_type3A {offsets = [0, 64], sizes = [577, 64], strides = [1, 1]} : vector<577x768xbf16> to vector<577x64xbf16>
    %slice3A_33 = vector.extract_strided_slice %convert_element_type3A_11 {offsets = [0, 64], sizes = [640, 64], strides = [1, 1]} : vector<640x768xbf16> to vector<640x64xbf16>
    %dot_general3A_34 = arith.constant dense<0.000000e+00> : vector<577x640xf32>
    %dot_general3A_35 = tpu.matmul %slice3A_32, %slice3A_33, %dot_general3A_34 {dimension_numbers = #tpu.dot_dimension_numbers<[1], [1], [0], [0], [0, 0, 1, 0], [], []>, transpose_lhs_hint = false} : vector<577x64xbf16>, vector<640x64xbf16>, vector<577x640xf32> -> vector<577x640xf32>
    %exp3A_36 = math.exp %dot_general3A_35 : vector<577x640xf32>
    %convert_element_type3A_37 = arith.truncf %exp3A_36 : vector<577x640xf32> to vector<577x640xbf16>
    %slice3A_38 = vector.extract_strided_slice %convert_element_type3A_20 {offsets = [0, 64], sizes = [640, 64], strides = [1, 1]} : vector<640x768xbf16> to vector<640x64xbf16>
    %dot_general3A_39 = arith.constant dense<0.000000e+00> : vector<577x64xf32>
    %dot_general3A_40 = tpu.matmul %convert_element_type3A_37, %slice3A_38, %dot_general3A_39 {dimension_numbers = #tpu.dot_dimension_numbers<[1], [0], [0], [1], [0, 0, 1, 1], [], []>, transpose_lhs_hint = false} : vector<577x640xbf16>, vector<640x64xbf16>, vector<577x64xf32> -> vector<577x64xf32>
    %reduce_sum3A_41 = arith.constant dense<0.000000e+00> : vector<577xf32>
    %reduce_sum3A_42 = vector.multi_reduction <add>, %exp3A_36, %reduce_sum3A_41 [1] : vector<577x640xf32> to vector<577xf32>
    %broadcast_in_dim3A_43 = vector.shape_cast %reduce_sum3A_42 : vector<577xf32> to vector<577x1xf32>
    %sub3A_44 = arith.constant 6.300000e+01 : f32
    %sub3A_45 = vector.broadcast %sub3A_44 : f32 to vector<577x1xf32>
    %sub3A_46 = arith.subf %broadcast_in_dim3A_43, %sub3A_45 : vector<577x1xf32>
    %div3A_47 = vector.broadcast %sub3A_46 : vector<577x1xf32> to vector<577x64xf32>
    %div3A_48 = arith.divf %dot_general3A_40, %div3A_47 : vector<577x64xf32>
    %slice3A_49 = vector.extract_strided_slice %convert_element_type3A {offsets = [0, 128], sizes = [577, 64], strides = [1, 1]} : vector<577x768xbf16> to vector<577x64xbf16>
    %slice3A_50 = vector.extract_strided_slice %convert_element_type3A_11 {offsets = [0, 128], sizes = [640, 64], strides = [1, 1]} : vector<640x768xbf16> to vector<640x64xbf16>
    %dot_general3A_51 = arith.constant dense<0.000000e+00> : vector<577x640xf32>
    %dot_general3A_52 = tpu.matmul %slice3A_49, %slice3A_50, %dot_general3A_51 {dimension_numbers = #tpu.dot_dimension_numbers<[1], [1], [0], [0], [0, 0, 1, 0], [], []>, transpose_lhs_hint = false} : vector<577x64xbf16>, vector<640x64xbf16>, vector<577x640xf32> -> vector<577x640xf32>
    %exp3A_53 = math.exp %dot_general3A_52 : vector<577x640xf32>
    %convert_element_type3A_54 = arith.truncf %exp3A_53 : vector<577x640xf32> to vector<577x640xbf16>
    %slice3A_55 = vector.extract_strided_slice %convert_element_type3A_20 {offsets = [0, 128], sizes = [640, 64], strides = [1, 1]} : vector<640x768xbf16> to vector<640x64xbf16>
    %dot_general3A_56 = arith.constant dense<0.000000e+00> : vector<577x64xf32>
    %dot_general3A_57 = tpu.matmul %convert_element_type3A_54, %slice3A_55, %dot_general3A_56 {dimension_numbers = #tpu.dot_dimension_numbers<[1], [0], [0], [1], [0, 0, 1, 1], [], []>, transpose_lhs_hint = false} : vector<577x640xbf16>, vector<640x64xbf16>, vector<577x64xf32> -> vector<577x64xf32>
    %reduce_sum3A_58 = arith.constant dense<0.000000e+00> : vector<577xf32>
    %reduce_sum3A_59 = vector.multi_reduction <add>, %exp3A_53, %reduce_sum3A_58 [1] : vector<577x640xf32> to vector<577xf32>
    %broadcast_in_dim3A_60 = vector.shape_cast %reduce_sum3A_59 : vector<577xf32> to vector<577x1xf32>
    %sub3A_61 = arith.constant 6.300000e+01 : f32
    %sub3A_62 = vector.broadcast %sub3A_61 : f32 to vector<577x1xf32>
    %sub3A_63 = arith.subf %broadcast_in_dim3A_60, %sub3A_62 : vector<577x1xf32>
    %div3A_64 = vector.broadcast %sub3A_63 : vector<577x1xf32> to vector<577x64xf32>
    %div3A_65 = arith.divf %dot_general3A_57, %div3A_64 : vector<577x64xf32>
    %slice3A_66 = vector.extract_strided_slice %convert_element_type3A {offsets = [0, 192], sizes = [577, 64], strides = [1, 1]} : vector<577x768xbf16> to vector<577x64xbf16>
    %slice3A_67 = vector.extract_strided_slice %convert_element_type3A_11 {offsets = [0, 192], sizes = [640, 64], strides = [1, 1]} : vector<640x768xbf16> to vector<640x64xbf16>
    %dot_general3A_68 = arith.constant dense<0.000000e+00> : vector<577x640xf32>
    %dot_general3A_69 = tpu.matmul %slice3A_66, %slice3A_67, %dot_general3A_68 {dimension_numbers = #tpu.dot_dimension_numbers<[1], [1], [0], [0], [0, 0, 1, 0], [], []>, transpose_lhs_hint = false} : vector<577x64xbf16>, vector<640x64xbf16>, vector<577x640xf32> -> vector<577x640xf32>
    %exp3A_70 = math.exp %dot_general3A_69 : vector<577x640xf32>
    %convert_element_type3A_71 = arith.truncf %exp3A_70 : vector<577x640xf32> to vector<577x640xbf16>
    %slice3A_72 = vector.extract_strided_slice %convert_element_type3A_20 {offsets = [0, 192], sizes = [640, 64], strides = [1, 1]} : vector<640x768xbf16> to vector<640x64xbf16>
    %dot_general3A_73 = arith.constant dense<0.000000e+00> : vector<577x64xf32>
    %dot_general3A_74 = tpu.matmul %convert_element_type3A_71, %slice3A_72, %dot_general3A_73 {dimension_numbers = #tpu.dot_dimension_numbers<[1], [0], [0], [1], [0, 0, 1, 1], [], []>, transpose_lhs_hint = false} : vector<577x640xbf16>, vector<640x64xbf16>, vector<577x64xf32> -> vector<577x64xf32>
    %reduce_sum3A_75 = arith.constant dense<0.000000e+00> : vector<577xf32>
    %reduce_sum3A_76 = vector.multi_reduction <add>, %exp3A_70, %reduce_sum3A_75 [1] : vector<577x640xf32> to vector<577xf32>
    %broadcast_in_dim3A_77 = vector.shape_cast %reduce_sum3A_76 : vector<577xf32> to vector<577x1xf32>
    %sub3A_78 = arith.constant 6.300000e+01 : f32
    %sub3A_79 = vector.broadcast %sub3A_78 : f32 to vector<577x1xf32>
    %sub3A_80 = arith.subf %broadcast_in_dim3A_77, %sub3A_79 : vector<577x1xf32>
    %div3A_81 = vector.broadcast %sub3A_80 : vector<577x1xf32> to vector<577x64xf32>
    %div3A_82 = arith.divf %dot_general3A_74, %div3A_81 : vector<577x64xf32>
    %slice3A_83 = vector.extract_strided_slice %convert_element_type3A {offsets = [0, 256], sizes = [577, 64], strides = [1, 1]} : vector<577x768xbf16> to vector<577x64xbf16>
    %slice3A_84 = vector.extract_strided_slice %convert_element_type3A_11 {offsets = [0, 256], sizes = [640, 64], strides = [1, 1]} : vector<640x768xbf16> to vector<640x64xbf16>
    %dot_general3A_85 = arith.constant dense<0.000000e+00> : vector<577x640xf32>
    %dot_general3A_86 = tpu.matmul %slice3A_83, %slice3A_84, %dot_general3A_85 {dimension_numbers = #tpu.dot_dimension_numbers<[1], [1], [0], [0], [0, 0, 1, 0], [], []>, transpose_lhs_hint = false} : vector<577x64xbf16>, vector<640x64xbf16>, vector<577x640xf32> -> vector<577x640xf32>
    %exp3A_87 = math.exp %dot_general3A_86 : vector<577x640xf32>
    %convert_element_type3A_88 = arith.truncf %exp3A_87 : vector<577x640xf32> to vector<577x640xbf16>
    %slice3A_89 = vector.extract_strided_slice %convert_element_type3A_20 {offsets = [0, 256], sizes = [640, 64], strides = [1, 1]} : vector<640x768xbf16> to vector<640x64xbf16>
    %dot_general3A_90 = arith.constant dense<0.000000e+00> : vector<577x64xf32>
    %dot_general3A_91 = tpu.matmul %convert_element_type3A_88, %slice3A_89, %dot_general3A_90 {dimension_numbers = #tpu.dot_dimension_numbers<[1], [0], [0], [1], [0, 0, 1, 1], [], []>, transpose_lhs_hint = false} : vector<577x640xbf16>, vector<640x64xbf16>, vector<577x64xf32> -> vector<577x64xf32>
    %reduce_sum3A_92 = arith.constant dense<0.000000e+00> : vector<577xf32>
    %reduce_sum3A_93 = vector.multi_reduction <add>, %exp3A_87, %reduce_sum3A_92 [1] : vector<577x640xf32> to vector<577xf32>
    %broadcast_in_dim3A_94 = vector.shape_cast %reduce_sum3A_93 : vector<577xf32> to vector<577x1xf32>
    %sub3A_95 = arith.constant 6.300000e+01 : f32
    %sub3A_96 = vector.broadcast %sub3A_95 : f32 to vector<577x1xf32>
    %sub3A_97 = arith.subf %broadcast_in_dim3A_94, %sub3A_96 : vector<577x1xf32>
    %div3A_98 = vector.broadcast %sub3A_97 : vector<577x1xf32> to vector<577x64xf32>
    %div3A_99 = arith.divf %dot_general3A_91, %div3A_98 : vector<577x64xf32>
    %slice3A_100 = vector.extract_strided_slice %convert_element_type3A {offsets = [0, 320], sizes = [577, 64], strides = [1, 1]} : vector<577x768xbf16> to vector<577x64xbf16>
    %slice3A_101 = vector.extract_strided_slice %convert_element_type3A_11 {offsets = [0, 320], sizes = [640, 64], strides = [1, 1]} : vector<640x768xbf16> to vector<640x64xbf16>
    %dot_general3A_102 = arith.constant dense<0.000000e+00> : vector<577x640xf32>
    %dot_general3A_103 = tpu.matmul %slice3A_100, %slice3A_101, %dot_general3A_102 {dimension_numbers = #tpu.dot_dimension_numbers<[1], [1], [0], [0], [0, 0, 1, 0], [], []>, transpose_lhs_hint = false} : vector<577x64xbf16>, vector<640x64xbf16>, vector<577x640xf32> -> vector<577x640xf32>
    %exp3A_104 = math.exp %dot_general3A_103 : vector<577x640xf32>
    %convert_element_type3A_105 = arith.truncf %exp3A_104 : vector<577x640xf32> to vector<577x640xbf16>
    %slice3A_106 = vector.extract_strided_slice %convert_element_type3A_20 {offsets = [0, 320], sizes = [640, 64], strides = [1, 1]} : vector<640x768xbf16> to vector<640x64xbf16>
    %dot_general3A_107 = arith.constant dense<0.000000e+00> : vector<577x64xf32>
    %dot_general3A_108 = tpu.matmul %convert_element_type3A_105, %slice3A_106, %dot_general3A_107 {dimension_numbers = #tpu.dot_dimension_numbers<[1], [0], [0], [1], [0, 0, 1, 1], [], []>, transpose_lhs_hint = false} : vector<577x640xbf16>, vector<640x64xbf16>, vector<577x64xf32> -> vector<577x64xf32>
    %reduce_sum3A_109 = arith.constant dense<0.000000e+00> : vector<577xf32>
    %reduce_sum3A_110 = vector.multi_reduction <add>, %exp3A_104, %reduce_sum3A_109 [1] : vector<577x640xf32> to vector<577xf32>
    %broadcast_in_dim3A_111 = vector.shape_cast %reduce_sum3A_110 : vector<577xf32> to vector<577x1xf32>
    %sub3A_112 = arith.constant 6.300000e+01 : f32
    %sub3A_113 = vector.broadcast %sub3A_112 : f32 to vector<577x1xf32>
    %sub3A_114 = arith.subf %broadcast_in_dim3A_111, %sub3A_113 : vector<577x1xf32>
    %div3A_115 = vector.broadcast %sub3A_114 : vector<577x1xf32> to vector<577x64xf32>
    %div3A_116 = arith.divf %dot_general3A_108, %div3A_115 : vector<577x64xf32>
    %slice3A_117 = vector.extract_strided_slice %convert_element_type3A {offsets = [0, 384], sizes = [577, 64], strides = [1, 1]} : vector<577x768xbf16> to vector<577x64xbf16>
    %slice3A_118 = vector.extract_strided_slice %convert_element_type3A_11 {offsets = [0, 384], sizes = [640, 64], strides = [1, 1]} : vector<640x768xbf16> to vector<640x64xbf16>
    %dot_general3A_119 = arith.constant dense<0.000000e+00> : vector<577x640xf32>
    %dot_general3A_120 = tpu.matmul %slice3A_117, %slice3A_118, %dot_general3A_119 {dimension_numbers = #tpu.dot_dimension_numbers<[1], [1], [0], [0], [0, 0, 1, 0], [], []>, transpose_lhs_hint = false} : vector<577x64xbf16>, vector<640x64xbf16>, vector<577x640xf32> -> vector<577x640xf32>
    %exp3A_121 = math.exp %dot_general3A_120 : vector<577x640xf32>
    %convert_element_type3A_122 = arith.truncf %exp3A_121 : vector<577x640xf32> to vector<577x640xbf16>
    %slice3A_123 = vector.extract_strided_slice %convert_element_type3A_20 {offsets = [0, 384], sizes = [640, 64], strides = [1, 1]} : vector<640x768xbf16> to vector<640x64xbf16>
    %dot_general3A_124 = arith.constant dense<0.000000e+00> : vector<577x64xf32>
    %dot_general3A_125 = tpu.matmul %convert_element_type3A_122, %slice3A_123, %dot_general3A_124 {dimension_numbers = #tpu.dot_dimension_numbers<[1], [0], [0], [1], [0, 0, 1, 1], [], []>, transpose_lhs_hint = false} : vector<577x640xbf16>, vector<640x64xbf16>, vector<577x64xf32> -> vector<577x64xf32>
    %reduce_sum3A_126 = arith.constant dense<0.000000e+00> : vector<577xf32>
    %reduce_sum3A_127 = vector.multi_reduction <add>, %exp3A_121, %reduce_sum3A_126 [1] : vector<577x640xf32> to vector<577xf32>
    %broadcast_in_dim3A_128 = vector.shape_cast %reduce_sum3A_127 : vector<577xf32> to vector<577x1xf32>
    %sub3A_129 = arith.constant 6.300000e+01 : f32
    %sub3A_130 = vector.broadcast %sub3A_129 : f32 to vector<577x1xf32>
    %sub3A_131 = arith.subf %broadcast_in_dim3A_128, %sub3A_130 : vector<577x1xf32>
    %div3A_132 = vector.broadcast %sub3A_131 : vector<577x1xf32> to vector<577x64xf32>
    %div3A_133 = arith.divf %dot_general3A_125, %div3A_132 : vector<577x64xf32>
    %slice3A_134 = vector.extract_strided_slice %convert_element_type3A {offsets = [0, 448], sizes = [577, 64], strides = [1, 1]} : vector<577x768xbf16> to vector<577x64xbf16>
    %slice3A_135 = vector.extract_strided_slice %convert_element_type3A_11 {offsets = [0, 448], sizes = [640, 64], strides = [1, 1]} : vector<640x768xbf16> to vector<640x64xbf16>
    %dot_general3A_136 = arith.constant dense<0.000000e+00> : vector<577x640xf32>
    %dot_general3A_137 = tpu.matmul %slice3A_134, %slice3A_135, %dot_general3A_136 {dimension_numbers = #tpu.dot_dimension_numbers<[1], [1], [0], [0], [0, 0, 1, 0], [], []>, transpose_lhs_hint = false} : vector<577x64xbf16>, vector<640x64xbf16>, vector<577x640xf32> -> vector<577x640xf32>
    %exp3A_138 = math.exp %dot_general3A_137 : vector<577x640xf32>
    %convert_element_type3A_139 = arith.truncf %exp3A_138 : vector<577x640xf32> to vector<577x640xbf16>
    %slice3A_140 = vector.extract_strided_slice %convert_element_type3A_20 {offsets = [0, 448], sizes = [640, 64], strides = [1, 1]} : vector<640x768xbf16> to vector<640x64xbf16>
    %dot_general3A_141 = arith.constant dense<0.000000e+00> : vector<577x64xf32>
    %dot_general3A_142 = tpu.matmul %convert_element_type3A_139, %slice3A_140, %dot_general3A_141 {dimension_numbers = #tpu.dot_dimension_numbers<[1], [0], [0], [1], [0, 0, 1, 1], [], []>, transpose_lhs_hint = false} : vector<577x640xbf16>, vector<640x64xbf16>, vector<577x64xf32> -> vector<577x64xf32>
    %reduce_sum3A_143 = arith.constant dense<0.000000e+00> : vector<577xf32>
    %reduce_sum3A_144 = vector.multi_reduction <add>, %exp3A_138, %reduce_sum3A_143 [1] : vector<577x640xf32> to vector<577xf32>
    %broadcast_in_dim3A_145 = vector.shape_cast %reduce_sum3A_144 : vector<577xf32> to vector<577x1xf32>
    %sub3A_146 = arith.constant 6.300000e+01 : f32
    %sub3A_147 = vector.broadcast %sub3A_146 : f32 to vector<577x1xf32>
    %sub3A_148 = arith.subf %broadcast_in_dim3A_145, %sub3A_147 : vector<577x1xf32>
    %div3A_149 = vector.broadcast %sub3A_148 : vector<577x1xf32> to vector<577x64xf32>
    %div3A_150 = arith.divf %dot_general3A_142, %div3A_149 : vector<577x64xf32>
    %slice3A_151 = vector.extract_strided_slice %convert_element_type3A {offsets = [0, 512], sizes = [577, 64], strides = [1, 1]} : vector<577x768xbf16> to vector<577x64xbf16>
    %slice3A_152 = vector.extract_strided_slice %convert_element_type3A_11 {offsets = [0, 512], sizes = [640, 64], strides = [1, 1]} : vector<640x768xbf16> to vector<640x64xbf16>
    %dot_general3A_153 = arith.constant dense<0.000000e+00> : vector<577x640xf32>
    %dot_general3A_154 = tpu.matmul %slice3A_151, %slice3A_152, %dot_general3A_153 {dimension_numbers = #tpu.dot_dimension_numbers<[1], [1], [0], [0], [0, 0, 1, 0], [], []>, transpose_lhs_hint = false} : vector<577x64xbf16>, vector<640x64xbf16>, vector<577x640xf32> -> vector<577x640xf32>
    %exp3A_155 = math.exp %dot_general3A_154 : vector<577x640xf32>
    %convert_element_type3A_156 = arith.truncf %exp3A_155 : vector<577x640xf32> to vector<577x640xbf16>
    %slice3A_157 = vector.extract_strided_slice %convert_element_type3A_20 {offsets = [0, 512], sizes = [640, 64], strides = [1, 1]} : vector<640x768xbf16> to vector<640x64xbf16>
    %dot_general3A_158 = arith.constant dense<0.000000e+00> : vector<577x64xf32>
    %dot_general3A_159 = tpu.matmul %convert_element_type3A_156, %slice3A_157, %dot_general3A_158 {dimension_numbers = #tpu.dot_dimension_numbers<[1], [0], [0], [1], [0, 0, 1, 1], [], []>, transpose_lhs_hint = false} : vector<577x640xbf16>, vector<640x64xbf16>, vector<577x64xf32> -> vector<577x64xf32>
    %reduce_sum3A_160 = arith.constant dense<0.000000e+00> : vector<577xf32>
    %reduce_sum3A_161 = vector.multi_reduction <add>, %exp3A_155, %reduce_sum3A_160 [1] : vector<577x640xf32> to vector<577xf32>
    %broadcast_in_dim3A_162 = vector.shape_cast %reduce_sum3A_161 : vector<577xf32> to vector<577x1xf32>
    %sub3A_163 = arith.constant 6.300000e+01 : f32
    %sub3A_164 = vector.broadcast %sub3A_163 : f32 to vector<577x1xf32>
    %sub3A_165 = arith.subf %broadcast_in_dim3A_162, %sub3A_164 : vector<577x1xf32>
    %div3A_166 = vector.broadcast %sub3A_165 : vector<577x1xf32> to vector<577x64xf32>
    %div3A_167 = arith.divf %dot_general3A_159, %div3A_166 : vector<577x64xf32>
    %slice3A_168 = vector.extract_strided_slice %convert_element_type3A {offsets = [0, 576], sizes = [577, 64], strides = [1, 1]} : vector<577x768xbf16> to vector<577x64xbf16>
    %slice3A_169 = vector.extract_strided_slice %convert_element_type3A_11 {offsets = [0, 576], sizes = [640, 64], strides = [1, 1]} : vector<640x768xbf16> to vector<640x64xbf16>
    %dot_general3A_170 = arith.constant dense<0.000000e+00> : vector<577x640xf32>
    %dot_general3A_171 = tpu.matmul %slice3A_168, %slice3A_169, %dot_general3A_170 {dimension_numbers = #tpu.dot_dimension_numbers<[1], [1], [0], [0], [0, 0, 1, 0], [], []>, transpose_lhs_hint = false} : vector<577x64xbf16>, vector<640x64xbf16>, vector<577x640xf32> -> vector<577x640xf32>
    %exp3A_172 = math.exp %dot_general3A_171 : vector<577x640xf32>
    %convert_element_type3A_173 = arith.truncf %exp3A_172 : vector<577x640xf32> to vector<577x640xbf16>
    %slice3A_174 = vector.extract_strided_slice %convert_element_type3A_20 {offsets = [0, 576], sizes = [640, 64], strides = [1, 1]} : vector<640x768xbf16> to vector<640x64xbf16>
    %dot_general3A_175 = arith.constant dense<0.000000e+00> : vector<577x64xf32>
    %dot_general3A_176 = tpu.matmul %convert_element_type3A_173, %slice3A_174, %dot_general3A_175 {dimension_numbers = #tpu.dot_dimension_numbers<[1], [0], [0], [1], [0, 0, 1, 1], [], []>, transpose_lhs_hint = false} : vector<577x640xbf16>, vector<640x64xbf16>, vector<577x64xf32> -> vector<577x64xf32>
    %reduce_sum3A_177 = arith.constant dense<0.000000e+00> : vector<577xf32>
    %reduce_sum3A_178 = vector.multi_reduction <add>, %exp3A_172, %reduce_sum3A_177 [1] : vector<577x640xf32> to vector<577xf32>
    %broadcast_in_dim3A_179 = vector.shape_cast %reduce_sum3A_178 : vector<577xf32> to vector<577x1xf32>
    %sub3A_180 = arith.constant 6.300000e+01 : f32
    %sub3A_181 = vector.broadcast %sub3A_180 : f32 to vector<577x1xf32>
    %sub3A_182 = arith.subf %broadcast_in_dim3A_179, %sub3A_181 : vector<577x1xf32>
    %div3A_183 = vector.broadcast %sub3A_182 : vector<577x1xf32> to vector<577x64xf32>
    %div3A_184 = arith.divf %dot_general3A_176, %div3A_183 : vector<577x64xf32>
    %slice3A_185 = vector.extract_strided_slice %convert_element_type3A {offsets = [0, 640], sizes = [577, 64], strides = [1, 1]} : vector<577x768xbf16> to vector<577x64xbf16>
    %slice3A_186 = vector.extract_strided_slice %convert_element_type3A_11 {offsets = [0, 640], sizes = [640, 64], strides = [1, 1]} : vector<640x768xbf16> to vector<640x64xbf16>
    %dot_general3A_187 = arith.constant dense<0.000000e+00> : vector<577x640xf32>
    %dot_general3A_188 = tpu.matmul %slice3A_185, %slice3A_186, %dot_general3A_187 {dimension_numbers = #tpu.dot_dimension_numbers<[1], [1], [0], [0], [0, 0, 1, 0], [], []>, transpose_lhs_hint = false} : vector<577x64xbf16>, vector<640x64xbf16>, vector<577x640xf32> -> vector<577x640xf32>
    %exp3A_189 = math.exp %dot_general3A_188 : vector<577x640xf32>
    %convert_element_type3A_190 = arith.truncf %exp3A_189 : vector<577x640xf32> to vector<577x640xbf16>
    %slice3A_191 = vector.extract_strided_slice %convert_element_type3A_20 {offsets = [0, 640], sizes = [640, 64], strides = [1, 1]} : vector<640x768xbf16> to vector<640x64xbf16>
    %dot_general3A_192 = arith.constant dense<0.000000e+00> : vector<577x64xf32>
    %dot_general3A_193 = tpu.matmul %convert_element_type3A_190, %slice3A_191, %dot_general3A_192 {dimension_numbers = #tpu.dot_dimension_numbers<[1], [0], [0], [1], [0, 0, 1, 1], [], []>, transpose_lhs_hint = false} : vector<577x640xbf16>, vector<640x64xbf16>, vector<577x64xf32> -> vector<577x64xf32>
    %reduce_sum3A_194 = arith.constant dense<0.000000e+00> : vector<577xf32>
    %reduce_sum3A_195 = vector.multi_reduction <add>, %exp3A_189, %reduce_sum3A_194 [1] : vector<577x640xf32> to vector<577xf32>
    %broadcast_in_dim3A_196 = vector.shape_cast %reduce_sum3A_195 : vector<577xf32> to vector<577x1xf32>
    %sub3A_197 = arith.constant 6.300000e+01 : f32
    %sub3A_198 = vector.broadcast %sub3A_197 : f32 to vector<577x1xf32>
    %sub3A_199 = arith.subf %broadcast_in_dim3A_196, %sub3A_198 : vector<577x1xf32>
    %div3A_200 = vector.broadcast %sub3A_199 : vector<577x1xf32> to vector<577x64xf32>
    %div3A_201 = arith.divf %dot_general3A_193, %div3A_200 : vector<577x64xf32>
    %slice3A_202 = vector.extract_strided_slice %convert_element_type3A {offsets = [0, 704], sizes = [577, 64], strides = [1, 1]} : vector<577x768xbf16> to vector<577x64xbf16>
    %slice3A_203 = vector.extract_strided_slice %convert_element_type3A_11 {offsets = [0, 704], sizes = [640, 64], strides = [1, 1]} : vector<640x768xbf16> to vector<640x64xbf16>
    %dot_general3A_204 = arith.constant dense<0.000000e+00> : vector<577x640xf32>
    %dot_general3A_205 = tpu.matmul %slice3A_202, %slice3A_203, %dot_general3A_204 {dimension_numbers = #tpu.dot_dimension_numbers<[1], [1], [0], [0], [0, 0, 1, 0], [], []>, transpose_lhs_hint = false} : vector<577x64xbf16>, vector<640x64xbf16>, vector<577x640xf32> -> vector<577x640xf32>
    %exp3A_206 = math.exp %dot_general3A_205 : vector<577x640xf32>
    %convert_element_type3A_207 = arith.truncf %exp3A_206 : vector<577x640xf32> to vector<577x640xbf16>
    %slice3A_208 = vector.extract_strided_slice %convert_element_type3A_20 {offsets = [0, 704], sizes = [640, 64], strides = [1, 1]} : vector<640x768xbf16> to vector<640x64xbf16>
    %dot_general3A_209 = arith.constant dense<0.000000e+00> : vector<577x64xf32>
    %dot_general3A_210 = tpu.matmul %convert_element_type3A_207, %slice3A_208, %dot_general3A_209 {dimension_numbers = #tpu.dot_dimension_numbers<[1], [0], [0], [1], [0, 0, 1, 1], [], []>, transpose_lhs_hint = false} : vector<577x640xbf16>, vector<640x64xbf16>, vector<577x64xf32> -> vector<577x64xf32>
    %reduce_sum3A_211 = arith.constant dense<0.000000e+00> : vector<577xf32>
    %reduce_sum3A_212 = vector.multi_reduction <add>, %exp3A_206, %reduce_sum3A_211 [1] : vector<577x640xf32> to vector<577xf32>
    %broadcast_in_dim3A_213 = vector.shape_cast %reduce_sum3A_212 : vector<577xf32> to vector<577x1xf32>
    %sub3A_214 = arith.constant 6.300000e+01 : f32
    %sub3A_215 = vector.broadcast %sub3A_214 : f32 to vector<577x1xf32>
    %sub3A_216 = arith.subf %broadcast_in_dim3A_213, %sub3A_215 : vector<577x1xf32>
    %div3A_217 = vector.broadcast %sub3A_216 : vector<577x1xf32> to vector<577x64xf32>
    %div3A_218 = arith.divf %dot_general3A_210, %div3A_217 : vector<577x64xf32>
    %concatenate3A = tpu.concatenate %div3A_31, %div3A_48, %div3A_65, %div3A_82, %div3A_99, %div3A_116, %div3A_133, %div3A_150, %div3A_167, %div3A_184, %div3A_201, %div3A_218 in 1 : vector<577x64xf32>, vector<577x64xf32>, vector<577x64xf32>, vector<577x64xf32>, vector<577x64xf32>, vector<577x64xf32>, vector<577x64xf32>, vector<577x64xf32>, vector<577x64xf32>, vector<577x64xf32>, vector<577x64xf32>, vector<577x64xf32> -> vector<577x768xf32>
    %convert_element_type3A_219 = arith.truncf %concatenate3A : vector<577x768xf32> to vector<577x768xbf16>
    %get3A_220 = arith.constant 0 : index
    %get3A_221 = arith.constant 0 : index
    %get3A_222 = vector.load %arg5[%get3A_220, %get3A_221] : memref<768x768xbf16, #tpu.memory_space<vmem>>, vector<768x768xbf16>
    %dot_general3A_223 = arith.constant dense<0.000000e+00> : vector<577x768xf32>
    %dot_general3A_224 = tpu.matmul %convert_element_type3A_219, %get3A_222, %dot_general3A_223 {dimension_numbers = #tpu.dot_dimension_numbers<[1], [0], [0], [1], [0, 0, 1, 1], [], []>, transpose_lhs_hint = false} : vector<577x768xbf16>, vector<768x768xbf16>, vector<577x768xf32> -> vector<577x768xf32>
    %get3A_225 = arith.constant 0 : index
    %get3A_226 = arith.constant 0 : index
    %get3A_227 = vector.load %arg6[%get3A_225, %get3A_226] : memref<1x768xf32, #tpu.memory_space<vmem>>, vector<1x768xf32>
    %add3A = vector.broadcast %get3A_227 : vector<1x768xf32> to vector<577x768xf32>
    %add3A_228 = arith.addf %dot_general3A_224, %add3A : vector<577x768xf32>
    %get3A_229 = arith.constant 0 : index
    %get3A_230 = arith.constant 0 : index
    %get3A_231 = vector.load %arg4[%get3A_229, %get3A_230] : memref<640x768xf32, #tpu.memory_space<vmem>>, vector<577x768xf32>
    %add3A_232 = arith.addf %add3A_228, %get3A_231 : vector<577x768xf32>
    %swap3A = arith.constant 0 : index
    %swap3A_233 = arith.constant 0 : index
    %swap3A_234 = arith.constant 0 : index
    %swap3A_235 = vector.load %arg7[%swap3A, %swap3A_233, %swap3A_234] : memref<1x577x768xf32, #tpu.memory_space<vmem>>, vector<1x577x768xf32>
    %swap3A_236 = vector.shape_cast %swap3A_235 : vector<1x577x768xf32> to vector<577x768xf32>
    %swap3A_237 = vector.shape_cast %add3A_232 : vector<577x768xf32> to vector<1x577x768xf32>
    tpu.vector_store %arg7[%swap3A, %swap3A_233, %swap3A_234], %swap3A_237 {strides = array<i32>} : memref<1x577x768xf32, #tpu.memory_space<vmem>>, vector<1x577x768xf32>,
    return
  }
  func.func @transform_0(%arg0: i32) -> (i32, i32) {
    %c0_i32 = arith.constant 0 : i32
    %c0_i32_0 = arith.constant 0 : i32
    return %arg0, %c0_i32 : i32, i32
  }
  func.func @transform_1(%arg0: i32) -> (i32, i32) {
    %c0_i32 = arith.constant 0 : i32
    %c0_i32_0 = arith.constant 0 : i32
    return %arg0, %c0_i32 : i32, i32
  }
  func.func @transform_2(%arg0: i32) -> (i32, i32) {
    %c0_i32 = arith.constant 0 : i32
    %c0_i32_0 = arith.constant 0 : i32
    return %arg0, %c0_i32 : i32, i32
  }
  func.func @transform_3(%arg0: i32) -> (i32, i32) {
    %c0_i32 = arith.constant 0 : i32
    %c0_i32_0 = arith.constant 0 : i32
    return %arg0, %c0_i32 : i32, i32
  }
  func.func @transform_4(%arg0: i32) -> (i32, i32) {
    %c0_i32 = arith.constant 0 : i32
    %c0_i32_0 = arith.constant 0 : i32
    %c0_i32_1 = arith.constant 0 : i32
    return %c0_i32, %c0_i32_0 : i32, i32
  }
  func.func @transform_5(%arg0: i32) -> (i32, i32) {
    %c0_i32 = arith.constant 0 : i32
    %c0_i32_0 = arith.constant 0 : i32
    %c0_i32_1 = arith.constant 0 : i32
    return %c0_i32, %c0_i32_0 : i32, i32
  }
  func.func @transform_6(%arg0: i32) -> (i32, i32, i32) {
    %c0_i32 = arith.constant 0 : i32
    %c0_i32_0 = arith.constant 0 : i32
    %c0_i32_1 = arith.constant 0 : i32
    return %arg0, %c0_i32, %c0_i32_0 : i32, i32, i32
  }
}

</mosaic_0001>

<sc_bundles>
// kernel: kernel.5.cloned.1.call-start
scs
__scs_entry_jumppad:
0x0: {  	(pc) =	sbr.rel $0x88, $3  }
0x1: {  	(tag) =	ssettag $0x0;
	lr =	simm.s32 $0x1  }
0x2: {  	[smem:$0x3F91] =	sst lr;
	_ =	strace $0xD0000000  }
0x3: {  	_ = 	snop  }
0x4: {  	_ = 	snop  }
0x5: {  	_ = 	snop  }
0x6: {  	_ = 	snop  }
0x7: {  	_ = 	snop  }
__scs_overlays_trampoline_lowered:
0x8: {  	[smem:$0x3FA0] =	sst s0  }
0x9: {  	[smem:$0x3FA1] =	sst s1  }
0xa: {  	[smem:$0x3FA2] =	sst s2  }
0xb: {  	[smem:$0x3FA3] =	sst s3  }
0xc: {  	[smem:$0x3FA4] =	sst s4  }
0xd: {  	[smem:$0x3FA5] =	sst s5  }
0xe: {  	[smem:$0x3FA6] =	sst s6  }
0xf: {  	[smem:$0x3FA7] =	sst s7  }
0x10: {  	[smem:$0x3FA8] =	sst s8  }
0x11: {  	[smem:$0x3FA9] =	sst s9;
	s0 =	simm.s32 @!p0 $0x0  }
0x12: {  	s1 =	sld [smem:$0x3F8F];
	s0 =	simm.s32 @p0 $0x1  }
0x13: {  	[smem:$0x3FAA] =	sst s0;
	s0 =	simm.s32 @!p1 $0x0  }
0x14: {  	s2 =	sld [smem:$0x3F8E];
	s0 =	simm.s32 @p1 $0x1  }
0x15: {  	[smem:$0x3FAB] =	sst s0;
	s0 =	simm.s32 @!p2 $0x0  }
0x16: {  	s3 =	sld [smem:$0x3FDB];
	s0 =	simm.s32 @p2 $0x1  }
0x17: {  	s4 =	simm.s32 $0x1BF5;
	[smem:$0x3FAD] =	sst s0  }
0x18: {  	s0 =	sld [smem:$0x3F90];
	_ =	swait.ge [sflag:s4], $0x0  }
0x19: {  	s7 =	sld [smem:$0x3F91]  }
0x1a: {  	s8 =	sadd.s32 $0xFFFFE003, lr  }
0x1b: {  	s9 =	sadd.s32 $0xFFFFFEF7, lr;
	s5 =	simm.s32 $0xFFFFFFFF;
	p2 =	slt.u32 s8, $0xFFFFF086  }
0x1c: {  	p1 =	slt.u32 s9, $0xF7A;
	s5 =	simm.s32 @!p2 $0x0  }
0x1d: {  	s5 =	simm.s32 @p1 $0x1;
	p0 =	seq.s32 s7, s2  }
0x1e: {  	s7 =	smul.u32 @!p0 $0xF7A, s2;
	p2 =	seq.s32 @!p0 s5, $0x0  }
0x1f: {  	s9 =	smul.u32 $0xF7A, s1;
	s8 =	simm.s32 @!p0 $0x1BF5;
	p2 =	por !p2, p0  }
0x20: {  	[sflag:s8] =	ssyncset.s32 @!p0 $0xFFFFF086;
	s6 =	sadd.s32 @!p0 s3, s7;
	s7 =	simm.s32 @!p0 $0x108  }
0x21: {  	s3 =	sadd.s32 s3, s9;
	s6 =	sadd.s32 @!p0 $0x88, s6;
	s7 =	simm.s32 @p2 $0x1082  }
0x22: {  	[simem:s7], [sflag:s8] =	dma.local @!p0 [hbm:s6], $0xF7A  }
0x23: {  	s9 =	sor.u32 $0xD0000000, s2;
	s6 =	simm.s32 $0x108;
	_ =	swait.ge @!p0 [sflag:s8], $0x0  }
0x24: {  	s3 =	sadd.s32 $0x88, s3;
	s6 =	simm.s32 @!p1 $0x1082;
	[sflag:s4] =	ssyncset.s32 $0xFFFFF086  }
0x25: {  	[simem:s6], [sflag:s4] =	dma.local [hbm:s3], $0xF7A  }
0x26: {  	[smem:$0x3F91] =	sst s1;
	(tag) =	ssettag s2;
	_ =	strace s9  }
0x27: {  	s1 =	sld [smem:$0x3FA1]  }
0x28: {  	s2 =	sld [smem:$0x3FA2]  }
0x29: {  	s4 =	sld [smem:$0x3FA4]  }
0x2a: {  	p0 =	seq.s32 s5, $0x0;
	s5 =	sld [smem:$0x3FA5]  }
0x2b: {  	s6 =	sld [smem:$0x3FA6]  }
0x2c: {  	s7 =	sld [smem:$0x3FA7]  }
0x2d: {  	s3 =	simm.s32 $0x108;
	s8 =	sld [smem:$0x3FA8]  }
0x2e: {  	s3 =	simm.s32 @!p0 $0x1082;
	s9 =	sld [smem:$0x3FA9]  }
0x2f: {  	lr =	sadd.s32 s0, s3;
	s0 =	sld [smem:$0x3FA0]  }
0x30: {  	s3 =	sld [smem:$0x3FA3]  }
0x31: {  	[smem:$0x3FAC] =	sst s10  }
0x32: {  	s10 =	sld [smem:$0x3FAA];
	_ =	sdelay $0x3  }
0x33: {  	p0 =	seq.s32 s10, $0x1;
	s10 =	sld [smem:$0x3FAC];
	_ =	sdelay $0x3  }
0x34: {  	[smem:$0x3FAC] =	sst s10  }
0x35: {  	s10 =	sld [smem:$0x3FAB];
	_ =	sdelay $0x3  }
0x36: {  	p1 =	seq.s32 s10, $0x1;
	s10 =	sld [smem:$0x3FAC];
	_ =	sdelay $0x3  }
0x37: {  	[smem:$0x3FAC] =	sst s10  }
0x38: {  	s10 =	sld [smem:$0x3FAD]  }
0x39: {  	_ = 	snop;
	(pc) =	sbr.ind lr, $3  }
0x3a: {  	_ = 	snop  }
0x3b: {  	_ = 	snop  }
0x3c: {  	p2 =	seq.s32 s10, $0x1;
	s10 =	sld [smem:$0x3FAC]  }
0x3d: {  	_ =	shalt  }
0x3e: {  	_ =	shalt  }
0x3f: {  	_ =	shalt  }
0x40: {  	_ =	shalt  }
0x41: {  	_ =	shalt  }
0x42: {  	_ =	shalt  }
0x43: {  	_ =	shalt  }
0x44: {  	_ =	shalt  }
0x45: {  	_ =	shalt  }
0x46: {  	_ =	shalt  }
0x47: {  	_ =	shalt  }
0x48: {  	_ =	shalt  }
0x49: {  	_ =	shalt  }
0x4a: {  	_ =	shalt  }
0x4b: {  	_ =	shalt  }
0x4c: {  	_ =	shalt  }
0x4d: {  	_ =	shalt  }
0x4e: {  	_ =	shalt  }
0x4f: {  	_ =	shalt  }
0x50: {  	_ =	shalt  }
0x51: {  	_ =	shalt  }
0x52: {  	_ =	shalt  }
0x53: {  	_ =	shalt  }
0x54: {  	_ =	shalt  }
0x55: {  	_ =	shalt  }
0x56: {  	_ =	shalt  }
0x57: {  	_ =	shalt  }
0x58: {  	_ =	shalt  }
0x59: {  	_ =	shalt  }
0x5a: {  	_ =	shalt  }
0x5b: {  	_ =	shalt  }
0x5c: {  	_ =	shalt  }
0x5d: {  	_ =	shalt  }
0x5e: {  	_ =	shalt  }
0x5f: {  	_ =	shalt  }
0x60: {  	_ =	shalt  }
0x61: {  	_ =	shalt  }
0x62: {  	_ =	shalt  }
0x63: {  	_ =	shalt  }
0x64: {  	_ =	shalt  }
0x65: {  	_ =	shalt  }
0x66: {  	_ =	shalt  }
0x67: {  	_ =	shalt  }
0x68: {  	_ =	shalt  }
0x69: {  	_ =	shalt  }
0x6a: {  	_ =	shalt  }
0x6b: {  	_ =	shalt  }
0x6c: {  	_ =	shalt  }
0x6d: {  	_ =	shalt  }
0x6e: {  	_ =	shalt  }
0x6f: {  	_ =	shalt  }
0x70: {  	_ =	shalt  }
0x71: {  	_ =	shalt  }
0x72: {  	_ =	shalt  }
0x73: {  	_ =	shalt  }
0x74: {  	_ =	shalt  }
0x75: {  	_ =	shalt  }
0x76: {  	_ =	shalt  }
0x77: {  	_ =	shalt  }
0x78: {  	_ =	shalt  }
0x79: {  	_ =	shalt  }
0x7a: {  	_ =	shalt  }
0x7b: {  	_ =	shalt  }
0x7c: {  	_ =	shalt  }
0x7d: {  	_ =	shalt  }
0x7e: {  	_ =	shalt  }
0x7f: {  	_ =	shalt  }
0x80: {  	_ =	shalt  }
0x81: {  	_ =	shalt  }
0x82: {  	_ =	shalt  }
0x83: {  	_ =	shalt  }
0x84: {  	_ =	shalt  }
0x85: {  	_ =	shalt  }
0x86: {  	_ =	shalt  }
0x87: {  	_ =	shalt  }
.Lfunc_end0:
.L_simem_size_0:
called_computation_lowered:
.L_overlay_start_0:
0x88: {  	s2 =	sld [smem:$0x3FD9]  }
0x89: {  	s3 =	sld [smem:$0x3FFE];
	_ =	sdelay $0x1  }
0x8a: {  	s1 =	srdreg.scid  }
0x8b: {  	s0 =	sand.u32 $0x1, s1  }
0x8c: {  	s17 =	sshll.u32 s0, $0xA;
	s2 =	sadd.s32 s3, s2  }
0x8d: {  	s2 =	sadd.s32 s2, s17  }
0x8e: {  	[smem:$0x3FB8] =	sst s2  }
0x8f: {  	_ = 	snop  }
0x90: {  	s2 =	sld [smem:$0x3FD0];
	(tm) =	ssettm $0x1  }
0x91: {  	s18 =	sld [smem:$0x3FFB];
	_ =	sdelay $0x3  }
0x92: {  	_ =	strace s18  }
0x93: {  	s3 =	sld [smem:$0x3FFC];
	_ =	sdelay $0x3  }
0x94: {  	_ =	strace s3  }
0x95: {  	s3 =	sld [smem:$0x3FFD];
	_ =	sdelay $0x3  }
0x96: {  	_ =	strace s3  }
0x97: {  	_ =	strace $0x8FFFFFFF  }
0x98: {  	s19 =	sld [smem:$0x3FDB];
	_ =	sdelay $0x1  }
0x99: {  	s4 =	simm.s32 $_scs_section_size  }
0x9a: {  	s5 =	simm.s32 $_size__tile_overlayer_lowered;
	s6 =	simm.s32 $_tile_overlayer_lowered  }
0x9b: {  	s22 =	simm.s32 $0x1BFF;
	s21 =	sshll.u32 s6, $0x1;
	s3 =	sadd.s32 s4, s19  }
0x9c: {  	s7 =	simm.s32 $0x0;
	s20 =	sshll.u32 s5, $0x1;
	s5 =	sadd.s32 s21, s3  }
0x9d: {  	[timem:s7], [sflag:s22] =	dma.local [hbm:s5], s20  }
0x9e: {  	_ =	swait.ge [sflag:s22], s20  }
0x9f: {  	s4 =	ssub.s32 $0x0, s20;
	[sflag:s22] =	ssyncset.done $0x0  }
0xa0: {  	[sflag:s22] =	ssyncadd.s32 s4;
	_ =	sdelay $0x1  }
0xa1: {  	s23 =	simm.s32 $0x1B8B  }
0xa2: {  	_ =	swait.ge [sflag:s23], $0x1  }
0xa3: {  	[sflag:s23] =	ssyncset.done $0x0  }
0xa4: {  	s25 =	simm.s32 $0x1B8E;
	s24 =	sld [smem:$0x3FFE];
	[sflag:s23] =	ssyncadd.s32 $0xFFFFFFFF  }
0xa5: {  	s26 =	simm.s32 $execute0_lowered;
	[smem:$0x3FD2] =	sst s25  }
0xa6: {  	s5 =	sshll.u32 s26, $0x1;
	_ =	strace $0x80000046;
	[dreg:$0x1] =	wrdreg $0xFFFFFFFF  }
0xa7: {  	s28 =	simm.s32 $_size_execute0_lowered;
	s3 =	sadd.s32 s3, s5;
	[dreg:$0x0] =	wrdreg $0x0  }
0xa8: {  	s5 =	sshll.u32 s28, $0x1;
	[dreg:$0x2] =	wrdreg s3  }
0xa9: {  	[dreg:$0x3] =	wrdreg s5  }
0xaa: {  	[dreg:$0x4] =	wrdreg $0xC0  }
0xab: {  	_ =	task [dreg:s7], $0x5FFFF  }
0xac: {  	[dreg:$0x1] =	wrdreg $0xFFFFFFFF  }
0xad: {  	[dreg:$0x0] =	wrdreg $0x60  }
0xae: {  	[dreg:$0x2] =	wrdreg s24  }
0xaf: {  	[dreg:$0x3] =	wrdreg s2  }
0xb0: {  	[dreg:$0x4] =	wrdreg $0x9  }
0xb1: {  	_ =	task.clear_ibuf [dreg:s7], $0x5FFFF;
	_ =	strace $0x90000046  }
0xb2: {  	s29 =	simm.s32 $0x9;
	_ =	strace $0x80000048  }
0xb3: {  	_ =	swait.ge [sflag:s29], $0x1  }
0xb4: {  	[sflag:s29] =	ssyncadd.s32 $0xFFFFFFFF  }
0xb5: {  	_ =	strace $0x90000048  }
0xb6: {  	_ =	sfence  }
0xb7: {  	s30 =	sld [smem:$0x0];
	_ =	sdelay $0x2  }
0xb8: {  	s31 =	sshll.u32 s1, $0xD;
	s1 =	sshrl.u32 s1, $0x2  }
0xb9: {  	s3 =	sand.u32 $0x4000, s31;
	s1 =	sadd.s32 s1, s30  }
0xba: {  	s0 =	sor.u32 s3, s0;
	s1 =	sshll.u32 s1, $0x11  }
0xbb: {  	s0 =	sor.u32 s1, s0  }
0xbc: {  	s0 =	sadd.s32 $0x8F2B, s0  }
0xbd: {  	[sflag:s0] =	ssyncadd.remote.s32 $0x1  }
0xbe: {  	_ =	sfence.sel $0xFFFF  }
0xbf: {  	[dreg:$0x0] =	wrdreg $0xFFFFFFFF;
	(pc) =	sbr.abs _section_cstart, $3  }
0xc0: {  	[dreg:$0x1] =	wrdreg $0xFFFFFFFF  }
0xc1: {  	_ =	task.clear_ibuf [dreg:s7], $0x2FFFF;
	_ =	strace $0x9FFFFFFF  }
0xc2: {  	(tm) =	ssettm $0x7FFFFFFF  }
0xc3: {  	_ =	shalt  }
tec
execute0_lowered:
.L_overlay_start_1:
0x0: {  	(tag) =	ssettag $0x1  }
0x1: {  	s28 =	rddreg [dreg:$0x0]  }
0x2: {  	s9 =	rddreg [dreg:$0x1];
	s2 =	simm.s32 $0x0  }
0x3: {  	[smem:$0x7FF] =	sst s2;
	s1 =	sadd.s32 $0x39A00, s28;
	s18 =	sadd.s32 $0x112200, s28  }
0x4: {  	_ =	strace $0x80000047;
	[smem:$0x7ED] =	sst s1  }
0x5: {  	s19 =	sadd.s32 $0xA5E00, s28;
	[smem:$0x7EE] =	sst s18  }
0x6: {  	s20 =	sadd.s32 $0x1B4E00, s28;
	[smem:$0x7EF] =	sst s19  }
0x7: {  	s21 =	sadd.s32 $0x3600, s28;
	[dreg:$0x3] =	wrdreg s20  }
0x8: {  	s22 =	sadd.s32 $0x1EB200, s28;
	[dreg:$0x4] =	wrdreg s21  }
0x9: {  	s6 =	sadd.s32 $0x17EA00, s28;
	[dreg:$0x5] =	wrdreg s22  }
0xa: {  	s4 =	sadd.s32 $0x39B00, s28;
	[dreg:$0x7] =	wrdreg s6  }
0xb: {  	s5 =	sadd.s32 $0x39C00, s28;
	[smem:$0x7F0] =	sst s4  }
0xc: {  	s10 =	sadd.s32 $0x221600, s28;
	[smem:$0x7F1] =	sst s5  }
0xd: {  	s12 =	sadd.s32 $0x299600, s28;
	[dreg:$0x6] =	wrdreg s10  }
0xe: {  	s13 =	sadd.s32 $0x311600, s28;
	[dreg:$0xe] =	wrdreg s12  }
0xf: {  	s23 =	srdreg.scid;
	s14 =	sadd.s32 $0x389600, s28;
	[dreg:$0x10] =	wrdreg s13  }
0x10: {  	s11 =	stileid.u32;
	s18 =	sadd.s32 $0x112300, s28;
	[dreg:$0x13] =	wrdreg s14  }
0x11: {  	s24 =	sand.u32 $0x1, s23;
	s19 =	sadd.s32 $0x112400, s28;
	[smem:$0x7F4] =	sst s18  }
0x12: {  	s25 =	sshll.u32 s11, $0x1;
	s21 =	sadd.s32 $0x1B4F00, s28;
	[smem:$0x7F5] =	sst s19  }
0x13: {  	s1 =	sor.u32 s24, s25;
	s22 =	sadd.s32 $0x1B5000, s28;
	[dreg:$0xd] =	wrdreg s21  }
0x14: {  	s6 =	ssub.s32 $0x2, s24;
	s24 =	sadd.s32 $0x221700, s28;
	[dreg:$0xf] =	wrdreg s22  }
0x15: {  	s25 =	sadd.s32 $0x221800, s28;
	[dreg:$0x12] =	wrdreg s24  }
0x16: {  	s0 =	sadd.s32 $0x17E600, s28;
	s4 =	sadd.s32 $0x299800, s28;
	[dreg:$0x14] =	wrdreg s25  }
0x17: {  	s11 =	sshrl.u32 s11, $0x1;
	s5 =	sadd.s32 $0x1EB300, s28;
	[dreg:$0x1d] =	wrdreg s4  }
0x18: {  	s8 =	smul.u32 $0xA0, s1;
	[dreg:$0x1e] =	wrdreg s5;
	s18 =	sadd.s32 $0x17EC00, s28  }
0x19: {  	s7 =	sshrl.u32 s6, $0x1;
	s19 =	sadd.s32 $0x389700, s28;
	[smem:$0x7F9] =	sst s18  }
0x1a: {  	s30 =	ssub.s32 s6, s7;
	s6 =	sadd.s32 $0xA5F00, s28;
	[smem:$0x7FA] =	sst s19  }
0x1b: {  	s11 =	smul.u32 $0x280, s11;
	s7 =	sadd.s32 $0x1EB400, s28;
	[smem:$0x7F2] =	sst s6  }
0x1c: {  	s15 =	sshrl.u32 s8, $0x3;
	s3 =	sadd.s32 $0x50, s8;
	[dreg:$0x1f] =	wrdreg s7  }
0x1d: {  	v41 =	vlaneseq.u32;
	s26 =	sshrl.u32 s3, $0x3;
	s29 =	smul.u32 $0x300, s15;
	s15 =	sadd.s32 s0, s15  }
0x1e: {  	v37 =	vimm.s32 $0x0;
	vm0 =	vmmov $0xffff;
	v14 =	vmul.u32 $0x4, v41;
	[dreg:$0x8] =	wrdreg s15;
	s0 =	sadd.s32 s0, s26  }
0x1f: {  	v1 =	vor.u32 $0x10, v41;
	v38 =	vor.u32 $0xE0, v41;
	v40 =	vshrl.u32 v41, $0x3;
	s17 =	sadd.s32 $0x241, s11;
	s15 =	sadd.s32 $0xA6000, s28;
	[dreg:$0x9] =	wrdreg s0  }
0x20: {  	v39 =	vand.u32 $0x7, v41;
	v40 =	vmul.u32 $0x8, v40;
	v3 =	vadd.s32 $0x10, v14;
	s11 =	smul.u32 $0x300, s26;
	s26 =	sadd.s32 $0x3700, s28;
	[smem:$0x7F3] =	sst s15  }
0x21: {  	v4 =	vadd.s32 $0x20, v14;
	v2 =	vadd.s32 s1, v14;
	v5 =	vadd.s32 $0x30, v14;
	s31 =	sadd.s32 s10, s29;
	[dreg:$0x15] =	wrdreg s26  }
0x22: {  	v6 =	vor.u32 $0x40, v14;
	v7 =	vadd.s32 $0x50, v14;
	v8 =	vadd.s32 $0x60, v14;
	s16 =	sadd.s32 s12, s29;
	[dreg:$0xa] =	wrdreg s31  }
0x23: {  	v9 =	vadd.s32 $0x70, v14;
	v10 =	vor.u32 $0x80, v14;
	v11 =	vadd.s32 $0x90, v14;
	s20 =	sadd.s32 s13, s29;
	[dreg:$0xb] =	wrdreg s16  }
0x24: {  	s22 =	simm.s32 $0x7680;
	v12 =	vadd.s32 $0xA0, v14;
	v13 =	vadd.s32 $0xB0, v14;
	v15 =	vor.u32 $0xC0, v14;
	s23 =	sadd.s32 s14, s29;
	[dreg:$0xc] =	wrdreg s20  }
0x25: {  	v16 =	vadd.s32 $0xD0, v14;
	v17 =	vadd.s32 $0xE0, v14;
	v3 =	vadd.s32 s1, v3;
	s21 =	sadd.s32 $0x30, s8;
	s29 =	sadd.s32 $0x3800, s28;
	[dreg:$0x11] =	wrdreg s23  }
0x26: {  	v4 =	vadd.s32 s1, v4;
	v5 =	vadd.s32 s1, v5;
	v6 =	vadd.s32 s1, v6;
	s5 =	sadd.s32 $0x60, s8;
	s15 =	sadd.s32 $0x17EB00, s28;
	[dreg:$0x1b] =	wrdreg s29  }
0x27: {  	v7 =	vadd.s32 s1, v7;
	v8 =	vadd.s32 s1, v8;
	v9 =	vadd.s32 s1, v9;
	s24 =	sadd.s32 $0x70, s8;
	s31 =	sadd.s32 $0x299700, s28;
	[smem:$0x7F8] =	sst s15  }
0x28: {  	v10 =	vadd.s32 s1, v10;
	v11 =	vadd.s32 s1, v11;
	v12 =	vadd.s32 s1, v12;
	s25 =	sadd.s32 $0x80, s8;
	s0 =	sadd.s32 s10, s11;
	[dreg:$0x1c] =	wrdreg s31  }
0x29: {  	v13 =	vadd.s32 s1, v13;
	v14 =	vadd.s32 s1, v15;
	v15 =	vadd.s32 s1, v16;
	s4 =	sadd.s32 $0x90, s8;
	s6 =	sadd.s32 s12, s11;
	[dreg:$0x16] =	wrdreg s0  }
0x2a: {  	v16 =	vadd.s32 s1, v17;
	v0 =	vadd.s32 s17, v41;
	s7 =	simm.s32 $0x3E80;
	v1 =	vadd.s32 s17, v1;
	s10 =	sadd.s32 $0x311700, s28;
	[dreg:$0x17] =	wrdreg s6  }
0x2b: {  	v17 =	vor.u32 s8, v41;
	v20 =	vor.u32 s21, v41;
	v22 =	vor.u32 s3, v41;
	s12 =	sadd.s32 s13, s11;
	s13 =	sadd.s32 $0x311800, s28;
	[smem:$0x7F6] =	sst s10  }
0x2c: {  	v23 =	vor.u32 s5, v41;
	v24 =	vor.u32 s24, v41;
	v25 =	vor.u32 s25, v41;
	s16 =	sadd.s32 s14, s11;
	s29 =	sadd.s32 $0x389800, s28;
	[dreg:$0x18] =	wrdreg s12  }
.Ltmp0:
0x2d: {  	v26 =	vor.u32 s4, v41;
	v27 =	vand.u32 $0xFEF, v17;
	v30 =	vand.u32 $0xFFF, v20;
	s20 =	sor.u32 $0x10, s8;
	[smem:$0x7F7] =	sst s13;
	(pc) =	sbr.rel .LBB2_1-.Ltmp0, $4  }
0x2e: {  	v32 =	vand.u32 $0xFFF, v22;
	v33 =	vand.u32 $0xFEF, v23;
	v34 =	vand.u32 $0xFFF, v24;
	s23 =	sadd.s32 $0x40, s8;
	[dreg:$0x19] =	wrdreg s16;
	s6 =	smax.u32 s30, $0x1  }
0x2f: {  	v35 =	vand.u32 $0xFEF, v25;
	v36 =	vand.u32 $0xFFF, v26;
	s16 =	sadd.s32 $0x20, s8;
	s30 =	sadd.s32 $0x100, s9;
	v18 =	vor.u32 s20, v41;
	[smem:$0x7FD] =	sst s29  }
0x30: {  	s26 =	simm.s32 $0x4680;
	s31 =	sadd.s32 $0x200, s9;
	v21 =	vor.u32 s23, v41;
	[smem:$0x7FB] =	sst s30;
	v19 =	vor.u32 s16, v41;
	v28 =	vand.u32 $0xFFF, v18  }
0x31: {  	s28 =	simm.s32 $0x4E80;
	s11 =	simm.s32 $0x5680;
	[smem:$0x7FC] =	sst s31;
	v31 =	vand.u32 $0xFEF, v21;
	v41 =	vor.u32 $0x8, v41;
	v29 =	vand.u32 $0xFEF, v19  }
.LBB2_17:
0x32: {  	v42 =	vld [tilespmem:$0x280];
	_ =	sdelay $0x4  }
0x33: {  	v43 =	vshrl.u32 v42, $0x3  }
0x34: {  	v43 =	vmul.u32 $0x30, v43  }
0x35: {  	v42 =	vand.u32 $0x7, v42  }
0x36: {  	v42 =	vor.u32 v42, v43  }
0x37: {  	v43 =	vperm.xlane v42, v39;
	_ =	sdelay $0x1  }
0x38: {  	v43 =	vadd.s32 v40, v43;
	_ =	sdelay $0x3  }
0x39: {  	s8 =	rddreg [dreg:$0x7];
	v42 =	vperm.xlane v42, v41  }
0x3a: {  	[tilespmem:s5], [sflag:$0x5] =	stream.indirect_vreg.gather [hbm4b:s8+s2], $0x80, v43, vm0, $0xb8;
	[tilespmem:$0x1E680] =	vst v63  }
0x3b: {  	v42 =	vadd.s32 v40, v42  }
0x3c: {  	[tilespmem:s10], [sflag:$0x5] =	stream.indirect_vreg.gather [hbm4b:s7+s2], $0x80, v43, vm0, $0xb8;
	[tilespmem:$0x1E680] =	vst v63  }
0x3d: {  	s20 =	simm.s32 $0x1680  }
0x3e: {  	[tilespmem:s20], [sflag:$0x5] =	stream.indirect_vreg.gather [hbm4b:s11+s2], $0x80, v43, vm0, $0xb8;
	[tilespmem:$0x1E680] =	vst v63  }
0x3f: {  	s22 =	simm.s32 $0x1E80  }
0x40: {  	[tilespmem:s22], [sflag:$0x5] =	stream.indirect_vreg.gather [hbm4b:s8+s2], $0x80, v42, vm0, $0xb8;
	[tilespmem:$0x1E680] =	vst v63  }
0x41: {  	_ = 	snop  }
0x42: {  	[tilespmem:s17], [sflag:$0x5] =	stream.indirect_vreg.gather [hbm4b:s7+s2], $0x80, v42, vm0, $0xb8;
	[tilespmem:$0x1E680] =	vst v63  }
0x43: {  	_ = 	snop  }
0x44: {  	[tilespmem:s4], [sflag:$0x5] =	stream.indirect_vreg.gather [hbm4b:s11+s2], $0x80, v42, vm0, $0xb8;
	[tilespmem:$0x1E680] =	vst v63  }
0x45: {  	v42 =	vld [tilespmem:$0x290];
	_ =	sdelay $0x4  }
0x46: {  	v56 =	vshrl.u32 v42, $0x3  }
0x47: {  	v43 =	vmul.u32 $0x30, v56  }
0x48: {  	v42 =	vand.u32 $0x7, v42  }
0x49: {  	v42 =	vor.u32 v42, v43  }
0x4a: {  	v43 =	vperm.xlane v42, v39;
	_ =	sdelay $0x1  }
0x4b: {  	v43 =	vadd.s32 v40, v43;
	_ =	sdelay $0x3  }
0x4c: {  	s25 =	simm.s32 $0x3680;
	v42 =	vperm.xlane v42, v41  }
0x4d: {  	[tilespmem:s25], [sflag:$0x5] =	stream.indirect_vreg.gather [hbm4b:s8+s2], $0x80, v43, vm0, $0xb8;
	[tilespmem:$0x1E680] =	vst v63  }
0x4e: {  	s26 =	simm.s32 $0x3E80;
	v42 =	vadd.s32 v40, v42  }
0x4f: {  	[tilespmem:s26], [sflag:$0x5] =	stream.indirect_vreg.gather [hbm4b:s7+s2], $0x80, v43, vm0, $0xb8;
	[tilespmem:$0x1E680] =	vst v63  }
0x50: {  	s28 =	simm.s32 $0x4680  }
0x51: {  	[tilespmem:s28], [sflag:$0x5] =	stream.indirect_vreg.gather [hbm4b:s11+s2], $0x80, v43, vm0, $0xb8;
	[tilespmem:$0x1E680] =	vst v63  }
0x52: {  	s28 =	simm.s32 $0x4E80  }
0x53: {  	[tilespmem:s28], [sflag:$0x5] =	stream.indirect_vreg.gather [hbm4b:s8+s2], $0x80, v42, vm0, $0xb8;
	[tilespmem:$0x1E680] =	vst v63  }
0x54: {  	s16 =	simm.s32 $0x5680  }
0x55: {  	[tilespmem:s16], [sflag:$0x5] =	stream.indirect_vreg.gather [hbm4b:s7+s2], $0x80, v42, vm0, $0xb8;
	[tilespmem:$0x1E680] =	vst v63  }
0x56: {  	s15 =	simm.s32 $0x5E80  }
0x57: {  	[tilespmem:s15], [sflag:$0x5] =	stream.indirect_vreg.gather [hbm4b:s11+s2], $0x80, v42, vm0, $0xb8;
	[tilespmem:$0x1E680] =	vst v63  }
0x58: {  	v42 =	vld [tilespmem:$0x2A0];
	_ =	sdelay $0x4  }
0x59: {  	v57 =	vshrl.u32 v42, $0x3  }
0x5a: {  	v43 =	vmul.u32 $0x30, v57  }
0x5b: {  	v42 =	vand.u32 $0x7, v42  }
0x5c: {  	v42 =	vor.u32 v42, v43  }
0x5d: {  	v43 =	vperm.xlane v42, v39;
	_ =	sdelay $0x1  }
0x5e: {  	v43 =	vadd.s32 v40, v43;
	_ =	sdelay $0x3  }
0x5f: {  	s0 =	simm.s32 $0x6680;
	v42 =	vperm.xlane v42, v41  }
0x60: {  	[tilespmem:s0], [sflag:$0x5] =	stream.indirect_vreg.gather [hbm4b:s8+s2], $0x80, v43, vm0, $0xb8;
	[tilespmem:$0x1E680] =	vst v63  }
0x61: {  	s12 =	simm.s32 $0x6E80;
	v42 =	vadd.s32 v40, v42  }
0x62: {  	[tilespmem:s12], [sflag:$0x5] =	stream.indirect_vreg.gather [hbm4b:s7+s2], $0x80, v43, vm0, $0xb8;
	[tilespmem:$0x1E680] =	vst v63  }
0x63: {  	s24 =	simm.s32 $0x7680  }
0x64: {  	[tilespmem:s24], [sflag:$0x5] =	stream.indirect_vreg.gather [hbm4b:s11+s2], $0x80, v43, vm0, $0xb8;
	[tilespmem:$0x1E680] =	vst v63  }
0x65: {  	s13 =	simm.s32 $0x7E80  }
0x66: {  	[tilespmem:s13], [sflag:$0x5] =	stream.indirect_vreg.gather [hbm4b:s8+s2], $0x80, v42, vm0, $0xb8;
	[tilespmem:$0x1E680] =	vst v63  }
0x67: {  	s30 =	simm.s32 $0x8680  }
0x68: {  	[tilespmem:s30], [sflag:$0x5] =	stream.indirect_vreg.gather [hbm4b:s7+s2], $0x80, v42, vm0, $0xb8;
	[tilespmem:$0x1E680] =	vst v63  }
0x69: {  	s14 =	simm.s32 $0x8E80  }
0x6a: {  	[tilespmem:s14], [sflag:$0x5] =	stream.indirect_vreg.gather [hbm4b:s11+s2], $0x80, v42, vm0, $0xb8;
	[tilespmem:$0x1E680] =	vst v63  }
0x6b: {  	v42 =	vld [tilespmem:$0x2B0];
	_ =	sdelay $0x4  }
0x6c: {  	v58 =	vshrl.u32 v42, $0x3  }
0x6d: {  	v43 =	vmul.u32 $0x30, v58  }
0x6e: {  	v42 =	vand.u32 $0x7, v42  }
0x6f: {  	v42 =	vor.u32 v42, v43  }
0x70: {  	v43 =	vperm.xlane v42, v39;
	_ =	sdelay $0x1  }
0x71: {  	v43 =	vadd.s32 v40, v43;
	_ =	sdelay $0x3  }
0x72: {  	s31 =	simm.s32 $0x9680;
	v42 =	vperm.xlane v42, v41  }
0x73: {  	[tilespmem:s31], [sflag:$0x5] =	stream.indirect_vreg.gather [hbm4b:s8+s2], $0x80, v43, vm0, $0xb8;
	[tilespmem:$0x1E680] =	vst v63  }
0x74: {  	s3 =	simm.s32 $0x9E80;
	v42 =	vadd.s32 v40, v42  }
0x75: {  	[tilespmem:s3], [sflag:$0x5] =	stream.indirect_vreg.gather [hbm4b:s7+s2], $0x80, v43, vm0, $0xb8;
	[tilespmem:$0x1E680] =	vst v63  }
0x76: {  	s13 =	simm.s32 $0xA680  }
0x77: {  	[tilespmem:s13], [sflag:$0x5] =	stream.indirect_vreg.gather [hbm4b:s11+s2], $0x80, v43, vm0, $0xb8;
	[tilespmem:$0x1E680] =	vst v63  }
0x78: {  	s9 =	simm.s32 $0xAE80  }
0x79: {  	[tilespmem:s9], [sflag:$0x5] =	stream.indirect_vreg.gather [hbm4b:s8+s2], $0x80, v42, vm0, $0xb8;
	[tilespmem:$0x1E680] =	vst v63  }
0x7a: {  	s18 =	simm.s32 $0xB680  }
0x7b: {  	[tilespmem:s18], [sflag:$0x5] =	stream.indirect_vreg.gather [hbm4b:s7+s2], $0x80, v42, vm0, $0xb8;
	[tilespmem:$0x1E680] =	vst v63  }
0x7c: {  	s1 =	simm.s32 $0x5;
	s19 =	simm.s32 $0xBE80  }
0x7d: {  	[tilespmem:s19], [sflag:$0x5] =	stream.indirect_vreg.gather [hbm4b:s11+s2], $0x80, v42, vm0, $0xb8;
	[tilespmem:$0x1E680] =	vst v63  }
0x7e: {  	_ =	swait.ge [sflag:s1], $0xC000  }
0x7f: {  	[sflag:s1] =	ssyncset.done $0x0  }
0x80: {  	[sflag:s1] =	ssyncadd.s32 $0xFFFF4000  }
0x81: {  	v59 =	vld [tilespmem:$0x500];
	_ =	sdelay $0x4  }
0x82: {  	v60 =	vshrl.u32 v59, $0x3  }
0x83: {  	v43 =	vmul.u32 $0x30, v60  }
0x84: {  	v42 =	vand.u32 $0x7, v59  }
0x85: {  	v42 =	vor.u32 v42, v43  }
0x86: {  	v43 =	vperm.xlane v42, v39;
	_ =	sdelay $0x1  }
0x87: {  	v43 =	vadd.s32 v40, v43;
	_ =	sdelay $0x3  }
0x88: {  	s1 =	rddreg [dreg:$0x13]  }
0x89: {  	[hbm4b:s1+s2] =	stream.indirect_vreg.scatter [tilespmem:s5], [sflag:$0x5], $0x80, v43, vm0, $0xb8;
	[tilespmem:$0x1E680] =	vst v63  }
0x8a: {  	v42 =	vperm.xlane v42, v41;
	s5 =	sld [smem:$0x7FA];
	_ =	sdelay $0x1  }
0x8b: {  	v42 =	vadd.s32 v40, v42  }
0x8c: {  	[hbm4b:s5+s2] =	stream.indirect_vreg.scatter [tilespmem:s10], [sflag:$0x5], $0x80, v43, vm0, $0xb8;
	[tilespmem:$0x1E680] =	vst v63  }
0x8d: {  	_ = 	snop  }
0x8e: {  	[hbm4b:s29+s2] =	stream.indirect_vreg.scatter [tilespmem:s20], [sflag:$0x5], $0x80, v43, vm0, $0xb8;
	[tilespmem:$0x1E680] =	vst v63  }
0x8f: {  	s11 =	rddreg [dreg:$0x13]  }
0x90: {  	[hbm4b:s11+s2] =	stream.indirect_vreg.scatter [tilespmem:s22], [sflag:$0x5], $0x80, v42, vm0, $0xb8;
	[tilespmem:$0x1E680] =	vst v63  }
0x91: {  	_ = 	snop  }
0x92: {  	[hbm4b:s5+s2] =	stream.indirect_vreg.scatter [tilespmem:s17], [sflag:$0x5], $0x80, v42, vm0, $0xb8;
	[tilespmem:$0x1E680] =	vst v63  }
0x93: {  	_ = 	snop  }
0x94: {  	[hbm4b:s29+s2] =	stream.indirect_vreg.scatter [tilespmem:s4], [sflag:$0x5], $0x80, v42, vm0, $0xb8;
	[tilespmem:$0x1E680] =	vst v63  }
0x95: {  	v42 =	vld [tilespmem:$0x510];
	_ =	sdelay $0x4  }
0x96: {  	v61 =	vshrl.u32 v42, $0x3  }
0x97: {  	v43 =	vmul.u32 $0x30, v61  }
0x98: {  	v42 =	vand.u32 $0x7, v42  }
0x99: {  	v42 =	vor.u32 v42, v43  }
0x9a: {  	v43 =	vperm.xlane v42, v39;
	_ =	sdelay $0x1  }
0x9b: {  	v43 =	vadd.s32 v40, v43;
	_ =	sdelay $0x3  }
0x9c: {  	s17 =	rddreg [dreg:$0x13];
	v42 =	vperm.xlane v42, v41  }
0x9d: {  	[hbm4b:s17+s2] =	stream.indirect_vreg.scatter [tilespmem:s25], [sflag:$0x5], $0x80, v43, vm0, $0xb8;
	[tilespmem:$0x1E680] =	vst v63  }
0x9e: {  	v42 =	vadd.s32 v40, v42  }
0x9f: {  	[hbm4b:s5+s2] =	stream.indirect_vreg.scatter [tilespmem:s26], [sflag:$0x5], $0x80, v43, vm0, $0xb8;
	[tilespmem:$0x1E680] =	vst v63  }
0xa0: {  	s26 =	simm.s32 $0x4680  }
0xa1: {  	[hbm4b:s29+s2] =	stream.indirect_vreg.scatter [tilespmem:s26], [sflag:$0x5], $0x80, v43, vm0, $0xb8;
	[tilespmem:$0x1E680] =	vst v63  }
0xa2: {  	s20 =	rddreg [dreg:$0x13]  }
0xa3: {  	[hbm4b:s20+s2] =	stream.indirect_vreg.scatter [tilespmem:s28], [sflag:$0x5], $0x80, v42, vm0, $0xb8;
	[tilespmem:$0x1E680] =	vst v63  }
0xa4: {  	_ = 	snop  }
0xa5: {  	[hbm4b:s5+s2] =	stream.indirect_vreg.scatter [tilespmem:s16], [sflag:$0x5], $0x80, v42, vm0, $0xb8;
	[tilespmem:$0x1E680] =	vst v63  }
0xa6: {  	_ = 	snop  }
0xa7: {  	[hbm4b:s29+s2] =	stream.indirect_vreg.scatter [tilespmem:s15], [sflag:$0x5], $0x80, v42, vm0, $0xb8;
	[tilespmem:$0x1E680] =	vst v63  }
0xa8: {  	v42 =	vld [tilespmem:$0x520];
	_ =	sdelay $0x4  }
0xa9: {  	v62 =	vshrl.u32 v42, $0x3  }
0xaa: {  	v43 =	vmul.u32 $0x30, v62  }
0xab: {  	v42 =	vand.u32 $0x7, v42  }
0xac: {  	v42 =	vor.u32 v42, v43  }
0xad: {  	v43 =	vperm.xlane v42, v39;
	_ =	sdelay $0x1  }
0xae: {  	v43 =	vadd.s32 v40, v43;
	_ =	sdelay $0x3  }
0xaf: {  	s24 =	simm.s32 $0x6680;
	v42 =	vperm.xlane v42, v41  }
0xb0: {  	[hbm4b:s20+s2] =	stream.indirect_vreg.scatter [tilespmem:s24], [sflag:$0x5], $0x80, v43, vm0, $0xb8;
	[tilespmem:$0x1E680] =	vst v63  }
0xb1: {  	s25 =	simm.s32 $0x6E80;
	v42 =	vadd.s32 v40, v42  }
0xb2: {  	[hbm4b:s5+s2] =	stream.indirect_vreg.scatter [tilespmem:s25], [sflag:$0x5], $0x80, v43, vm0, $0xb8;
	[tilespmem:$0x1E680] =	vst v63  }
0xb3: {  	s22 =	simm.s32 $0x7680  }
0xb4: {  	[hbm4b:s29+s2] =	stream.indirect_vreg.scatter [tilespmem:s22], [sflag:$0x5], $0x80, v43, vm0, $0xb8;
	[tilespmem:$0x1E680] =	vst v63  }
0xb5: {  	s23 =	simm.s32 $0x7E80  }
0xb6: {  	[hbm4b:s20+s2] =	stream.indirect_vreg.scatter [tilespmem:s23], [sflag:$0x5], $0x80, v42, vm0, $0xb8;
	[tilespmem:$0x1E680] =	vst v63  }
0xb7: {  	_ = 	snop  }
0xb8: {  	[hbm4b:s5+s2] =	stream.indirect_vreg.scatter [tilespmem:s30], [sflag:$0x5], $0x80, v42, vm0, $0xb8;
	[tilespmem:$0x1E680] =	vst v63  }
0xb9: {  	_ = 	snop  }
0xba: {  	[hbm4b:s29+s2] =	stream.indirect_vreg.scatter [tilespmem:s14], [sflag:$0x5], $0x80, v42, vm0, $0xb8;
	[tilespmem:$0x1E680] =	vst v63  }
0xbb: {  	v42 =	vld [tilespmem:$0x530];
	_ =	sdelay $0x4  }
0xbc: {  	v63 =	vshrl.u32 v42, $0x3  }
0xbd: {  	v43 =	vmul.u32 $0x30, v63  }
0xbe: {  	v42 =	vand.u32 $0x7, v42  }
0xbf: {  	v42 =	vor.u32 v42, v43  }
0xc0: {  	v43 =	vperm.xlane v42, v39;
	_ =	sdelay $0x1  }
0xc1: {  	v43 =	vadd.s32 v40, v43;
	_ =	sdelay $0x3  }
0xc2: {  	s31 =	simm.s32 $0x9680;
	v42 =	vperm.xlane v42, v41  }
0xc3: {  	[hbm4b:s20+s2] =	stream.indirect_vreg.scatter [tilespmem:s31], [sflag:$0x5], $0x80, v43, vm0, $0xb8;
	[tilespmem:$0x1E680] =	vst v63  }
0xc4: {  	v42 =	vadd.s32 v40, v42  }
0xc5: {  	[hbm4b:s5+s2] =	stream.indirect_vreg.scatter [tilespmem:s3], [sflag:$0x5], $0x80, v43, vm0, $0xb8;
	[tilespmem:$0x1E680] =	vst v63  }
0xc6: {  	_ = 	snop  }
0xc7: {  	[hbm4b:s29+s2] =	stream.indirect_vreg.scatter [tilespmem:s13], [sflag:$0x5], $0x80, v43, vm0, $0xb8;
	[tilespmem:$0x1E680] =	vst v63  }
0xc8: {  	s21 =	simm.s32 $0xAE80  }
0xc9: {  	[hbm4b:s20+s2] =	stream.indirect_vreg.scatter [tilespmem:s21], [sflag:$0x5], $0x80, v42, vm0, $0xb8;
	[tilespmem:$0x1E680] =	vst v63  }
0xca: {  	_ = 	snop  }
0xcb: {  	[hbm4b:s5+s2] =	stream.indirect_vreg.scatter [tilespmem:s18], [sflag:$0x5], $0x80, v42, vm0, $0xb8;
	[tilespmem:$0x1E680] =	vst v63  }
0xcc: {  	s30 =	simm.s32 $0x5  }
0xcd: {  	[hbm4b:s29+s2] =	stream.indirect_vreg.scatter [tilespmem:s19], [sflag:$0x5], $0x80, v42, vm0, $0xb8;
	[tilespmem:$0x1E680] =	vst v63  }
0xce: {  	_ =	swait.ge [sflag:s30], $0xC000  }
0xcf: {  	[sflag:s30] =	ssyncset.done $0x0  }
0xd0: {  	[sflag:s30] =	ssyncadd.s32 $0xFFFF4000  }
.LBB2_18:
0xd1: {  	s6 =	sadd.s32 $0xFFFFFFFF, s6  }
0xd2: {  	p0 =	sne.s32 s6, $0x0  }
.Ltmp1:
0xd3: {  	_ = 	snop;
	(pc) =	sbr.rel @!p0 .LBB2_19-.Ltmp1, $2  }
0xd4: {  	_ =	sdelay $0x2  }
0xd5: {  	s7 =	simm.s32 $0x3E80;
	s11 =	simm.s32 $0x5680  }
.LBB2_1:
0xd6: {  	s8 =	rddreg [dreg:$0x8];
	s9 =	simm.s32 $0x6  }
0xd7: {  	[tilespmem:s2], [sflag:$0x6] =	stream.linear.gather [hbm4b:s8+s2], $0x50, $0x38;
	[tilespmem:$0x1E680] =	vst v63  }
0xd8: {  	_ =	swait.ge [sflag:s9], $0x50  }
0xd9: {  	[sflag:s9] =	ssyncset.done $0x0  }
0xda: {  	s10 =	simm.s32 $0x80;
	s16 =	rddreg [dreg:$0x9];
	[sflag:s9] =	ssyncadd.s32 $0xFFFFFFB0  }
0xdb: {  	[tilespmem:s10], [sflag:$0x6] =	stream.linear.gather [hbm4b:s16+s2], $0x50, $0x38;
	[tilespmem:$0x1E680] =	vst v63  }
0xdc: {  	_ =	swait.ge [sflag:s9], $0x50  }
0xdd: {  	[sflag:s9] =	ssyncset.done $0x0  }
0xde: {  	[sflag:s9] =	ssyncadd.s32 $0xFFFFFFB0  }
0xdf: {  	[tilespmem:$0x200] =	vst v2  }
0xe0: {  	[tilespmem:$0x300] =	vst v0  }
0xe1: {  	[tilespmem:$0x210] =	vst v3  }
0xe2: {  	[tilespmem:$0x310] =	vst v1  }
0xe3: {  	[tilespmem:$0x220] =	vst v4  }
0xe4: {  	[tilespmem:$0x320] =	vst v0  }
0xe5: {  	[tilespmem:$0x230] =	vst v5  }
0xe6: {  	[tilespmem:$0x330] =	vst v1  }
0xe7: {  	[tilespmem:$0x240] =	vst v6  }
0xe8: {  	[tilespmem:$0x340] =	vst v0  }
0xe9: {  	[tilespmem:$0x250] =	vst v7  }
0xea: {  	[tilespmem:$0x350] =	vst v1;
	v42 =	vld [tilespmem:$0x0]  }
0xeb: {  	[tilespmem:$0x260] =	vst v8  }
0xec: {  	[tilespmem:$0x360] =	vst v0  }
0xed: {  	[tilespmem:$0x270] =	vst v9  }
0xee: {  	[tilespmem:$0x370] =	vst v1  }
0xef: {  	[tilespmem:$0x280] =	vst v10;
	vm1 =	vgt.s32 v42, $0x1207  }
0xf0: {  	[tilespmem:$0x380] =	vst v0;
	v43 =	vsel vm1, $0x1, v37  }
0xf1: {  	[tilespmem:$0x290] =	vst v11;
	(xrf0) =	vadd.scan.msk.s32 $0xffff, v43  }
0xf2: {  	[tilespmem:$0x390] =	vst v1  }
0xf3: {  	[tilespmem:$0x2A0] =	vst v12  }
0xf4: {  	[tilespmem:$0x3A0] =	vst v0  }
0xf5: {  	[tilespmem:$0x2B0] =	vst v13  }
0xf6: {  	[tilespmem:$0x3B0] =	vst v1  }
0xf7: {  	[tilespmem:$0x2C0] =	vst v14;
	v43, _, _ =	vpop (xrf0)  }
0xf8: {  	[tilespmem:$0x3C0] =	vst v0;
	v43 =	vadd.s32 $0xFFFFFFFF, v43  }
0xf9: {  	[tilespmem:$0x2D0] =	vst v15;
	v43 =	vsel vm1, v43, v38  }
0xfa: {  	[tilespmem:$0x3D0] =	vst v1  }
0xfb: {  	[tilespmem:$0x2E0] =	vst v16  }
0xfc: {  	[tilespmem:$0x3E0] =	vst v0;
	v44 =	vsel vm1, v27, v42  }
0xfd: {  	s17 =	simm.s32 $0x200;
	v42 =	vadd.s32 $0xFFFFEDF8, v42;
	[tilespmem:$0x100] =	vst v44  }
0xfe: {  	s15 =	simm.s32 $0x300;
	[tilespmem:v43+s17+$0x0] =	vst.idx.msk $0xffff, v42  }
0xff: {  	[tilespmem:v43+s15+$0x0] =	vst.idx.msk $0xffff, v17  }
0x100: {  	v42 =	vld [tilespmem:$0x10];
	_ =	sdelay $0x4  }
0x101: {  	vm2 =	vgt.s32 v42, $0x1207  }
0x102: {  	v61 =	vsel vm2, $0x1, v37  }
0x103: {  	(xrf0) =	vadd.scan.msk.s32 $0xffff, v61;
	_ =	sdelay $0x1  }
0x104: {  	v62 =	vmpcnt.ones.xlane vm1;
	_ =	sdelay $0x1  }
0x105: {  	v63 =	vadd.s32 $0xFFFFFFFF, v62  }
0x106: {  	v44 =	vbroadcast v63, $0x0  }
0x107: {  	v46 =	vmpcnt.ones.xlane vm2;
	v45, _, _ =	vpop (xrf0)  }
0x108: {  	(v2sf) =	vpush v62, $0x0;
	v44 =	vadd.s32 v45, v44  }
0x109: {  	(v2sf) =	vpush v46, $0x0;
	v44 =	vsel vm2, v44, v38;
	_ =	sdelay $0x2  }
0x10a: {  	[tilespmem:$0x600] =	vst v62;
	v48 =	vsel vm2, v28, v42  }
0x10b: {  	v42 =	vadd.s32 $0xFFFFEDF8, v42;
	[tilespmem:$0x110] =	vst v48  }
0x10c: {  	[tilespmem:v44+s17+$0x0] =	vst.idx.msk $0xffff, v42  }
0x10d: {  	[tilespmem:v44+s15+$0x0] =	vst.idx.msk $0xffff, v18  }
0x10e: {  	v42 =	vld [tilespmem:$0x20];
	_ =	sdelay $0x4  }
0x10f: {  	vm1 =	vgt.s32 v42, $0x1207  }
0x110: {  	v49 =	vsel vm1, $0x1, v37  }
0x111: {  	s18 =	spop (v2sf);
	(xrf0) =	vadd.scan.msk.s32 $0xffff, v49  }
0x112: {  	s19 =	spop (v2sf)  }
0x113: {  	s8 =	sadd.s32 s18, s19  }
0x114: {  	v50 =	vmov s8  }
0x115: {  	v43 =	vadd.s32 $0xFFFFFFFF, v50  }
0x116: {  	v43 =	vbroadcast v43, $0x0  }
0x117: {  	v52 =	vmpcnt.ones.xlane vm1;
	v51, _, _ =	vpop (xrf0)  }
0x118: {  	v43 =	vadd.s32 v51, v43  }
0x119: {  	(v2sf) =	vpush v52, $0x0;
	v43 =	vsel vm1, v43, v38;
	_ =	sdelay $0x2  }
0x11a: {  	[tilespmem:$0x600] =	vst v46;
	v53 =	vsel vm1, v29, v42  }
0x11b: {  	v42 =	vadd.s32 $0xFFFFEDF8, v42;
	[tilespmem:$0x120] =	vst v53  }
0x11c: {  	[tilespmem:v43+s17+$0x0] =	vst.idx.msk $0xffff, v42  }
0x11d: {  	[tilespmem:v43+s15+$0x0] =	vst.idx.msk $0xffff, v19  }
0x11e: {  	v42 =	vld [tilespmem:$0x30];
	_ =	sdelay $0x4  }
0x11f: {  	vm1 =	vgt.s32 v42, $0x1207  }
0x120: {  	v54 =	vsel vm1, $0x1, v37  }
0x121: {  	(xrf0) =	vadd.scan.msk.s32 $0xffff, v54  }
0x122: {  	s20 =	spop (v2sf)  }
0x123: {  	s8 =	sadd.s32 s8, s20  }
0x124: {  	v55 =	vmov s8  }
0x125: {  	v43 =	vadd.s32 $0xFFFFFFFF, v55  }
0x126: {  	v43 =	vbroadcast v43, $0x0  }
0x127: {  	v57 =	vmpcnt.ones.xlane vm1;
	v56, _, _ =	vpop (xrf0)  }
0x128: {  	v43 =	vadd.s32 v56, v43  }
0x129: {  	(v2sf) =	vpush v57, $0x0;
	v43 =	vsel vm1, v43, v38;
	_ =	sdelay $0x2  }
0x12a: {  	[tilespmem:$0x600] =	vst v52;
	v58 =	vsel vm1, v30, v42  }
0x12b: {  	v42 =	vadd.s32 $0xFFFFEDF8, v42;
	[tilespmem:$0x130] =	vst v58  }
0x12c: {  	[tilespmem:v43+s17+$0x0] =	vst.idx.msk $0xffff, v42  }
0x12d: {  	[tilespmem:v43+s15+$0x0] =	vst.idx.msk $0xffff, v20  }
0x12e: {  	v42 =	vld [tilespmem:$0x40];
	_ =	sdelay $0x4  }
0x12f: {  	vm1 =	vgt.s32 v42, $0x1207  }
0x130: {  	v59 =	vsel vm1, $0x1, v37  }
0x131: {  	(xrf0) =	vadd.scan.msk.s32 $0xffff, v59  }
0x132: {  	s21 =	spop (v2sf)  }
0x133: {  	s8 =	sadd.s32 s8, s21  }
0x134: {  	v60 =	vmov s8  }
0x135: {  	v43 =	vadd.s32 $0xFFFFFFFF, v60  }
0x136: {  	v43 =	vbroadcast v43, $0x0  }
0x137: {  	v62 =	vmpcnt.ones.xlane vm1;
	v61, _, _ =	vpop (xrf0)  }
0x138: {  	v43 =	vadd.s32 v61, v43  }
0x139: {  	(v2sf) =	vpush v62, $0x0;
	v43 =	vsel vm1, v43, v38;
	_ =	sdelay $0x2  }
0x13a: {  	[tilespmem:$0x600] =	vst v57;
	v63 =	vsel vm1, v31, v42  }
0x13b: {  	v42 =	vadd.s32 $0xFFFFEDF8, v42;
	[tilespmem:$0x140] =	vst v63  }
0x13c: {  	[tilespmem:v43+s17+$0x0] =	vst.idx.msk $0xffff, v42  }
0x13d: {  	[tilespmem:v43+s15+$0x0] =	vst.idx.msk $0xffff, v21  }
0x13e: {  	v42 =	vld [tilespmem:$0x80];
	_ =	sdelay $0x4  }
0x13f: {  	vm1 =	vgt.s32 v42, $0x1207  }
0x140: {  	v46 =	vsel vm1, $0x1, v37  }
0x141: {  	(xrf0) =	vadd.scan.msk.s32 $0xffff, v46  }
0x142: {  	s23 =	spop (v2sf)  }
0x143: {  	s8 =	sadd.s32 s8, s23  }
0x144: {  	v47 =	vmov s8  }
0x145: {  	v43 =	vadd.s32 $0xFFFFFFFF, v47  }
0x146: {  	v43 =	vbroadcast v43, $0x0  }
0x147: {  	v49 =	vmpcnt.ones.xlane vm1;
	v48, _, _ =	vpop (xrf0)  }
0x148: {  	v43 =	vadd.s32 v48, v43  }
0x149: {  	(v2sf) =	vpush v49, $0x0;
	v43 =	vsel vm1, v43, v38;
	_ =	sdelay $0x2  }
0x14a: {  	[tilespmem:$0x600] =	vst v62;
	v50 =	vsel vm1, v32, v42  }
0x14b: {  	v42 =	vadd.s32 $0xFFFFEDF8, v42;
	[tilespmem:$0x180] =	vst v50  }
0x14c: {  	[tilespmem:v43+s17+$0x0] =	vst.idx.msk $0xffff, v42  }
0x14d: {  	[tilespmem:v43+s15+$0x0] =	vst.idx.msk $0xffff, v22  }
0x14e: {  	v42 =	vld [tilespmem:$0x90];
	_ =	sdelay $0x4  }
0x14f: {  	vm1 =	vgt.s32 v42, $0x1207  }
0x150: {  	v51 =	vsel vm1, $0x1, v37  }
0x151: {  	(xrf0) =	vadd.scan.msk.s32 $0xffff, v51  }
0x152: {  	s24 =	spop (v2sf)  }
0x153: {  	s8 =	sadd.s32 s8, s24  }
0x154: {  	v52 =	vmov s8  }
0x155: {  	v43 =	vadd.s32 $0xFFFFFFFF, v52  }
0x156: {  	v43 =	vbroadcast v43, $0x0  }
0x157: {  	v54 =	vmpcnt.ones.xlane vm1;
	v53, _, _ =	vpop (xrf0)  }
0x158: {  	v43 =	vadd.s32 v53, v43  }
0x159: {  	(v2sf) =	vpush v54, $0x0;
	v43 =	vsel vm1, v43, v38;
	_ =	sdelay $0x2  }
0x15a: {  	[tilespmem:$0x600] =	vst v49;
	v55 =	vsel vm1, v33, v42  }
0x15b: {  	v42 =	vadd.s32 $0xFFFFEDF8, v42;
	[tilespmem:$0x190] =	vst v55  }
0x15c: {  	[tilespmem:v43+s17+$0x0] =	vst.idx.msk $0xffff, v42  }
0x15d: {  	[tilespmem:v43+s15+$0x0] =	vst.idx.msk $0xffff, v23  }
0x15e: {  	v42 =	vld [tilespmem:$0xA0];
	_ =	sdelay $0x4  }
0x15f: {  	vm1 =	vgt.s32 v42, $0x1207  }
0x160: {  	v56 =	vsel vm1, $0x1, v37  }
0x161: {  	(xrf0) =	vadd.scan.msk.s32 $0xffff, v56  }
0x162: {  	s25 =	spop (v2sf)  }
0x163: {  	s8 =	sadd.s32 s8, s25  }
0x164: {  	v57 =	vmov s8  }
0x165: {  	v43 =	vadd.s32 $0xFFFFFFFF, v57  }
0x166: {  	v43 =	vbroadcast v43, $0x0  }
0x167: {  	v59 =	vmpcnt.ones.xlane vm1;
	v58, _, _ =	vpop (xrf0)  }
0x168: {  	v43 =	vadd.s32 v58, v43  }
0x169: {  	(v2sf) =	vpush v59, $0x0;
	v43 =	vsel vm1, v43, v38;
	_ =	sdelay $0x2  }
0x16a: {  	[tilespmem:$0x600] =	vst v54;
	v60 =	vsel vm1, v34, v42  }
0x16b: {  	v42 =	vadd.s32 $0xFFFFEDF8, v42;
	[tilespmem:$0x1A0] =	vst v60  }
0x16c: {  	[tilespmem:v43+s17+$0x0] =	vst.idx.msk $0xffff, v42  }
0x16d: {  	[tilespmem:v43+s15+$0x0] =	vst.idx.msk $0xffff, v24  }
0x16e: {  	v42 =	vld [tilespmem:$0xB0];
	_ =	sdelay $0x4  }
0x16f: {  	vm1 =	vgt.s32 v42, $0x1207  }
0x170: {  	v61 =	vsel vm1, $0x1, v37  }
0x171: {  	(xrf0) =	vadd.scan.msk.s32 $0xffff, v61  }
0x172: {  	s29 =	spop (v2sf)  }
0x173: {  	s8 =	sadd.s32 s8, s29  }
0x174: {  	v62 =	vmov s8  }
0x175: {  	v43 =	vadd.s32 $0xFFFFFFFF, v62  }
0x176: {  	v43 =	vbroadcast v43, $0x0  }
0x177: {  	v48 =	vmpcnt.ones.xlane vm1;
	v63, _, _ =	vpop (xrf0)  }
0x178: {  	v43 =	vadd.s32 v63, v43  }
0x179: {  	(v2sf) =	vpush v48, $0x0;
	v43 =	vsel vm1, v43, v38;
	_ =	sdelay $0x2  }
0x17a: {  	[tilespmem:$0x600] =	vst v59;
	v49 =	vsel vm1, v35, v42  }
0x17b: {  	v42 =	vadd.s32 $0xFFFFEDF8, v42;
	[tilespmem:$0x1B0] =	vst v49  }
0x17c: {  	[tilespmem:v43+s17+$0x0] =	vst.idx.msk $0xffff, v42  }
0x17d: {  	[tilespmem:v43+s15+$0x0] =	vst.idx.msk $0xffff, v25  }
0x17e: {  	v42 =	vld [tilespmem:$0xC0];
	_ =	sdelay $0x4  }
0x17f: {  	vm1 =	vgt.s32 v42, $0x1207  }
0x180: {  	v50 =	vsel vm1, $0x1, v37  }
0x181: {  	(xrf0) =	vadd.scan.msk.s32 $0xffff, v50  }
0x182: {  	s30 =	spop (v2sf)  }
0x183: {  	s0 =	sadd.s32 s8, s30  }
0x184: {  	v51 =	vmov s0  }
0x185: {  	v43 =	vadd.s32 $0xFFFFFFFF, v51  }
0x186: {  	v43 =	vbroadcast v43, $0x0  }
0x187: {  	v52, _, _ =	vpop (xrf0)  }
0x188: {  	v43 =	vadd.s32 v52, v43  }
0x189: {  	v43 =	vsel vm1, v43, v38;
	_ =	sdelay $0x2  }
0x18a: {  	[tilespmem:$0x600] =	vst v48;
	v53 =	vsel vm1, v36, v42  }
0x18b: {  	v42 =	vadd.s32 $0xFFFFEDF8, v42;
	[tilespmem:$0x1C0] =	vst v53  }
0x18c: {  	[tilespmem:v43+s17+$0x0] =	vst.idx.msk $0xffff, v42  }
0x18d: {  	[tilespmem:v43+s15+$0x0] =	vst.idx.msk $0xffff, v26  }
0x18e: {  	v42 =	vld [tilespmem:$0x300]  }
0x18f: {  	v43 =	vld [tilespmem:$0x310]  }
0x190: {  	v55 =	vld [tilespmem:$0x100]  }
0x191: {  	v53 =	vmpcnt.ones.xlane vm1;
	v54 =	vld [tilespmem:$0x320]  }
0x192: {  	v56 =	vld [tilespmem:$0x330]  }
0x193: {  	v47 =	vld [tilespmem:$0x340];
	[tilespmem:$0x600] =	vst v53  }
0x194: {  	v57 =	vld [tilespmem:$0x350];
	[tilespmem:$0x400] =	vst v42  }
0x195: {  	v58 =	vld [tilespmem:$0x360];
	[tilespmem:$0x410] =	vst v43;
	v48 =	vshrl.u32 v55, $0x3  }
0x196: {  	v59 =	vld [tilespmem:$0x370];
	[tilespmem:$0x420] =	vst v54;
	v48 =	vmul.u32 $0x30, v48  }
0x197: {  	v60 =	vld [tilespmem:$0x380];
	[tilespmem:$0x430] =	vst v56;
	v45 =	vand.u32 $0x7, v55  }
0x198: {  	v61 =	vld [tilespmem:$0x390];
	[tilespmem:$0x480] =	vst v47;
	v45 =	vor.u32 v45, v48  }
0x199: {  	v62 =	vld [tilespmem:$0x3A0];
	[tilespmem:$0x490] =	vst v57;
	v48 =	vperm.xlane v45, v39  }
0x19a: {  	v63 =	vld [tilespmem:$0x3B0];
	[tilespmem:$0x4A0] =	vst v58  }
0x19b: {  	[tilespmem:$0x4B0] =	vst v59;
	v52 =	vadd.s32 v40, v48  }
0x19c: {  	[tilespmem:$0x500] =	vst v60  }
0x19d: {  	s9 =	rddreg [dreg:$0x1];
	[tilespmem:$0x510] =	vst v61  }
0x19e: {  	[smem:$0x7EB] =	sst s0;
	[tilespmem:$0x520] =	vst v62  }
0x19f: {  	s10 =	simm.s32 $0x680;
	s0 =	sld [smem:$0x7FB];
	[tilespmem:$0x530] =	vst v63;
	v54 =	vperm.xlane v45, v41  }
0x1a0: {  	[tilespmem:s10], [sflag:$0x1] =	stream.indirect_vreg.gather [hbm4b:s9+s2], $0x80, v52, vm0, $0xb8;
	[tilespmem:$0x1E680] =	vst v63  }
0x1a1: {  	s12 =	simm.s32 $0xE80;
	s4 =	sld [smem:$0x7FC];
	v43 =	vadd.s32 v40, v54  }
0x1a2: {  	[tilespmem:s12], [sflag:$0x1] =	stream.indirect_vreg.gather [hbm4b:s0+s2], $0x80, v52, vm0, $0xb8;
	[tilespmem:$0x1E680] =	vst v63  }
0x1a3: {  	s3 =	simm.s32 $0x1680  }
0x1a4: {  	[tilespmem:s3], [sflag:$0x1] =	stream.indirect_vreg.gather [hbm4b:s4+s2], $0x80, v52, vm0, $0xb8;
	[tilespmem:$0x1E680] =	vst v63  }
0x1a5: {  	s15 =	simm.s32 $0x1E80  }
0x1a6: {  	[tilespmem:s15], [sflag:$0x1] =	stream.indirect_vreg.gather [hbm4b:s9+s2], $0x80, v43, vm0, $0xb8;
	[tilespmem:$0x1E680] =	vst v63  }
0x1a7: {  	s17 =	simm.s32 $0x2680  }
0x1a8: {  	[tilespmem:s17], [sflag:$0x1] =	stream.indirect_vreg.gather [hbm4b:s0+s2], $0x80, v43, vm0, $0xb8;
	[tilespmem:$0x1E680] =	vst v63  }
0x1a9: {  	s16 =	simm.s32 $0x2E80  }
0x1aa: {  	[tilespmem:s16], [sflag:$0x1] =	stream.indirect_vreg.gather [hbm4b:s4+s2], $0x80, v43, vm0, $0xb8;
	[tilespmem:$0x1E680] =	vst v63  }
0x1ab: {  	v43 =	vld [tilespmem:$0x110];
	_ =	sdelay $0x4  }
0x1ac: {  	v55 =	vshrl.u32 v43, $0x3  }
0x1ad: {  	v44 =	vmul.u32 $0x30, v55  }
0x1ae: {  	v43 =	vand.u32 $0x7, v43  }
0x1af: {  	v43 =	vor.u32 v43, v44  }
0x1b0: {  	v44 =	vperm.xlane v43, v39;
	_ =	sdelay $0x1  }
0x1b1: {  	v44 =	vadd.s32 v40, v44;
	_ =	sdelay $0x3  }
0x1b2: {  	s5 =	simm.s32 $0x3680;
	v43 =	vperm.xlane v43, v41  }
0x1b3: {  	[tilespmem:s5], [sflag:$0x1] =	stream.indirect_vreg.gather [hbm4b:s9+s2], $0x80, v44, vm0, $0xb8;
	[tilespmem:$0x1E680] =	vst v63  }
0x1b4: {  	v43 =	vadd.s32 v40, v43  }
0x1b5: {  	[tilespmem:s7], [sflag:$0x1] =	stream.indirect_vreg.gather [hbm4b:s0+s2], $0x80, v44, vm0, $0xb8;
	[tilespmem:$0x1E680] =	vst v63  }
0x1b6: {  	_ = 	snop  }
0x1b7: {  	[tilespmem:s26], [sflag:$0x1] =	stream.indirect_vreg.gather [hbm4b:s4+s2], $0x80, v44, vm0, $0xb8;
	[tilespmem:$0x1E680] =	vst v63  }
0x1b8: {  	_ = 	snop  }
0x1b9: {  	[tilespmem:s28], [sflag:$0x1] =	stream.indirect_vreg.gather [hbm4b:s9+s2], $0x80, v43, vm0, $0xb8;
	[tilespmem:$0x1E680] =	vst v63  }
0x1ba: {  	_ = 	snop  }
0x1bb: {  	[tilespmem:s11], [sflag:$0x1] =	stream.indirect_vreg.gather [hbm4b:s0+s2], $0x80, v43, vm0, $0xb8;
	[tilespmem:$0x1E680] =	vst v63  }
0x1bc: {  	s18 =	simm.s32 $0x5E80  }
0x1bd: {  	[tilespmem:s18], [sflag:$0x1] =	stream.indirect_vreg.gather [hbm4b:s4+s2], $0x80, v43, vm0, $0xb8;
	[tilespmem:$0x1E680] =	vst v63  }
0x1be: {  	v43 =	vld [tilespmem:$0x120];
	_ =	sdelay $0x4  }
0x1bf: {  	v56 =	vshrl.u32 v43, $0x3  }
0x1c0: {  	v44 =	vmul.u32 $0x30, v56  }
0x1c1: {  	v43 =	vand.u32 $0x7, v43  }
0x1c2: {  	v43 =	vor.u32 v43, v44  }
0x1c3: {  	v44 =	vperm.xlane v43, v39;
	_ =	sdelay $0x1  }
0x1c4: {  	v44 =	vadd.s32 v40, v44;
	_ =	sdelay $0x3  }
0x1c5: {  	s31 =	simm.s32 $0x6680;
	v43 =	vperm.xlane v43, v41  }
0x1c6: {  	[tilespmem:s31], [sflag:$0x1] =	stream.indirect_vreg.gather [hbm4b:s9+s2], $0x80, v44, vm0, $0xb8;
	[tilespmem:$0x1E680] =	vst v63  }
0x1c7: {  	s19 =	simm.s32 $0x6E80;
	v43 =	vadd.s32 v40, v43  }
0x1c8: {  	[tilespmem:s19], [sflag:$0x1] =	stream.indirect_vreg.gather [hbm4b:s0+s2], $0x80, v44, vm0, $0xb8;
	[tilespmem:$0x1E680] =	vst v63  }
0x1c9: {  	_ = 	snop  }
0x1ca: {  	[tilespmem:s22], [sflag:$0x1] =	stream.indirect_vreg.gather [hbm4b:s4+s2], $0x80, v44, vm0, $0xb8;
	[tilespmem:$0x1E680] =	vst v63  }
0x1cb: {  	s1 =	simm.s32 $0x7E80  }
0x1cc: {  	[tilespmem:s1], [sflag:$0x1] =	stream.indirect_vreg.gather [hbm4b:s9+s2], $0x80, v43, vm0, $0xb8;
	[tilespmem:$0x1E680] =	vst v63  }
0x1cd: {  	s20 =	simm.s32 $0x8680  }
0x1ce: {  	[tilespmem:s20], [sflag:$0x1] =	stream.indirect_vreg.gather [hbm4b:s0+s2], $0x80, v43, vm0, $0xb8;
	[tilespmem:$0x1E680] =	vst v63  }
0x1cf: {  	s21 =	simm.s32 $0x8E80  }
0x1d0: {  	[tilespmem:s21], [sflag:$0x1] =	stream.indirect_vreg.gather [hbm4b:s4+s2], $0x80, v43, vm0, $0xb8;
	[tilespmem:$0x1E680] =	vst v63  }
0x1d1: {  	v43 =	vld [tilespmem:$0x130];
	_ =	sdelay $0x4  }
0x1d2: {  	v57 =	vshrl.u32 v43, $0x3  }
0x1d3: {  	v44 =	vmul.u32 $0x30, v57  }
0x1d4: {  	v43 =	vand.u32 $0x7, v43  }
0x1d5: {  	v43 =	vor.u32 v43, v44  }
0x1d6: {  	v44 =	vperm.xlane v43, v39;
	_ =	sdelay $0x1  }
0x1d7: {  	v44 =	vadd.s32 v40, v44;
	_ =	sdelay $0x3  }
0x1d8: {  	s22 =	simm.s32 $0x9680;
	v43 =	vperm.xlane v43, v41  }
0x1d9: {  	[tilespmem:s22], [sflag:$0x1] =	stream.indirect_vreg.gather [hbm4b:s9+s2], $0x80, v44, vm0, $0xb8;
	[tilespmem:$0x1E680] =	vst v63  }
0x1da: {  	s23 =	simm.s32 $0x9E80;
	v43 =	vadd.s32 v40, v43  }
0x1db: {  	[tilespmem:s23], [sflag:$0x1] =	stream.indirect_vreg.gather [hbm4b:s0+s2], $0x80, v44, vm0, $0xb8;
	[tilespmem:$0x1E680] =	vst v63  }
0x1dc: {  	s24 =	simm.s32 $0xA680  }
0x1dd: {  	[tilespmem:s24], [sflag:$0x1] =	stream.indirect_vreg.gather [hbm4b:s4+s2], $0x80, v44, vm0, $0xb8;
	[tilespmem:$0x1E680] =	vst v63  }
0x1de: {  	s14 =	simm.s32 $0xAE80  }
0x1df: {  	[tilespmem:s14], [sflag:$0x1] =	stream.indirect_vreg.gather [hbm4b:s9+s2], $0x80, v43, vm0, $0xb8;
	[tilespmem:$0x1E680] =	vst v63  }
0x1e0: {  	s25 =	simm.s32 $0xB680  }
0x1e1: {  	[tilespmem:s25], [sflag:$0x1] =	stream.indirect_vreg.gather [hbm4b:s0+s2], $0x80, v43, vm0, $0xb8;
	[tilespmem:$0x1E680] =	vst v63  }
0x1e2: {  	s30 =	simm.s32 $0xBE80  }
0x1e3: {  	[tilespmem:s30], [sflag:$0x1] =	stream.indirect_vreg.gather [hbm4b:s4+s2], $0x80, v43, vm0, $0xb8;
	[tilespmem:$0x1E680] =	vst v63  }
0x1e4: {  	v43 =	vld [tilespmem:$0x140];
	_ =	sdelay $0x4  }
0x1e5: {  	v58 =	vshrl.u32 v43, $0x3  }
0x1e6: {  	v44 =	vmul.u32 $0x30, v58  }
0x1e7: {  	v43 =	vand.u32 $0x7, v43  }
0x1e8: {  	(v2sf) =	vpush v53, $0x0;
	v43 =	vor.u32 v43, v44  }
0x1e9: {  	v44 =	vperm.xlane v43, v39;
	_ =	sdelay $0x1  }
0x1ea: {  	v59 =	vadd.s32 v40, v44;
	_ =	sdelay $0x3  }
0x1eb: {  	s31 =	simm.s32 $0xC680;
	v43 =	vperm.xlane v43, v41  }
0x1ec: {  	[tilespmem:s31], [sflag:$0x1] =	stream.indirect_vreg.gather [hbm4b:s9+s2], $0x80, v59, vm0, $0xb8;
	[tilespmem:$0x1E680] =	vst v63  }
0x1ed: {  	s3 =	simm.s32 $0xCE80;
	v43 =	vadd.s32 v40, v43  }
0x1ee: {  	[tilespmem:s3], [sflag:$0x1] =	stream.indirect_vreg.gather [hbm4b:s0+s2], $0x80, v59, vm0, $0xb8;
	[tilespmem:$0x1E680] =	vst v63  }
0x1ef: {  	s5 =	simm.s32 $0xD680  }
0x1f0: {  	[tilespmem:s5], [sflag:$0x1] =	stream.indirect_vreg.gather [hbm4b:s4+s2], $0x80, v59, vm0, $0xb8;
	[tilespmem:$0x1E680] =	vst v63  }
0x1f1: {  	s8 =	simm.s32 $0xDE80  }
0x1f2: {  	[tilespmem:s8], [sflag:$0x1] =	stream.indirect_vreg.gather [hbm4b:s9+s2], $0x80, v43, vm0, $0xb8;
	[tilespmem:$0x1E680] =	vst v63  }
0x1f3: {  	s10 =	simm.s32 $0xE680;
	s14 =	spop (v2sf)  }
0x1f4: {  	[tilespmem:s10], [sflag:$0x1] =	stream.indirect_vreg.gather [hbm4b:s0+s2], $0x80, v43, vm0, $0xb8;
	[tilespmem:$0x1E680] =	vst v63  }
0x1f5: {  	s15 =	simm.s32 $0xEE80;
	[smem:$0x7EC] =	sst s14;
	s25 =	simm.s32 $0x1  }
0x1f6: {  	[tilespmem:s15], [sflag:$0x1] =	stream.indirect_vreg.gather [hbm4b:s4+s2], $0x80, v43, vm0, $0xb8;
	[tilespmem:$0x1E680] =	vst v63  }
0x1f7: {  	_ =	swait.ge [sflag:s25], $0xF000  }
0x1f8: {  	[sflag:s25] =	ssyncset.done $0x0  }
0x1f9: {  	s13 =	simm.s32 $0x680;
	s17 =	rddreg [dreg:$0xa];
	[sflag:s25] =	ssyncadd.s32 $0xFFFF1000  }
0x1fa: {  	[hbm4b:s17+s2] =	stream.linear.scatter [tilespmem:s13], [sflag:$0x3], $0xF000, $0x38;
	[tilespmem:$0x1E680] =	vst v63  }
0x1fb: {  	v60 =	vld [tilespmem:$0x180];
	_ =	sdelay $0x4  }
0x1fc: {  	v61 =	vshrl.u32 v60, $0x3  }
0x1fd: {  	v43 =	vmul.u32 $0x30, v61  }
0x1fe: {  	v42 =	vand.u32 $0x7, v60  }
0x1ff: {  	v42 =	vor.u32 v42, v43  }
0x200: {  	v43 =	vperm.xlane v42, v39;
	_ =	sdelay $0x1  }
0x201: {  	v43 =	vadd.s32 v40, v43;
	_ =	sdelay $0x3  }
0x202: {  	s18 =	simm.s32 $0xF680;
	v42 =	vperm.xlane v42, v41  }
0x203: {  	[tilespmem:s18], [sflag:$0x2] =	stream.indirect_vreg.gather [hbm4b:s9+s2], $0x80, v43, vm0, $0xb8;
	[tilespmem:$0x1E680] =	vst v63  }
0x204: {  	s19 =	simm.s32 $0xFE80;
	v42 =	vadd.s32 v40, v42  }
0x205: {  	[tilespmem:s19], [sflag:$0x2] =	stream.indirect_vreg.gather [hbm4b:s0+s2], $0x80, v43, vm0, $0xb8;
	[tilespmem:$0x1E680] =	vst v63  }
0x206: {  	s20 =	simm.s32 $0x10680  }
0x207: {  	[tilespmem:s20], [sflag:$0x2] =	stream.indirect_vreg.gather [hbm4b:s4+s2], $0x80, v43, vm0, $0xb8;
	[tilespmem:$0x1E680] =	vst v63  }
0x208: {  	s22 =	simm.s32 $0x10E80  }
0x209: {  	[tilespmem:s22], [sflag:$0x2] =	stream.indirect_vreg.gather [hbm4b:s9+s2], $0x80, v42, vm0, $0xb8;
	[tilespmem:$0x1E680] =	vst v63  }
0x20a: {  	s23 =	simm.s32 $0x11680  }
0x20b: {  	[tilespmem:s23], [sflag:$0x2] =	stream.indirect_vreg.gather [hbm4b:s0+s2], $0x80, v42, vm0, $0xb8;
	[tilespmem:$0x1E680] =	vst v63  }
0x20c: {  	s24 =	simm.s32 $0x11E80  }
0x20d: {  	[tilespmem:s24], [sflag:$0x2] =	stream.indirect_vreg.gather [hbm4b:s4+s2], $0x80, v42, vm0, $0xb8;
	[tilespmem:$0x1E680] =	vst v63  }
0x20e: {  	v42 =	vld [tilespmem:$0x190];
	_ =	sdelay $0x4  }
0x20f: {  	v62 =	vshrl.u32 v42, $0x3  }
0x210: {  	v43 =	vmul.u32 $0x30, v62  }
0x211: {  	v42 =	vand.u32 $0x7, v42  }
0x212: {  	v42 =	vor.u32 v42, v43  }
0x213: {  	v43 =	vperm.xlane v42, v39;
	_ =	sdelay $0x1  }
0x214: {  	v43 =	vadd.s32 v40, v43;
	_ =	sdelay $0x3  }
0x215: {  	s30 =	simm.s32 $0x12680;
	v42 =	vperm.xlane v42, v41  }
0x216: {  	[tilespmem:s30], [sflag:$0x2] =	stream.indirect_vreg.gather [hbm4b:s9+s2], $0x80, v43, vm0, $0xb8;
	[tilespmem:$0x1E680] =	vst v63  }
0x217: {  	s31 =	simm.s32 $0x12E80;
	v42 =	vadd.s32 v40, v42  }
0x218: {  	[tilespmem:s31], [sflag:$0x2] =	stream.indirect_vreg.gather [hbm4b:s0+s2], $0x80, v43, vm0, $0xb8;
	[tilespmem:$0x1E680] =	vst v63  }
0x219: {  	s3 =	simm.s32 $0x13680  }
0x21a: {  	[tilespmem:s3], [sflag:$0x2] =	stream.indirect_vreg.gather [hbm4b:s4+s2], $0x80, v43, vm0, $0xb8;
	[tilespmem:$0x1E680] =	vst v63  }
0x21b: {  	s5 =	simm.s32 $0x13E80  }
0x21c: {  	[tilespmem:s5], [sflag:$0x2] =	stream.indirect_vreg.gather [hbm4b:s9+s2], $0x80, v42, vm0, $0xb8;
	[tilespmem:$0x1E680] =	vst v63  }
0x21d: {  	s13 =	simm.s32 $0x14680  }
0x21e: {  	[tilespmem:s13], [sflag:$0x2] =	stream.indirect_vreg.gather [hbm4b:s0+s2], $0x80, v42, vm0, $0xb8;
	[tilespmem:$0x1E680] =	vst v63  }
0x21f: {  	s15 =	simm.s32 $0x14E80  }
0x220: {  	[tilespmem:s15], [sflag:$0x2] =	stream.indirect_vreg.gather [hbm4b:s4+s2], $0x80, v42, vm0, $0xb8;
	[tilespmem:$0x1E680] =	vst v63  }
0x221: {  	v42 =	vld [tilespmem:$0x1A0];
	_ =	sdelay $0x4  }
0x222: {  	v63 =	vshrl.u32 v42, $0x3  }
0x223: {  	v43 =	vmul.u32 $0x30, v63  }
0x224: {  	v42 =	vand.u32 $0x7, v42  }
0x225: {  	v42 =	vor.u32 v42, v43  }
0x226: {  	v43 =	vperm.xlane v42, v39;
	_ =	sdelay $0x1  }
0x227: {  	v43 =	vadd.s32 v40, v43;
	_ =	sdelay $0x3  }
0x228: {  	s18 =	simm.s32 $0x15680;
	v42 =	vperm.xlane v42, v41  }
0x229: {  	[tilespmem:s18], [sflag:$0x2] =	stream.indirect_vreg.gather [hbm4b:s9+s2], $0x80, v43, vm0, $0xb8;
	[tilespmem:$0x1E680] =	vst v63  }
0x22a: {  	s22 =	simm.s32 $0x15E80;
	v42 =	vadd.s32 v40, v42  }
0x22b: {  	[tilespmem:s22], [sflag:$0x2] =	stream.indirect_vreg.gather [hbm4b:s0+s2], $0x80, v43, vm0, $0xb8;
	[tilespmem:$0x1E680] =	vst v63  }
0x22c: {  	s23 =	simm.s32 $0x16680  }
0x22d: {  	[tilespmem:s23], [sflag:$0x2] =	stream.indirect_vreg.gather [hbm4b:s4+s2], $0x80, v43, vm0, $0xb8;
	[tilespmem:$0x1E680] =	vst v63  }
0x22e: {  	s3 =	simm.s32 $0x16E80  }
0x22f: {  	[tilespmem:s3], [sflag:$0x2] =	stream.indirect_vreg.gather [hbm4b:s9+s2], $0x80, v42, vm0, $0xb8;
	[tilespmem:$0x1E680] =	vst v63  }
0x230: {  	s5 =	simm.s32 $0x17680  }
0x231: {  	[tilespmem:s5], [sflag:$0x2] =	stream.indirect_vreg.gather [hbm4b:s0+s2], $0x80, v42, vm0, $0xb8;
	[tilespmem:$0x1E680] =	vst v63  }
0x232: {  	s13 =	simm.s32 $0x17E80  }
0x233: {  	[tilespmem:s13], [sflag:$0x2] =	stream.indirect_vreg.gather [hbm4b:s4+s2], $0x80, v42, vm0, $0xb8;
	[tilespmem:$0x1E680] =	vst v63  }
0x234: {  	v42 =	vld [tilespmem:$0x1B0];
	_ =	sdelay $0x4  }
0x235: {  	v45 =	vshrl.u32 v42, $0x3  }
0x236: {  	v43 =	vmul.u32 $0x30, v45  }
0x237: {  	v42 =	vand.u32 $0x7, v42  }
0x238: {  	v42 =	vor.u32 v42, v43  }
0x239: {  	v43 =	vperm.xlane v42, v39;
	_ =	sdelay $0x1  }
0x23a: {  	v43 =	vadd.s32 v40, v43;
	_ =	sdelay $0x3  }
0x23b: {  	s15 =	simm.s32 $0x18680;
	v42 =	vperm.xlane v42, v41  }
0x23c: {  	[tilespmem:s15], [sflag:$0x2] =	stream.indirect_vreg.gather [hbm4b:s9+s2], $0x80, v43, vm0, $0xb8;
	[tilespmem:$0x1E680] =	vst v63  }
0x23d: {  	s22 =	simm.s32 $0x18E80;
	v42 =	vadd.s32 v40, v42  }
0x23e: {  	[tilespmem:s22], [sflag:$0x2] =	stream.indirect_vreg.gather [hbm4b:s0+s2], $0x80, v43, vm0, $0xb8;
	[tilespmem:$0x1E680] =	vst v63  }
0x23f: {  	s23 =	simm.s32 $0x19680  }
0x240: {  	[tilespmem:s23], [sflag:$0x2] =	stream.indirect_vreg.gather [hbm4b:s4+s2], $0x80, v43, vm0, $0xb8;
	[tilespmem:$0x1E680] =	vst v63  }
0x241: {  	s3 =	simm.s32 $0x19E80  }
0x242: {  	[tilespmem:s3], [sflag:$0x2] =	stream.indirect_vreg.gather [hbm4b:s9+s2], $0x80, v42, vm0, $0xb8;
	[tilespmem:$0x1E680] =	vst v63  }
0x243: {  	s5 =	simm.s32 $0x1A680  }
0x244: {  	[tilespmem:s5], [sflag:$0x2] =	stream.indirect_vreg.gather [hbm4b:s0+s2], $0x80, v42, vm0, $0xb8;
	[tilespmem:$0x1E680] =	vst v63  }
0x245: {  	s13 =	simm.s32 $0x1AE80  }
0x246: {  	[tilespmem:s13], [sflag:$0x2] =	stream.indirect_vreg.gather [hbm4b:s4+s2], $0x80, v42, vm0, $0xb8;
	[tilespmem:$0x1E680] =	vst v63  }
0x247: {  	v42 =	vld [tilespmem:$0x1C0];
	_ =	sdelay $0x4  }
0x248: {  	v46 =	vshrl.u32 v42, $0x3  }
0x249: {  	v43 =	vmul.u32 $0x30, v46  }
0x24a: {  	v42 =	vand.u32 $0x7, v42  }
0x24b: {  	v42 =	vor.u32 v42, v43  }
0x24c: {  	v43 =	vperm.xlane v42, v39;
	_ =	sdelay $0x1  }
0x24d: {  	v43 =	vadd.s32 v40, v43;
	_ =	sdelay $0x3  }
0x24e: {  	s22 =	simm.s32 $0x1B680;
	v42 =	vperm.xlane v42, v41  }
0x24f: {  	[tilespmem:s22], [sflag:$0x2] =	stream.indirect_vreg.gather [hbm4b:s9+s2], $0x80, v43, vm0, $0xb8;
	[tilespmem:$0x1E680] =	vst v63  }
0x250: {  	s3 =	simm.s32 $0x1BE80;
	v42 =	vadd.s32 v40, v42  }
0x251: {  	[tilespmem:s3], [sflag:$0x2] =	stream.indirect_vreg.gather [hbm4b:s0+s2], $0x80, v43, vm0, $0xb8;
	[tilespmem:$0x1E680] =	vst v63  }
0x252: {  	s5 =	simm.s32 $0x1C680  }
0x253: {  	[tilespmem:s5], [sflag:$0x2] =	stream.indirect_vreg.gather [hbm4b:s4+s2], $0x80, v43, vm0, $0xb8;
	[tilespmem:$0x1E680] =	vst v63  }
0x254: {  	s13 =	simm.s32 $0x1CE80  }
0x255: {  	[tilespmem:s13], [sflag:$0x2] =	stream.indirect_vreg.gather [hbm4b:s9+s2], $0x80, v42, vm0, $0xb8;
	[tilespmem:$0x1E680] =	vst v63  }
0x256: {  	s22 =	simm.s32 $0x1D680  }
0x257: {  	[tilespmem:s22], [sflag:$0x2] =	stream.indirect_vreg.gather [hbm4b:s0+s2], $0x80, v42, vm0, $0xb8;
	[tilespmem:$0x1E680] =	vst v63  }
0x258: {  	s3 =	simm.s32 $0x1DE80;
	s13 =	simm.s32 $0x2  }
0x259: {  	[tilespmem:s3], [sflag:$0x2] =	stream.indirect_vreg.gather [hbm4b:s4+s2], $0x80, v42, vm0, $0xb8;
	[tilespmem:$0x1E680] =	vst v63  }
0x25a: {  	_ =	swait.ge [sflag:s13], $0xF000  }
0x25b: {  	s21 =	simm.s32 $0xF680;
	[sflag:s13] =	ssyncset.done $0x0  }
0x25c: {  	s22 =	simm.s32 $0x3;
	s5 =	rddreg [dreg:$0x16];
	[sflag:s13] =	ssyncadd.s32 $0xFFFF1000  }
0x25d: {  	[hbm4b:s5+s2] =	stream.linear.scatter [tilespmem:s21], [sflag:$0x4], $0xF000, $0x38;
	[tilespmem:$0x1E680] =	vst v63  }
0x25e: {  	_ =	swait.ge [sflag:s22], $0xF000  }
0x25f: {  	[sflag:s22] =	ssyncset.done $0x0  }
0x260: {  	[sflag:s22] =	ssyncadd.s32 $0xFFFF1000  }
0x261: {  	v47 =	vld [tilespmem:$0x100];
	_ =	sdelay $0x4  }
0x262: {  	v48 =	vshrl.u32 v47, $0x3  }
0x263: {  	v43 =	vmul.u32 $0x30, v48  }
0x264: {  	v42 =	vand.u32 $0x7, v47  }
0x265: {  	v42 =	vor.u32 v42, v43  }
0x266: {  	v43 =	vperm.xlane v42, v39;
	_ =	sdelay $0x1  }
0x267: {  	v43 =	vadd.s32 v40, v43;
	_ =	sdelay $0x1  }
0x268: {  	s1 =	sld [smem:$0x7ED];
	_ =	sdelay $0x1  }
0x269: {  	s3 =	simm.s32 $0x680;
	s5 =	sld [smem:$0x7F0]  }
0x26a: {  	[tilespmem:s3], [sflag:$0x1] =	stream.indirect_vreg.gather [hbm4b:s1+s2], $0x80, v43, vm0, $0xb8;
	[tilespmem:$0x1E680] =	vst v63  }
0x26b: {  	s8 =	simm.s32 $0xE80;
	v42 =	vperm.xlane v42, v41  }
0x26c: {  	[tilespmem:s8], [sflag:$0x1] =	stream.indirect_vreg.gather [hbm4b:s5+s2], $0x80, v43, vm0, $0xb8;
	[tilespmem:$0x1E680] =	vst v63  }
0x26d: {  	v42 =	vadd.s32 v40, v42;
	s8 =	sld [smem:$0x7F1];
	_ =	sdelay $0x1  }
0x26e: {  	s29 =	simm.s32 $0x1680  }
0x26f: {  	[tilespmem:s29], [sflag:$0x1] =	stream.indirect_vreg.gather [hbm4b:s8+s2], $0x80, v43, vm0, $0xb8;
	[tilespmem:$0x1E680] =	vst v63  }
0x270: {  	s29 =	simm.s32 $0x1E80  }
0x271: {  	[tilespmem:s29], [sflag:$0x1] =	stream.indirect_vreg.gather [hbm4b:s1+s2], $0x80, v42, vm0, $0xb8;
	[tilespmem:$0x1E680] =	vst v63  }
0x272: {  	s9 =	simm.s32 $0x2680  }
0x273: {  	[tilespmem:s9], [sflag:$0x1] =	stream.indirect_vreg.gather [hbm4b:s5+s2], $0x80, v42, vm0, $0xb8;
	[tilespmem:$0x1E680] =	vst v63  }
0x274: {  	_ = 	snop  }
0x275: {  	[tilespmem:s16], [sflag:$0x1] =	stream.indirect_vreg.gather [hbm4b:s8+s2], $0x80, v42, vm0, $0xb8;
	[tilespmem:$0x1E680] =	vst v63  }
0x276: {  	v42 =	vld [tilespmem:$0x110];
	_ =	sdelay $0x4  }
0x277: {  	v49 =	vshrl.u32 v42, $0x3  }
0x278: {  	v43 =	vmul.u32 $0x30, v49  }
0x279: {  	v42 =	vand.u32 $0x7, v42  }
0x27a: {  	v42 =	vor.u32 v42, v43  }
0x27b: {  	v43 =	vperm.xlane v42, v39;
	_ =	sdelay $0x1  }
0x27c: {  	v43 =	vadd.s32 v40, v43;
	_ =	sdelay $0x3  }
0x27d: {  	s4 =	simm.s32 $0x3680;
	v42 =	vperm.xlane v42, v41  }
0x27e: {  	[tilespmem:s4], [sflag:$0x1] =	stream.indirect_vreg.gather [hbm4b:s1+s2], $0x80, v43, vm0, $0xb8;
	[tilespmem:$0x1E680] =	vst v63  }
0x27f: {  	s10 =	simm.s32 $0x3E80;
	v42 =	vadd.s32 v40, v42  }
0x280: {  	[tilespmem:s10], [sflag:$0x1] =	stream.indirect_vreg.gather [hbm4b:s5+s2], $0x80, v43, vm0, $0xb8;
	[tilespmem:$0x1E680] =	vst v63  }
0x281: {  	_ = 	snop  }
0x282: {  	[tilespmem:s26], [sflag:$0x1] =	stream.indirect_vreg.gather [hbm4b:s8+s2], $0x80, v43, vm0, $0xb8;
	[tilespmem:$0x1E680] =	vst v63  }
0x283: {  	_ = 	snop  }
0x284: {  	[tilespmem:s28], [sflag:$0x1] =	stream.indirect_vreg.gather [hbm4b:s1+s2], $0x80, v42, vm0, $0xb8;
	[tilespmem:$0x1E680] =	vst v63  }
0x285: {  	_ = 	snop  }
0x286: {  	[tilespmem:s11], [sflag:$0x1] =	stream.indirect_vreg.gather [hbm4b:s5+s2], $0x80, v42, vm0, $0xb8;
	[tilespmem:$0x1E680] =	vst v63  }
0x287: {  	s16 =	simm.s32 $0x5E80  }
0x288: {  	[tilespmem:s16], [sflag:$0x1] =	stream.indirect_vreg.gather [hbm4b:s8+s2], $0x80, v42, vm0, $0xb8;
	[tilespmem:$0x1E680] =	vst v63  }
0x289: {  	v42 =	vld [tilespmem:$0x120];
	_ =	sdelay $0x4  }
0x28a: {  	v50 =	vshrl.u32 v42, $0x3  }
0x28b: {  	v43 =	vmul.u32 $0x30, v50  }
0x28c: {  	v42 =	vand.u32 $0x7, v42  }
0x28d: {  	v42 =	vor.u32 v42, v43  }
0x28e: {  	v43 =	vperm.xlane v42, v39;
	_ =	sdelay $0x1  }
0x28f: {  	v43 =	vadd.s32 v40, v43;
	_ =	sdelay $0x3  }
0x290: {  	s26 =	simm.s32 $0x6680;
	v42 =	vperm.xlane v42, v41  }
0x291: {  	[tilespmem:s26], [sflag:$0x1] =	stream.indirect_vreg.gather [hbm4b:s1+s2], $0x80, v43, vm0, $0xb8;
	[tilespmem:$0x1E680] =	vst v63  }
0x292: {  	s4 =	simm.s32 $0x6E80;
	v42 =	vadd.s32 v40, v42  }
0x293: {  	[tilespmem:s4], [sflag:$0x1] =	stream.indirect_vreg.gather [hbm4b:s5+s2], $0x80, v43, vm0, $0xb8;
	[tilespmem:$0x1E680] =	vst v63  }
0x294: {  	s10 =	simm.s32 $0x7680  }
0x295: {  	[tilespmem:s10], [sflag:$0x1] =	stream.indirect_vreg.gather [hbm4b:s8+s2], $0x80, v43, vm0, $0xb8;
	[tilespmem:$0x1E680] =	vst v63  }
0x296: {  	s11 =	simm.s32 $0x7E80  }
0x297: {  	[tilespmem:s11], [sflag:$0x1] =	stream.indirect_vreg.gather [hbm4b:s1+s2], $0x80, v42, vm0, $0xb8;
	[tilespmem:$0x1E680] =	vst v63  }
0x298: {  	s16 =	simm.s32 $0x8680  }
0x299: {  	[tilespmem:s16], [sflag:$0x1] =	stream.indirect_vreg.gather [hbm4b:s5+s2], $0x80, v42, vm0, $0xb8;
	[tilespmem:$0x1E680] =	vst v63  }
0x29a: {  	s26 =	simm.s32 $0x8E80  }
0x29b: {  	[tilespmem:s26], [sflag:$0x1] =	stream.indirect_vreg.gather [hbm4b:s8+s2], $0x80, v42, vm0, $0xb8;
	[tilespmem:$0x1E680] =	vst v63  }
0x29c: {  	v42 =	vld [tilespmem:$0x130];
	_ =	sdelay $0x4  }
0x29d: {  	v51 =	vshrl.u32 v42, $0x3  }
0x29e: {  	v43 =	vmul.u32 $0x30, v51  }
0x29f: {  	v42 =	vand.u32 $0x7, v42  }
0x2a0: {  	v42 =	vor.u32 v42, v43  }
0x2a1: {  	v43 =	vperm.xlane v42, v39;
	_ =	sdelay $0x1  }
0x2a2: {  	v43 =	vadd.s32 v40, v43;
	_ =	sdelay $0x3  }
0x2a3: {  	s0 =	simm.s32 $0x9680;
	v42 =	vperm.xlane v42, v41  }
0x2a4: {  	[tilespmem:s0], [sflag:$0x1] =	stream.indirect_vreg.gather [hbm4b:s1+s2], $0x80, v43, vm0, $0xb8;
	[tilespmem:$0x1E680] =	vst v63  }
0x2a5: {  	s7 =	simm.s32 $0x9E80;
	v42 =	vadd.s32 v40, v42  }
0x2a6: {  	[tilespmem:s7], [sflag:$0x1] =	stream.indirect_vreg.gather [hbm4b:s5+s2], $0x80, v43, vm0, $0xb8;
	[tilespmem:$0x1E680] =	vst v63  }
0x2a7: {  	s11 =	simm.s32 $0xA680  }
0x2a8: {  	[tilespmem:s11], [sflag:$0x1] =	stream.indirect_vreg.gather [hbm4b:s8+s2], $0x80, v43, vm0, $0xb8;
	[tilespmem:$0x1E680] =	vst v63  }
0x2a9: {  	s9 =	simm.s32 $0xAE80  }
0x2aa: {  	[tilespmem:s9], [sflag:$0x1] =	stream.indirect_vreg.gather [hbm4b:s1+s2], $0x80, v42, vm0, $0xb8;
	[tilespmem:$0x1E680] =	vst v63  }
0x2ab: {  	s12 =	simm.s32 $0xB680  }
0x2ac: {  	[tilespmem:s12], [sflag:$0x1] =	stream.indirect_vreg.gather [hbm4b:s5+s2], $0x80, v42, vm0, $0xb8;
	[tilespmem:$0x1E680] =	vst v63  }
0x2ad: {  	s10 =	simm.s32 $0xBE80  }
0x2ae: {  	[tilespmem:s10], [sflag:$0x1] =	stream.indirect_vreg.gather [hbm4b:s8+s2], $0x80, v42, vm0, $0xb8;
	[tilespmem:$0x1E680] =	vst v63  }
0x2af: {  	v42 =	vld [tilespmem:$0x140];
	_ =	sdelay $0x4  }
0x2b0: {  	v52 =	vshrl.u32 v42, $0x3  }
0x2b1: {  	v43 =	vmul.u32 $0x30, v52  }
0x2b2: {  	v42 =	vand.u32 $0x7, v42  }
0x2b3: {  	v42 =	vor.u32 v42, v43  }
0x2b4: {  	v43 =	vperm.xlane v42, v39;
	_ =	sdelay $0x1  }
0x2b5: {  	v43 =	vadd.s32 v40, v43;
	_ =	sdelay $0x3  }
0x2b6: {  	s9 =	simm.s32 $0xC680;
	v42 =	vperm.xlane v42, v41  }
0x2b7: {  	[tilespmem:s9], [sflag:$0x1] =	stream.indirect_vreg.gather [hbm4b:s1+s2], $0x80, v43, vm0, $0xb8;
	[tilespmem:$0x1E680] =	vst v63  }
0x2b8: {  	s12 =	simm.s32 $0xCE80;
	v42 =	vadd.s32 v40, v42  }
0x2b9: {  	[tilespmem:s12], [sflag:$0x1] =	stream.indirect_vreg.gather [hbm4b:s5+s2], $0x80, v43, vm0, $0xb8;
	[tilespmem:$0x1E680] =	vst v63  }
0x2ba: {  	s16 =	simm.s32 $0xD680  }
0x2bb: {  	[tilespmem:s16], [sflag:$0x1] =	stream.indirect_vreg.gather [hbm4b:s8+s2], $0x80, v43, vm0, $0xb8;
	[tilespmem:$0x1E680] =	vst v63  }
0x2bc: {  	s26 =	simm.s32 $0xDE80  }
0x2bd: {  	[tilespmem:s26], [sflag:$0x1] =	stream.indirect_vreg.gather [hbm4b:s1+s2], $0x80, v42, vm0, $0xb8;
	[tilespmem:$0x1E680] =	vst v63  }
0x2be: {  	s0 =	simm.s32 $0xE680  }
0x2bf: {  	[tilespmem:s0], [sflag:$0x1] =	stream.indirect_vreg.gather [hbm4b:s5+s2], $0x80, v42, vm0, $0xb8;
	[tilespmem:$0x1E680] =	vst v63  }
0x2c0: {  	s4 =	simm.s32 $0xEE80  }
0x2c1: {  	[tilespmem:s4], [sflag:$0x1] =	stream.indirect_vreg.gather [hbm4b:s8+s2], $0x80, v42, vm0, $0xb8;
	[tilespmem:$0x1E680] =	vst v63  }
0x2c2: {  	_ =	swait.ge [sflag:s25], $0xF000  }
0x2c3: {  	[sflag:s25] =	ssyncset.done $0x0  }
0x2c4: {  	s28 =	simm.s32 $0x4;
	s7 =	rddreg [dreg:$0xb];
	[sflag:s25] =	ssyncadd.s32 $0xFFFF1000  }
0x2c5: {  	[hbm4b:s7+s2] =	stream.linear.scatter [tilespmem:s3], [sflag:$0x3], $0xF000, $0x38;
	[tilespmem:$0x1E680] =	vst v63  }
0x2c6: {  	_ =	swait.ge [sflag:s28], $0xF000  }
0x2c7: {  	[sflag:s28] =	ssyncset.done $0x0  }
0x2c8: {  	[sflag:s28] =	ssyncadd.s32 $0xFFFF1000  }
0x2c9: {  	v53 =	vld [tilespmem:$0x180];
	_ =	sdelay $0x4  }
0x2ca: {  	v54 =	vshrl.u32 v53, $0x3  }
0x2cb: {  	v43 =	vmul.u32 $0x30, v54  }
0x2cc: {  	v42 =	vand.u32 $0x7, v53  }
0x2cd: {  	v42 =	vor.u32 v42, v43  }
0x2ce: {  	v43 =	vperm.xlane v42, v39;
	_ =	sdelay $0x1  }
0x2cf: {  	v43 =	vadd.s32 v40, v43;
	_ =	sdelay $0x3  }
0x2d0: {  	v42 =	vperm.xlane v42, v41  }
0x2d1: {  	[tilespmem:s21], [sflag:$0x2] =	stream.indirect_vreg.gather [hbm4b:s1+s2], $0x80, v43, vm0, $0xb8;
	[tilespmem:$0x1E680] =	vst v63  }
0x2d2: {  	s16 =	simm.s32 $0xFE80;
	v42 =	vadd.s32 v40, v42  }
0x2d3: {  	[tilespmem:s16], [sflag:$0x2] =	stream.indirect_vreg.gather [hbm4b:s5+s2], $0x80, v43, vm0, $0xb8;
	[tilespmem:$0x1E680] =	vst v63  }
0x2d4: {  	s9 =	simm.s32 $0x10680  }
0x2d5: {  	[tilespmem:s9], [sflag:$0x2] =	stream.indirect_vreg.gather [hbm4b:s8+s2], $0x80, v43, vm0, $0xb8;
	[tilespmem:$0x1E680] =	vst v63  }
0x2d6: {  	s3 =	simm.s32 $0x10E80  }
0x2d7: {  	[tilespmem:s3], [sflag:$0x2] =	stream.indirect_vreg.gather [hbm4b:s1+s2], $0x80, v42, vm0, $0xb8;
	[tilespmem:$0x1E680] =	vst v63  }
0x2d8: {  	s14 =	simm.s32 $0x11680  }
0x2d9: {  	[tilespmem:s14], [sflag:$0x2] =	stream.indirect_vreg.gather [hbm4b:s5+s2], $0x80, v42, vm0, $0xb8;
	[tilespmem:$0x1E680] =	vst v63  }
0x2da: {  	s20 =	simm.s32 $0x11E80  }
0x2db: {  	[tilespmem:s20], [sflag:$0x2] =	stream.indirect_vreg.gather [hbm4b:s8+s2], $0x80, v42, vm0, $0xb8;
	[tilespmem:$0x1E680] =	vst v63  }
0x2dc: {  	v42 =	vld [tilespmem:$0x190];
	_ =	sdelay $0x4  }
0x2dd: {  	v55 =	vshrl.u32 v42, $0x3  }
0x2de: {  	v43 =	vmul.u32 $0x30, v55  }
0x2df: {  	v42 =	vand.u32 $0x7, v42  }
0x2e0: {  	v42 =	vor.u32 v42, v43  }
0x2e1: {  	v43 =	vperm.xlane v42, v39;
	_ =	sdelay $0x1  }
0x2e2: {  	v43 =	vadd.s32 v40, v43;
	_ =	sdelay $0x3  }
0x2e3: {  	s24 =	simm.s32 $0x12680;
	v42 =	vperm.xlane v42, v41  }
0x2e4: {  	[tilespmem:s24], [sflag:$0x2] =	stream.indirect_vreg.gather [hbm4b:s1+s2], $0x80, v43, vm0, $0xb8;
	[tilespmem:$0x1E680] =	vst v63  }
0x2e5: {  	s19 =	simm.s32 $0x12E80;
	v42 =	vadd.s32 v40, v42  }
0x2e6: {  	[tilespmem:s19], [sflag:$0x2] =	stream.indirect_vreg.gather [hbm4b:s5+s2], $0x80, v43, vm0, $0xb8;
	[tilespmem:$0x1E680] =	vst v63  }
0x2e7: {  	s17 =	simm.s32 $0x13680  }
0x2e8: {  	[tilespmem:s17], [sflag:$0x2] =	stream.indirect_vreg.gather [hbm4b:s8+s2], $0x80, v43, vm0, $0xb8;
	[tilespmem:$0x1E680] =	vst v63  }
0x2e9: {  	s17 =	simm.s32 $0x13E80  }
0x2ea: {  	[tilespmem:s17], [sflag:$0x2] =	stream.indirect_vreg.gather [hbm4b:s1+s2], $0x80, v42, vm0, $0xb8;
	[tilespmem:$0x1E680] =	vst v63  }
0x2eb: {  	s12 =	simm.s32 $0x14680  }
0x2ec: {  	[tilespmem:s12], [sflag:$0x2] =	stream.indirect_vreg.gather [hbm4b:s5+s2], $0x80, v42, vm0, $0xb8;
	[tilespmem:$0x1E680] =	vst v63  }
0x2ed: {  	s30 =	simm.s32 $0x14E80  }
0x2ee: {  	[tilespmem:s30], [sflag:$0x2] =	stream.indirect_vreg.gather [hbm4b:s8+s2], $0x80, v42, vm0, $0xb8;
	[tilespmem:$0x1E680] =	vst v63  }
0x2ef: {  	v42 =	vld [tilespmem:$0x1A0];
	_ =	sdelay $0x4  }
0x2f0: {  	v56 =	vshrl.u32 v42, $0x3  }
0x2f1: {  	v43 =	vmul.u32 $0x30, v56  }
0x2f2: {  	v42 =	vand.u32 $0x7, v42  }
0x2f3: {  	v42 =	vor.u32 v42, v43  }
0x2f4: {  	v43 =	vperm.xlane v42, v39;
	_ =	sdelay $0x1  }
0x2f5: {  	v43 =	vadd.s32 v40, v43;
	_ =	sdelay $0x3  }
0x2f6: {  	s31 =	simm.s32 $0x15680;
	v42 =	vperm.xlane v42, v41  }
0x2f7: {  	[tilespmem:s31], [sflag:$0x2] =	stream.indirect_vreg.gather [hbm4b:s1+s2], $0x80, v43, vm0, $0xb8;
	[tilespmem:$0x1E680] =	vst v63  }
0x2f8: {  	s18 =	simm.s32 $0x15E80;
	v42 =	vadd.s32 v40, v42  }
0x2f9: {  	[tilespmem:s18], [sflag:$0x2] =	stream.indirect_vreg.gather [hbm4b:s5+s2], $0x80, v43, vm0, $0xb8;
	[tilespmem:$0x1E680] =	vst v63  }
0x2fa: {  	s18 =	simm.s32 $0x16680  }
0x2fb: {  	[tilespmem:s18], [sflag:$0x2] =	stream.indirect_vreg.gather [hbm4b:s8+s2], $0x80, v43, vm0, $0xb8;
	[tilespmem:$0x1E680] =	vst v63  }
0x2fc: {  	s19 =	simm.s32 $0x16E80  }
0x2fd: {  	[tilespmem:s19], [sflag:$0x2] =	stream.indirect_vreg.gather [hbm4b:s1+s2], $0x80, v42, vm0, $0xb8;
	[tilespmem:$0x1E680] =	vst v63  }
0x2fe: {  	s20 =	simm.s32 $0x17680  }
0x2ff: {  	[tilespmem:s20], [sflag:$0x2] =	stream.indirect_vreg.gather [hbm4b:s5+s2], $0x80, v42, vm0, $0xb8;
	[tilespmem:$0x1E680] =	vst v63  }
0x300: {  	s14 =	simm.s32 $0x17E80  }
0x301: {  	[tilespmem:s14], [sflag:$0x2] =	stream.indirect_vreg.gather [hbm4b:s8+s2], $0x80, v42, vm0, $0xb8;
	[tilespmem:$0x1E680] =	vst v63  }
0x302: {  	v42 =	vld [tilespmem:$0x1B0];
	_ =	sdelay $0x4  }
0x303: {  	v57 =	vshrl.u32 v42, $0x3  }
0x304: {  	v43 =	vmul.u32 $0x30, v57  }
0x305: {  	v42 =	vand.u32 $0x7, v42  }
0x306: {  	v42 =	vor.u32 v42, v43  }
0x307: {  	v43 =	vperm.xlane v42, v39;
	_ =	sdelay $0x1  }
0x308: {  	v43 =	vadd.s32 v40, v43;
	_ =	sdelay $0x3  }
0x309: {  	s12 =	simm.s32 $0x18680;
	v42 =	vperm.xlane v42, v41  }
0x30a: {  	[tilespmem:s12], [sflag:$0x2] =	stream.indirect_vreg.gather [hbm4b:s1+s2], $0x80, v43, vm0, $0xb8;
	[tilespmem:$0x1E680] =	vst v63  }
0x30b: {  	s15 =	simm.s32 $0x18E80;
	v42 =	vadd.s32 v40, v42  }
0x30c: {  	[tilespmem:s15], [sflag:$0x2] =	stream.indirect_vreg.gather [hbm4b:s5+s2], $0x80, v43, vm0, $0xb8;
	[tilespmem:$0x1E680] =	vst v63  }
0x30d: {  	s23 =	simm.s32 $0x19680  }
0x30e: {  	[tilespmem:s23], [sflag:$0x2] =	stream.indirect_vreg.gather [hbm4b:s8+s2], $0x80, v43, vm0, $0xb8;
	[tilespmem:$0x1E680] =	vst v63  }
0x30f: {  	s24 =	simm.s32 $0x19E80  }
0x310: {  	[tilespmem:s24], [sflag:$0x2] =	stream.indirect_vreg.gather [hbm4b:s1+s2], $0x80, v42, vm0, $0xb8;
	[tilespmem:$0x1E680] =	vst v63  }
0x311: {  	s30 =	simm.s32 $0x1A680  }
0x312: {  	[tilespmem:s30], [sflag:$0x2] =	stream.indirect_vreg.gather [hbm4b:s5+s2], $0x80, v42, vm0, $0xb8;
	[tilespmem:$0x1E680] =	vst v63  }
0x313: {  	s15 =	simm.s32 $0x1AE80  }
0x314: {  	[tilespmem:s15], [sflag:$0x2] =	stream.indirect_vreg.gather [hbm4b:s8+s2], $0x80, v42, vm0, $0xb8;
	[tilespmem:$0x1E680] =	vst v63  }
0x315: {  	v42 =	vld [tilespmem:$0x1C0];
	_ =	sdelay $0x4  }
0x316: {  	v58 =	vshrl.u32 v42, $0x3  }
0x317: {  	v43 =	vmul.u32 $0x30, v58  }
0x318: {  	v42 =	vand.u32 $0x7, v42  }
0x319: {  	v42 =	vor.u32 v42, v43  }
0x31a: {  	v43 =	vperm.xlane v42, v39;
	_ =	sdelay $0x1  }
0x31b: {  	v43 =	vadd.s32 v40, v43;
	_ =	sdelay $0x3  }
0x31c: {  	s15 =	simm.s32 $0x1B680;
	v42 =	vperm.xlane v42, v41  }
0x31d: {  	[tilespmem:s15], [sflag:$0x2] =	stream.indirect_vreg.gather [hbm4b:s1+s2], $0x80, v43, vm0, $0xb8;
	[tilespmem:$0x1E680] =	vst v63  }
0x31e: {  	s31 =	simm.s32 $0x1BE80;
	v42 =	vadd.s32 v40, v42  }
0x31f: {  	[tilespmem:s31], [sflag:$0x2] =	stream.indirect_vreg.gather [hbm4b:s5+s2], $0x80, v43, vm0, $0xb8;
	[tilespmem:$0x1E680] =	vst v63  }
0x320: {  	s23 =	simm.s32 $0x1C680  }
0x321: {  	[tilespmem:s23], [sflag:$0x2] =	stream.indirect_vreg.gather [hbm4b:s8+s2], $0x80, v43, vm0, $0xb8;
	[tilespmem:$0x1E680] =	vst v63  }
0x322: {  	s26 =	simm.s32 $0x1CE80  }
0x323: {  	[tilespmem:s26], [sflag:$0x2] =	stream.indirect_vreg.gather [hbm4b:s1+s2], $0x80, v42, vm0, $0xb8;
	[tilespmem:$0x1E680] =	vst v63  }
0x324: {  	s26 =	simm.s32 $0x1D680  }
0x325: {  	[tilespmem:s26], [sflag:$0x2] =	stream.indirect_vreg.gather [hbm4b:s5+s2], $0x80, v42, vm0, $0xb8;
	[tilespmem:$0x1E680] =	vst v63  }
0x326: {  	s14 =	simm.s32 $0x1DE80  }
0x327: {  	[tilespmem:s14], [sflag:$0x2] =	stream.indirect_vreg.gather [hbm4b:s8+s2], $0x80, v42, vm0, $0xb8;
	[tilespmem:$0x1E680] =	vst v63  }
0x328: {  	_ =	swait.ge [sflag:s13], $0xF000  }
0x329: {  	[sflag:s13] =	ssyncset.done $0x0  }
0x32a: {  	s7 =	rddreg [dreg:$0x17];
	[sflag:s13] =	ssyncadd.s32 $0xFFFF1000  }
0x32b: {  	[hbm4b:s7+s2] =	stream.linear.scatter [tilespmem:s21], [sflag:$0x4], $0xF000, $0x38;
	[tilespmem:$0x1E680] =	vst v63  }
0x32c: {  	_ =	swait.ge [sflag:s22], $0xF000  }
0x32d: {  	[sflag:s22] =	ssyncset.done $0x0  }
0x32e: {  	[sflag:s22] =	ssyncadd.s32 $0xFFFF1000  }
0x32f: {  	v59 =	vld [tilespmem:$0x100];
	_ =	sdelay $0x4  }
0x330: {  	v60 =	vshrl.u32 v59, $0x3  }
0x331: {  	v43 =	vmul.u32 $0x30, v60  }
0x332: {  	v42 =	vand.u32 $0x7, v59  }
0x333: {  	v42 =	vor.u32 v42, v43  }
0x334: {  	v43 =	vperm.xlane v42, v39;
	_ =	sdelay $0x1  }
0x335: {  	v43 =	vadd.s32 v40, v43;
	_ =	sdelay $0x1  }
0x336: {  	s5 =	sld [smem:$0x7EF];
	_ =	sdelay $0x1  }
0x337: {  	s4 =	simm.s32 $0x680;
	s21 =	sld [smem:$0x7F2];
	v42 =	vperm.xlane v42, v41  }
0x338: {  	[tilespmem:s4], [sflag:$0x1] =	stream.indirect_vreg.gather [hbm4b:s5+s2], $0x80, v43, vm0, $0xb8;
	[tilespmem:$0x1E680] =	vst v63  }
0x339: {  	s8 =	simm.s32 $0xE80;
	s23 =	sld [smem:$0x7F3];
	v42 =	vadd.s32 v40, v42  }
0x33a: {  	[tilespmem:s8], [sflag:$0x1] =	stream.indirect_vreg.gather [hbm4b:s21+s2], $0x80, v43, vm0, $0xb8;
	[tilespmem:$0x1E680] =	vst v63  }
0x33b: {  	s9 =	simm.s32 $0x1680  }
0x33c: {  	[tilespmem:s9], [sflag:$0x1] =	stream.indirect_vreg.gather [hbm4b:s23+s2], $0x80, v43, vm0, $0xb8;
	[tilespmem:$0x1E680] =	vst v63  }
0x33d: {  	_ = 	snop  }
0x33e: {  	[tilespmem:s29], [sflag:$0x1] =	stream.indirect_vreg.gather [hbm4b:s5+s2], $0x80, v42, vm0, $0xb8;
	[tilespmem:$0x1E680] =	vst v63  }
0x33f: {  	s29 =	simm.s32 $0x2680  }
0x340: {  	[tilespmem:s29], [sflag:$0x1] =	stream.indirect_vreg.gather [hbm4b:s21+s2], $0x80, v42, vm0, $0xb8;
	[tilespmem:$0x1E680] =	vst v63  }
0x341: {  	s1 =	simm.s32 $0x2E80  }
0x342: {  	[tilespmem:s1], [sflag:$0x1] =	stream.indirect_vreg.gather [hbm4b:s23+s2], $0x80, v42, vm0, $0xb8;
	[tilespmem:$0x1E680] =	vst v63  }
0x343: {  	v42 =	vld [tilespmem:$0x110];
	_ =	sdelay $0x4  }
0x344: {  	v61 =	vshrl.u32 v42, $0x3  }
0x345: {  	v43 =	vmul.u32 $0x30, v61  }
0x346: {  	v42 =	vand.u32 $0x7, v42  }
0x347: {  	v42 =	vor.u32 v42, v43  }
0x348: {  	v43 =	vperm.xlane v42, v39;
	_ =	sdelay $0x1  }
0x349: {  	v43 =	vadd.s32 v40, v43;
	_ =	sdelay $0x3  }
0x34a: {  	s7 =	simm.s32 $0x3680;
	v42 =	vperm.xlane v42, v41  }
0x34b: {  	[tilespmem:s7], [sflag:$0x1] =	stream.indirect_vreg.gather [hbm4b:s5+s2], $0x80, v43, vm0, $0xb8;
	[tilespmem:$0x1E680] =	vst v63  }
0x34c: {  	s9 =	simm.s32 $0x3E80;
	v42 =	vadd.s32 v40, v42  }
0x34d: {  	[tilespmem:s9], [sflag:$0x1] =	stream.indirect_vreg.gather [hbm4b:s21+s2], $0x80, v43, vm0, $0xb8;
	[tilespmem:$0x1E680] =	vst v63  }
0x34e: {  	s29 =	simm.s32 $0x4680  }
0x34f: {  	[tilespmem:s29], [sflag:$0x1] =	stream.indirect_vreg.gather [hbm4b:s23+s2], $0x80, v43, vm0, $0xb8;
	[tilespmem:$0x1E680] =	vst v63  }
0x350: {  	s7 =	simm.s32 $0x4E80  }
0x351: {  	[tilespmem:s7], [sflag:$0x1] =	stream.indirect_vreg.gather [hbm4b:s5+s2], $0x80, v42, vm0, $0xb8;
	[tilespmem:$0x1E680] =	vst v63  }
0x352: {  	s0 =	simm.s32 $0x5680  }
0x353: {  	[tilespmem:s0], [sflag:$0x1] =	stream.indirect_vreg.gather [hbm4b:s21+s2], $0x80, v42, vm0, $0xb8;
	[tilespmem:$0x1E680] =	vst v63  }
0x354: {  	s9 =	simm.s32 $0x5E80  }
0x355: {  	[tilespmem:s9], [sflag:$0x1] =	stream.indirect_vreg.gather [hbm4b:s23+s2], $0x80, v42, vm0, $0xb8;
	[tilespmem:$0x1E680] =	vst v63  }
0x356: {  	v42 =	vld [tilespmem:$0x120];
	_ =	sdelay $0x4  }
0x357: {  	v62 =	vshrl.u32 v42, $0x3  }
0x358: {  	v43 =	vmul.u32 $0x30, v62  }
0x359: {  	v42 =	vand.u32 $0x7, v42  }
0x35a: {  	v42 =	vor.u32 v42, v43  }
0x35b: {  	v43 =	vperm.xlane v42, v39;
	_ =	sdelay $0x1  }
0x35c: {  	v43 =	vadd.s32 v40, v43;
	_ =	sdelay $0x3  }
0x35d: {  	s29 =	simm.s32 $0x6680;
	v42 =	vperm.xlane v42, v41  }
0x35e: {  	[tilespmem:s29], [sflag:$0x1] =	stream.indirect_vreg.gather [hbm4b:s5+s2], $0x80, v43, vm0, $0xb8;
	[tilespmem:$0x1E680] =	vst v63  }
0x35f: {  	s0 =	simm.s32 $0x6E80;
	v42 =	vadd.s32 v40, v42  }
0x360: {  	[tilespmem:s0], [sflag:$0x1] =	stream.indirect_vreg.gather [hbm4b:s21+s2], $0x80, v43, vm0, $0xb8;
	[tilespmem:$0x1E680] =	vst v63  }
0x361: {  	s7 =	simm.s32 $0x7680  }
0x362: {  	[tilespmem:s7], [sflag:$0x1] =	stream.indirect_vreg.gather [hbm4b:s23+s2], $0x80, v43, vm0, $0xb8;
	[tilespmem:$0x1E680] =	vst v63  }
0x363: {  	s9 =	simm.s32 $0x7E80  }
0x364: {  	[tilespmem:s9], [sflag:$0x1] =	stream.indirect_vreg.gather [hbm4b:s5+s2], $0x80, v42, vm0, $0xb8;
	[tilespmem:$0x1E680] =	vst v63  }
0x365: {  	s29 =	simm.s32 $0x8680  }
0x366: {  	[tilespmem:s29], [sflag:$0x1] =	stream.indirect_vreg.gather [hbm4b:s21+s2], $0x80, v42, vm0, $0xb8;
	[tilespmem:$0x1E680] =	vst v63  }
0x367: {  	s7 =	simm.s32 $0x8E80  }
0x368: {  	[tilespmem:s7], [sflag:$0x1] =	stream.indirect_vreg.gather [hbm4b:s23+s2], $0x80, v42, vm0, $0xb8;
	[tilespmem:$0x1E680] =	vst v63  }
0x369: {  	v42 =	vld [tilespmem:$0x130];
	_ =	sdelay $0x4  }
0x36a: {  	v63 =	vshrl.u32 v42, $0x3  }
0x36b: {  	v43 =	vmul.u32 $0x30, v63  }
0x36c: {  	v42 =	vand.u32 $0x7, v42  }
0x36d: {  	v42 =	vor.u32 v42, v43  }
0x36e: {  	v43 =	vperm.xlane v42, v39;
	_ =	sdelay $0x1  }
0x36f: {  	v43 =	vadd.s32 v40, v43;
	_ =	sdelay $0x3  }
0x370: {  	s8 =	simm.s32 $0x9680;
	v42 =	vperm.xlane v42, v41  }
0x371: {  	[tilespmem:s8], [sflag:$0x1] =	stream.indirect_vreg.gather [hbm4b:s5+s2], $0x80, v43, vm0, $0xb8;
	[tilespmem:$0x1E680] =	vst v63  }
0x372: {  	s9 =	simm.s32 $0x9E80;
	v42 =	vadd.s32 v40, v42  }
0x373: {  	[tilespmem:s9], [sflag:$0x1] =	stream.indirect_vreg.gather [hbm4b:s21+s2], $0x80, v43, vm0, $0xb8;
	[tilespmem:$0x1E680] =	vst v63  }
0x374: {  	_ = 	snop  }
0x375: {  	[tilespmem:s11], [sflag:$0x1] =	stream.indirect_vreg.gather [hbm4b:s23+s2], $0x80, v43, vm0, $0xb8;
	[tilespmem:$0x1E680] =	vst v63  }
0x376: {  	s29 =	simm.s32 $0xAE80  }
0x377: {  	[tilespmem:s29], [sflag:$0x1] =	stream.indirect_vreg.gather [hbm4b:s5+s2], $0x80, v42, vm0, $0xb8;
	[tilespmem:$0x1E680] =	vst v63  }
0x378: {  	s7 =	simm.s32 $0xB680  }
0x379: {  	[tilespmem:s7], [sflag:$0x1] =	stream.indirect_vreg.gather [hbm4b:s21+s2], $0x80, v42, vm0, $0xb8;
	[tilespmem:$0x1E680] =	vst v63  }
0x37a: {  	_ = 	snop  }
0x37b: {  	[tilespmem:s10], [sflag:$0x1] =	stream.indirect_vreg.gather [hbm4b:s23+s2], $0x80, v42, vm0, $0xb8;
	[tilespmem:$0x1E680] =	vst v63  }
0x37c: {  	v42 =	vld [tilespmem:$0x140];
	_ =	sdelay $0x4  }
0x37d: {  	v45 =	vshrl.u32 v42, $0x3  }
0x37e: {  	v43 =	vmul.u32 $0x30, v45  }
0x37f: {  	v42 =	vand.u32 $0x7, v42  }
0x380: {  	v42 =	vor.u32 v42, v43  }
0x381: {  	v43 =	vperm.xlane v42, v39;
	_ =	sdelay $0x1  }
0x382: {  	v43 =	vadd.s32 v40, v43;
	_ =	sdelay $0x3  }
0x383: {  	s8 =	simm.s32 $0xC680;
	v42 =	vperm.xlane v42, v41  }
0x384: {  	[tilespmem:s8], [sflag:$0x1] =	stream.indirect_vreg.gather [hbm4b:s5+s2], $0x80, v43, vm0, $0xb8;
	[tilespmem:$0x1E680] =	vst v63  }
0x385: {  	s9 =	simm.s32 $0xCE80;
	v42 =	vadd.s32 v40, v42  }
0x386: {  	[tilespmem:s9], [sflag:$0x1] =	stream.indirect_vreg.gather [hbm4b:s21+s2], $0x80, v43, vm0, $0xb8;
	[tilespmem:$0x1E680] =	vst v63  }
0x387: {  	s10 =	simm.s32 $0xD680  }
0x388: {  	[tilespmem:s10], [sflag:$0x1] =	stream.indirect_vreg.gather [hbm4b:s23+s2], $0x80, v43, vm0, $0xb8;
	[tilespmem:$0x1E680] =	vst v63  }
0x389: {  	s11 =	simm.s32 $0xDE80  }
0x38a: {  	[tilespmem:s11], [sflag:$0x1] =	stream.indirect_vreg.gather [hbm4b:s5+s2], $0x80, v42, vm0, $0xb8;
	[tilespmem:$0x1E680] =	vst v63  }
0x38b: {  	s29 =	simm.s32 $0xE680  }
0x38c: {  	[tilespmem:s29], [sflag:$0x1] =	stream.indirect_vreg.gather [hbm4b:s21+s2], $0x80, v42, vm0, $0xb8;
	[tilespmem:$0x1E680] =	vst v63  }
0x38d: {  	s7 =	simm.s32 $0xEE80  }
0x38e: {  	[tilespmem:s7], [sflag:$0x1] =	stream.indirect_vreg.gather [hbm4b:s23+s2], $0x80, v42, vm0, $0xb8;
	[tilespmem:$0x1E680] =	vst v63  }
0x38f: {  	_ =	swait.ge [sflag:s25], $0xF000  }
0x390: {  	[sflag:s25] =	ssyncset.done $0x0  }
0x391: {  	s4 =	simm.s32 $0x680;
	s8 =	rddreg [dreg:$0xc];
	[sflag:s25] =	ssyncadd.s32 $0xFFFF1000  }
0x392: {  	[hbm4b:s8+s2] =	stream.linear.scatter [tilespmem:s4], [sflag:$0x3], $0xF000, $0x38;
	[tilespmem:$0x1E680] =	vst v63  }
0x393: {  	_ =	swait.ge [sflag:s28], $0xF000  }
0x394: {  	[sflag:s28] =	ssyncset.done $0x0  }
0x395: {  	[sflag:s28] =	ssyncadd.s32 $0xFFFF1000  }
0x396: {  	v46 =	vld [tilespmem:$0x180];
	_ =	sdelay $0x4  }
0x397: {  	v47 =	vshrl.u32 v46, $0x3  }
0x398: {  	v43 =	vmul.u32 $0x30, v47  }
0x399: {  	v42 =	vand.u32 $0x7, v46  }
0x39a: {  	v42 =	vor.u32 v42, v43  }
0x39b: {  	v43 =	vperm.xlane v42, v39;
	_ =	sdelay $0x1  }
0x39c: {  	v43 =	vadd.s32 v40, v43;
	_ =	sdelay $0x3  }
0x39d: {  	s0 =	simm.s32 $0xF680;
	v42 =	vperm.xlane v42, v41  }
0x39e: {  	[tilespmem:s0], [sflag:$0x2] =	stream.indirect_vreg.gather [hbm4b:s5+s2], $0x80, v43, vm0, $0xb8;
	[tilespmem:$0x1E680] =	vst v63  }
0x39f: {  	v42 =	vadd.s32 v40, v42  }
0x3a0: {  	[tilespmem:s16], [sflag:$0x2] =	stream.indirect_vreg.gather [hbm4b:s21+s2], $0x80, v43, vm0, $0xb8;
	[tilespmem:$0x1E680] =	vst v63  }
0x3a1: {  	s8 =	simm.s32 $0x10680  }
0x3a2: {  	[tilespmem:s8], [sflag:$0x2] =	stream.indirect_vreg.gather [hbm4b:s23+s2], $0x80, v43, vm0, $0xb8;
	[tilespmem:$0x1E680] =	vst v63  }
0x3a3: {  	_ = 	snop  }
0x3a4: {  	[tilespmem:s3], [sflag:$0x2] =	stream.indirect_vreg.gather [hbm4b:s5+s2], $0x80, v42, vm0, $0xb8;
	[tilespmem:$0x1E680] =	vst v63  }
0x3a5: {  	s7 =	simm.s32 $0x11680  }
0x3a6: {  	[tilespmem:s7], [sflag:$0x2] =	stream.indirect_vreg.gather [hbm4b:s21+s2], $0x80, v42, vm0, $0xb8;
	[tilespmem:$0x1E680] =	vst v63  }
0x3a7: {  	s9 =	simm.s32 $0x11E80  }
0x3a8: {  	[tilespmem:s9], [sflag:$0x2] =	stream.indirect_vreg.gather [hbm4b:s23+s2], $0x80, v42, vm0, $0xb8;
	[tilespmem:$0x1E680] =	vst v63  }
0x3a9: {  	v42 =	vld [tilespmem:$0x190];
	_ =	sdelay $0x4  }
0x3aa: {  	v48 =	vshrl.u32 v42, $0x3  }
0x3ab: {  	v43 =	vmul.u32 $0x30, v48  }
0x3ac: {  	v42 =	vand.u32 $0x7, v42  }
0x3ad: {  	v42 =	vor.u32 v42, v43  }
0x3ae: {  	v43 =	vperm.xlane v42, v39;
	_ =	sdelay $0x1  }
0x3af: {  	v43 =	vadd.s32 v40, v43;
	_ =	sdelay $0x3  }
0x3b0: {  	s10 =	simm.s32 $0x12680;
	v42 =	vperm.xlane v42, v41  }
0x3b1: {  	[tilespmem:s10], [sflag:$0x2] =	stream.indirect_vreg.gather [hbm4b:s5+s2], $0x80, v43, vm0, $0xb8;
	[tilespmem:$0x1E680] =	vst v63  }
0x3b2: {  	v42 =	vadd.s32 v40, v42;
	s10 =	simm.s32 $0x12E80  }
0x3b3: {  	[tilespmem:s10], [sflag:$0x2] =	stream.indirect_vreg.gather [hbm4b:s21+s2], $0x80, v43, vm0, $0xb8;
	[tilespmem:$0x1E680] =	vst v63  }
0x3b4: {  	s11 =	simm.s32 $0x13680  }
0x3b5: {  	[tilespmem:s11], [sflag:$0x2] =	stream.indirect_vreg.gather [hbm4b:s23+s2], $0x80, v43, vm0, $0xb8;
	[tilespmem:$0x1E680] =	vst v63  }
0x3b6: {  	_ = 	snop  }
0x3b7: {  	[tilespmem:s17], [sflag:$0x2] =	stream.indirect_vreg.gather [hbm4b:s5+s2], $0x80, v42, vm0, $0xb8;
	[tilespmem:$0x1E680] =	vst v63  }
0x3b8: {  	s16 =	simm.s32 $0x14680  }
0x3b9: {  	[tilespmem:s16], [sflag:$0x2] =	stream.indirect_vreg.gather [hbm4b:s21+s2], $0x80, v42, vm0, $0xb8;
	[tilespmem:$0x1E680] =	vst v63  }
0x3ba: {  	s29 =	simm.s32 $0x14E80  }
0x3bb: {  	[tilespmem:s29], [sflag:$0x2] =	stream.indirect_vreg.gather [hbm4b:s23+s2], $0x80, v42, vm0, $0xb8;
	[tilespmem:$0x1E680] =	vst v63  }
0x3bc: {  	v42 =	vld [tilespmem:$0x1A0];
	_ =	sdelay $0x4  }
0x3bd: {  	v49 =	vshrl.u32 v42, $0x3  }
0x3be: {  	v43 =	vmul.u32 $0x30, v49  }
0x3bf: {  	v42 =	vand.u32 $0x7, v42  }
0x3c0: {  	v42 =	vor.u32 v42, v43  }
0x3c1: {  	v43 =	vperm.xlane v42, v39;
	_ =	sdelay $0x1  }
0x3c2: {  	v43 =	vadd.s32 v40, v43;
	_ =	sdelay $0x3  }
0x3c3: {  	s9 =	simm.s32 $0x15680;
	v42 =	vperm.xlane v42, v41  }
0x3c4: {  	[tilespmem:s9], [sflag:$0x2] =	stream.indirect_vreg.gather [hbm4b:s5+s2], $0x80, v43, vm0, $0xb8;
	[tilespmem:$0x1E680] =	vst v63  }
0x3c5: {  	s11 =	simm.s32 $0x15E80;
	v42 =	vadd.s32 v40, v42  }
0x3c6: {  	[tilespmem:s11], [sflag:$0x2] =	stream.indirect_vreg.gather [hbm4b:s21+s2], $0x80, v43, vm0, $0xb8;
	[tilespmem:$0x1E680] =	vst v63  }
0x3c7: {  	_ = 	snop  }
0x3c8: {  	[tilespmem:s18], [sflag:$0x2] =	stream.indirect_vreg.gather [hbm4b:s23+s2], $0x80, v43, vm0, $0xb8;
	[tilespmem:$0x1E680] =	vst v63  }
0x3c9: {  	_ = 	snop  }
0x3ca: {  	[tilespmem:s19], [sflag:$0x2] =	stream.indirect_vreg.gather [hbm4b:s5+s2], $0x80, v42, vm0, $0xb8;
	[tilespmem:$0x1E680] =	vst v63  }
0x3cb: {  	_ = 	snop  }
0x3cc: {  	[tilespmem:s20], [sflag:$0x2] =	stream.indirect_vreg.gather [hbm4b:s21+s2], $0x80, v42, vm0, $0xb8;
	[tilespmem:$0x1E680] =	vst v63  }
0x3cd: {  	s16 =	simm.s32 $0x17E80  }
0x3ce: {  	[tilespmem:s16], [sflag:$0x2] =	stream.indirect_vreg.gather [hbm4b:s23+s2], $0x80, v42, vm0, $0xb8;
	[tilespmem:$0x1E680] =	vst v63  }
0x3cf: {  	v42 =	vld [tilespmem:$0x1B0];
	_ =	sdelay $0x4  }
0x3d0: {  	v50 =	vshrl.u32 v42, $0x3  }
0x3d1: {  	v43 =	vmul.u32 $0x30, v50  }
0x3d2: {  	v42 =	vand.u32 $0x7, v42  }
0x3d3: {  	v42 =	vor.u32 v42, v43  }
0x3d4: {  	v43 =	vperm.xlane v42, v39;
	_ =	sdelay $0x1  }
0x3d5: {  	v43 =	vadd.s32 v40, v43;
	_ =	sdelay $0x3  }
0x3d6: {  	v42 =	vperm.xlane v42, v41  }
0x3d7: {  	[tilespmem:s12], [sflag:$0x2] =	stream.indirect_vreg.gather [hbm4b:s5+s2], $0x80, v43, vm0, $0xb8;
	[tilespmem:$0x1E680] =	vst v63  }
0x3d8: {  	s29 =	simm.s32 $0x18E80;
	v42 =	vadd.s32 v40, v42  }
0x3d9: {  	[tilespmem:s29], [sflag:$0x2] =	stream.indirect_vreg.gather [hbm4b:s21+s2], $0x80, v43, vm0, $0xb8;
	[tilespmem:$0x1E680] =	vst v63  }
0x3da: {  	s9 =	simm.s32 $0x19680  }
0x3db: {  	[tilespmem:s9], [sflag:$0x2] =	stream.indirect_vreg.gather [hbm4b:s23+s2], $0x80, v43, vm0, $0xb8;
	[tilespmem:$0x1E680] =	vst v63  }
0x3dc: {  	_ = 	snop  }
0x3dd: {  	[tilespmem:s24], [sflag:$0x2] =	stream.indirect_vreg.gather [hbm4b:s5+s2], $0x80, v42, vm0, $0xb8;
	[tilespmem:$0x1E680] =	vst v63  }
0x3de: {  	_ = 	snop  }
0x3df: {  	[tilespmem:s30], [sflag:$0x2] =	stream.indirect_vreg.gather [hbm4b:s21+s2], $0x80, v42, vm0, $0xb8;
	[tilespmem:$0x1E680] =	vst v63  }
0x3e0: {  	s11 =	simm.s32 $0x1AE80  }
0x3e1: {  	[tilespmem:s11], [sflag:$0x2] =	stream.indirect_vreg.gather [hbm4b:s23+s2], $0x80, v42, vm0, $0xb8;
	[tilespmem:$0x1E680] =	vst v63  }
0x3e2: {  	v42 =	vld [tilespmem:$0x1C0];
	_ =	sdelay $0x4  }
0x3e3: {  	v51 =	vshrl.u32 v42, $0x3  }
0x3e4: {  	v43 =	vmul.u32 $0x30, v51  }
0x3e5: {  	v42 =	vand.u32 $0x7, v42  }
0x3e6: {  	v42 =	vor.u32 v42, v43  }
0x3e7: {  	v43 =	vperm.xlane v42, v39;
	_ =	sdelay $0x1  }
0x3e8: {  	v43 =	vadd.s32 v40, v43;
	_ =	sdelay $0x3  }
0x3e9: {  	v42 =	vperm.xlane v42, v41  }
0x3ea: {  	[tilespmem:s15], [sflag:$0x2] =	stream.indirect_vreg.gather [hbm4b:s5+s2], $0x80, v43, vm0, $0xb8;
	[tilespmem:$0x1E680] =	vst v63  }
0x3eb: {  	v42 =	vadd.s32 v40, v42  }
0x3ec: {  	[tilespmem:s31], [sflag:$0x2] =	stream.indirect_vreg.gather [hbm4b:s21+s2], $0x80, v43, vm0, $0xb8;
	[tilespmem:$0x1E680] =	vst v63  }
0x3ed: {  	s16 =	simm.s32 $0x1C680  }
0x3ee: {  	[tilespmem:s16], [sflag:$0x2] =	stream.indirect_vreg.gather [hbm4b:s23+s2], $0x80, v43, vm0, $0xb8;
	[tilespmem:$0x1E680] =	vst v63  }
0x3ef: {  	s16 =	simm.s32 $0x1CE80  }
0x3f0: {  	[tilespmem:s16], [sflag:$0x2] =	stream.indirect_vreg.gather [hbm4b:s5+s2], $0x80, v42, vm0, $0xb8;
	[tilespmem:$0x1E680] =	vst v63  }
0x3f1: {  	_ = 	snop  }
0x3f2: {  	[tilespmem:s26], [sflag:$0x2] =	stream.indirect_vreg.gather [hbm4b:s21+s2], $0x80, v42, vm0, $0xb8;
	[tilespmem:$0x1E680] =	vst v63  }
0x3f3: {  	_ = 	snop  }
0x3f4: {  	[tilespmem:s14], [sflag:$0x2] =	stream.indirect_vreg.gather [hbm4b:s23+s2], $0x80, v42, vm0, $0xb8;
	[tilespmem:$0x1E680] =	vst v63  }
0x3f5: {  	_ =	swait.ge [sflag:s13], $0xF000  }
0x3f6: {  	[sflag:s13] =	ssyncset.done $0x0  }
0x3f7: {  	s21 =	rddreg [dreg:$0x18];
	[sflag:s13] =	ssyncadd.s32 $0xFFFF1000  }
0x3f8: {  	[hbm4b:s21+s2] =	stream.linear.scatter [tilespmem:s0], [sflag:$0x4], $0xF000, $0x38;
	[tilespmem:$0x1E680] =	vst v63  }
0x3f9: {  	_ =	swait.ge [sflag:s22], $0xF000  }
0x3fa: {  	[sflag:s22] =	ssyncset.done $0x0  }
0x3fb: {  	[sflag:s22] =	ssyncadd.s32 $0xFFFF1000  }
0x3fc: {  	v52 =	vld [tilespmem:$0x100];
	_ =	sdelay $0x4  }
0x3fd: {  	v53 =	vshrl.u32 v52, $0x3  }
0x3fe: {  	v43 =	vmul.u32 $0x30, v53  }
0x3ff: {  	v42 =	vand.u32 $0x7, v52  }
0x400: {  	v42 =	vor.u32 v42, v43  }
0x401: {  	v43 =	vperm.xlane v42, v39;
	_ =	sdelay $0x1  }
0x402: {  	v43 =	vadd.s32 v40, v43;
	_ =	sdelay $0x1  }
0x403: {  	s5 =	sld [smem:$0x7EE];
	_ =	sdelay $0x1  }
0x404: {  	s21 =	sld [smem:$0x7F4]  }
0x405: {  	[tilespmem:s4], [sflag:$0x1] =	stream.indirect_vreg.gather [hbm4b:s5+s2], $0x80, v43, vm0, $0xb8;
	[tilespmem:$0x1E680] =	vst v63  }
0x406: {  	s23 =	simm.s32 $0xE80;
	v42 =	vperm.xlane v42, v41  }
0x407: {  	[tilespmem:s23], [sflag:$0x1] =	stream.indirect_vreg.gather [hbm4b:s21+s2], $0x80, v43, vm0, $0xb8;
	[tilespmem:$0x1E680] =	vst v63  }
0x408: {  	v42 =	vadd.s32 v40, v42;
	s23 =	sld [smem:$0x7F5];
	_ =	sdelay $0x1  }
0x409: {  	s26 =	simm.s32 $0x1680  }
0x40a: {  	[tilespmem:s26], [sflag:$0x1] =	stream.indirect_vreg.gather [hbm4b:s23+s2], $0x80, v43, vm0, $0xb8;
	[tilespmem:$0x1E680] =	vst v63  }
0x40b: {  	s9 =	simm.s32 $0x1E80  }
0x40c: {  	[tilespmem:s9], [sflag:$0x1] =	stream.indirect_vreg.gather [hbm4b:s5+s2], $0x80, v42, vm0, $0xb8;
	[tilespmem:$0x1E680] =	vst v63  }
0x40d: {  	s29 =	simm.s32 $0x2680  }
0x40e: {  	[tilespmem:s29], [sflag:$0x1] =	stream.indirect_vreg.gather [hbm4b:s21+s2], $0x80, v42, vm0, $0xb8;
	[tilespmem:$0x1E680] =	vst v63  }
0x40f: {  	_ = 	snop  }
0x410: {  	[tilespmem:s1], [sflag:$0x1] =	stream.indirect_vreg.gather [hbm4b:s23+s2], $0x80, v42, vm0, $0xb8;
	[tilespmem:$0x1E680] =	vst v63  }
0x411: {  	v42 =	vld [tilespmem:$0x110];
	_ =	sdelay $0x4  }
0x412: {  	v54 =	vshrl.u32 v42, $0x3  }
0x413: {  	v43 =	vmul.u32 $0x30, v54  }
0x414: {  	v42 =	vand.u32 $0x7, v42  }
0x415: {  	v42 =	vor.u32 v42, v43  }
0x416: {  	v43 =	vperm.xlane v42, v39;
	_ =	sdelay $0x1  }
0x417: {  	v43 =	vadd.s32 v40, v43;
	_ =	sdelay $0x3  }
0x418: {  	s14 =	simm.s32 $0x3680;
	v42 =	vperm.xlane v42, v41  }
0x419: {  	[tilespmem:s14], [sflag:$0x1] =	stream.indirect_vreg.gather [hbm4b:s5+s2], $0x80, v43, vm0, $0xb8;
	[tilespmem:$0x1E680] =	vst v63  }
0x41a: {  	s26 =	simm.s32 $0x3E80;
	v42 =	vadd.s32 v40, v42  }
0x41b: {  	[tilespmem:s26], [sflag:$0x1] =	stream.indirect_vreg.gather [hbm4b:s21+s2], $0x80, v43, vm0, $0xb8;
	[tilespmem:$0x1E680] =	vst v63  }
0x41c: {  	s29 =	simm.s32 $0x4680  }
0x41d: {  	[tilespmem:s29], [sflag:$0x1] =	stream.indirect_vreg.gather [hbm4b:s23+s2], $0x80, v43, vm0, $0xb8;
	[tilespmem:$0x1E680] =	vst v63  }
0x41e: {  	s1 =	simm.s32 $0x4E80  }
0x41f: {  	[tilespmem:s1], [sflag:$0x1] =	stream.indirect_vreg.gather [hbm4b:s5+s2], $0x80, v42, vm0, $0xb8;
	[tilespmem:$0x1E680] =	vst v63  }
0x420: {  	s4 =	simm.s32 $0x5680  }
0x421: {  	[tilespmem:s4], [sflag:$0x1] =	stream.indirect_vreg.gather [hbm4b:s21+s2], $0x80, v42, vm0, $0xb8;
	[tilespmem:$0x1E680] =	vst v63  }
0x422: {  	s9 =	simm.s32 $0x5E80  }
0x423: {  	[tilespmem:s9], [sflag:$0x1] =	stream.indirect_vreg.gather [hbm4b:s23+s2], $0x80, v42, vm0, $0xb8;
	[tilespmem:$0x1E680] =	vst v63  }
0x424: {  	v42 =	vld [tilespmem:$0x120];
	_ =	sdelay $0x4  }
0x425: {  	v55 =	vshrl.u32 v42, $0x3  }
0x426: {  	v43 =	vmul.u32 $0x30, v55  }
0x427: {  	v42 =	vand.u32 $0x7, v42  }
0x428: {  	v42 =	vor.u32 v42, v43  }
0x429: {  	v43 =	vperm.xlane v42, v39;
	_ =	sdelay $0x1  }
0x42a: {  	v43 =	vadd.s32 v40, v43;
	_ =	sdelay $0x3  }
0x42b: {  	s14 =	simm.s32 $0x6680;
	v42 =	vperm.xlane v42, v41  }
0x42c: {  	[tilespmem:s14], [sflag:$0x1] =	stream.indirect_vreg.gather [hbm4b:s5+s2], $0x80, v43, vm0, $0xb8;
	[tilespmem:$0x1E680] =	vst v63  }
0x42d: {  	s29 =	simm.s32 $0x6E80;
	v42 =	vadd.s32 v40, v42  }
0x42e: {  	[tilespmem:s29], [sflag:$0x1] =	stream.indirect_vreg.gather [hbm4b:s21+s2], $0x80, v43, vm0, $0xb8;
	[tilespmem:$0x1E680] =	vst v63  }
0x42f: {  	s4 =	simm.s32 $0x7680  }
0x430: {  	[tilespmem:s4], [sflag:$0x1] =	stream.indirect_vreg.gather [hbm4b:s23+s2], $0x80, v43, vm0, $0xb8;
	[tilespmem:$0x1E680] =	vst v63  }
0x431: {  	s9 =	simm.s32 $0x7E80  }
0x432: {  	[tilespmem:s9], [sflag:$0x1] =	stream.indirect_vreg.gather [hbm4b:s5+s2], $0x80, v42, vm0, $0xb8;
	[tilespmem:$0x1E680] =	vst v63  }
0x433: {  	s14 =	simm.s32 $0x8680  }
0x434: {  	[tilespmem:s14], [sflag:$0x1] =	stream.indirect_vreg.gather [hbm4b:s21+s2], $0x80, v42, vm0, $0xb8;
	[tilespmem:$0x1E680] =	vst v63  }
0x435: {  	s29 =	simm.s32 $0x8E80  }
0x436: {  	[tilespmem:s29], [sflag:$0x1] =	stream.indirect_vreg.gather [hbm4b:s23+s2], $0x80, v42, vm0, $0xb8;
	[tilespmem:$0x1E680] =	vst v63  }
0x437: {  	v42 =	vld [tilespmem:$0x130];
	_ =	sdelay $0x4  }
0x438: {  	v56 =	vshrl.u32 v42, $0x3  }
0x439: {  	v43 =	vmul.u32 $0x30, v56  }
0x43a: {  	v42 =	vand.u32 $0x7, v42  }
0x43b: {  	v42 =	vor.u32 v42, v43  }
0x43c: {  	v43 =	vperm.xlane v42, v39;
	_ =	sdelay $0x1  }
0x43d: {  	v43 =	vadd.s32 v40, v43;
	_ =	sdelay $0x3  }
0x43e: {  	s4 =	simm.s32 $0x9680;
	v42 =	vperm.xlane v42, v41  }
0x43f: {  	[tilespmem:s4], [sflag:$0x1] =	stream.indirect_vreg.gather [hbm4b:s5+s2], $0x80, v43, vm0, $0xb8;
	[tilespmem:$0x1E680] =	vst v63  }
0x440: {  	s9 =	simm.s32 $0x9E80;
	v42 =	vadd.s32 v40, v42  }
0x441: {  	[tilespmem:s9], [sflag:$0x1] =	stream.indirect_vreg.gather [hbm4b:s21+s2], $0x80, v43, vm0, $0xb8;
	[tilespmem:$0x1E680] =	vst v63  }
0x442: {  	s29 =	simm.s32 $0xA680  }
0x443: {  	[tilespmem:s29], [sflag:$0x1] =	stream.indirect_vreg.gather [hbm4b:s23+s2], $0x80, v43, vm0, $0xb8;
	[tilespmem:$0x1E680] =	vst v63  }
0x444: {  	s4 =	simm.s32 $0xAE80  }
0x445: {  	[tilespmem:s4], [sflag:$0x1] =	stream.indirect_vreg.gather [hbm4b:s5+s2], $0x80, v42, vm0, $0xb8;
	[tilespmem:$0x1E680] =	vst v63  }
0x446: {  	s9 =	simm.s32 $0xB680  }
0x447: {  	[tilespmem:s9], [sflag:$0x1] =	stream.indirect_vreg.gather [hbm4b:s21+s2], $0x80, v42, vm0, $0xb8;
	[tilespmem:$0x1E680] =	vst v63  }
0x448: {  	s29 =	simm.s32 $0xBE80  }
0x449: {  	[tilespmem:s29], [sflag:$0x1] =	stream.indirect_vreg.gather [hbm4b:s23+s2], $0x80, v42, vm0, $0xb8;
	[tilespmem:$0x1E680] =	vst v63  }
0x44a: {  	v42 =	vld [tilespmem:$0x140];
	_ =	sdelay $0x4  }
0x44b: {  	v57 =	vshrl.u32 v42, $0x3  }
0x44c: {  	v43 =	vmul.u32 $0x30, v57  }
0x44d: {  	v42 =	vand.u32 $0x7, v42  }
0x44e: {  	v42 =	vor.u32 v42, v43  }
0x44f: {  	v43 =	vperm.xlane v42, v39;
	_ =	sdelay $0x1  }
0x450: {  	v43 =	vadd.s32 v40, v43;
	_ =	sdelay $0x3  }
0x451: {  	s4 =	simm.s32 $0xC680;
	v42 =	vperm.xlane v42, v41  }
0x452: {  	[tilespmem:s4], [sflag:$0x1] =	stream.indirect_vreg.gather [hbm4b:s5+s2], $0x80, v43, vm0, $0xb8;
	[tilespmem:$0x1E680] =	vst v63  }
0x453: {  	s9 =	simm.s32 $0xCE80;
	v42 =	vadd.s32 v40, v42  }
0x454: {  	[tilespmem:s9], [sflag:$0x1] =	stream.indirect_vreg.gather [hbm4b:s21+s2], $0x80, v43, vm0, $0xb8;
	[tilespmem:$0x1E680] =	vst v63  }
0x455: {  	s29 =	simm.s32 $0xD680  }
0x456: {  	[tilespmem:s29], [sflag:$0x1] =	stream.indirect_vreg.gather [hbm4b:s23+s2], $0x80, v43, vm0, $0xb8;
	[tilespmem:$0x1E680] =	vst v63  }
0x457: {  	s4 =	simm.s32 $0xDE80  }
0x458: {  	[tilespmem:s4], [sflag:$0x1] =	stream.indirect_vreg.gather [hbm4b:s5+s2], $0x80, v42, vm0, $0xb8;
	[tilespmem:$0x1E680] =	vst v63  }
0x459: {  	s9 =	simm.s32 $0xE680  }
0x45a: {  	[tilespmem:s9], [sflag:$0x1] =	stream.indirect_vreg.gather [hbm4b:s21+s2], $0x80, v42, vm0, $0xb8;
	[tilespmem:$0x1E680] =	vst v63  }
0x45b: {  	s29 =	simm.s32 $0xEE80  }
0x45c: {  	[tilespmem:s29], [sflag:$0x1] =	stream.indirect_vreg.gather [hbm4b:s23+s2], $0x80, v42, vm0, $0xb8;
	[tilespmem:$0x1E680] =	vst v63  }
0x45d: {  	_ =	swait.ge [sflag:s25], $0xF000  }
0x45e: {  	[sflag:s25] =	ssyncset.done $0x0  }
0x45f: {  	s0 =	simm.s32 $0x680;
	s1 =	rddreg [dreg:$0x11];
	[sflag:s25] =	ssyncadd.s32 $0xFFFF1000  }
0x460: {  	[hbm4b:s1+s2] =	stream.linear.scatter [tilespmem:s0], [sflag:$0x3], $0xF000, $0x38;
	[tilespmem:$0x1E680] =	vst v63  }
0x461: {  	_ =	swait.ge [sflag:s28], $0xF000  }
0x462: {  	[sflag:s28] =	ssyncset.done $0x0  }
0x463: {  	[sflag:s28] =	ssyncadd.s32 $0xFFFF1000  }
0x464: {  	v58 =	vld [tilespmem:$0x180];
	_ =	sdelay $0x4  }
0x465: {  	v59 =	vshrl.u32 v58, $0x3  }
0x466: {  	v43 =	vmul.u32 $0x30, v59  }
0x467: {  	v42 =	vand.u32 $0x7, v58  }
0x468: {  	v42 =	vor.u32 v42, v43  }
0x469: {  	v43 =	vperm.xlane v42, v39;
	_ =	sdelay $0x1  }
0x46a: {  	v43 =	vadd.s32 v40, v43;
	_ =	sdelay $0x3  }
0x46b: {  	s3 =	simm.s32 $0xF680;
	v42 =	vperm.xlane v42, v41  }
0x46c: {  	[tilespmem:s3], [sflag:$0x2] =	stream.indirect_vreg.gather [hbm4b:s5+s2], $0x80, v43, vm0, $0xb8;
	[tilespmem:$0x1E680] =	vst v63  }
0x46d: {  	s4 =	simm.s32 $0xFE80;
	v42 =	vadd.s32 v40, v42  }
0x46e: {  	[tilespmem:s4], [sflag:$0x2] =	stream.indirect_vreg.gather [hbm4b:s21+s2], $0x80, v43, vm0, $0xb8;
	[tilespmem:$0x1E680] =	vst v63  }
0x46f: {  	_ = 	snop  }
0x470: {  	[tilespmem:s8], [sflag:$0x2] =	stream.indirect_vreg.gather [hbm4b:s23+s2], $0x80, v43, vm0, $0xb8;
	[tilespmem:$0x1E680] =	vst v63  }
0x471: {  	s9 =	simm.s32 $0x10E80  }
0x472: {  	[tilespmem:s9], [sflag:$0x2] =	stream.indirect_vreg.gather [hbm4b:s5+s2], $0x80, v42, vm0, $0xb8;
	[tilespmem:$0x1E680] =	vst v63  }
0x473: {  	_ = 	snop  }
0x474: {  	[tilespmem:s7], [sflag:$0x2] =	stream.indirect_vreg.gather [hbm4b:s21+s2], $0x80, v42, vm0, $0xb8;
	[tilespmem:$0x1E680] =	vst v63  }
0x475: {  	s25 =	simm.s32 $0x11E80  }
0x476: {  	[tilespmem:s25], [sflag:$0x2] =	stream.indirect_vreg.gather [hbm4b:s23+s2], $0x80, v42, vm0, $0xb8;
	[tilespmem:$0x1E680] =	vst v63  }
0x477: {  	v42 =	vld [tilespmem:$0x190];
	_ =	sdelay $0x4  }
0x478: {  	v60 =	vshrl.u32 v42, $0x3  }
0x479: {  	v43 =	vmul.u32 $0x30, v60  }
0x47a: {  	v42 =	vand.u32 $0x7, v42  }
0x47b: {  	v42 =	vor.u32 v42, v43  }
0x47c: {  	v43 =	vperm.xlane v42, v39;
	_ =	sdelay $0x1  }
0x47d: {  	v43 =	vadd.s32 v40, v43;
	_ =	sdelay $0x3  }
0x47e: {  	s29 =	simm.s32 $0x12680;
	v42 =	vperm.xlane v42, v41  }
0x47f: {  	[tilespmem:s29], [sflag:$0x2] =	stream.indirect_vreg.gather [hbm4b:s5+s2], $0x80, v43, vm0, $0xb8;
	[tilespmem:$0x1E680] =	vst v63  }
0x480: {  	v42 =	vadd.s32 v40, v42  }
0x481: {  	[tilespmem:s10], [sflag:$0x2] =	stream.indirect_vreg.gather [hbm4b:s21+s2], $0x80, v43, vm0, $0xb8;
	[tilespmem:$0x1E680] =	vst v63  }
0x482: {  	s4 =	simm.s32 $0x13680  }
0x483: {  	[tilespmem:s4], [sflag:$0x2] =	stream.indirect_vreg.gather [hbm4b:s23+s2], $0x80, v43, vm0, $0xb8;
	[tilespmem:$0x1E680] =	vst v63  }
0x484: {  	s17 =	simm.s32 $0x13E80  }
0x485: {  	[tilespmem:s17], [sflag:$0x2] =	stream.indirect_vreg.gather [hbm4b:s5+s2], $0x80, v42, vm0, $0xb8;
	[tilespmem:$0x1E680] =	vst v63  }
0x486: {  	s7 =	simm.s32 $0x14680  }
0x487: {  	[tilespmem:s7], [sflag:$0x2] =	stream.indirect_vreg.gather [hbm4b:s21+s2], $0x80, v42, vm0, $0xb8;
	[tilespmem:$0x1E680] =	vst v63  }
0x488: {  	s8 =	simm.s32 $0x14E80  }
0x489: {  	[tilespmem:s8], [sflag:$0x2] =	stream.indirect_vreg.gather [hbm4b:s23+s2], $0x80, v42, vm0, $0xb8;
	[tilespmem:$0x1E680] =	vst v63  }
0x48a: {  	v42 =	vld [tilespmem:$0x1A0];
	_ =	sdelay $0x4  }
0x48b: {  	v61 =	vshrl.u32 v42, $0x3  }
0x48c: {  	v43 =	vmul.u32 $0x30, v61  }
0x48d: {  	v42 =	vand.u32 $0x7, v42  }
0x48e: {  	v42 =	vor.u32 v42, v43  }
0x48f: {  	v43 =	vperm.xlane v42, v39;
	_ =	sdelay $0x1  }
0x490: {  	v43 =	vadd.s32 v40, v43;
	_ =	sdelay $0x3  }
0x491: {  	s9 =	simm.s32 $0x15680;
	v42 =	vperm.xlane v42, v41  }
0x492: {  	[tilespmem:s9], [sflag:$0x2] =	stream.indirect_vreg.gather [hbm4b:s5+s2], $0x80, v43, vm0, $0xb8;
	[tilespmem:$0x1E680] =	vst v63  }
0x493: {  	s10 =	simm.s32 $0x15E80;
	v42 =	vadd.s32 v40, v42  }
0x494: {  	[tilespmem:s10], [sflag:$0x2] =	stream.indirect_vreg.gather [hbm4b:s21+s2], $0x80, v43, vm0, $0xb8;
	[tilespmem:$0x1E680] =	vst v63  }
0x495: {  	s18 =	simm.s32 $0x16680  }
0x496: {  	[tilespmem:s18], [sflag:$0x2] =	stream.indirect_vreg.gather [hbm4b:s23+s2], $0x80, v43, vm0, $0xb8;
	[tilespmem:$0x1E680] =	vst v63  }
0x497: {  	s19 =	simm.s32 $0x16E80  }
0x498: {  	[tilespmem:s19], [sflag:$0x2] =	stream.indirect_vreg.gather [hbm4b:s5+s2], $0x80, v42, vm0, $0xb8;
	[tilespmem:$0x1E680] =	vst v63  }
0x499: {  	s20 =	simm.s32 $0x17680  }
0x49a: {  	[tilespmem:s20], [sflag:$0x2] =	stream.indirect_vreg.gather [hbm4b:s21+s2], $0x80, v42, vm0, $0xb8;
	[tilespmem:$0x1E680] =	vst v63  }
0x49b: {  	s17 =	simm.s32 $0x17E80  }
0x49c: {  	[tilespmem:s17], [sflag:$0x2] =	stream.indirect_vreg.gather [hbm4b:s23+s2], $0x80, v42, vm0, $0xb8;
	[tilespmem:$0x1E680] =	vst v63  }
0x49d: {  	v42 =	vld [tilespmem:$0x1B0];
	_ =	sdelay $0x4  }
0x49e: {  	v62 =	vshrl.u32 v42, $0x3  }
0x49f: {  	v43 =	vmul.u32 $0x30, v62  }
0x4a0: {  	v42 =	vand.u32 $0x7, v42  }
0x4a1: {  	v42 =	vor.u32 v42, v43  }
0x4a2: {  	v43 =	vperm.xlane v42, v39;
	_ =	sdelay $0x1  }
0x4a3: {  	v43 =	vadd.s32 v40, v43;
	_ =	sdelay $0x3  }
0x4a4: {  	s12 =	simm.s32 $0x18680;
	v42 =	vperm.xlane v42, v41  }
0x4a5: {  	[tilespmem:s12], [sflag:$0x2] =	stream.indirect_vreg.gather [hbm4b:s5+s2], $0x80, v43, vm0, $0xb8;
	[tilespmem:$0x1E680] =	vst v63  }
0x4a6: {  	s18 =	simm.s32 $0x18E80;
	v42 =	vadd.s32 v40, v42  }
0x4a7: {  	[tilespmem:s18], [sflag:$0x2] =	stream.indirect_vreg.gather [hbm4b:s21+s2], $0x80, v43, vm0, $0xb8;
	[tilespmem:$0x1E680] =	vst v63  }
0x4a8: {  	s19 =	simm.s32 $0x19680  }
0x4a9: {  	[tilespmem:s19], [sflag:$0x2] =	stream.indirect_vreg.gather [hbm4b:s23+s2], $0x80, v43, vm0, $0xb8;
	[tilespmem:$0x1E680] =	vst v63  }
0x4aa: {  	s24 =	simm.s32 $0x19E80  }
0x4ab: {  	[tilespmem:s24], [sflag:$0x2] =	stream.indirect_vreg.gather [hbm4b:s5+s2], $0x80, v42, vm0, $0xb8;
	[tilespmem:$0x1E680] =	vst v63  }
0x4ac: {  	s30 =	simm.s32 $0x1A680  }
0x4ad: {  	[tilespmem:s30], [sflag:$0x2] =	stream.indirect_vreg.gather [hbm4b:s21+s2], $0x80, v42, vm0, $0xb8;
	[tilespmem:$0x1E680] =	vst v63  }
0x4ae: {  	s11 =	simm.s32 $0x1AE80  }
0x4af: {  	[tilespmem:s11], [sflag:$0x2] =	stream.indirect_vreg.gather [hbm4b:s23+s2], $0x80, v42, vm0, $0xb8;
	[tilespmem:$0x1E680] =	vst v63  }
0x4b0: {  	v42 =	vld [tilespmem:$0x1C0];
	_ =	sdelay $0x4  }
0x4b1: {  	v63 =	vshrl.u32 v42, $0x3  }
0x4b2: {  	v43 =	vmul.u32 $0x30, v63  }
0x4b3: {  	v42 =	vand.u32 $0x7, v42  }
0x4b4: {  	v42 =	vor.u32 v42, v43  }
0x4b5: {  	v43 =	vperm.xlane v42, v39;
	_ =	sdelay $0x1  }
0x4b6: {  	v43 =	vadd.s32 v40, v43;
	_ =	sdelay $0x3  }
0x4b7: {  	s15 =	simm.s32 $0x1B680;
	v42 =	vperm.xlane v42, v41  }
0x4b8: {  	[tilespmem:s15], [sflag:$0x2] =	stream.indirect_vreg.gather [hbm4b:s5+s2], $0x80, v43, vm0, $0xb8;
	[tilespmem:$0x1E680] =	vst v63  }
0x4b9: {  	s31 =	simm.s32 $0x1BE80;
	v42 =	vadd.s32 v40, v42  }
0x4ba: {  	[tilespmem:s31], [sflag:$0x2] =	stream.indirect_vreg.gather [hbm4b:s21+s2], $0x80, v43, vm0, $0xb8;
	[tilespmem:$0x1E680] =	vst v63  }
0x4bb: {  	s20 =	simm.s32 $0x1C680  }
0x4bc: {  	[tilespmem:s20], [sflag:$0x2] =	stream.indirect_vreg.gather [hbm4b:s23+s2], $0x80, v43, vm0, $0xb8;
	[tilespmem:$0x1E680] =	vst v63  }
0x4bd: {  	_ = 	snop  }
0x4be: {  	[tilespmem:s16], [sflag:$0x2] =	stream.indirect_vreg.gather [hbm4b:s5+s2], $0x80, v42, vm0, $0xb8;
	[tilespmem:$0x1E680] =	vst v63  }
0x4bf: {  	s24 =	simm.s32 $0x1D680  }
0x4c0: {  	[tilespmem:s24], [sflag:$0x2] =	stream.indirect_vreg.gather [hbm4b:s21+s2], $0x80, v42, vm0, $0xb8;
	[tilespmem:$0x1E680] =	vst v63  }
0x4c1: {  	s25 =	simm.s32 $0x1DE80  }
0x4c2: {  	[tilespmem:s25], [sflag:$0x2] =	stream.indirect_vreg.gather [hbm4b:s23+s2], $0x80, v42, vm0, $0xb8;
	[tilespmem:$0x1E680] =	vst v63  }
0x4c3: {  	_ =	swait.ge [sflag:s13], $0xF000  }
0x4c4: {  	[sflag:s13] =	ssyncset.done $0x0  }
0x4c5: {  	s29 =	rddreg [dreg:$0x19];
	[sflag:s13] =	ssyncadd.s32 $0xFFFF1000  }
0x4c6: {  	[hbm4b:s29+s2] =	stream.linear.scatter [tilespmem:s3], [sflag:$0x4], $0xF000, $0x38;
	[tilespmem:$0x1E680] =	vst v63  }
0x4c7: {  	_ =	swait.ge [sflag:s22], $0xF000  }
0x4c8: {  	s30 =	sld [smem:$0x7EB]  }
0x4c9: {  	s31 =	sld [smem:$0x7EC];
	_ =	sdelay $0x2  }
0x4ca: {  	s8 =	sadd.s32 s30, s31  }
0x4cb: {  	p0 =	slt.s32 s8, $0x1  }
.Ltmp2:
0x4cc: {  	[sflag:s22] =	ssyncset.done $0x0;
	(pc) =	sbr.rel @p0 .LBB2_18-.Ltmp2, $4  }
0x4cd: {  	[sflag:s22] =	ssyncadd.s32 $0xFFFF1000  }
0x4ce: {  	_ =	swait.ge [sflag:s28], $0xF000  }
0x4cf: {  	s26 =	simm.s32 $0x4680;
	s14 =	simm.s32 $0x5;
	[sflag:s28] =	ssyncset.done $0x0  }
0x4d0: {  	s22 =	simm.s32 $0x7680;
	[sflag:s28] =	ssyncadd.s32 $0xFFFF1000;
	s28 =	simm.s32 $0x4E80  }
0x4d1: {  	v42 =	vld [tilespmem:$0x200];
	_ =	sdelay $0x4  }
0x4d2: {  	v43 =	vshrl.u32 v42, $0x3  }
0x4d3: {  	v43 =	vmul.u32 $0x30, v43  }
0x4d4: {  	v42 =	vand.u32 $0x7, v42  }
0x4d5: {  	v42 =	vor.u32 v42, v43  }
0x4d6: {  	v43 =	vperm.xlane v42, v39;
	_ =	sdelay $0x1  }
0x4d7: {  	v43 =	vadd.s32 v40, v43;
	_ =	sdelay $0x3  }
0x4d8: {  	s9 =	rddreg [dreg:$0x3];
	v42 =	vperm.xlane v42, v41  }
0x4d9: {  	[tilespmem:s0], [sflag:$0x5] =	stream.indirect_vreg.gather [hbm4b:s9+s2], $0x80, v43, vm0, $0xb8;
	[tilespmem:$0x1E680] =	vst v63  }
0x4da: {  	s12 =	rddreg [dreg:$0xd];
	s13 =	simm.s32 $0xE80;
	v42 =	vadd.s32 v40, v42  }
0x4db: {  	[tilespmem:s13], [sflag:$0x5] =	stream.indirect_vreg.gather [hbm4b:s12+s2], $0x80, v43, vm0, $0xb8;
	[tilespmem:$0x1E680] =	vst v63  }
0x4dc: {  	s1 =	simm.s32 $0x1680;
	s13 =	rddreg [dreg:$0xf]  }
0x4dd: {  	[tilespmem:s1], [sflag:$0x5] =	stream.indirect_vreg.gather [hbm4b:s13+s2], $0x80, v43, vm0, $0xb8;
	[tilespmem:$0x1E680] =	vst v63  }
0x4de: {  	s28 =	simm.s32 $0x1E80  }
0x4df: {  	[tilespmem:s28], [sflag:$0x5] =	stream.indirect_vreg.gather [hbm4b:s9+s2], $0x80, v42, vm0, $0xb8;
	[tilespmem:$0x1E680] =	vst v63  }
0x4e0: {  	s17 =	simm.s32 $0x2680  }
0x4e1: {  	[tilespmem:s17], [sflag:$0x5] =	stream.indirect_vreg.gather [hbm4b:s12+s2], $0x80, v42, vm0, $0xb8;
	[tilespmem:$0x1E680] =	vst v63  }
0x4e2: {  	s7 =	simm.s32 $0x2E80  }
0x4e3: {  	[tilespmem:s7], [sflag:$0x5] =	stream.indirect_vreg.gather [hbm4b:s13+s2], $0x80, v42, vm0, $0xb8;
	[tilespmem:$0x1E680] =	vst v63  }
0x4e4: {  	v42 =	vld [tilespmem:$0x210];
	_ =	sdelay $0x4  }
0x4e5: {  	v56 =	vshrl.u32 v42, $0x3  }
0x4e6: {  	v43 =	vmul.u32 $0x30, v56  }
0x4e7: {  	v42 =	vand.u32 $0x7, v42  }
0x4e8: {  	v42 =	vor.u32 v42, v43  }
0x4e9: {  	v43 =	vperm.xlane v42, v39;
	_ =	sdelay $0x1  }
0x4ea: {  	v43 =	vadd.s32 v40, v43;
	_ =	sdelay $0x3  }
0x4eb: {  	s25 =	simm.s32 $0x3680;
	v42 =	vperm.xlane v42, v41  }
0x4ec: {  	[tilespmem:s25], [sflag:$0x5] =	stream.indirect_vreg.gather [hbm4b:s9+s2], $0x80, v43, vm0, $0xb8;
	[tilespmem:$0x1E680] =	vst v63  }
0x4ed: {  	s11 =	simm.s32 $0x3E80;
	v42 =	vadd.s32 v40, v42  }
0x4ee: {  	[tilespmem:s11], [sflag:$0x5] =	stream.indirect_vreg.gather [hbm4b:s12+s2], $0x80, v43, vm0, $0xb8;
	[tilespmem:$0x1E680] =	vst v63  }
0x4ef: {  	_ = 	snop  }
0x4f0: {  	[tilespmem:s26], [sflag:$0x5] =	stream.indirect_vreg.gather [hbm4b:s13+s2], $0x80, v43, vm0, $0xb8;
	[tilespmem:$0x1E680] =	vst v63  }
0x4f1: {  	s23 =	simm.s32 $0x4E80  }
0x4f2: {  	[tilespmem:s23], [sflag:$0x5] =	stream.indirect_vreg.gather [hbm4b:s9+s2], $0x80, v42, vm0, $0xb8;
	[tilespmem:$0x1E680] =	vst v63  }
0x4f3: {  	s15 =	simm.s32 $0x5680  }
0x4f4: {  	[tilespmem:s15], [sflag:$0x5] =	stream.indirect_vreg.gather [hbm4b:s12+s2], $0x80, v42, vm0, $0xb8;
	[tilespmem:$0x1E680] =	vst v63  }
0x4f5: {  	s16 =	simm.s32 $0x5E80  }
0x4f6: {  	[tilespmem:s16], [sflag:$0x5] =	stream.indirect_vreg.gather [hbm4b:s13+s2], $0x80, v42, vm0, $0xb8;
	[tilespmem:$0x1E680] =	vst v63  }
0x4f7: {  	v42 =	vld [tilespmem:$0x220];
	_ =	sdelay $0x4  }
0x4f8: {  	v57 =	vshrl.u32 v42, $0x3  }
0x4f9: {  	v43 =	vmul.u32 $0x30, v57  }
0x4fa: {  	v42 =	vand.u32 $0x7, v42  }
0x4fb: {  	v42 =	vor.u32 v42, v43  }
0x4fc: {  	v43 =	vperm.xlane v42, v39;
	_ =	sdelay $0x1  }
0x4fd: {  	v43 =	vadd.s32 v40, v43;
	_ =	sdelay $0x3  }
0x4fe: {  	s15 =	simm.s32 $0x6680;
	v42 =	vperm.xlane v42, v41  }
0x4ff: {  	[tilespmem:s15], [sflag:$0x5] =	stream.indirect_vreg.gather [hbm4b:s9+s2], $0x80, v43, vm0, $0xb8;
	[tilespmem:$0x1E680] =	vst v63  }
0x500: {  	s18 =	simm.s32 $0x6E80;
	v42 =	vadd.s32 v40, v42  }
0x501: {  	[tilespmem:s18], [sflag:$0x5] =	stream.indirect_vreg.gather [hbm4b:s12+s2], $0x80, v43, vm0, $0xb8;
	[tilespmem:$0x1E680] =	vst v63  }
0x502: {  	s19 =	simm.s32 $0x7680  }
0x503: {  	[tilespmem:s19], [sflag:$0x5] =	stream.indirect_vreg.gather [hbm4b:s13+s2], $0x80, v43, vm0, $0xb8;
	[tilespmem:$0x1E680] =	vst v63  }
0x504: {  	s20 =	simm.s32 $0x7E80  }
0x505: {  	[tilespmem:s20], [sflag:$0x5] =	stream.indirect_vreg.gather [hbm4b:s9+s2], $0x80, v42, vm0, $0xb8;
	[tilespmem:$0x1E680] =	vst v63  }
0x506: {  	s3 =	simm.s32 $0x8680  }
0x507: {  	[tilespmem:s3], [sflag:$0x5] =	stream.indirect_vreg.gather [hbm4b:s12+s2], $0x80, v42, vm0, $0xb8;
	[tilespmem:$0x1E680] =	vst v63  }
0x508: {  	s24 =	simm.s32 $0x8E80  }
0x509: {  	[tilespmem:s24], [sflag:$0x5] =	stream.indirect_vreg.gather [hbm4b:s13+s2], $0x80, v42, vm0, $0xb8;
	[tilespmem:$0x1E680] =	vst v63  }
0x50a: {  	v42 =	vld [tilespmem:$0x230];
	_ =	sdelay $0x4  }
0x50b: {  	v58 =	vshrl.u32 v42, $0x3  }
0x50c: {  	v43 =	vmul.u32 $0x30, v58  }
0x50d: {  	v42 =	vand.u32 $0x7, v42  }
0x50e: {  	v42 =	vor.u32 v42, v43  }
0x50f: {  	v43 =	vperm.xlane v42, v39;
	_ =	sdelay $0x1  }
0x510: {  	v43 =	vadd.s32 v40, v43;
	_ =	sdelay $0x3  }
0x511: {  	s21 =	simm.s32 $0x9680;
	v42 =	vperm.xlane v42, v41  }
0x512: {  	[tilespmem:s21], [sflag:$0x5] =	stream.indirect_vreg.gather [hbm4b:s9+s2], $0x80, v43, vm0, $0xb8;
	[tilespmem:$0x1E680] =	vst v63  }
0x513: {  	s30 =	simm.s32 $0x9E80;
	v42 =	vadd.s32 v40, v42  }
0x514: {  	[tilespmem:s30], [sflag:$0x5] =	stream.indirect_vreg.gather [hbm4b:s12+s2], $0x80, v43, vm0, $0xb8;
	[tilespmem:$0x1E680] =	vst v63  }
0x515: {  	s31 =	simm.s32 $0xA680  }
0x516: {  	[tilespmem:s31], [sflag:$0x5] =	stream.indirect_vreg.gather [hbm4b:s13+s2], $0x80, v43, vm0, $0xb8;
	[tilespmem:$0x1E680] =	vst v63  }
0x517: {  	s22 =	simm.s32 $0xAE80  }
0x518: {  	[tilespmem:s22], [sflag:$0x5] =	stream.indirect_vreg.gather [hbm4b:s9+s2], $0x80, v42, vm0, $0xb8;
	[tilespmem:$0x1E680] =	vst v63  }
0x519: {  	s16 =	simm.s32 $0xB680  }
0x51a: {  	[tilespmem:s16], [sflag:$0x5] =	stream.indirect_vreg.gather [hbm4b:s12+s2], $0x80, v42, vm0, $0xb8;
	[tilespmem:$0x1E680] =	vst v63  }
0x51b: {  	[dreg:$0x1a] =	wrdreg s6;
	s21 =	simm.s32 $0xBE80  }
0x51c: {  	[tilespmem:s21], [sflag:$0x5] =	stream.indirect_vreg.gather [hbm4b:s13+s2], $0x80, v42, vm0, $0xb8;
	[tilespmem:$0x1E680] =	vst v63  }
0x51d: {  	_ =	swait.ge [sflag:s14], $0xC000  }
0x51e: {  	[sflag:s14] =	ssyncset.done $0x0  }
0x51f: {  	[sflag:s14] =	ssyncadd.s32 $0xFFFF4000  }
0x520: {  	v59 =	vld [tilespmem:$0x400];
	_ =	sdelay $0x4  }
0x521: {  	v60 =	vshrl.u32 v59, $0x3  }
0x522: {  	v43 =	vmul.u32 $0x30, v60  }
0x523: {  	v42 =	vand.u32 $0x7, v59  }
0x524: {  	v42 =	vor.u32 v42, v43  }
0x525: {  	v43 =	vperm.xlane v42, v39;
	_ =	sdelay $0x1  }
0x526: {  	v43 =	vadd.s32 v40, v43;
	_ =	sdelay $0x3  }
0x527: {  	s3 =	simm.s32 $0x680;
	s10 =	rddreg [dreg:$0x6];
	v42 =	vperm.xlane v42, v41  }
0x528: {  	[hbm4b:s10+s2] =	stream.indirect_vreg.scatter [tilespmem:s3], [sflag:$0x5], $0x80, v43, vm0, $0xb8;
	[tilespmem:$0x1E680] =	vst v63  }
0x529: {  	s6 =	simm.s32 $0xE80;
	s14 =	rddreg [dreg:$0x12];
	v42 =	vadd.s32 v40, v42  }
0x52a: {  	[hbm4b:s14+s2] =	stream.indirect_vreg.scatter [tilespmem:s6], [sflag:$0x5], $0x80, v43, vm0, $0xb8;
	[tilespmem:$0x1E680] =	vst v63  }
0x52b: {  	s0 =	rddreg [dreg:$0x14]  }
0x52c: {  	[hbm4b:s0+s2] =	stream.indirect_vreg.scatter [tilespmem:s1], [sflag:$0x5], $0x80, v43, vm0, $0xb8;
	[tilespmem:$0x1E680] =	vst v63  }
0x52d: {  	_ = 	snop  }
0x52e: {  	[hbm4b:s10+s2] =	stream.indirect_vreg.scatter [tilespmem:s28], [sflag:$0x5], $0x80, v42, vm0, $0xb8;
	[tilespmem:$0x1E680] =	vst v63  }
0x52f: {  	_ = 	snop  }
0x530: {  	[hbm4b:s14+s2] =	stream.indirect_vreg.scatter [tilespmem:s17], [sflag:$0x5], $0x80, v42, vm0, $0xb8;
	[tilespmem:$0x1E680] =	vst v63  }
0x531: {  	_ = 	snop  }
0x532: {  	[hbm4b:s0+s2] =	stream.indirect_vreg.scatter [tilespmem:s7], [sflag:$0x5], $0x80, v42, vm0, $0xb8;
	[tilespmem:$0x1E680] =	vst v63  }
0x533: {  	v42 =	vld [tilespmem:$0x410];
	_ =	sdelay $0x4  }
0x534: {  	v61 =	vshrl.u32 v42, $0x3  }
0x535: {  	v43 =	vmul.u32 $0x30, v61  }
0x536: {  	v42 =	vand.u32 $0x7, v42  }
0x537: {  	v42 =	vor.u32 v42, v43  }
0x538: {  	v43 =	vperm.xlane v42, v39;
	_ =	sdelay $0x1  }
0x539: {  	v43 =	vadd.s32 v40, v43;
	_ =	sdelay $0x3  }
0x53a: {  	v42 =	vperm.xlane v42, v41  }
0x53b: {  	[hbm4b:s10+s2] =	stream.indirect_vreg.scatter [tilespmem:s25], [sflag:$0x5], $0x80, v43, vm0, $0xb8;
	[tilespmem:$0x1E680] =	vst v63  }
0x53c: {  	v42 =	vadd.s32 v40, v42  }
0x53d: {  	[hbm4b:s14+s2] =	stream.indirect_vreg.scatter [tilespmem:s11], [sflag:$0x5], $0x80, v43, vm0, $0xb8;
	[tilespmem:$0x1E680] =	vst v63  }
0x53e: {  	_ = 	snop  }
0x53f: {  	[hbm4b:s0+s2] =	stream.indirect_vreg.scatter [tilespmem:s26], [sflag:$0x5], $0x80, v43, vm0, $0xb8;
	[tilespmem:$0x1E680] =	vst v63  }
0x540: {  	_ = 	snop  }
0x541: {  	[hbm4b:s10+s2] =	stream.indirect_vreg.scatter [tilespmem:s23], [sflag:$0x5], $0x80, v42, vm0, $0xb8;
	[tilespmem:$0x1E680] =	vst v63  }
0x542: {  	s25 =	simm.s32 $0x5680  }
0x543: {  	[hbm4b:s14+s2] =	stream.indirect_vreg.scatter [tilespmem:s25], [sflag:$0x5], $0x80, v42, vm0, $0xb8;
	[tilespmem:$0x1E680] =	vst v63  }
0x544: {  	s23 =	simm.s32 $0x5E80  }
0x545: {  	[hbm4b:s0+s2] =	stream.indirect_vreg.scatter [tilespmem:s23], [sflag:$0x5], $0x80, v42, vm0, $0xb8;
	[tilespmem:$0x1E680] =	vst v63  }
0x546: {  	v42 =	vld [tilespmem:$0x420];
	_ =	sdelay $0x4  }
0x547: {  	v62 =	vshrl.u32 v42, $0x3  }
0x548: {  	v43 =	vmul.u32 $0x30, v62  }
0x549: {  	v42 =	vand.u32 $0x7, v42  }
0x54a: {  	v42 =	vor.u32 v42, v43  }
0x54b: {  	v43 =	vperm.xlane v42, v39;
	_ =	sdelay $0x1  }
0x54c: {  	v43 =	vadd.s32 v40, v43;
	_ =	sdelay $0x3  }
0x54d: {  	v42 =	vperm.xlane v42, v41  }
0x54e: {  	[hbm4b:s10+s2] =	stream.indirect_vreg.scatter [tilespmem:s15], [sflag:$0x5], $0x80, v43, vm0, $0xb8;
	[tilespmem:$0x1E680] =	vst v63  }
0x54f: {  	s20 =	simm.s32 $0x6E80;
	v42 =	vadd.s32 v40, v42  }
0x550: {  	[hbm4b:s14+s2] =	stream.indirect_vreg.scatter [tilespmem:s20], [sflag:$0x5], $0x80, v43, vm0, $0xb8;
	[tilespmem:$0x1E680] =	vst v63  }
0x551: {  	_ = 	snop  }
0x552: {  	[hbm4b:s0+s2] =	stream.indirect_vreg.scatter [tilespmem:s19], [sflag:$0x5], $0x80, v43, vm0, $0xb8;
	[tilespmem:$0x1E680] =	vst v63  }
0x553: {  	s18 =	simm.s32 $0x7E80  }
0x554: {  	[hbm4b:s10+s2] =	stream.indirect_vreg.scatter [tilespmem:s18], [sflag:$0x5], $0x80, v42, vm0, $0xb8;
	[tilespmem:$0x1E680] =	vst v63  }
0x555: {  	s19 =	simm.s32 $0x8680  }
0x556: {  	[hbm4b:s14+s2] =	stream.indirect_vreg.scatter [tilespmem:s19], [sflag:$0x5], $0x80, v42, vm0, $0xb8;
	[tilespmem:$0x1E680] =	vst v63  }
0x557: {  	_ = 	snop  }
0x558: {  	[hbm4b:s0+s2] =	stream.indirect_vreg.scatter [tilespmem:s24], [sflag:$0x5], $0x80, v42, vm0, $0xb8;
	[tilespmem:$0x1E680] =	vst v63  }
0x559: {  	v42 =	vld [tilespmem:$0x430];
	_ =	sdelay $0x4  }
0x55a: {  	v63 =	vshrl.u32 v42, $0x3  }
0x55b: {  	v43 =	vmul.u32 $0x30, v63  }
0x55c: {  	v42 =	vand.u32 $0x7, v42  }
0x55d: {  	v42 =	vor.u32 v42, v43  }
0x55e: {  	v43 =	vperm.xlane v42, v39;
	_ =	sdelay $0x1  }
0x55f: {  	v43 =	vadd.s32 v40, v43;
	_ =	sdelay $0x3  }
0x560: {  	s5 =	simm.s32 $0x9680;
	v42 =	vperm.xlane v42, v41  }
0x561: {  	[hbm4b:s10+s2] =	stream.indirect_vreg.scatter [tilespmem:s5], [sflag:$0x5], $0x80, v43, vm0, $0xb8;
	[tilespmem:$0x1E680] =	vst v63  }
0x562: {  	v42 =	vadd.s32 v40, v42  }
0x563: {  	[hbm4b:s14+s2] =	stream.indirect_vreg.scatter [tilespmem:s30], [sflag:$0x5], $0x80, v43, vm0, $0xb8;
	[tilespmem:$0x1E680] =	vst v63  }
0x564: {  	_ = 	snop  }
0x565: {  	[hbm4b:s0+s2] =	stream.indirect_vreg.scatter [tilespmem:s31], [sflag:$0x5], $0x80, v43, vm0, $0xb8;
	[tilespmem:$0x1E680] =	vst v63  }
0x566: {  	s4 =	simm.s32 $0xAE80  }
0x567: {  	[hbm4b:s10+s2] =	stream.indirect_vreg.scatter [tilespmem:s4], [sflag:$0x5], $0x80, v42, vm0, $0xb8;
	[tilespmem:$0x1E680] =	vst v63  }
0x568: {  	p0 =	slt.u32 s8, $0x41  }
0x569: {  	[hbm4b:s14+s2] =	stream.indirect_vreg.scatter [tilespmem:s16], [sflag:$0x5], $0x80, v42, vm0, $0xb8;
	[tilespmem:$0x1E680] =	vst v63  }
.Ltmp3:
0x56a: {  	s29 =	simm.s32 $0x5;
	(pc) =	sbr.rel @p0 .LBB2_3-.Ltmp3, $4  }
0x56b: {  	[hbm4b:s0+s2] =	stream.indirect_vreg.scatter [tilespmem:s21], [sflag:$0x5], $0x80, v42, vm0, $0xb8;
	[tilespmem:$0x1E680] =	vst v63  }
0x56c: {  	p1 =	por $0x0, $0x0;
	_ =	swait.ge [sflag:s29], $0xC000  }
0x56d: {  	s22 =	simm.s32 $0x1E80;
	s28 =	simm.s32 $0x2680;
	[sflag:s29] =	ssyncset.done $0x0  }
0x56e: {  	s18 =	simm.s32 $0x6680;
	s21 =	simm.s32 $0x4680;
	[sflag:s29] =	ssyncadd.s32 $0xFFFF4000  }
0x56f: {  	v42 =	vld [tilespmem:$0x240];
	_ =	sdelay $0x4  }
0x570: {  	v43 =	vshrl.u32 v42, $0x3  }
0x571: {  	v43 =	vmul.u32 $0x30, v43  }
0x572: {  	v42 =	vand.u32 $0x7, v42  }
0x573: {  	v42 =	vor.u32 v42, v43  }
0x574: {  	v43 =	vperm.xlane v42, v39;
	_ =	sdelay $0x1  }
0x575: {  	v43 =	vadd.s32 v40, v43;
	_ =	sdelay $0x3  }
0x576: {  	v42 =	vperm.xlane v42, v41  }
0x577: {  	[tilespmem:s3], [sflag:$0x5] =	stream.indirect_vreg.gather [hbm4b:s9+s2], $0x80, v43, vm0, $0xb8;
	[tilespmem:$0x1E680] =	vst v63  }
0x578: {  	v42 =	vadd.s32 v40, v42  }
0x579: {  	[tilespmem:s6], [sflag:$0x5] =	stream.indirect_vreg.gather [hbm4b:s12+s2], $0x80, v43, vm0, $0xb8;
	[tilespmem:$0x1E680] =	vst v63  }
0x57a: {  	_ = 	snop  }
0x57b: {  	[tilespmem:s1], [sflag:$0x5] =	stream.indirect_vreg.gather [hbm4b:s13+s2], $0x80, v43, vm0, $0xb8;
	[tilespmem:$0x1E680] =	vst v63  }
0x57c: {  	s28 =	simm.s32 $0x1E80  }
0x57d: {  	[tilespmem:s28], [sflag:$0x5] =	stream.indirect_vreg.gather [hbm4b:s9+s2], $0x80, v42, vm0, $0xb8;
	[tilespmem:$0x1E680] =	vst v63  }
0x57e: {  	s17 =	simm.s32 $0x2680  }
0x57f: {  	[tilespmem:s17], [sflag:$0x5] =	stream.indirect_vreg.gather [hbm4b:s12+s2], $0x80, v42, vm0, $0xb8;
	[tilespmem:$0x1E680] =	vst v63  }
0x580: {  	s7 =	simm.s32 $0x2E80  }
0x581: {  	[tilespmem:s7], [sflag:$0x5] =	stream.indirect_vreg.gather [hbm4b:s13+s2], $0x80, v42, vm0, $0xb8;
	[tilespmem:$0x1E680] =	vst v63  }
0x582: {  	v42 =	vld [tilespmem:$0x250];
	_ =	sdelay $0x4  }
0x583: {  	v56 =	vshrl.u32 v42, $0x3  }
0x584: {  	v43 =	vmul.u32 $0x30, v56  }
0x585: {  	v42 =	vand.u32 $0x7, v42  }
0x586: {  	v42 =	vor.u32 v42, v43  }
0x587: {  	v43 =	vperm.xlane v42, v39;
	_ =	sdelay $0x1  }
0x588: {  	v43 =	vadd.s32 v40, v43;
	_ =	sdelay $0x3  }
0x589: {  	s25 =	simm.s32 $0x3680;
	v42 =	vperm.xlane v42, v41  }
0x58a: {  	[tilespmem:s25], [sflag:$0x5] =	stream.indirect_vreg.gather [hbm4b:s9+s2], $0x80, v43, vm0, $0xb8;
	[tilespmem:$0x1E680] =	vst v63  }
0x58b: {  	v42 =	vadd.s32 v40, v42  }
0x58c: {  	[tilespmem:s11], [sflag:$0x5] =	stream.indirect_vreg.gather [hbm4b:s12+s2], $0x80, v43, vm0, $0xb8;
	[tilespmem:$0x1E680] =	vst v63  }
0x58d: {  	_ = 	snop  }
0x58e: {  	[tilespmem:s21], [sflag:$0x5] =	stream.indirect_vreg.gather [hbm4b:s13+s2], $0x80, v43, vm0, $0xb8;
	[tilespmem:$0x1E680] =	vst v63  }
0x58f: {  	s20 =	simm.s32 $0x4E80  }
0x590: {  	[tilespmem:s20], [sflag:$0x5] =	stream.indirect_vreg.gather [hbm4b:s9+s2], $0x80, v42, vm0, $0xb8;
	[tilespmem:$0x1E680] =	vst v63  }
0x591: {  	s15 =	simm.s32 $0x5680  }
0x592: {  	[tilespmem:s15], [sflag:$0x5] =	stream.indirect_vreg.gather [hbm4b:s12+s2], $0x80, v42, vm0, $0xb8;
	[tilespmem:$0x1E680] =	vst v63  }
0x593: {  	_ = 	snop  }
0x594: {  	[tilespmem:s23], [sflag:$0x5] =	stream.indirect_vreg.gather [hbm4b:s13+s2], $0x80, v42, vm0, $0xb8;
	[tilespmem:$0x1E680] =	vst v63  }
0x595: {  	v42 =	vld [tilespmem:$0x260];
	_ =	sdelay $0x4  }
0x596: {  	v57 =	vshrl.u32 v42, $0x3  }
0x597: {  	v43 =	vmul.u32 $0x30, v57  }
0x598: {  	v42 =	vand.u32 $0x7, v42  }
0x599: {  	v42 =	vor.u32 v42, v43  }
0x59a: {  	v43 =	vperm.xlane v42, v39;
	_ =	sdelay $0x1  }
0x59b: {  	v43 =	vadd.s32 v40, v43;
	_ =	sdelay $0x3  }
0x59c: {  	v42 =	vperm.xlane v42, v41  }
0x59d: {  	[tilespmem:s18], [sflag:$0x5] =	stream.indirect_vreg.gather [hbm4b:s9+s2], $0x80, v43, vm0, $0xb8;
	[tilespmem:$0x1E680] =	vst v63  }
0x59e: {  	s5 =	simm.s32 $0x6E80;
	v42 =	vadd.s32 v40, v42  }
0x59f: {  	[tilespmem:s5], [sflag:$0x5] =	stream.indirect_vreg.gather [hbm4b:s12+s2], $0x80, v43, vm0, $0xb8;
	[tilespmem:$0x1E680] =	vst v63  }
0x5a0: {  	s4 =	simm.s32 $0x7680  }
0x5a1: {  	[tilespmem:s4], [sflag:$0x5] =	stream.indirect_vreg.gather [hbm4b:s13+s2], $0x80, v43, vm0, $0xb8;
	[tilespmem:$0x1E680] =	vst v63  }
0x5a2: {  	s21 =	simm.s32 $0x7E80  }
0x5a3: {  	[tilespmem:s21], [sflag:$0x5] =	stream.indirect_vreg.gather [hbm4b:s9+s2], $0x80, v42, vm0, $0xb8;
	[tilespmem:$0x1E680] =	vst v63  }
0x5a4: {  	_ = 	snop  }
0x5a5: {  	[tilespmem:s19], [sflag:$0x5] =	stream.indirect_vreg.gather [hbm4b:s12+s2], $0x80, v42, vm0, $0xb8;
	[tilespmem:$0x1E680] =	vst v63  }
0x5a6: {  	_ = 	snop  }
0x5a7: {  	[tilespmem:s24], [sflag:$0x5] =	stream.indirect_vreg.gather [hbm4b:s13+s2], $0x80, v42, vm0, $0xb8;
	[tilespmem:$0x1E680] =	vst v63  }
0x5a8: {  	v42 =	vld [tilespmem:$0x270];
	_ =	sdelay $0x4  }
0x5a9: {  	v58 =	vshrl.u32 v42, $0x3  }
0x5aa: {  	v43 =	vmul.u32 $0x30, v58  }
0x5ab: {  	v42 =	vand.u32 $0x7, v42  }
0x5ac: {  	v42 =	vor.u32 v42, v43  }
0x5ad: {  	v43 =	vperm.xlane v42, v39;
	_ =	sdelay $0x1  }
0x5ae: {  	v43 =	vadd.s32 v40, v43;
	_ =	sdelay $0x3  }
0x5af: {  	s26 =	simm.s32 $0x9680;
	v42 =	vperm.xlane v42, v41  }
0x5b0: {  	[tilespmem:s26], [sflag:$0x5] =	stream.indirect_vreg.gather [hbm4b:s9+s2], $0x80, v43, vm0, $0xb8;
	[tilespmem:$0x1E680] =	vst v63  }
0x5b1: {  	v42 =	vadd.s32 v40, v42  }
0x5b2: {  	[tilespmem:s30], [sflag:$0x5] =	stream.indirect_vreg.gather [hbm4b:s12+s2], $0x80, v43, vm0, $0xb8;
	[tilespmem:$0x1E680] =	vst v63  }
0x5b3: {  	_ = 	snop  }
0x5b4: {  	[tilespmem:s31], [sflag:$0x5] =	stream.indirect_vreg.gather [hbm4b:s13+s2], $0x80, v43, vm0, $0xb8;
	[tilespmem:$0x1E680] =	vst v63  }
0x5b5: {  	s15 =	simm.s32 $0xAE80  }
0x5b6: {  	[tilespmem:s15], [sflag:$0x5] =	stream.indirect_vreg.gather [hbm4b:s9+s2], $0x80, v42, vm0, $0xb8;
	[tilespmem:$0x1E680] =	vst v63  }
0x5b7: {  	_ = 	snop  }
0x5b8: {  	[tilespmem:s16], [sflag:$0x5] =	stream.indirect_vreg.gather [hbm4b:s12+s2], $0x80, v42, vm0, $0xb8;
	[tilespmem:$0x1E680] =	vst v63  }
0x5b9: {  	s12 =	simm.s32 $0xBE80  }
0x5ba: {  	[tilespmem:s12], [sflag:$0x5] =	stream.indirect_vreg.gather [hbm4b:s13+s2], $0x80, v42, vm0, $0xb8;
	[tilespmem:$0x1E680] =	vst v63  }
0x5bb: {  	_ =	swait.ge [sflag:s29], $0xC000  }
0x5bc: {  	[sflag:s29] =	ssyncset.done $0x0  }
0x5bd: {  	[sflag:s29] =	ssyncadd.s32 $0xFFFF4000  }
0x5be: {  	v59 =	vld [tilespmem:$0x480];
	_ =	sdelay $0x4  }
0x5bf: {  	v60 =	vshrl.u32 v59, $0x3  }
0x5c0: {  	v43 =	vmul.u32 $0x30, v60  }
0x5c1: {  	v42 =	vand.u32 $0x7, v59  }
0x5c2: {  	v42 =	vor.u32 v42, v43  }
0x5c3: {  	v43 =	vperm.xlane v42, v39;
	_ =	sdelay $0x1  }
0x5c4: {  	v43 =	vadd.s32 v40, v43;
	_ =	sdelay $0x3  }
0x5c5: {  	v42 =	vperm.xlane v42, v41  }
0x5c6: {  	[hbm4b:s10+s2] =	stream.indirect_vreg.scatter [tilespmem:s3], [sflag:$0x5], $0x80, v43, vm0, $0xb8;
	[tilespmem:$0x1E680] =	vst v63  }
0x5c7: {  	v42 =	vadd.s32 v40, v42  }
0x5c8: {  	[hbm4b:s14+s2] =	stream.indirect_vreg.scatter [tilespmem:s6], [sflag:$0x5], $0x80, v43, vm0, $0xb8;
	[tilespmem:$0x1E680] =	vst v63  }
0x5c9: {  	_ = 	snop  }
0x5ca: {  	[hbm4b:s0+s2] =	stream.indirect_vreg.scatter [tilespmem:s1], [sflag:$0x5], $0x80, v43, vm0, $0xb8;
	[tilespmem:$0x1E680] =	vst v63  }
0x5cb: {  	_ = 	snop  }
0x5cc: {  	[hbm4b:s10+s2] =	stream.indirect_vreg.scatter [tilespmem:s28], [sflag:$0x5], $0x80, v42, vm0, $0xb8;
	[tilespmem:$0x1E680] =	vst v63  }
0x5cd: {  	_ = 	snop  }
0x5ce: {  	[hbm4b:s14+s2] =	stream.indirect_vreg.scatter [tilespmem:s17], [sflag:$0x5], $0x80, v42, vm0, $0xb8;
	[tilespmem:$0x1E680] =	vst v63  }
0x5cf: {  	_ = 	snop  }
0x5d0: {  	[hbm4b:s0+s2] =	stream.indirect_vreg.scatter [tilespmem:s7], [sflag:$0x5], $0x80, v42, vm0, $0xb8;
	[tilespmem:$0x1E680] =	vst v63  }
0x5d1: {  	v42 =	vld [tilespmem:$0x490];
	_ =	sdelay $0x4  }
0x5d2: {  	v61 =	vshrl.u32 v42, $0x3  }
0x5d3: {  	v43 =	vmul.u32 $0x30, v61  }
0x5d4: {  	v42 =	vand.u32 $0x7, v42  }
0x5d5: {  	v42 =	vor.u32 v42, v43  }
0x5d6: {  	v43 =	vperm.xlane v42, v39;
	_ =	sdelay $0x1  }
0x5d7: {  	v43 =	vadd.s32 v40, v43;
	_ =	sdelay $0x3  }
0x5d8: {  	v42 =	vperm.xlane v42, v41  }
0x5d9: {  	[hbm4b:s10+s2] =	stream.indirect_vreg.scatter [tilespmem:s25], [sflag:$0x5], $0x80, v43, vm0, $0xb8;
	[tilespmem:$0x1E680] =	vst v63  }
0x5da: {  	v42 =	vadd.s32 v40, v42  }
0x5db: {  	[hbm4b:s14+s2] =	stream.indirect_vreg.scatter [tilespmem:s11], [sflag:$0x5], $0x80, v43, vm0, $0xb8;
	[tilespmem:$0x1E680] =	vst v63  }
0x5dc: {  	s17 =	simm.s32 $0x4680  }
0x5dd: {  	[hbm4b:s0+s2] =	stream.indirect_vreg.scatter [tilespmem:s17], [sflag:$0x5], $0x80, v43, vm0, $0xb8;
	[tilespmem:$0x1E680] =	vst v63  }
0x5de: {  	_ = 	snop  }
0x5df: {  	[hbm4b:s10+s2] =	stream.indirect_vreg.scatter [tilespmem:s20], [sflag:$0x5], $0x80, v42, vm0, $0xb8;
	[tilespmem:$0x1E680] =	vst v63  }
0x5e0: {  	s25 =	simm.s32 $0x5680  }
0x5e1: {  	[hbm4b:s14+s2] =	stream.indirect_vreg.scatter [tilespmem:s25], [sflag:$0x5], $0x80, v42, vm0, $0xb8;
	[tilespmem:$0x1E680] =	vst v63  }
0x5e2: {  	_ = 	snop  }
0x5e3: {  	[hbm4b:s0+s2] =	stream.indirect_vreg.scatter [tilespmem:s23], [sflag:$0x5], $0x80, v42, vm0, $0xb8;
	[tilespmem:$0x1E680] =	vst v63  }
0x5e4: {  	v42 =	vld [tilespmem:$0x4A0];
	_ =	sdelay $0x4  }
0x5e5: {  	v62 =	vshrl.u32 v42, $0x3  }
0x5e6: {  	v43 =	vmul.u32 $0x30, v62  }
0x5e7: {  	v42 =	vand.u32 $0x7, v42  }
0x5e8: {  	v42 =	vor.u32 v42, v43  }
0x5e9: {  	v43 =	vperm.xlane v42, v39;
	_ =	sdelay $0x1  }
0x5ea: {  	v43 =	vadd.s32 v40, v43;
	_ =	sdelay $0x3  }
0x5eb: {  	v42 =	vperm.xlane v42, v41  }
0x5ec: {  	[hbm4b:s10+s2] =	stream.indirect_vreg.scatter [tilespmem:s18], [sflag:$0x5], $0x80, v43, vm0, $0xb8;
	[tilespmem:$0x1E680] =	vst v63  }
0x5ed: {  	v42 =	vadd.s32 v40, v42  }
0x5ee: {  	[hbm4b:s14+s2] =	stream.indirect_vreg.scatter [tilespmem:s5], [sflag:$0x5], $0x80, v43, vm0, $0xb8;
	[tilespmem:$0x1E680] =	vst v63  }
0x5ef: {  	_ = 	snop  }
0x5f0: {  	[hbm4b:s0+s2] =	stream.indirect_vreg.scatter [tilespmem:s4], [sflag:$0x5], $0x80, v43, vm0, $0xb8;
	[tilespmem:$0x1E680] =	vst v63  }
0x5f1: {  	_ = 	snop  }
0x5f2: {  	[hbm4b:s10+s2] =	stream.indirect_vreg.scatter [tilespmem:s21], [sflag:$0x5], $0x80, v42, vm0, $0xb8;
	[tilespmem:$0x1E680] =	vst v63  }
0x5f3: {  	_ = 	snop  }
0x5f4: {  	[hbm4b:s14+s2] =	stream.indirect_vreg.scatter [tilespmem:s19], [sflag:$0x5], $0x80, v42, vm0, $0xb8;
	[tilespmem:$0x1E680] =	vst v63  }
0x5f5: {  	_ = 	snop  }
0x5f6: {  	[hbm4b:s0+s2] =	stream.indirect_vreg.scatter [tilespmem:s24], [sflag:$0x5], $0x80, v42, vm0, $0xb8;
	[tilespmem:$0x1E680] =	vst v63  }
0x5f7: {  	v42 =	vld [tilespmem:$0x4B0];
	_ =	sdelay $0x4  }
0x5f8: {  	v63 =	vshrl.u32 v42, $0x3  }
0x5f9: {  	v43 =	vmul.u32 $0x30, v63  }
0x5fa: {  	v42 =	vand.u32 $0x7, v42  }
0x5fb: {  	v42 =	vor.u32 v42, v43  }
0x5fc: {  	v43 =	vperm.xlane v42, v39;
	_ =	sdelay $0x1  }
0x5fd: {  	v43 =	vadd.s32 v40, v43;
	_ =	sdelay $0x3  }
0x5fe: {  	s22 =	simm.s32 $0x1E80;
	v42 =	vperm.xlane v42, v41  }
0x5ff: {  	[hbm4b:s10+s2] =	stream.indirect_vreg.scatter [tilespmem:s26], [sflag:$0x5], $0x80, v43, vm0, $0xb8;
	[tilespmem:$0x1E680] =	vst v63  }
0x600: {  	p2 =	slt.u32 s8, $0x81;
	s13 =	simm.s32 $0x3E80;
	s3 =	simm.s32 $0x8680;
	v42 =	vadd.s32 v40, v42  }
0x601: {  	[hbm4b:s14+s2] =	stream.indirect_vreg.scatter [tilespmem:s30], [sflag:$0x5], $0x80, v43, vm0, $0xb8;
	[tilespmem:$0x1E680] =	vst v63  }
0x602: {  	s1 =	simm.s32 $0x2E80;
	s28 =	simm.s32 $0x2680;
	s7 =	simm.s32 $0x8E80  }
0x603: {  	[hbm4b:s0+s2] =	stream.indirect_vreg.scatter [tilespmem:s31], [sflag:$0x5], $0x80, v43, vm0, $0xb8;
	[tilespmem:$0x1E680] =	vst v63  }
0x604: {  	s11 =	simm.s32 $0x4E80;
	s17 =	simm.s32 $0xB680;
	s20 =	simm.s32 $0x7680  }
0x605: {  	[hbm4b:s10+s2] =	stream.indirect_vreg.scatter [tilespmem:s15], [sflag:$0x5], $0x80, v42, vm0, $0xb8;
	[tilespmem:$0x1E680] =	vst v63  }
0x606: {  	s18 =	simm.s32 $0x680;
	s5 =	simm.s32 $0x6E80;
	s4 =	simm.s32 $0x7E80  }
0x607: {  	[hbm4b:s14+s2] =	stream.indirect_vreg.scatter [tilespmem:s16], [sflag:$0x5], $0x80, v42, vm0, $0xb8;
	[tilespmem:$0x1E680] =	vst v63  }
.Ltmp4:
0x608: {  	s21 =	simm.s32 $0x4680;
	s10 =	simm.s32 $0xE80;
	(pc) =	sbr.rel @p2 .LBB2_6-.Ltmp4, $4  }
0x609: {  	[hbm4b:s0+s2] =	stream.indirect_vreg.scatter [tilespmem:s12], [sflag:$0x5], $0x80, v42, vm0, $0xb8;
	[tilespmem:$0x1E680] =	vst v63  }
0x60a: {  	s15 =	simm.s32 $0x9E80;
	s14 =	simm.s32 $0x5E80;
	_ =	swait.ge [sflag:s29], $0xC000  }
0x60b: {  	s16 =	simm.s32 $0xAE80;
	s0 =	simm.s32 $0xBE80;
	[sflag:s29] =	ssyncset.done $0x0  }
0x60c: {  	s12 =	simm.s32 $0x1680;
	s6 =	rddreg [dreg:$0x1b];
	[sflag:s29] =	ssyncadd.s32 $0xFFFF4000  }
0x60d: {  	v42 =	vld [tilespmem:$0x280];
	_ =	sdelay $0x4  }
0x60e: {  	v43 =	vshrl.u32 v42, $0x3  }
0x60f: {  	v43 =	vmul.u32 $0x30, v43  }
0x610: {  	v42 =	vand.u32 $0x7, v42  }
0x611: {  	v42 =	vor.u32 v42, v43  }
0x612: {  	v43 =	vperm.xlane v42, v39;
	_ =	sdelay $0x1  }
0x613: {  	v43 =	vadd.s32 v40, v43;
	_ =	sdelay $0x3  }
0x614: {  	v42 =	vperm.xlane v42, v41  }
0x615: {  	[tilespmem:s18], [sflag:$0x5] =	stream.indirect_vreg.gather [hbm4b:s9+s2], $0x80, v43, vm0, $0xb8;
	[tilespmem:$0x1E680] =	vst v63  }
0x616: {  	s8 =	rddreg [dreg:$0xd];
	v42 =	vadd.s32 v40, v42  }
0x617: {  	[tilespmem:s10], [sflag:$0x5] =	stream.indirect_vreg.gather [hbm4b:s8+s2], $0x80, v43, vm0, $0xb8;
	[tilespmem:$0x1E680] =	vst v63  }
0x618: {  	s24 =	rddreg [dreg:$0xf]  }
0x619: {  	[tilespmem:s12], [sflag:$0x5] =	stream.indirect_vreg.gather [hbm4b:s24+s2], $0x80, v43, vm0, $0xb8;
	[tilespmem:$0x1E680] =	vst v63  }
0x61a: {  	s26 =	simm.s32 $0x1E80  }
0x61b: {  	[tilespmem:s26], [sflag:$0x5] =	stream.indirect_vreg.gather [hbm4b:s9+s2], $0x80, v42, vm0, $0xb8;
	[tilespmem:$0x1E680] =	vst v63  }
0x61c: {  	s25 =	simm.s32 $0x2680  }
0x61d: {  	[tilespmem:s25], [sflag:$0x5] =	stream.indirect_vreg.gather [hbm4b:s8+s2], $0x80, v42, vm0, $0xb8;
	[tilespmem:$0x1E680] =	vst v63  }
0x61e: {  	_ = 	snop  }
0x61f: {  	[tilespmem:s1], [sflag:$0x5] =	stream.indirect_vreg.gather [hbm4b:s24+s2], $0x80, v42, vm0, $0xb8;
	[tilespmem:$0x1E680] =	vst v63  }
0x620: {  	v42 =	vld [tilespmem:$0x290];
	_ =	sdelay $0x4  }
0x621: {  	v56 =	vshrl.u32 v42, $0x3  }
0x622: {  	v43 =	vmul.u32 $0x30, v56  }
0x623: {  	v42 =	vand.u32 $0x7, v42  }
0x624: {  	v42 =	vor.u32 v42, v43  }
0x625: {  	v43 =	vperm.xlane v42, v39;
	_ =	sdelay $0x1  }
0x626: {  	v43 =	vadd.s32 v40, v43;
	_ =	sdelay $0x3  }
0x627: {  	s23 =	simm.s32 $0x3680;
	v42 =	vperm.xlane v42, v41  }
0x628: {  	[tilespmem:s23], [sflag:$0x5] =	stream.indirect_vreg.gather [hbm4b:s9+s2], $0x80, v43, vm0, $0xb8;
	[tilespmem:$0x1E680] =	vst v63  }
0x629: {  	v42 =	vadd.s32 v40, v42  }
0x62a: {  	[tilespmem:s13], [sflag:$0x5] =	stream.indirect_vreg.gather [hbm4b:s8+s2], $0x80, v43, vm0, $0xb8;
	[tilespmem:$0x1E680] =	vst v63  }
0x62b: {  	_ = 	snop  }
0x62c: {  	[tilespmem:s21], [sflag:$0x5] =	stream.indirect_vreg.gather [hbm4b:s24+s2], $0x80, v43, vm0, $0xb8;
	[tilespmem:$0x1E680] =	vst v63  }
0x62d: {  	_ = 	snop  }
0x62e: {  	[tilespmem:s11], [sflag:$0x5] =	stream.indirect_vreg.gather [hbm4b:s9+s2], $0x80, v42, vm0, $0xb8;
	[tilespmem:$0x1E680] =	vst v63  }
0x62f: {  	s31 =	simm.s32 $0x5680  }
0x630: {  	[tilespmem:s31], [sflag:$0x5] =	stream.indirect_vreg.gather [hbm4b:s8+s2], $0x80, v42, vm0, $0xb8;
	[tilespmem:$0x1E680] =	vst v63  }
0x631: {  	_ = 	snop  }
0x632: {  	[tilespmem:s14], [sflag:$0x5] =	stream.indirect_vreg.gather [hbm4b:s24+s2], $0x80, v42, vm0, $0xb8;
	[tilespmem:$0x1E680] =	vst v63  }
0x633: {  	v42 =	vld [tilespmem:$0x2A0];
	_ =	sdelay $0x4  }
0x634: {  	v57 =	vshrl.u32 v42, $0x3  }
0x635: {  	v43 =	vmul.u32 $0x30, v57  }
0x636: {  	v42 =	vand.u32 $0x7, v42  }
0x637: {  	v42 =	vor.u32 v42, v43  }
0x638: {  	v43 =	vperm.xlane v42, v39;
	_ =	sdelay $0x1  }
0x639: {  	v43 =	vadd.s32 v40, v43;
	_ =	sdelay $0x3  }
0x63a: {  	s19 =	simm.s32 $0x6680;
	v42 =	vperm.xlane v42, v41  }
0x63b: {  	[tilespmem:s19], [sflag:$0x5] =	stream.indirect_vreg.gather [hbm4b:s9+s2], $0x80, v43, vm0, $0xb8;
	[tilespmem:$0x1E680] =	vst v63  }
0x63c: {  	v42 =	vadd.s32 v40, v42  }
0x63d: {  	[tilespmem:s5], [sflag:$0x5] =	stream.indirect_vreg.gather [hbm4b:s8+s2], $0x80, v43, vm0, $0xb8;
	[tilespmem:$0x1E680] =	vst v63  }
0x63e: {  	_ = 	snop  }
0x63f: {  	[tilespmem:s20], [sflag:$0x5] =	stream.indirect_vreg.gather [hbm4b:s24+s2], $0x80, v43, vm0, $0xb8;
	[tilespmem:$0x1E680] =	vst v63  }
0x640: {  	_ = 	snop  }
0x641: {  	[tilespmem:s4], [sflag:$0x5] =	stream.indirect_vreg.gather [hbm4b:s9+s2], $0x80, v42, vm0, $0xb8;
	[tilespmem:$0x1E680] =	vst v63  }
0x642: {  	_ = 	snop  }
0x643: {  	[tilespmem:s3], [sflag:$0x5] =	stream.indirect_vreg.gather [hbm4b:s8+s2], $0x80, v42, vm0, $0xb8;
	[tilespmem:$0x1E680] =	vst v63  }
0x644: {  	_ = 	snop  }
0x645: {  	[tilespmem:s7], [sflag:$0x5] =	stream.indirect_vreg.gather [hbm4b:s24+s2], $0x80, v42, vm0, $0xb8;
	[tilespmem:$0x1E680] =	vst v63  }
0x646: {  	v42 =	vld [tilespmem:$0x2B0];
	_ =	sdelay $0x4  }
0x647: {  	v58 =	vshrl.u32 v42, $0x3  }
0x648: {  	v43 =	vmul.u32 $0x30, v58  }
0x649: {  	v42 =	vand.u32 $0x7, v42  }
0x64a: {  	v42 =	vor.u32 v42, v43  }
0x64b: {  	v43 =	vperm.xlane v42, v39;
	_ =	sdelay $0x1  }
0x64c: {  	v43 =	vadd.s32 v40, v43;
	_ =	sdelay $0x3  }
0x64d: {  	s13 =	simm.s32 $0x9680;
	v42 =	vperm.xlane v42, v41  }
0x64e: {  	[tilespmem:s13], [sflag:$0x5] =	stream.indirect_vreg.gather [hbm4b:s9+s2], $0x80, v43, vm0, $0xb8;
	[tilespmem:$0x1E680] =	vst v63  }
0x64f: {  	v42 =	vadd.s32 v40, v42  }
0x650: {  	[tilespmem:s15], [sflag:$0x5] =	stream.indirect_vreg.gather [hbm4b:s8+s2], $0x80, v43, vm0, $0xb8;
	[tilespmem:$0x1E680] =	vst v63  }
0x651: {  	s15 =	simm.s32 $0xA680  }
0x652: {  	[tilespmem:s15], [sflag:$0x5] =	stream.indirect_vreg.gather [hbm4b:s24+s2], $0x80, v43, vm0, $0xb8;
	[tilespmem:$0x1E680] =	vst v63  }
0x653: {  	_ = 	snop  }
0x654: {  	[tilespmem:s16], [sflag:$0x5] =	stream.indirect_vreg.gather [hbm4b:s9+s2], $0x80, v42, vm0, $0xb8;
	[tilespmem:$0x1E680] =	vst v63  }
0x655: {  	_ = 	snop  }
0x656: {  	[tilespmem:s17], [sflag:$0x5] =	stream.indirect_vreg.gather [hbm4b:s8+s2], $0x80, v42, vm0, $0xb8;
	[tilespmem:$0x1E680] =	vst v63  }
0x657: {  	s31 =	rddreg [dreg:$0x12]  }
0x658: {  	[tilespmem:s0], [sflag:$0x5] =	stream.indirect_vreg.gather [hbm4b:s24+s2], $0x80, v42, vm0, $0xb8;
	[tilespmem:$0x1E680] =	vst v63  }
0x659: {  	s0 =	rddreg [dreg:$0x14];
	_ =	swait.ge [sflag:s29], $0xC000  }
0x65a: {  	[sflag:s29] =	ssyncset.done $0x0  }
0x65b: {  	[sflag:s29] =	ssyncadd.s32 $0xFFFF4000  }
0x65c: {  	v59 =	vld [tilespmem:$0x500];
	_ =	sdelay $0x4  }
0x65d: {  	v60 =	vshrl.u32 v59, $0x3  }
0x65e: {  	v43 =	vmul.u32 $0x30, v60  }
0x65f: {  	v42 =	vand.u32 $0x7, v59  }
0x660: {  	v42 =	vor.u32 v42, v43  }
0x661: {  	v43 =	vperm.xlane v42, v39;
	_ =	sdelay $0x1  }
0x662: {  	v43 =	vadd.s32 v40, v43;
	_ =	sdelay $0x3  }
0x663: {  	s24 =	rddreg [dreg:$0x6];
	v42 =	vperm.xlane v42, v41  }
0x664: {  	[hbm4b:s24+s2] =	stream.indirect_vreg.scatter [tilespmem:s18], [sflag:$0x5], $0x80, v43, vm0, $0xb8;
	[tilespmem:$0x1E680] =	vst v63  }
0x665: {  	s10 =	simm.s32 $0xE80;
	v42 =	vadd.s32 v40, v42  }
0x666: {  	[hbm4b:s31+s2] =	stream.indirect_vreg.scatter [tilespmem:s10], [sflag:$0x5], $0x80, v43, vm0, $0xb8;
	[tilespmem:$0x1E680] =	vst v63  }
0x667: {  	s22 =	simm.s32 $0x1680  }
0x668: {  	[hbm4b:s0+s2] =	stream.indirect_vreg.scatter [tilespmem:s22], [sflag:$0x5], $0x80, v43, vm0, $0xb8;
	[tilespmem:$0x1E680] =	vst v63  }
0x669: {  	_ = 	snop  }
0x66a: {  	[hbm4b:s24+s2] =	stream.indirect_vreg.scatter [tilespmem:s26], [sflag:$0x5], $0x80, v42, vm0, $0xb8;
	[tilespmem:$0x1E680] =	vst v63  }
0x66b: {  	_ = 	snop  }
0x66c: {  	[hbm4b:s31+s2] =	stream.indirect_vreg.scatter [tilespmem:s25], [sflag:$0x5], $0x80, v42, vm0, $0xb8;
	[tilespmem:$0x1E680] =	vst v63  }
0x66d: {  	s26 =	simm.s32 $0x2E80  }
0x66e: {  	[hbm4b:s0+s2] =	stream.indirect_vreg.scatter [tilespmem:s26], [sflag:$0x5], $0x80, v42, vm0, $0xb8;
	[tilespmem:$0x1E680] =	vst v63  }
0x66f: {  	v42 =	vld [tilespmem:$0x510];
	_ =	sdelay $0x4  }
0x670: {  	v61 =	vshrl.u32 v42, $0x3  }
0x671: {  	v43 =	vmul.u32 $0x30, v61  }
0x672: {  	v42 =	vand.u32 $0x7, v42  }
0x673: {  	v42 =	vor.u32 v42, v43  }
0x674: {  	v43 =	vperm.xlane v42, v39;
	_ =	sdelay $0x1  }
0x675: {  	v43 =	vadd.s32 v40, v43;
	_ =	sdelay $0x3  }
0x676: {  	v42 =	vperm.xlane v42, v41  }
0x677: {  	[hbm4b:s24+s2] =	stream.indirect_vreg.scatter [tilespmem:s23], [sflag:$0x5], $0x80, v43, vm0, $0xb8;
	[tilespmem:$0x1E680] =	vst v63  }
0x678: {  	s7 =	simm.s32 $0x3E80;
	v42 =	vadd.s32 v40, v42  }
0x679: {  	[hbm4b:s31+s2] =	stream.indirect_vreg.scatter [tilespmem:s7], [sflag:$0x5], $0x80, v43, vm0, $0xb8;
	[tilespmem:$0x1E680] =	vst v63  }
0x67a: {  	_ = 	snop  }
0x67b: {  	[hbm4b:s0+s2] =	stream.indirect_vreg.scatter [tilespmem:s21], [sflag:$0x5], $0x80, v43, vm0, $0xb8;
	[tilespmem:$0x1E680] =	vst v63  }
0x67c: {  	_ = 	snop  }
0x67d: {  	[hbm4b:s24+s2] =	stream.indirect_vreg.scatter [tilespmem:s11], [sflag:$0x5], $0x80, v42, vm0, $0xb8;
	[tilespmem:$0x1E680] =	vst v63  }
0x67e: {  	s25 =	simm.s32 $0x5680  }
0x67f: {  	[hbm4b:s31+s2] =	stream.indirect_vreg.scatter [tilespmem:s25], [sflag:$0x5], $0x80, v42, vm0, $0xb8;
	[tilespmem:$0x1E680] =	vst v63  }
0x680: {  	_ = 	snop  }
0x681: {  	[hbm4b:s0+s2] =	stream.indirect_vreg.scatter [tilespmem:s14], [sflag:$0x5], $0x80, v42, vm0, $0xb8;
	[tilespmem:$0x1E680] =	vst v63  }
0x682: {  	v42 =	vld [tilespmem:$0x520];
	_ =	sdelay $0x4  }
0x683: {  	v62 =	vshrl.u32 v42, $0x3  }
0x684: {  	v43 =	vmul.u32 $0x30, v62  }
0x685: {  	v42 =	vand.u32 $0x7, v42  }
0x686: {  	v42 =	vor.u32 v42, v43  }
0x687: {  	v43 =	vperm.xlane v42, v39;
	_ =	sdelay $0x1  }
0x688: {  	v43 =	vadd.s32 v40, v43;
	_ =	sdelay $0x3  }
0x689: {  	v42 =	vperm.xlane v42, v41  }
0x68a: {  	[hbm4b:s24+s2] =	stream.indirect_vreg.scatter [tilespmem:s19], [sflag:$0x5], $0x80, v43, vm0, $0xb8;
	[tilespmem:$0x1E680] =	vst v63  }
0x68b: {  	v42 =	vadd.s32 v40, v42  }
0x68c: {  	[hbm4b:s31+s2] =	stream.indirect_vreg.scatter [tilespmem:s5], [sflag:$0x5], $0x80, v43, vm0, $0xb8;
	[tilespmem:$0x1E680] =	vst v63  }
0x68d: {  	_ = 	snop  }
0x68e: {  	[hbm4b:s0+s2] =	stream.indirect_vreg.scatter [tilespmem:s20], [sflag:$0x5], $0x80, v43, vm0, $0xb8;
	[tilespmem:$0x1E680] =	vst v63  }
0x68f: {  	_ = 	snop  }
0x690: {  	[hbm4b:s24+s2] =	stream.indirect_vreg.scatter [tilespmem:s4], [sflag:$0x5], $0x80, v42, vm0, $0xb8;
	[tilespmem:$0x1E680] =	vst v63  }
0x691: {  	_ = 	snop  }
0x692: {  	[hbm4b:s31+s2] =	stream.indirect_vreg.scatter [tilespmem:s3], [sflag:$0x5], $0x80, v42, vm0, $0xb8;
	[tilespmem:$0x1E680] =	vst v63  }
0x693: {  	s30 =	simm.s32 $0x8E80  }
0x694: {  	[hbm4b:s0+s2] =	stream.indirect_vreg.scatter [tilespmem:s30], [sflag:$0x5], $0x80, v42, vm0, $0xb8;
	[tilespmem:$0x1E680] =	vst v63  }
0x695: {  	v42 =	vld [tilespmem:$0x530];
	_ =	sdelay $0x4  }
0x696: {  	v63 =	vshrl.u32 v42, $0x3  }
0x697: {  	v43 =	vmul.u32 $0x30, v63  }
0x698: {  	v42 =	vand.u32 $0x7, v42  }
0x699: {  	v42 =	vor.u32 v42, v43  }
0x69a: {  	v43 =	vperm.xlane v42, v39;
	_ =	sdelay $0x1  }
0x69b: {  	v43 =	vadd.s32 v40, v43;
	_ =	sdelay $0x3  }
0x69c: {  	v42 =	vperm.xlane v42, v41  }
0x69d: {  	[hbm4b:s24+s2] =	stream.indirect_vreg.scatter [tilespmem:s13], [sflag:$0x5], $0x80, v43, vm0, $0xb8;
	[tilespmem:$0x1E680] =	vst v63  }
0x69e: {  	s30 =	simm.s32 $0x9E80;
	v42 =	vadd.s32 v40, v42  }
0x69f: {  	[hbm4b:s31+s2] =	stream.indirect_vreg.scatter [tilespmem:s30], [sflag:$0x5], $0x80, v43, vm0, $0xb8;
	[tilespmem:$0x1E680] =	vst v63  }
0x6a0: {  	_ = 	snop  }
0x6a1: {  	[hbm4b:s0+s2] =	stream.indirect_vreg.scatter [tilespmem:s15], [sflag:$0x5], $0x80, v43, vm0, $0xb8;
	[tilespmem:$0x1E680] =	vst v63  }
0x6a2: {  	_ = 	snop  }
0x6a3: {  	[hbm4b:s24+s2] =	stream.indirect_vreg.scatter [tilespmem:s16], [sflag:$0x5], $0x80, v42, vm0, $0xb8;
	[tilespmem:$0x1E680] =	vst v63  }
0x6a4: {  	s28 =	simm.s32 $0x2680;
	p1 =	por $0x1, $0x1  }
0x6a5: {  	[hbm4b:s31+s2] =	stream.indirect_vreg.scatter [tilespmem:s17], [sflag:$0x5], $0x80, v42, vm0, $0xb8;
	[tilespmem:$0x1E680] =	vst v63  }
.Ltmp5:
0x6a6: {  	s12 =	simm.s32 $0x1680;
	s31 =	simm.s32 $0xBE80;
	(pc) =	sbr.rel .LBB2_6-.Ltmp5, $4  }
0x6a7: {  	[hbm4b:s0+s2] =	stream.indirect_vreg.scatter [tilespmem:s31], [sflag:$0x5], $0x80, v42, vm0, $0xb8;
	[tilespmem:$0x1E680] =	vst v63  }
0x6a8: {  	s1 =	simm.s32 $0x2E80;
	s22 =	simm.s32 $0x1E80;
	_ =	swait.ge [sflag:s29], $0xC000  }
0x6a9: {  	s7 =	simm.s32 $0x8E80;
	s13 =	simm.s32 $0x3E80;
	[sflag:s29] =	ssyncset.done $0x0  }
0x6aa: {  	s15 =	simm.s32 $0x9E80;
	s0 =	simm.s32 $0xBE80;
	[sflag:s29] =	ssyncadd.s32 $0xFFFF4000  }
.LBB2_3:
0x6ab: {  	s6 =	rddreg [dreg:$0x1b];
	s10 =	simm.s32 $0xE80  }
0x6ac: {  	s14 =	simm.s32 $0x5E80;
	s20 =	simm.s32 $0x7680;
	s7 =	simm.s32 $0x8E80  }
0x6ad: {  	s15 =	simm.s32 $0x9E80;
	s16 =	simm.s32 $0xAE80;
	s17 =	simm.s32 $0xB680  }
0x6ae: {  	s0 =	simm.s32 $0xBE80;
	s12 =	simm.s32 $0x1680;
	s13 =	simm.s32 $0x3E80  }
0x6af: {  	s1 =	simm.s32 $0x2E80;
	s11 =	simm.s32 $0x4E80;
	s4 =	simm.s32 $0x7E80  }
0x6b0: {  	s5 =	simm.s32 $0x6E80;
	s18 =	simm.s32 $0x680;
	s3 =	simm.s32 $0x8680  }
.LBB2_6:
0x6b1: {  	v42 =	vld [tilespmem:$0x200];
	_ =	sdelay $0x4  }
0x6b2: {  	v43 =	vshrl.u32 v42, $0x3  }
0x6b3: {  	v43 =	vmul.u32 $0x30, v43  }
0x6b4: {  	v42 =	vand.u32 $0x7, v42  }
0x6b5: {  	v42 =	vor.u32 v42, v43  }
0x6b6: {  	v43 =	vperm.xlane v42, v39;
	_ =	sdelay $0x1  }
0x6b7: {  	v43 =	vadd.s32 v40, v43;
	_ =	sdelay $0x3  }
0x6b8: {  	s8 =	rddreg [dreg:$0x4];
	v42 =	vperm.xlane v42, v41  }
0x6b9: {  	[tilespmem:s18], [sflag:$0x5] =	stream.indirect_vreg.gather [hbm4b:s8+s2], $0x80, v43, vm0, $0xb8;
	[tilespmem:$0x1E680] =	vst v63  }
0x6ba: {  	s26 =	rddreg [dreg:$0x15];
	v42 =	vadd.s32 v40, v42  }
0x6bb: {  	[tilespmem:s10], [sflag:$0x5] =	stream.indirect_vreg.gather [hbm4b:s26+s2], $0x80, v43, vm0, $0xb8;
	[tilespmem:$0x1E680] =	vst v63  }
0x6bc: {  	_ = 	snop  }
0x6bd: {  	[tilespmem:s12], [sflag:$0x5] =	stream.indirect_vreg.gather [hbm4b:s6+s2], $0x80, v43, vm0, $0xb8;
	[tilespmem:$0x1E680] =	vst v63  }
0x6be: {  	_ = 	snop  }
0x6bf: {  	[tilespmem:s22], [sflag:$0x5] =	stream.indirect_vreg.gather [hbm4b:s8+s2], $0x80, v42, vm0, $0xb8;
	[tilespmem:$0x1E680] =	vst v63  }
0x6c0: {  	_ = 	snop  }
0x6c1: {  	[tilespmem:s28], [sflag:$0x5] =	stream.indirect_vreg.gather [hbm4b:s26+s2], $0x80, v42, vm0, $0xb8;
	[tilespmem:$0x1E680] =	vst v63  }
0x6c2: {  	_ = 	snop  }
0x6c3: {  	[tilespmem:s1], [sflag:$0x5] =	stream.indirect_vreg.gather [hbm4b:s6+s2], $0x80, v42, vm0, $0xb8;
	[tilespmem:$0x1E680] =	vst v63  }
0x6c4: {  	v42 =	vld [tilespmem:$0x210];
	_ =	sdelay $0x4  }
0x6c5: {  	v56 =	vshrl.u32 v42, $0x3  }
0x6c6: {  	v43 =	vmul.u32 $0x30, v56  }
0x6c7: {  	v42 =	vand.u32 $0x7, v42  }
0x6c8: {  	v42 =	vor.u32 v42, v43  }
0x6c9: {  	v43 =	vperm.xlane v42, v39;
	_ =	sdelay $0x1  }
0x6ca: {  	v43 =	vadd.s32 v40, v43;
	_ =	sdelay $0x3  }
0x6cb: {  	s12 =	simm.s32 $0x3680;
	v42 =	vperm.xlane v42, v41  }
0x6cc: {  	[tilespmem:s12], [sflag:$0x5] =	stream.indirect_vreg.gather [hbm4b:s8+s2], $0x80, v43, vm0, $0xb8;
	[tilespmem:$0x1E680] =	vst v63  }
0x6cd: {  	v42 =	vadd.s32 v40, v42  }
0x6ce: {  	[tilespmem:s13], [sflag:$0x5] =	stream.indirect_vreg.gather [hbm4b:s26+s2], $0x80, v43, vm0, $0xb8;
	[tilespmem:$0x1E680] =	vst v63  }
0x6cf: {  	_ = 	snop  }
0x6d0: {  	[tilespmem:s21], [sflag:$0x5] =	stream.indirect_vreg.gather [hbm4b:s6+s2], $0x80, v43, vm0, $0xb8;
	[tilespmem:$0x1E680] =	vst v63  }
0x6d1: {  	_ = 	snop  }
0x6d2: {  	[tilespmem:s11], [sflag:$0x5] =	stream.indirect_vreg.gather [hbm4b:s8+s2], $0x80, v42, vm0, $0xb8;
	[tilespmem:$0x1E680] =	vst v63  }
0x6d3: {  	_ = 	snop  }
0x6d4: {  	[tilespmem:s25], [sflag:$0x5] =	stream.indirect_vreg.gather [hbm4b:s26+s2], $0x80, v42, vm0, $0xb8;
	[tilespmem:$0x1E680] =	vst v63  }
0x6d5: {  	_ = 	snop  }
0x6d6: {  	[tilespmem:s14], [sflag:$0x5] =	stream.indirect_vreg.gather [hbm4b:s6+s2], $0x80, v42, vm0, $0xb8;
	[tilespmem:$0x1E680] =	vst v63  }
0x6d7: {  	v42 =	vld [tilespmem:$0x220];
	_ =	sdelay $0x4  }
0x6d8: {  	v57 =	vshrl.u32 v42, $0x3  }
0x6d9: {  	v43 =	vmul.u32 $0x30, v57  }
0x6da: {  	v42 =	vand.u32 $0x7, v42  }
0x6db: {  	v42 =	vor.u32 v42, v43  }
0x6dc: {  	v43 =	vperm.xlane v42, v39;
	_ =	sdelay $0x1  }
0x6dd: {  	v43 =	vadd.s32 v40, v43;
	_ =	sdelay $0x3  }
0x6de: {  	s9 =	simm.s32 $0x6680;
	v42 =	vperm.xlane v42, v41  }
0x6df: {  	[tilespmem:s9], [sflag:$0x5] =	stream.indirect_vreg.gather [hbm4b:s8+s2], $0x80, v43, vm0, $0xb8;
	[tilespmem:$0x1E680] =	vst v63  }
0x6e0: {  	v42 =	vadd.s32 v40, v42  }
0x6e1: {  	[tilespmem:s5], [sflag:$0x5] =	stream.indirect_vreg.gather [hbm4b:s26+s2], $0x80, v43, vm0, $0xb8;
	[tilespmem:$0x1E680] =	vst v63  }
0x6e2: {  	_ = 	snop  }
0x6e3: {  	[tilespmem:s20], [sflag:$0x5] =	stream.indirect_vreg.gather [hbm4b:s6+s2], $0x80, v43, vm0, $0xb8;
	[tilespmem:$0x1E680] =	vst v63  }
0x6e4: {  	_ = 	snop  }
0x6e5: {  	[tilespmem:s4], [sflag:$0x5] =	stream.indirect_vreg.gather [hbm4b:s8+s2], $0x80, v42, vm0, $0xb8;
	[tilespmem:$0x1E680] =	vst v63  }
0x6e6: {  	_ = 	snop  }
0x6e7: {  	[tilespmem:s3], [sflag:$0x5] =	stream.indirect_vreg.gather [hbm4b:s26+s2], $0x80, v42, vm0, $0xb8;
	[tilespmem:$0x1E680] =	vst v63  }
0x6e8: {  	_ = 	snop  }
0x6e9: {  	[tilespmem:s7], [sflag:$0x5] =	stream.indirect_vreg.gather [hbm4b:s6+s2], $0x80, v42, vm0, $0xb8;
	[tilespmem:$0x1E680] =	vst v63  }
0x6ea: {  	v42 =	vld [tilespmem:$0x230];
	_ =	sdelay $0x4  }
0x6eb: {  	v58 =	vshrl.u32 v42, $0x3  }
0x6ec: {  	v43 =	vmul.u32 $0x30, v58  }
0x6ed: {  	v42 =	vand.u32 $0x7, v42  }
0x6ee: {  	v42 =	vor.u32 v42, v43  }
0x6ef: {  	v43 =	vperm.xlane v42, v39;
	_ =	sdelay $0x1  }
0x6f0: {  	v43 =	vadd.s32 v40, v43;
	_ =	sdelay $0x3  }
0x6f1: {  	s1 =	simm.s32 $0x9680;
	v42 =	vperm.xlane v42, v41  }
0x6f2: {  	[tilespmem:s1], [sflag:$0x5] =	stream.indirect_vreg.gather [hbm4b:s8+s2], $0x80, v43, vm0, $0xb8;
	[tilespmem:$0x1E680] =	vst v63  }
0x6f3: {  	v42 =	vadd.s32 v40, v42  }
0x6f4: {  	[tilespmem:s15], [sflag:$0x5] =	stream.indirect_vreg.gather [hbm4b:s26+s2], $0x80, v43, vm0, $0xb8;
	[tilespmem:$0x1E680] =	vst v63  }
0x6f5: {  	s7 =	simm.s32 $0xA680  }
0x6f6: {  	[tilespmem:s7], [sflag:$0x5] =	stream.indirect_vreg.gather [hbm4b:s6+s2], $0x80, v43, vm0, $0xb8;
	[tilespmem:$0x1E680] =	vst v63  }
0x6f7: {  	_ = 	snop  }
0x6f8: {  	[tilespmem:s16], [sflag:$0x5] =	stream.indirect_vreg.gather [hbm4b:s8+s2], $0x80, v42, vm0, $0xb8;
	[tilespmem:$0x1E680] =	vst v63  }
0x6f9: {  	_ = 	snop  }
0x6fa: {  	[tilespmem:s17], [sflag:$0x5] =	stream.indirect_vreg.gather [hbm4b:s26+s2], $0x80, v42, vm0, $0xb8;
	[tilespmem:$0x1E680] =	vst v63  }
0x6fb: {  	_ = 	snop  }
0x6fc: {  	[tilespmem:s0], [sflag:$0x5] =	stream.indirect_vreg.gather [hbm4b:s6+s2], $0x80, v42, vm0, $0xb8;
	[tilespmem:$0x1E680] =	vst v63  }
0x6fd: {  	_ =	swait.ge [sflag:s29], $0xC000  }
0x6fe: {  	[sflag:s29] =	ssyncset.done $0x0  }
0x6ff: {  	[sflag:s29] =	ssyncadd.s32 $0xFFFF4000  }
0x700: {  	v59 =	vld [tilespmem:$0x400];
	_ =	sdelay $0x4  }
0x701: {  	v60 =	vshrl.u32 v59, $0x3  }
0x702: {  	v43 =	vmul.u32 $0x30, v60  }
0x703: {  	v42 =	vand.u32 $0x7, v59  }
0x704: {  	v42 =	vor.u32 v42, v43  }
0x705: {  	v43 =	vperm.xlane v42, v39;
	_ =	sdelay $0x1  }
0x706: {  	v43 =	vadd.s32 v40, v43;
	_ =	sdelay $0x3  }
0x707: {  	s13 =	rddreg [dreg:$0xe];
	v42 =	vperm.xlane v42, v41  }
0x708: {  	[hbm4b:s13+s2] =	stream.indirect_vreg.scatter [tilespmem:s18], [sflag:$0x5], $0x80, v43, vm0, $0xb8;
	[tilespmem:$0x1E680] =	vst v63  }
0x709: {  	s9 =	rddreg [dreg:$0x1c];
	v42 =	vadd.s32 v40, v42  }
0x70a: {  	[hbm4b:s9+s2] =	stream.indirect_vreg.scatter [tilespmem:s10], [sflag:$0x5], $0x80, v43, vm0, $0xb8;
	[tilespmem:$0x1E680] =	vst v63  }
0x70b: {  	s23 =	simm.s32 $0x1680;
	s22 =	rddreg [dreg:$0x1d]  }
0x70c: {  	[hbm4b:s22+s2] =	stream.indirect_vreg.scatter [tilespmem:s23], [sflag:$0x5], $0x80, v43, vm0, $0xb8;
	[tilespmem:$0x1E680] =	vst v63  }
0x70d: {  	s17 =	simm.s32 $0x1E80  }
0x70e: {  	[hbm4b:s13+s2] =	stream.indirect_vreg.scatter [tilespmem:s17], [sflag:$0x5], $0x80, v42, vm0, $0xb8;
	[tilespmem:$0x1E680] =	vst v63  }
0x70f: {  	s16 =	simm.s32 $0x2680  }
0x710: {  	[hbm4b:s9+s2] =	stream.indirect_vreg.scatter [tilespmem:s16], [sflag:$0x5], $0x80, v42, vm0, $0xb8;
	[tilespmem:$0x1E680] =	vst v63  }
0x711: {  	s24 =	simm.s32 $0x2E80  }
0x712: {  	[hbm4b:s22+s2] =	stream.indirect_vreg.scatter [tilespmem:s24], [sflag:$0x5], $0x80, v42, vm0, $0xb8;
	[tilespmem:$0x1E680] =	vst v63  }
0x713: {  	v42 =	vld [tilespmem:$0x410];
	_ =	sdelay $0x4  }
0x714: {  	v61 =	vshrl.u32 v42, $0x3  }
0x715: {  	v43 =	vmul.u32 $0x30, v61  }
0x716: {  	v42 =	vand.u32 $0x7, v42  }
0x717: {  	v42 =	vor.u32 v42, v43  }
0x718: {  	v43 =	vperm.xlane v42, v39;
	_ =	sdelay $0x1  }
0x719: {  	v43 =	vadd.s32 v40, v43;
	_ =	sdelay $0x3  }
0x71a: {  	v42 =	vperm.xlane v42, v41  }
0x71b: {  	[hbm4b:s13+s2] =	stream.indirect_vreg.scatter [tilespmem:s12], [sflag:$0x5], $0x80, v43, vm0, $0xb8;
	[tilespmem:$0x1E680] =	vst v63  }
0x71c: {  	s18 =	simm.s32 $0x3E80;
	v42 =	vadd.s32 v40, v42  }
0x71d: {  	[hbm4b:s9+s2] =	stream.indirect_vreg.scatter [tilespmem:s18], [sflag:$0x5], $0x80, v43, vm0, $0xb8;
	[tilespmem:$0x1E680] =	vst v63  }
0x71e: {  	_ = 	snop  }
0x71f: {  	[hbm4b:s22+s2] =	stream.indirect_vreg.scatter [tilespmem:s21], [sflag:$0x5], $0x80, v43, vm0, $0xb8;
	[tilespmem:$0x1E680] =	vst v63  }
0x720: {  	s12 =	simm.s32 $0x4E80  }
0x721: {  	[hbm4b:s13+s2] =	stream.indirect_vreg.scatter [tilespmem:s12], [sflag:$0x5], $0x80, v42, vm0, $0xb8;
	[tilespmem:$0x1E680] =	vst v63  }
0x722: {  	s21 =	simm.s32 $0x5680  }
0x723: {  	[hbm4b:s9+s2] =	stream.indirect_vreg.scatter [tilespmem:s21], [sflag:$0x5], $0x80, v42, vm0, $0xb8;
	[tilespmem:$0x1E680] =	vst v63  }
0x724: {  	_ = 	snop  }
0x725: {  	[hbm4b:s22+s2] =	stream.indirect_vreg.scatter [tilespmem:s14], [sflag:$0x5], $0x80, v42, vm0, $0xb8;
	[tilespmem:$0x1E680] =	vst v63  }
0x726: {  	v42 =	vld [tilespmem:$0x420];
	_ =	sdelay $0x4  }
0x727: {  	v62 =	vshrl.u32 v42, $0x3  }
0x728: {  	v43 =	vmul.u32 $0x30, v62  }
0x729: {  	v42 =	vand.u32 $0x7, v42  }
0x72a: {  	v42 =	vor.u32 v42, v43  }
0x72b: {  	v43 =	vperm.xlane v42, v39;
	_ =	sdelay $0x1  }
0x72c: {  	v43 =	vadd.s32 v40, v43;
	_ =	sdelay $0x3  }
0x72d: {  	s11 =	simm.s32 $0x6680;
	v42 =	vperm.xlane v42, v41  }
0x72e: {  	[hbm4b:s13+s2] =	stream.indirect_vreg.scatter [tilespmem:s11], [sflag:$0x5], $0x80, v43, vm0, $0xb8;
	[tilespmem:$0x1E680] =	vst v63  }
0x72f: {  	v42 =	vadd.s32 v40, v42  }
0x730: {  	[hbm4b:s9+s2] =	stream.indirect_vreg.scatter [tilespmem:s5], [sflag:$0x5], $0x80, v43, vm0, $0xb8;
	[tilespmem:$0x1E680] =	vst v63  }
0x731: {  	_ = 	snop  }
0x732: {  	[hbm4b:s22+s2] =	stream.indirect_vreg.scatter [tilespmem:s20], [sflag:$0x5], $0x80, v43, vm0, $0xb8;
	[tilespmem:$0x1E680] =	vst v63  }
0x733: {  	_ = 	snop  }
0x734: {  	[hbm4b:s13+s2] =	stream.indirect_vreg.scatter [tilespmem:s4], [sflag:$0x5], $0x80, v42, vm0, $0xb8;
	[tilespmem:$0x1E680] =	vst v63  }
0x735: {  	_ = 	snop  }
0x736: {  	[hbm4b:s9+s2] =	stream.indirect_vreg.scatter [tilespmem:s3], [sflag:$0x5], $0x80, v42, vm0, $0xb8;
	[tilespmem:$0x1E680] =	vst v63  }
0x737: {  	s19 =	simm.s32 $0x8E80  }
0x738: {  	[hbm4b:s22+s2] =	stream.indirect_vreg.scatter [tilespmem:s19], [sflag:$0x5], $0x80, v42, vm0, $0xb8;
	[tilespmem:$0x1E680] =	vst v63  }
0x739: {  	v42 =	vld [tilespmem:$0x430];
	_ =	sdelay $0x4  }
0x73a: {  	v63 =	vshrl.u32 v42, $0x3  }
0x73b: {  	v43 =	vmul.u32 $0x30, v63  }
0x73c: {  	v42 =	vand.u32 $0x7, v42  }
0x73d: {  	v42 =	vor.u32 v42, v43  }
0x73e: {  	v43 =	vperm.xlane v42, v39;
	_ =	sdelay $0x1  }
0x73f: {  	v43 =	vadd.s32 v40, v43;
	_ =	sdelay $0x3  }
0x740: {  	v42 =	vperm.xlane v42, v41  }
0x741: {  	[hbm4b:s13+s2] =	stream.indirect_vreg.scatter [tilespmem:s1], [sflag:$0x5], $0x80, v43, vm0, $0xb8;
	[tilespmem:$0x1E680] =	vst v63  }
0x742: {  	v42 =	vadd.s32 v40, v42  }
0x743: {  	[hbm4b:s9+s2] =	stream.indirect_vreg.scatter [tilespmem:s15], [sflag:$0x5], $0x80, v43, vm0, $0xb8;
	[tilespmem:$0x1E680] =	vst v63  }
0x744: {  	_ = 	snop  }
0x745: {  	[hbm4b:s22+s2] =	stream.indirect_vreg.scatter [tilespmem:s7], [sflag:$0x5], $0x80, v43, vm0, $0xb8;
	[tilespmem:$0x1E680] =	vst v63  }
0x746: {  	s30 =	simm.s32 $0xAE80  }
0x747: {  	[hbm4b:s13+s2] =	stream.indirect_vreg.scatter [tilespmem:s30], [sflag:$0x5], $0x80, v42, vm0, $0xb8;
	[tilespmem:$0x1E680] =	vst v63  }
0x748: {  	s31 =	simm.s32 $0x6E80;
	s28 =	simm.s32 $0xB680;
	s25 =	simm.s32 $0x3680  }
0x749: {  	[hbm4b:s9+s2] =	stream.indirect_vreg.scatter [tilespmem:s28], [sflag:$0x5], $0x80, v42, vm0, $0xb8;
	[tilespmem:$0x1E680] =	vst v63  }
.Ltmp6:
0x74a: {  	s14 =	simm.s32 $0x5;
	s5 =	simm.s32 $0x9E80;
	(pc) =	sbr.rel @p0 .LBB2_8-.Ltmp6, $4  }
0x74b: {  	[hbm4b:s22+s2] =	stream.indirect_vreg.scatter [tilespmem:s0], [sflag:$0x5], $0x80, v42, vm0, $0xb8;
	[tilespmem:$0x1E680] =	vst v63  }
0x74c: {  	s4 =	simm.s32 $0x5E80;
	s3 =	simm.s32 $0xBE80;
	_ =	swait.ge [sflag:s29], $0xC000  }
0x74d: {  	s15 =	simm.s32 $0xA680;
	s30 =	simm.s32 $0x7E80;
	[sflag:s29] =	ssyncset.done $0x0  }
0x74e: {  	s28 =	simm.s32 $0x680;
	s0 =	simm.s32 $0x8680;
	[sflag:s29] =	ssyncadd.s32 $0xFFFF4000  }
0x74f: {  	v42 =	vld [tilespmem:$0x240];
	_ =	sdelay $0x4  }
0x750: {  	v43 =	vshrl.u32 v42, $0x3  }
0x751: {  	v43 =	vmul.u32 $0x30, v43  }
0x752: {  	v42 =	vand.u32 $0x7, v42  }
0x753: {  	v42 =	vor.u32 v42, v43  }
0x754: {  	v43 =	vperm.xlane v42, v39;
	_ =	sdelay $0x1  }
0x755: {  	v43 =	vadd.s32 v40, v43;
	_ =	sdelay $0x3  }
0x756: {  	v42 =	vperm.xlane v42, v41  }
0x757: {  	[tilespmem:s28], [sflag:$0x5] =	stream.indirect_vreg.gather [hbm4b:s8+s2], $0x80, v43, vm0, $0xb8;
	[tilespmem:$0x1E680] =	vst v63  }
0x758: {  	v42 =	vadd.s32 v40, v42  }
0x759: {  	[tilespmem:s10], [sflag:$0x5] =	stream.indirect_vreg.gather [hbm4b:s26+s2], $0x80, v43, vm0, $0xb8;
	[tilespmem:$0x1E680] =	vst v63  }
0x75a: {  	_ = 	snop  }
0x75b: {  	[tilespmem:s23], [sflag:$0x5] =	stream.indirect_vreg.gather [hbm4b:s6+s2], $0x80, v43, vm0, $0xb8;
	[tilespmem:$0x1E680] =	vst v63  }
0x75c: {  	_ = 	snop  }
0x75d: {  	[tilespmem:s17], [sflag:$0x5] =	stream.indirect_vreg.gather [hbm4b:s8+s2], $0x80, v42, vm0, $0xb8;
	[tilespmem:$0x1E680] =	vst v63  }
0x75e: {  	_ = 	snop  }
0x75f: {  	[tilespmem:s16], [sflag:$0x5] =	stream.indirect_vreg.gather [hbm4b:s26+s2], $0x80, v42, vm0, $0xb8;
	[tilespmem:$0x1E680] =	vst v63  }
0x760: {  	_ = 	snop  }
0x761: {  	[tilespmem:s24], [sflag:$0x5] =	stream.indirect_vreg.gather [hbm4b:s6+s2], $0x80, v42, vm0, $0xb8;
	[tilespmem:$0x1E680] =	vst v63  }
0x762: {  	v42 =	vld [tilespmem:$0x250];
	_ =	sdelay $0x4  }
0x763: {  	v56 =	vshrl.u32 v42, $0x3  }
0x764: {  	v43 =	vmul.u32 $0x30, v56  }
0x765: {  	v42 =	vand.u32 $0x7, v42  }
0x766: {  	v42 =	vor.u32 v42, v43  }
0x767: {  	v43 =	vperm.xlane v42, v39;
	_ =	sdelay $0x1  }
0x768: {  	v43 =	vadd.s32 v40, v43;
	_ =	sdelay $0x3  }
0x769: {  	s29 =	simm.s32 $0x3680;
	v42 =	vperm.xlane v42, v41  }
0x76a: {  	[tilespmem:s29], [sflag:$0x5] =	stream.indirect_vreg.gather [hbm4b:s8+s2], $0x80, v43, vm0, $0xb8;
	[tilespmem:$0x1E680] =	vst v63  }
0x76b: {  	v42 =	vadd.s32 v40, v42  }
0x76c: {  	[tilespmem:s18], [sflag:$0x5] =	stream.indirect_vreg.gather [hbm4b:s26+s2], $0x80, v43, vm0, $0xb8;
	[tilespmem:$0x1E680] =	vst v63  }
0x76d: {  	s1 =	simm.s32 $0x4680  }
0x76e: {  	[tilespmem:s1], [sflag:$0x5] =	stream.indirect_vreg.gather [hbm4b:s6+s2], $0x80, v43, vm0, $0xb8;
	[tilespmem:$0x1E680] =	vst v63  }
0x76f: {  	_ = 	snop  }
0x770: {  	[tilespmem:s12], [sflag:$0x5] =	stream.indirect_vreg.gather [hbm4b:s8+s2], $0x80, v42, vm0, $0xb8;
	[tilespmem:$0x1E680] =	vst v63  }
0x771: {  	_ = 	snop  }
0x772: {  	[tilespmem:s21], [sflag:$0x5] =	stream.indirect_vreg.gather [hbm4b:s26+s2], $0x80, v42, vm0, $0xb8;
	[tilespmem:$0x1E680] =	vst v63  }
0x773: {  	_ = 	snop  }
0x774: {  	[tilespmem:s4], [sflag:$0x5] =	stream.indirect_vreg.gather [hbm4b:s6+s2], $0x80, v42, vm0, $0xb8;
	[tilespmem:$0x1E680] =	vst v63  }
0x775: {  	v42 =	vld [tilespmem:$0x260];
	_ =	sdelay $0x4  }
0x776: {  	v57 =	vshrl.u32 v42, $0x3  }
0x777: {  	v43 =	vmul.u32 $0x30, v57  }
0x778: {  	v42 =	vand.u32 $0x7, v42  }
0x779: {  	v42 =	vor.u32 v42, v43  }
0x77a: {  	v43 =	vperm.xlane v42, v39;
	_ =	sdelay $0x1  }
0x77b: {  	v43 =	vadd.s32 v40, v43;
	_ =	sdelay $0x3  }
0x77c: {  	s11 =	simm.s32 $0x6680;
	v42 =	vperm.xlane v42, v41  }
0x77d: {  	[tilespmem:s11], [sflag:$0x5] =	stream.indirect_vreg.gather [hbm4b:s8+s2], $0x80, v43, vm0, $0xb8;
	[tilespmem:$0x1E680] =	vst v63  }
0x77e: {  	v42 =	vadd.s32 v40, v42  }
0x77f: {  	[tilespmem:s31], [sflag:$0x5] =	stream.indirect_vreg.gather [hbm4b:s26+s2], $0x80, v43, vm0, $0xb8;
	[tilespmem:$0x1E680] =	vst v63  }
0x780: {  	_ = 	snop  }
0x781: {  	[tilespmem:s20], [sflag:$0x5] =	stream.indirect_vreg.gather [hbm4b:s6+s2], $0x80, v43, vm0, $0xb8;
	[tilespmem:$0x1E680] =	vst v63  }
0x782: {  	_ = 	snop  }
0x783: {  	[tilespmem:s30], [sflag:$0x5] =	stream.indirect_vreg.gather [hbm4b:s8+s2], $0x80, v42, vm0, $0xb8;
	[tilespmem:$0x1E680] =	vst v63  }
0x784: {  	_ = 	snop  }
0x785: {  	[tilespmem:s0], [sflag:$0x5] =	stream.indirect_vreg.gather [hbm4b:s26+s2], $0x80, v42, vm0, $0xb8;
	[tilespmem:$0x1E680] =	vst v63  }
0x786: {  	_ = 	snop  }
0x787: {  	[tilespmem:s19], [sflag:$0x5] =	stream.indirect_vreg.gather [hbm4b:s6+s2], $0x80, v42, vm0, $0xb8;
	[tilespmem:$0x1E680] =	vst v63  }
0x788: {  	v42 =	vld [tilespmem:$0x270];
	_ =	sdelay $0x4  }
0x789: {  	v58 =	vshrl.u32 v42, $0x3  }
0x78a: {  	v43 =	vmul.u32 $0x30, v58  }
0x78b: {  	v42 =	vand.u32 $0x7, v42  }
0x78c: {  	v42 =	vor.u32 v42, v43  }
0x78d: {  	v43 =	vperm.xlane v42, v39;
	_ =	sdelay $0x1  }
0x78e: {  	v43 =	vadd.s32 v40, v43;
	_ =	sdelay $0x3  }
0x78f: {  	s0 =	simm.s32 $0x9680;
	v42 =	vperm.xlane v42, v41  }
0x790: {  	[tilespmem:s0], [sflag:$0x5] =	stream.indirect_vreg.gather [hbm4b:s8+s2], $0x80, v43, vm0, $0xb8;
	[tilespmem:$0x1E680] =	vst v63  }
0x791: {  	v42 =	vadd.s32 v40, v42  }
0x792: {  	[tilespmem:s5], [sflag:$0x5] =	stream.indirect_vreg.gather [hbm4b:s26+s2], $0x80, v43, vm0, $0xb8;
	[tilespmem:$0x1E680] =	vst v63  }
0x793: {  	s7 =	simm.s32 $0xA680  }
0x794: {  	[tilespmem:s7], [sflag:$0x5] =	stream.indirect_vreg.gather [hbm4b:s6+s2], $0x80, v43, vm0, $0xb8;
	[tilespmem:$0x1E680] =	vst v63  }
0x795: {  	s3 =	simm.s32 $0xAE80  }
0x796: {  	[tilespmem:s3], [sflag:$0x5] =	stream.indirect_vreg.gather [hbm4b:s8+s2], $0x80, v42, vm0, $0xb8;
	[tilespmem:$0x1E680] =	vst v63  }
0x797: {  	s5 =	simm.s32 $0xB680  }
0x798: {  	[tilespmem:s5], [sflag:$0x5] =	stream.indirect_vreg.gather [hbm4b:s26+s2], $0x80, v42, vm0, $0xb8;
	[tilespmem:$0x1E680] =	vst v63  }
0x799: {  	s25 =	simm.s32 $0xBE80  }
0x79a: {  	[tilespmem:s25], [sflag:$0x5] =	stream.indirect_vreg.gather [hbm4b:s6+s2], $0x80, v42, vm0, $0xb8;
	[tilespmem:$0x1E680] =	vst v63  }
0x79b: {  	_ =	swait.ge [sflag:s14], $0xC000  }
0x79c: {  	[sflag:s14] =	ssyncset.done $0x0  }
0x79d: {  	[sflag:s14] =	ssyncadd.s32 $0xFFFF4000  }
0x79e: {  	v59 =	vld [tilespmem:$0x480];
	_ =	sdelay $0x4  }
0x79f: {  	v60 =	vshrl.u32 v59, $0x3  }
0x7a0: {  	v43 =	vmul.u32 $0x30, v60  }
0x7a1: {  	v42 =	vand.u32 $0x7, v59  }
0x7a2: {  	v42 =	vor.u32 v42, v43  }
0x7a3: {  	v43 =	vperm.xlane v42, v39;
	_ =	sdelay $0x1  }
0x7a4: {  	v43 =	vadd.s32 v40, v43;
	_ =	sdelay $0x3  }
0x7a5: {  	v42 =	vperm.xlane v42, v41  }
0x7a6: {  	[hbm4b:s13+s2] =	stream.indirect_vreg.scatter [tilespmem:s28], [sflag:$0x5], $0x80, v43, vm0, $0xb8;
	[tilespmem:$0x1E680] =	vst v63  }
0x7a7: {  	v42 =	vadd.s32 v40, v42  }
0x7a8: {  	[hbm4b:s9+s2] =	stream.indirect_vreg.scatter [tilespmem:s10], [sflag:$0x5], $0x80, v43, vm0, $0xb8;
	[tilespmem:$0x1E680] =	vst v63  }
0x7a9: {  	_ = 	snop  }
0x7aa: {  	[hbm4b:s22+s2] =	stream.indirect_vreg.scatter [tilespmem:s23], [sflag:$0x5], $0x80, v43, vm0, $0xb8;
	[tilespmem:$0x1E680] =	vst v63  }
0x7ab: {  	_ = 	snop  }
0x7ac: {  	[hbm4b:s13+s2] =	stream.indirect_vreg.scatter [tilespmem:s17], [sflag:$0x5], $0x80, v42, vm0, $0xb8;
	[tilespmem:$0x1E680] =	vst v63  }
0x7ad: {  	_ = 	snop  }
0x7ae: {  	[hbm4b:s9+s2] =	stream.indirect_vreg.scatter [tilespmem:s16], [sflag:$0x5], $0x80, v42, vm0, $0xb8;
	[tilespmem:$0x1E680] =	vst v63  }
0x7af: {  	_ = 	snop  }
0x7b0: {  	[hbm4b:s22+s2] =	stream.indirect_vreg.scatter [tilespmem:s24], [sflag:$0x5], $0x80, v42, vm0, $0xb8;
	[tilespmem:$0x1E680] =	vst v63  }
0x7b1: {  	v42 =	vld [tilespmem:$0x490];
	_ =	sdelay $0x4  }
0x7b2: {  	v61 =	vshrl.u32 v42, $0x3  }
0x7b3: {  	v43 =	vmul.u32 $0x30, v61  }
0x7b4: {  	v42 =	vand.u32 $0x7, v42  }
0x7b5: {  	v42 =	vor.u32 v42, v43  }
0x7b6: {  	v43 =	vperm.xlane v42, v39;
	_ =	sdelay $0x1  }
0x7b7: {  	v43 =	vadd.s32 v40, v43;
	_ =	sdelay $0x3  }
0x7b8: {  	v42 =	vperm.xlane v42, v41  }
0x7b9: {  	[hbm4b:s13+s2] =	stream.indirect_vreg.scatter [tilespmem:s29], [sflag:$0x5], $0x80, v43, vm0, $0xb8;
	[tilespmem:$0x1E680] =	vst v63  }
0x7ba: {  	v42 =	vadd.s32 v40, v42  }
0x7bb: {  	[hbm4b:s9+s2] =	stream.indirect_vreg.scatter [tilespmem:s18], [sflag:$0x5], $0x80, v43, vm0, $0xb8;
	[tilespmem:$0x1E680] =	vst v63  }
0x7bc: {  	_ = 	snop  }
0x7bd: {  	[hbm4b:s22+s2] =	stream.indirect_vreg.scatter [tilespmem:s1], [sflag:$0x5], $0x80, v43, vm0, $0xb8;
	[tilespmem:$0x1E680] =	vst v63  }
0x7be: {  	_ = 	snop  }
0x7bf: {  	[hbm4b:s13+s2] =	stream.indirect_vreg.scatter [tilespmem:s12], [sflag:$0x5], $0x80, v42, vm0, $0xb8;
	[tilespmem:$0x1E680] =	vst v63  }
0x7c0: {  	_ = 	snop  }
0x7c1: {  	[hbm4b:s9+s2] =	stream.indirect_vreg.scatter [tilespmem:s21], [sflag:$0x5], $0x80, v42, vm0, $0xb8;
	[tilespmem:$0x1E680] =	vst v63  }
0x7c2: {  	_ = 	snop  }
0x7c3: {  	[hbm4b:s22+s2] =	stream.indirect_vreg.scatter [tilespmem:s4], [sflag:$0x5], $0x80, v42, vm0, $0xb8;
	[tilespmem:$0x1E680] =	vst v63  }
0x7c4: {  	v42 =	vld [tilespmem:$0x4A0];
	_ =	sdelay $0x4  }
0x7c5: {  	v62 =	vshrl.u32 v42, $0x3  }
0x7c6: {  	v43 =	vmul.u32 $0x30, v62  }
0x7c7: {  	v42 =	vand.u32 $0x7, v42  }
0x7c8: {  	v42 =	vor.u32 v42, v43  }
0x7c9: {  	v43 =	vperm.xlane v42, v39;
	_ =	sdelay $0x1  }
0x7ca: {  	v43 =	vadd.s32 v40, v43;
	_ =	sdelay $0x3  }
0x7cb: {  	v42 =	vperm.xlane v42, v41  }
0x7cc: {  	[hbm4b:s13+s2] =	stream.indirect_vreg.scatter [tilespmem:s11], [sflag:$0x5], $0x80, v43, vm0, $0xb8;
	[tilespmem:$0x1E680] =	vst v63  }
0x7cd: {  	v42 =	vadd.s32 v40, v42  }
0x7ce: {  	[hbm4b:s9+s2] =	stream.indirect_vreg.scatter [tilespmem:s31], [sflag:$0x5], $0x80, v43, vm0, $0xb8;
	[tilespmem:$0x1E680] =	vst v63  }
0x7cf: {  	_ = 	snop  }
0x7d0: {  	[hbm4b:s22+s2] =	stream.indirect_vreg.scatter [tilespmem:s20], [sflag:$0x5], $0x80, v43, vm0, $0xb8;
	[tilespmem:$0x1E680] =	vst v63  }
0x7d1: {  	_ = 	snop  }
0x7d2: {  	[hbm4b:s13+s2] =	stream.indirect_vreg.scatter [tilespmem:s30], [sflag:$0x5], $0x80, v42, vm0, $0xb8;
	[tilespmem:$0x1E680] =	vst v63  }
0x7d3: {  	s15 =	simm.s32 $0x8680  }
0x7d4: {  	[hbm4b:s9+s2] =	stream.indirect_vreg.scatter [tilespmem:s15], [sflag:$0x5], $0x80, v42, vm0, $0xb8;
	[tilespmem:$0x1E680] =	vst v63  }
0x7d5: {  	_ = 	snop  }
0x7d6: {  	[hbm4b:s22+s2] =	stream.indirect_vreg.scatter [tilespmem:s19], [sflag:$0x5], $0x80, v42, vm0, $0xb8;
	[tilespmem:$0x1E680] =	vst v63  }
0x7d7: {  	v42 =	vld [tilespmem:$0x4B0];
	_ =	sdelay $0x4  }
0x7d8: {  	v63 =	vshrl.u32 v42, $0x3  }
0x7d9: {  	v43 =	vmul.u32 $0x30, v63  }
0x7da: {  	v42 =	vand.u32 $0x7, v42  }
0x7db: {  	v42 =	vor.u32 v42, v43  }
0x7dc: {  	v43 =	vperm.xlane v42, v39;
	_ =	sdelay $0x1  }
0x7dd: {  	v43 =	vadd.s32 v40, v43;
	_ =	sdelay $0x3  }
0x7de: {  	v42 =	vperm.xlane v42, v41  }
0x7df: {  	[hbm4b:s13+s2] =	stream.indirect_vreg.scatter [tilespmem:s0], [sflag:$0x5], $0x80, v43, vm0, $0xb8;
	[tilespmem:$0x1E680] =	vst v63  }
0x7e0: {  	s29 =	simm.s32 $0x9E80;
	v42 =	vadd.s32 v40, v42  }
0x7e1: {  	[hbm4b:s9+s2] =	stream.indirect_vreg.scatter [tilespmem:s29], [sflag:$0x5], $0x80, v43, vm0, $0xb8;
	[tilespmem:$0x1E680] =	vst v63  }
0x7e2: {  	_ = 	snop  }
0x7e3: {  	[hbm4b:s22+s2] =	stream.indirect_vreg.scatter [tilespmem:s7], [sflag:$0x5], $0x80, v43, vm0, $0xb8;
	[tilespmem:$0x1E680] =	vst v63  }
0x7e4: {  	_ = 	snop  }
0x7e5: {  	[hbm4b:s13+s2] =	stream.indirect_vreg.scatter [tilespmem:s3], [sflag:$0x5], $0x80, v42, vm0, $0xb8;
	[tilespmem:$0x1E680] =	vst v63  }
0x7e6: {  	_ = 	snop  }
0x7e7: {  	[hbm4b:s9+s2] =	stream.indirect_vreg.scatter [tilespmem:s5], [sflag:$0x5], $0x80, v42, vm0, $0xb8;
	[tilespmem:$0x1E680] =	vst v63  }
0x7e8: {  	s3 =	simm.s32 $0xBE80  }
0x7e9: {  	[hbm4b:s22+s2] =	stream.indirect_vreg.scatter [tilespmem:s3], [sflag:$0x5], $0x80, v42, vm0, $0xb8;
	[tilespmem:$0x1E680] =	vst v63  }
.Ltmp7:
0x7ea: {  	p2 =	por $0x0, $0x0;
	s25 =	simm.s32 $0x3680;
	(pc) =	sbr.rel @p1 .LBB2_9-.Ltmp7, $4  }
.Ltmp8:
0x7eb: {  	s28 =	simm.s32 $0x4E80;
	s17 =	simm.s32 $0x2680;
	(pc) =	sbr.rel @!p1 .LBB2_10-.Ltmp8, $4  }
0x7ec: {  	s16 =	simm.s32 $0x680;
	s15 =	simm.s32 $0xA680;
	_ =	swait.ge [sflag:s14], $0xC000  }
0x7ed: {  	s0 =	simm.s32 $0xB680;
	s13 =	simm.s32 $0xAE80;
	[sflag:s14] =	ssyncset.done $0x0  }
0x7ee: {  	s5 =	simm.s32 $0x9E80;
	s22 =	simm.s32 $0x7680;
	[sflag:s14] =	ssyncadd.s32 $0xFFFF4000  }
0x7ef: {  	_ = 	snop  }
.LBB2_8:
.Ltmp9:
0x7f0: {  	(pc) =	sbr.rel @!p1 .LBB2_10-.Ltmp9, $4  }
0x7f1: {  	_ = 	snop  }
0x7f2: {  	p2 =	por $0x0, $0x0;
	s17 =	simm.s32 $0x2680;
	s22 =	simm.s32 $0x7680  }
0x7f3: {  	s16 =	simm.s32 $0x680;
	s28 =	simm.s32 $0x4E80;
	s0 =	simm.s32 $0xB680  }
0x7f4: {  	s13 =	simm.s32 $0xAE80;
	s1 =	simm.s32 $0x4680;
	s11 =	simm.s32 $0x6680  }
.LBB2_9:
0x7f5: {  	v42 =	vld [tilespmem:$0x280];
	_ =	sdelay $0x4  }
0x7f6: {  	v43 =	vshrl.u32 v42, $0x3  }
0x7f7: {  	v43 =	vmul.u32 $0x30, v43  }
0x7f8: {  	v42 =	vand.u32 $0x7, v42  }
0x7f9: {  	v42 =	vor.u32 v42, v43  }
0x7fa: {  	v43 =	vperm.xlane v42, v39;
	_ =	sdelay $0x1  }
0x7fb: {  	v43 =	vadd.s32 v40, v43;
	_ =	sdelay $0x3  }
0x7fc: {  	v42 =	vperm.xlane v42, v41  }
0x7fd: {  	[tilespmem:s16], [sflag:$0x5] =	stream.indirect_vreg.gather [hbm4b:s8+s2], $0x80, v43, vm0, $0xb8;
	[tilespmem:$0x1E680] =	vst v63  }
0x7fe: {  	v42 =	vadd.s32 v40, v42  }
0x7ff: {  	[tilespmem:s10], [sflag:$0x5] =	stream.indirect_vreg.gather [hbm4b:s26+s2], $0x80, v43, vm0, $0xb8;
	[tilespmem:$0x1E680] =	vst v63  }
0x800: {  	_ = 	snop  }
0x801: {  	[tilespmem:s23], [sflag:$0x5] =	stream.indirect_vreg.gather [hbm4b:s6+s2], $0x80, v43, vm0, $0xb8;
	[tilespmem:$0x1E680] =	vst v63  }
0x802: {  	s13 =	simm.s32 $0x1E80  }
0x803: {  	[tilespmem:s13], [sflag:$0x5] =	stream.indirect_vreg.gather [hbm4b:s8+s2], $0x80, v42, vm0, $0xb8;
	[tilespmem:$0x1E680] =	vst v63  }
0x804: {  	s12 =	rddreg [dreg:$0x15]  }
0x805: {  	[tilespmem:s17], [sflag:$0x5] =	stream.indirect_vreg.gather [hbm4b:s12+s2], $0x80, v42, vm0, $0xb8;
	[tilespmem:$0x1E680] =	vst v63  }
0x806: {  	_ = 	snop  }
0x807: {  	[tilespmem:s24], [sflag:$0x5] =	stream.indirect_vreg.gather [hbm4b:s6+s2], $0x80, v42, vm0, $0xb8;
	[tilespmem:$0x1E680] =	vst v63  }
0x808: {  	v42 =	vld [tilespmem:$0x290];
	_ =	sdelay $0x4  }
0x809: {  	v56 =	vshrl.u32 v42, $0x3  }
0x80a: {  	v43 =	vmul.u32 $0x30, v56  }
0x80b: {  	v42 =	vand.u32 $0x7, v42  }
0x80c: {  	v42 =	vor.u32 v42, v43  }
0x80d: {  	v43 =	vperm.xlane v42, v39;
	_ =	sdelay $0x1  }
0x80e: {  	v43 =	vadd.s32 v40, v43;
	_ =	sdelay $0x3  }
0x80f: {  	s12 =	simm.s32 $0x3680;
	v42 =	vperm.xlane v42, v41  }
0x810: {  	[tilespmem:s12], [sflag:$0x5] =	stream.indirect_vreg.gather [hbm4b:s8+s2], $0x80, v43, vm0, $0xb8;
	[tilespmem:$0x1E680] =	vst v63  }
0x811: {  	s25 =	rddreg [dreg:$0x15];
	v42 =	vadd.s32 v40, v42  }
0x812: {  	[tilespmem:s18], [sflag:$0x5] =	stream.indirect_vreg.gather [hbm4b:s25+s2], $0x80, v43, vm0, $0xb8;
	[tilespmem:$0x1E680] =	vst v63  }
0x813: {  	_ = 	snop  }
0x814: {  	[tilespmem:s1], [sflag:$0x5] =	stream.indirect_vreg.gather [hbm4b:s6+s2], $0x80, v43, vm0, $0xb8;
	[tilespmem:$0x1E680] =	vst v63  }
0x815: {  	_ = 	snop  }
0x816: {  	[tilespmem:s28], [sflag:$0x5] =	stream.indirect_vreg.gather [hbm4b:s8+s2], $0x80, v42, vm0, $0xb8;
	[tilespmem:$0x1E680] =	vst v63  }
0x817: {  	s20 =	rddreg [dreg:$0x15]  }
0x818: {  	[tilespmem:s21], [sflag:$0x5] =	stream.indirect_vreg.gather [hbm4b:s20+s2], $0x80, v42, vm0, $0xb8;
	[tilespmem:$0x1E680] =	vst v63  }
0x819: {  	_ = 	snop  }
0x81a: {  	[tilespmem:s4], [sflag:$0x5] =	stream.indirect_vreg.gather [hbm4b:s6+s2], $0x80, v42, vm0, $0xb8;
	[tilespmem:$0x1E680] =	vst v63  }
0x81b: {  	v42 =	vld [tilespmem:$0x2A0];
	_ =	sdelay $0x4  }
0x81c: {  	v57 =	vshrl.u32 v42, $0x3  }
0x81d: {  	v43 =	vmul.u32 $0x30, v57  }
0x81e: {  	v42 =	vand.u32 $0x7, v42  }
0x81f: {  	v42 =	vor.u32 v42, v43  }
0x820: {  	v43 =	vperm.xlane v42, v39;
	_ =	sdelay $0x1  }
0x821: {  	v43 =	vadd.s32 v40, v43;
	_ =	sdelay $0x3  }
0x822: {  	v42 =	vperm.xlane v42, v41  }
0x823: {  	[tilespmem:s11], [sflag:$0x5] =	stream.indirect_vreg.gather [hbm4b:s8+s2], $0x80, v43, vm0, $0xb8;
	[tilespmem:$0x1E680] =	vst v63  }
0x824: {  	s29 =	rddreg [dreg:$0x15];
	v42 =	vadd.s32 v40, v42  }
0x825: {  	[tilespmem:s31], [sflag:$0x5] =	stream.indirect_vreg.gather [hbm4b:s29+s2], $0x80, v43, vm0, $0xb8;
	[tilespmem:$0x1E680] =	vst v63  }
0x826: {  	_ = 	snop  }
0x827: {  	[tilespmem:s22], [sflag:$0x5] =	stream.indirect_vreg.gather [hbm4b:s6+s2], $0x80, v43, vm0, $0xb8;
	[tilespmem:$0x1E680] =	vst v63  }
0x828: {  	_ = 	snop  }
0x829: {  	[tilespmem:s30], [sflag:$0x5] =	stream.indirect_vreg.gather [hbm4b:s8+s2], $0x80, v42, vm0, $0xb8;
	[tilespmem:$0x1E680] =	vst v63  }
0x82a: {  	s7 =	rddreg [dreg:$0x15];
	s15 =	simm.s32 $0x8680  }
0x82b: {  	[tilespmem:s15], [sflag:$0x5] =	stream.indirect_vreg.gather [hbm4b:s7+s2], $0x80, v42, vm0, $0xb8;
	[tilespmem:$0x1E680] =	vst v63  }
0x82c: {  	_ = 	snop  }
0x82d: {  	[tilespmem:s19], [sflag:$0x5] =	stream.indirect_vreg.gather [hbm4b:s6+s2], $0x80, v42, vm0, $0xb8;
	[tilespmem:$0x1E680] =	vst v63  }
0x82e: {  	v42 =	vld [tilespmem:$0x2B0];
	_ =	sdelay $0x4  }
0x82f: {  	v58 =	vshrl.u32 v42, $0x3  }
0x830: {  	v43 =	vmul.u32 $0x30, v58  }
0x831: {  	v42 =	vand.u32 $0x7, v42  }
0x832: {  	v42 =	vor.u32 v42, v43  }
0x833: {  	v43 =	vperm.xlane v42, v39;
	_ =	sdelay $0x1  }
0x834: {  	v43 =	vadd.s32 v40, v43;
	_ =	sdelay $0x3  }
0x835: {  	s29 =	simm.s32 $0x9680;
	v42 =	vperm.xlane v42, v41  }
0x836: {  	[tilespmem:s29], [sflag:$0x5] =	stream.indirect_vreg.gather [hbm4b:s8+s2], $0x80, v43, vm0, $0xb8;
	[tilespmem:$0x1E680] =	vst v63  }
0x837: {  	s20 =	rddreg [dreg:$0x15];
	v42 =	vadd.s32 v40, v42  }
0x838: {  	[tilespmem:s5], [sflag:$0x5] =	stream.indirect_vreg.gather [hbm4b:s20+s2], $0x80, v43, vm0, $0xb8;
	[tilespmem:$0x1E680] =	vst v63  }
0x839: {  	s7 =	simm.s32 $0xA680  }
0x83a: {  	[tilespmem:s7], [sflag:$0x5] =	stream.indirect_vreg.gather [hbm4b:s6+s2], $0x80, v43, vm0, $0xb8;
	[tilespmem:$0x1E680] =	vst v63  }
0x83b: {  	s26 =	simm.s32 $0xAE80  }
0x83c: {  	[tilespmem:s26], [sflag:$0x5] =	stream.indirect_vreg.gather [hbm4b:s8+s2], $0x80, v42, vm0, $0xb8;
	[tilespmem:$0x1E680] =	vst v63  }
0x83d: {  	s26 =	rddreg [dreg:$0x15]  }
0x83e: {  	[tilespmem:s0], [sflag:$0x5] =	stream.indirect_vreg.gather [hbm4b:s26+s2], $0x80, v42, vm0, $0xb8;
	[tilespmem:$0x1E680] =	vst v63  }
0x83f: {  	_ = 	snop  }
0x840: {  	[tilespmem:s3], [sflag:$0x5] =	stream.indirect_vreg.gather [hbm4b:s6+s2], $0x80, v42, vm0, $0xb8;
	[tilespmem:$0x1E680] =	vst v63  }
0x841: {  	_ =	swait.ge [sflag:s14], $0xC000  }
0x842: {  	[sflag:s14] =	ssyncset.done $0x0  }
0x843: {  	[sflag:s14] =	ssyncadd.s32 $0xFFFF4000  }
0x844: {  	v59 =	vld [tilespmem:$0x500];
	_ =	sdelay $0x4  }
0x845: {  	v60 =	vshrl.u32 v59, $0x3  }
0x846: {  	v43 =	vmul.u32 $0x30, v60  }
0x847: {  	v42 =	vand.u32 $0x7, v59  }
0x848: {  	v42 =	vor.u32 v42, v43  }
0x849: {  	v43 =	vperm.xlane v42, v39;
	_ =	sdelay $0x1  }
0x84a: {  	v43 =	vadd.s32 v40, v43;
	_ =	sdelay $0x3  }
0x84b: {  	s8 =	rddreg [dreg:$0xe];
	v42 =	vperm.xlane v42, v41  }
0x84c: {  	[hbm4b:s8+s2] =	stream.indirect_vreg.scatter [tilespmem:s16], [sflag:$0x5], $0x80, v43, vm0, $0xb8;
	[tilespmem:$0x1E680] =	vst v63  }
0x84d: {  	v42 =	vadd.s32 v40, v42  }
0x84e: {  	[hbm4b:s9+s2] =	stream.indirect_vreg.scatter [tilespmem:s10], [sflag:$0x5], $0x80, v43, vm0, $0xb8;
	[tilespmem:$0x1E680] =	vst v63  }
0x84f: {  	s20 =	rddreg [dreg:$0x1d]  }
0x850: {  	[hbm4b:s20+s2] =	stream.indirect_vreg.scatter [tilespmem:s23], [sflag:$0x5], $0x80, v43, vm0, $0xb8;
	[tilespmem:$0x1E680] =	vst v63  }
0x851: {  	s25 =	rddreg [dreg:$0xe]  }
0x852: {  	[hbm4b:s25+s2] =	stream.indirect_vreg.scatter [tilespmem:s13], [sflag:$0x5], $0x80, v42, vm0, $0xb8;
	[tilespmem:$0x1E680] =	vst v63  }
0x853: {  	_ = 	snop  }
0x854: {  	[hbm4b:s9+s2] =	stream.indirect_vreg.scatter [tilespmem:s17], [sflag:$0x5], $0x80, v42, vm0, $0xb8;
	[tilespmem:$0x1E680] =	vst v63  }
0x855: {  	_ = 	snop  }
0x856: {  	[hbm4b:s20+s2] =	stream.indirect_vreg.scatter [tilespmem:s24], [sflag:$0x5], $0x80, v42, vm0, $0xb8;
	[tilespmem:$0x1E680] =	vst v63  }
0x857: {  	v42 =	vld [tilespmem:$0x510];
	_ =	sdelay $0x4  }
0x858: {  	v61 =	vshrl.u32 v42, $0x3  }
0x859: {  	v43 =	vmul.u32 $0x30, v61  }
0x85a: {  	v42 =	vand.u32 $0x7, v42  }
0x85b: {  	v42 =	vor.u32 v42, v43  }
0x85c: {  	v43 =	vperm.xlane v42, v39;
	_ =	sdelay $0x1  }
0x85d: {  	v43 =	vadd.s32 v40, v43;
	_ =	sdelay $0x3  }
0x85e: {  	s26 =	rddreg [dreg:$0xe];
	v42 =	vperm.xlane v42, v41  }
0x85f: {  	[hbm4b:s26+s2] =	stream.indirect_vreg.scatter [tilespmem:s12], [sflag:$0x5], $0x80, v43, vm0, $0xb8;
	[tilespmem:$0x1E680] =	vst v63  }
0x860: {  	v42 =	vadd.s32 v40, v42  }
0x861: {  	[hbm4b:s9+s2] =	stream.indirect_vreg.scatter [tilespmem:s18], [sflag:$0x5], $0x80, v43, vm0, $0xb8;
	[tilespmem:$0x1E680] =	vst v63  }
0x862: {  	_ = 	snop  }
0x863: {  	[hbm4b:s20+s2] =	stream.indirect_vreg.scatter [tilespmem:s1], [sflag:$0x5], $0x80, v43, vm0, $0xb8;
	[tilespmem:$0x1E680] =	vst v63  }
0x864: {  	_ = 	snop  }
0x865: {  	[hbm4b:s26+s2] =	stream.indirect_vreg.scatter [tilespmem:s28], [sflag:$0x5], $0x80, v42, vm0, $0xb8;
	[tilespmem:$0x1E680] =	vst v63  }
0x866: {  	_ = 	snop  }
0x867: {  	[hbm4b:s9+s2] =	stream.indirect_vreg.scatter [tilespmem:s21], [sflag:$0x5], $0x80, v42, vm0, $0xb8;
	[tilespmem:$0x1E680] =	vst v63  }
0x868: {  	_ = 	snop  }
0x869: {  	[hbm4b:s20+s2] =	stream.indirect_vreg.scatter [tilespmem:s4], [sflag:$0x5], $0x80, v42, vm0, $0xb8;
	[tilespmem:$0x1E680] =	vst v63  }
0x86a: {  	v42 =	vld [tilespmem:$0x520];
	_ =	sdelay $0x4  }
0x86b: {  	v62 =	vshrl.u32 v42, $0x3  }
0x86c: {  	v43 =	vmul.u32 $0x30, v62  }
0x86d: {  	v42 =	vand.u32 $0x7, v42  }
0x86e: {  	v42 =	vor.u32 v42, v43  }
0x86f: {  	v43 =	vperm.xlane v42, v39;
	_ =	sdelay $0x1  }
0x870: {  	v43 =	vadd.s32 v40, v43;
	_ =	sdelay $0x3  }
0x871: {  	v42 =	vperm.xlane v42, v41  }
0x872: {  	[hbm4b:s26+s2] =	stream.indirect_vreg.scatter [tilespmem:s11], [sflag:$0x5], $0x80, v43, vm0, $0xb8;
	[tilespmem:$0x1E680] =	vst v63  }
0x873: {  	v42 =	vadd.s32 v40, v42  }
0x874: {  	[hbm4b:s9+s2] =	stream.indirect_vreg.scatter [tilespmem:s31], [sflag:$0x5], $0x80, v43, vm0, $0xb8;
	[tilespmem:$0x1E680] =	vst v63  }
0x875: {  	_ = 	snop  }
0x876: {  	[hbm4b:s20+s2] =	stream.indirect_vreg.scatter [tilespmem:s22], [sflag:$0x5], $0x80, v43, vm0, $0xb8;
	[tilespmem:$0x1E680] =	vst v63  }
0x877: {  	_ = 	snop  }
0x878: {  	[hbm4b:s26+s2] =	stream.indirect_vreg.scatter [tilespmem:s30], [sflag:$0x5], $0x80, v42, vm0, $0xb8;
	[tilespmem:$0x1E680] =	vst v63  }
0x879: {  	_ = 	snop  }
0x87a: {  	[hbm4b:s9+s2] =	stream.indirect_vreg.scatter [tilespmem:s15], [sflag:$0x5], $0x80, v42, vm0, $0xb8;
	[tilespmem:$0x1E680] =	vst v63  }
0x87b: {  	_ = 	snop  }
0x87c: {  	[hbm4b:s20+s2] =	stream.indirect_vreg.scatter [tilespmem:s19], [sflag:$0x5], $0x80, v42, vm0, $0xb8;
	[tilespmem:$0x1E680] =	vst v63  }
0x87d: {  	v42 =	vld [tilespmem:$0x530];
	_ =	sdelay $0x4  }
0x87e: {  	v63 =	vshrl.u32 v42, $0x3  }
0x87f: {  	v43 =	vmul.u32 $0x30, v63  }
0x880: {  	v42 =	vand.u32 $0x7, v42  }
0x881: {  	v42 =	vor.u32 v42, v43  }
0x882: {  	v43 =	vperm.xlane v42, v39;
	_ =	sdelay $0x1  }
0x883: {  	v43 =	vadd.s32 v40, v43;
	_ =	sdelay $0x3  }
0x884: {  	v42 =	vperm.xlane v42, v41  }
0x885: {  	[hbm4b:s26+s2] =	stream.indirect_vreg.scatter [tilespmem:s29], [sflag:$0x5], $0x80, v43, vm0, $0xb8;
	[tilespmem:$0x1E680] =	vst v63  }
0x886: {  	v42 =	vadd.s32 v40, v42  }
0x887: {  	[hbm4b:s9+s2] =	stream.indirect_vreg.scatter [tilespmem:s5], [sflag:$0x5], $0x80, v43, vm0, $0xb8;
	[tilespmem:$0x1E680] =	vst v63  }
0x888: {  	_ = 	snop  }
0x889: {  	[hbm4b:s20+s2] =	stream.indirect_vreg.scatter [tilespmem:s7], [sflag:$0x5], $0x80, v43, vm0, $0xb8;
	[tilespmem:$0x1E680] =	vst v63  }
0x88a: {  	s13 =	simm.s32 $0xAE80  }
0x88b: {  	[hbm4b:s26+s2] =	stream.indirect_vreg.scatter [tilespmem:s13], [sflag:$0x5], $0x80, v42, vm0, $0xb8;
	[tilespmem:$0x1E680] =	vst v63  }
0x88c: {  	_ = 	snop  }
0x88d: {  	[hbm4b:s9+s2] =	stream.indirect_vreg.scatter [tilespmem:s0], [sflag:$0x5], $0x80, v42, vm0, $0xb8;
	[tilespmem:$0x1E680] =	vst v63  }
0x88e: {  	_ = 	snop  }
0x88f: {  	[hbm4b:s20+s2] =	stream.indirect_vreg.scatter [tilespmem:s3], [sflag:$0x5], $0x80, v42, vm0, $0xb8;
	[tilespmem:$0x1E680] =	vst v63  }
0x890: {  	_ =	swait.ge [sflag:s14], $0xC000  }
0x891: {  	p2 =	por $0x1, $0x1;
	[sflag:s14] =	ssyncset.done $0x0  }
0x892: {  	s25 =	simm.s32 $0x3680;
	s15 =	simm.s32 $0xA680;
	[sflag:s14] =	ssyncadd.s32 $0xFFFF4000  }
.LBB2_10:
0x893: {  	v42 =	vld [tilespmem:$0x200];
	_ =	sdelay $0x4  }
0x894: {  	v43 =	vshrl.u32 v42, $0x3  }
0x895: {  	v43 =	vmul.u32 $0x30, v43  }
0x896: {  	v42 =	vand.u32 $0x7, v42  }
0x897: {  	v42 =	vor.u32 v42, v43  }
0x898: {  	v43 =	vperm.xlane v42, v39;
	_ =	sdelay $0x1  }
0x899: {  	v43 =	vadd.s32 v40, v43;
	_ =	sdelay $0x3  }
0x89a: {  	s8 =	rddreg [dreg:$0x5];
	v42 =	vperm.xlane v42, v41  }
0x89b: {  	[tilespmem:s16], [sflag:$0x5] =	stream.indirect_vreg.gather [hbm4b:s8+s2], $0x80, v43, vm0, $0xb8;
	[tilespmem:$0x1E680] =	vst v63  }
0x89c: {  	s9 =	rddreg [dreg:$0x1e];
	v42 =	vadd.s32 v40, v42  }
0x89d: {  	[tilespmem:s10], [sflag:$0x5] =	stream.indirect_vreg.gather [hbm4b:s9+s2], $0x80, v43, vm0, $0xb8;
	[tilespmem:$0x1E680] =	vst v63  }
0x89e: {  	s29 =	rddreg [dreg:$0x1f]  }
0x89f: {  	[tilespmem:s23], [sflag:$0x5] =	stream.indirect_vreg.gather [hbm4b:s29+s2], $0x80, v43, vm0, $0xb8;
	[tilespmem:$0x1E680] =	vst v63  }
0x8a0: {  	s12 =	simm.s32 $0x1E80  }
0x8a1: {  	[tilespmem:s12], [sflag:$0x5] =	stream.indirect_vreg.gather [hbm4b:s8+s2], $0x80, v42, vm0, $0xb8;
	[tilespmem:$0x1E680] =	vst v63  }
0x8a2: {  	_ = 	snop  }
0x8a3: {  	[tilespmem:s17], [sflag:$0x5] =	stream.indirect_vreg.gather [hbm4b:s9+s2], $0x80, v42, vm0, $0xb8;
	[tilespmem:$0x1E680] =	vst v63  }
0x8a4: {  	_ = 	snop  }
0x8a5: {  	[tilespmem:s24], [sflag:$0x5] =	stream.indirect_vreg.gather [hbm4b:s29+s2], $0x80, v42, vm0, $0xb8;
	[tilespmem:$0x1E680] =	vst v63  }
0x8a6: {  	v42 =	vld [tilespmem:$0x210];
	_ =	sdelay $0x4  }
0x8a7: {  	v56 =	vshrl.u32 v42, $0x3  }
0x8a8: {  	v43 =	vmul.u32 $0x30, v56  }
0x8a9: {  	v42 =	vand.u32 $0x7, v42  }
0x8aa: {  	v42 =	vor.u32 v42, v43  }
0x8ab: {  	v43 =	vperm.xlane v42, v39;
	_ =	sdelay $0x1  }
0x8ac: {  	v43 =	vadd.s32 v40, v43;
	_ =	sdelay $0x3  }
0x8ad: {  	v42 =	vperm.xlane v42, v41  }
0x8ae: {  	[tilespmem:s25], [sflag:$0x5] =	stream.indirect_vreg.gather [hbm4b:s8+s2], $0x80, v43, vm0, $0xb8;
	[tilespmem:$0x1E680] =	vst v63  }
0x8af: {  	v42 =	vadd.s32 v40, v42  }
0x8b0: {  	[tilespmem:s18], [sflag:$0x5] =	stream.indirect_vreg.gather [hbm4b:s9+s2], $0x80, v43, vm0, $0xb8;
	[tilespmem:$0x1E680] =	vst v63  }
0x8b1: {  	_ = 	snop  }
0x8b2: {  	[tilespmem:s1], [sflag:$0x5] =	stream.indirect_vreg.gather [hbm4b:s29+s2], $0x80, v43, vm0, $0xb8;
	[tilespmem:$0x1E680] =	vst v63  }
0x8b3: {  	_ = 	snop  }
0x8b4: {  	[tilespmem:s28], [sflag:$0x5] =	stream.indirect_vreg.gather [hbm4b:s8+s2], $0x80, v42, vm0, $0xb8;
	[tilespmem:$0x1E680] =	vst v63  }
0x8b5: {  	_ = 	snop  }
0x8b6: {  	[tilespmem:s21], [sflag:$0x5] =	stream.indirect_vreg.gather [hbm4b:s9+s2], $0x80, v42, vm0, $0xb8;
	[tilespmem:$0x1E680] =	vst v63  }
0x8b7: {  	_ = 	snop  }
0x8b8: {  	[tilespmem:s4], [sflag:$0x5] =	stream.indirect_vreg.gather [hbm4b:s29+s2], $0x80, v42, vm0, $0xb8;
	[tilespmem:$0x1E680] =	vst v63  }
0x8b9: {  	v42 =	vld [tilespmem:$0x220];
	_ =	sdelay $0x4  }
0x8ba: {  	v57 =	vshrl.u32 v42, $0x3  }
0x8bb: {  	v43 =	vmul.u32 $0x30, v57  }
0x8bc: {  	v42 =	vand.u32 $0x7, v42  }
0x8bd: {  	v42 =	vor.u32 v42, v43  }
0x8be: {  	v43 =	vperm.xlane v42, v39;
	_ =	sdelay $0x1  }
0x8bf: {  	v43 =	vadd.s32 v40, v43;
	_ =	sdelay $0x3  }
0x8c0: {  	v42 =	vperm.xlane v42, v41  }
0x8c1: {  	[tilespmem:s11], [sflag:$0x5] =	stream.indirect_vreg.gather [hbm4b:s8+s2], $0x80, v43, vm0, $0xb8;
	[tilespmem:$0x1E680] =	vst v63  }
0x8c2: {  	v42 =	vadd.s32 v40, v42  }
0x8c3: {  	[tilespmem:s31], [sflag:$0x5] =	stream.indirect_vreg.gather [hbm4b:s9+s2], $0x80, v43, vm0, $0xb8;
	[tilespmem:$0x1E680] =	vst v63  }
0x8c4: {  	_ = 	snop  }
0x8c5: {  	[tilespmem:s22], [sflag:$0x5] =	stream.indirect_vreg.gather [hbm4b:s29+s2], $0x80, v43, vm0, $0xb8;
	[tilespmem:$0x1E680] =	vst v63  }
0x8c6: {  	_ = 	snop  }
0x8c7: {  	[tilespmem:s30], [sflag:$0x5] =	stream.indirect_vreg.gather [hbm4b:s8+s2], $0x80, v42, vm0, $0xb8;
	[tilespmem:$0x1E680] =	vst v63  }
0x8c8: {  	s6 =	simm.s32 $0x8680  }
0x8c9: {  	[tilespmem:s6], [sflag:$0x5] =	stream.indirect_vreg.gather [hbm4b:s9+s2], $0x80, v42, vm0, $0xb8;
	[tilespmem:$0x1E680] =	vst v63  }
0x8ca: {  	_ = 	snop  }
0x8cb: {  	[tilespmem:s19], [sflag:$0x5] =	stream.indirect_vreg.gather [hbm4b:s29+s2], $0x80, v42, vm0, $0xb8;
	[tilespmem:$0x1E680] =	vst v63  }
0x8cc: {  	v42 =	vld [tilespmem:$0x230];
	_ =	sdelay $0x4  }
0x8cd: {  	v58 =	vshrl.u32 v42, $0x3  }
0x8ce: {  	v43 =	vmul.u32 $0x30, v58  }
0x8cf: {  	v42 =	vand.u32 $0x7, v42  }
0x8d0: {  	v42 =	vor.u32 v42, v43  }
0x8d1: {  	v43 =	vperm.xlane v42, v39;
	_ =	sdelay $0x1  }
0x8d2: {  	v43 =	vadd.s32 v40, v43;
	_ =	sdelay $0x3  }
0x8d3: {  	s1 =	simm.s32 $0x9680;
	v42 =	vperm.xlane v42, v41  }
0x8d4: {  	[tilespmem:s1], [sflag:$0x5] =	stream.indirect_vreg.gather [hbm4b:s8+s2], $0x80, v43, vm0, $0xb8;
	[tilespmem:$0x1E680] =	vst v63  }
0x8d5: {  	v42 =	vadd.s32 v40, v42  }
0x8d6: {  	[tilespmem:s5], [sflag:$0x5] =	stream.indirect_vreg.gather [hbm4b:s9+s2], $0x80, v43, vm0, $0xb8;
	[tilespmem:$0x1E680] =	vst v63  }
0x8d7: {  	_ = 	snop  }
0x8d8: {  	[tilespmem:s15], [sflag:$0x5] =	stream.indirect_vreg.gather [hbm4b:s29+s2], $0x80, v43, vm0, $0xb8;
	[tilespmem:$0x1E680] =	vst v63  }
0x8d9: {  	_ = 	snop  }
0x8da: {  	[tilespmem:s13], [sflag:$0x5] =	stream.indirect_vreg.gather [hbm4b:s8+s2], $0x80, v42, vm0, $0xb8;
	[tilespmem:$0x1E680] =	vst v63  }
0x8db: {  	_ = 	snop  }
0x8dc: {  	[tilespmem:s0], [sflag:$0x5] =	stream.indirect_vreg.gather [hbm4b:s9+s2], $0x80, v42, vm0, $0xb8;
	[tilespmem:$0x1E680] =	vst v63  }
0x8dd: {  	_ = 	snop  }
0x8de: {  	[tilespmem:s3], [sflag:$0x5] =	stream.indirect_vreg.gather [hbm4b:s29+s2], $0x80, v42, vm0, $0xb8;
	[tilespmem:$0x1E680] =	vst v63  }
0x8df: {  	_ =	swait.ge [sflag:s14], $0xC000  }
0x8e0: {  	[sflag:s14] =	ssyncset.done $0x0  }
0x8e1: {  	[sflag:s14] =	ssyncadd.s32 $0xFFFF4000  }
0x8e2: {  	v59 =	vld [tilespmem:$0x400];
	_ =	sdelay $0x4  }
0x8e3: {  	v60 =	vshrl.u32 v59, $0x3  }
0x8e4: {  	v43 =	vmul.u32 $0x30, v60  }
0x8e5: {  	v42 =	vand.u32 $0x7, v59  }
0x8e6: {  	v42 =	vor.u32 v42, v43  }
0x8e7: {  	v43 =	vperm.xlane v42, v39;
	_ =	sdelay $0x1  }
0x8e8: {  	v43 =	vadd.s32 v40, v43;
	_ =	sdelay $0x2  }
0x8e9: {  	s13 =	rddreg [dreg:$0x10]  }
0x8ea: {  	s25 =	sld [smem:$0x7F6];
	v42 =	vperm.xlane v42, v41  }
0x8eb: {  	[hbm4b:s13+s2] =	stream.indirect_vreg.scatter [tilespmem:s16], [sflag:$0x5], $0x80, v43, vm0, $0xb8;
	[tilespmem:$0x1E680] =	vst v63  }
0x8ec: {  	s7 =	sld [smem:$0x7F7];
	v42 =	vadd.s32 v40, v42  }
0x8ed: {  	[hbm4b:s25+s2] =	stream.indirect_vreg.scatter [tilespmem:s10], [sflag:$0x5], $0x80, v43, vm0, $0xb8;
	[tilespmem:$0x1E680] =	vst v63  }
0x8ee: {  	_ = 	snop  }
0x8ef: {  	[hbm4b:s7+s2] =	stream.indirect_vreg.scatter [tilespmem:s23], [sflag:$0x5], $0x80, v43, vm0, $0xb8;
	[tilespmem:$0x1E680] =	vst v63  }
0x8f0: {  	_ = 	snop  }
0x8f1: {  	[hbm4b:s13+s2] =	stream.indirect_vreg.scatter [tilespmem:s12], [sflag:$0x5], $0x80, v42, vm0, $0xb8;
	[tilespmem:$0x1E680] =	vst v63  }
0x8f2: {  	_ = 	snop  }
0x8f3: {  	[hbm4b:s25+s2] =	stream.indirect_vreg.scatter [tilespmem:s17], [sflag:$0x5], $0x80, v42, vm0, $0xb8;
	[tilespmem:$0x1E680] =	vst v63  }
0x8f4: {  	_ = 	snop  }
0x8f5: {  	[hbm4b:s7+s2] =	stream.indirect_vreg.scatter [tilespmem:s24], [sflag:$0x5], $0x80, v42, vm0, $0xb8;
	[tilespmem:$0x1E680] =	vst v63  }
0x8f6: {  	v42 =	vld [tilespmem:$0x410];
	_ =	sdelay $0x4  }
0x8f7: {  	v61 =	vshrl.u32 v42, $0x3  }
0x8f8: {  	v43 =	vmul.u32 $0x30, v61  }
0x8f9: {  	v42 =	vand.u32 $0x7, v42  }
0x8fa: {  	v42 =	vor.u32 v42, v43  }
0x8fb: {  	v43 =	vperm.xlane v42, v39;
	_ =	sdelay $0x1  }
0x8fc: {  	v43 =	vadd.s32 v40, v43;
	_ =	sdelay $0x3  }
0x8fd: {  	s15 =	simm.s32 $0x3680;
	v42 =	vperm.xlane v42, v41  }
0x8fe: {  	[hbm4b:s13+s2] =	stream.indirect_vreg.scatter [tilespmem:s15], [sflag:$0x5], $0x80, v43, vm0, $0xb8;
	[tilespmem:$0x1E680] =	vst v63  }
0x8ff: {  	s26 =	simm.s32 $0x3E80;
	v42 =	vadd.s32 v40, v42  }
0x900: {  	[hbm4b:s25+s2] =	stream.indirect_vreg.scatter [tilespmem:s26], [sflag:$0x5], $0x80, v43, vm0, $0xb8;
	[tilespmem:$0x1E680] =	vst v63  }
0x901: {  	s28 =	simm.s32 $0x4680  }
0x902: {  	[hbm4b:s7+s2] =	stream.indirect_vreg.scatter [tilespmem:s28], [sflag:$0x5], $0x80, v43, vm0, $0xb8;
	[tilespmem:$0x1E680] =	vst v63  }
0x903: {  	s21 =	simm.s32 $0x4E80  }
0x904: {  	[hbm4b:s13+s2] =	stream.indirect_vreg.scatter [tilespmem:s21], [sflag:$0x5], $0x80, v42, vm0, $0xb8;
	[tilespmem:$0x1E680] =	vst v63  }
0x905: {  	s20 =	simm.s32 $0x5680  }
0x906: {  	[hbm4b:s25+s2] =	stream.indirect_vreg.scatter [tilespmem:s20], [sflag:$0x5], $0x80, v42, vm0, $0xb8;
	[tilespmem:$0x1E680] =	vst v63  }
0x907: {  	s6 =	simm.s32 $0x5E80  }
0x908: {  	[hbm4b:s7+s2] =	stream.indirect_vreg.scatter [tilespmem:s6], [sflag:$0x5], $0x80, v42, vm0, $0xb8;
	[tilespmem:$0x1E680] =	vst v63  }
0x909: {  	v42 =	vld [tilespmem:$0x420];
	_ =	sdelay $0x4  }
0x90a: {  	v62 =	vshrl.u32 v42, $0x3  }
0x90b: {  	v43 =	vmul.u32 $0x30, v62  }
0x90c: {  	v42 =	vand.u32 $0x7, v42  }
0x90d: {  	v42 =	vor.u32 v42, v43  }
0x90e: {  	v43 =	vperm.xlane v42, v39;
	_ =	sdelay $0x1  }
0x90f: {  	v43 =	vadd.s32 v40, v43;
	_ =	sdelay $0x3  }
0x910: {  	v42 =	vperm.xlane v42, v41  }
0x911: {  	[hbm4b:s13+s2] =	stream.indirect_vreg.scatter [tilespmem:s11], [sflag:$0x5], $0x80, v43, vm0, $0xb8;
	[tilespmem:$0x1E680] =	vst v63  }
0x912: {  	v42 =	vadd.s32 v40, v42  }
0x913: {  	[hbm4b:s25+s2] =	stream.indirect_vreg.scatter [tilespmem:s31], [sflag:$0x5], $0x80, v43, vm0, $0xb8;
	[tilespmem:$0x1E680] =	vst v63  }
0x914: {  	_ = 	snop  }
0x915: {  	[hbm4b:s7+s2] =	stream.indirect_vreg.scatter [tilespmem:s22], [sflag:$0x5], $0x80, v43, vm0, $0xb8;
	[tilespmem:$0x1E680] =	vst v63  }
0x916: {  	_ = 	snop  }
0x917: {  	[hbm4b:s13+s2] =	stream.indirect_vreg.scatter [tilespmem:s30], [sflag:$0x5], $0x80, v42, vm0, $0xb8;
	[tilespmem:$0x1E680] =	vst v63  }
0x918: {  	s24 =	simm.s32 $0x8680  }
0x919: {  	[hbm4b:s25+s2] =	stream.indirect_vreg.scatter [tilespmem:s24], [sflag:$0x5], $0x80, v42, vm0, $0xb8;
	[tilespmem:$0x1E680] =	vst v63  }
0x91a: {  	s19 =	simm.s32 $0x8E80  }
0x91b: {  	[hbm4b:s7+s2] =	stream.indirect_vreg.scatter [tilespmem:s19], [sflag:$0x5], $0x80, v42, vm0, $0xb8;
	[tilespmem:$0x1E680] =	vst v63  }
0x91c: {  	v42 =	vld [tilespmem:$0x430];
	_ =	sdelay $0x4  }
0x91d: {  	v63 =	vshrl.u32 v42, $0x3  }
0x91e: {  	v43 =	vmul.u32 $0x30, v63  }
0x91f: {  	v42 =	vand.u32 $0x7, v42  }
0x920: {  	v42 =	vor.u32 v42, v43  }
0x921: {  	v43 =	vperm.xlane v42, v39;
	_ =	sdelay $0x1  }
0x922: {  	v43 =	vadd.s32 v40, v43;
	_ =	sdelay $0x3  }
0x923: {  	v42 =	vperm.xlane v42, v41  }
0x924: {  	[hbm4b:s13+s2] =	stream.indirect_vreg.scatter [tilespmem:s1], [sflag:$0x5], $0x80, v43, vm0, $0xb8;
	[tilespmem:$0x1E680] =	vst v63  }
0x925: {  	s18 =	simm.s32 $0x9E80;
	v42 =	vadd.s32 v40, v42  }
0x926: {  	[hbm4b:s25+s2] =	stream.indirect_vreg.scatter [tilespmem:s18], [sflag:$0x5], $0x80, v43, vm0, $0xb8;
	[tilespmem:$0x1E680] =	vst v63  }
0x927: {  	s5 =	simm.s32 $0xA680  }
0x928: {  	[hbm4b:s7+s2] =	stream.indirect_vreg.scatter [tilespmem:s5], [sflag:$0x5], $0x80, v43, vm0, $0xb8;
	[tilespmem:$0x1E680] =	vst v63  }
0x929: {  	s4 =	simm.s32 $0xAE80  }
0x92a: {  	[hbm4b:s13+s2] =	stream.indirect_vreg.scatter [tilespmem:s4], [sflag:$0x5], $0x80, v42, vm0, $0xb8;
	[tilespmem:$0x1E680] =	vst v63  }
0x92b: {  	_ = 	snop  }
0x92c: {  	[hbm4b:s25+s2] =	stream.indirect_vreg.scatter [tilespmem:s0], [sflag:$0x5], $0x80, v42, vm0, $0xb8;
	[tilespmem:$0x1E680] =	vst v63  }
.Ltmp10:
0x92d: {  	_ = 	snop;
	(pc) =	sbr.rel @p0 .LBB2_12-.Ltmp10, $4  }
0x92e: {  	[hbm4b:s7+s2] =	stream.indirect_vreg.scatter [tilespmem:s3], [sflag:$0x5], $0x80, v42, vm0, $0xb8;
	[tilespmem:$0x1E680] =	vst v63  }
0x92f: {  	s23 =	simm.s32 $0xBE80;
	s12 =	simm.s32 $0x2E80;
	_ =	swait.ge [sflag:s14], $0xC000  }
0x930: {  	s6 =	simm.s32 $0x5E80;
	s31 =	simm.s32 $0x6E80;
	[sflag:s14] =	ssyncset.done $0x0  }
0x931: {  	s30 =	simm.s32 $0x7E80;
	s3 =	simm.s32 $0x1680;
	[sflag:s14] =	ssyncadd.s32 $0xFFFF4000  }
0x932: {  	v42 =	vld [tilespmem:$0x240];
	_ =	sdelay $0x4  }
0x933: {  	v43 =	vshrl.u32 v42, $0x3  }
0x934: {  	v43 =	vmul.u32 $0x30, v43  }
0x935: {  	v42 =	vand.u32 $0x7, v42  }
0x936: {  	v42 =	vor.u32 v42, v43  }
0x937: {  	v43 =	vperm.xlane v42, v39;
	_ =	sdelay $0x1  }
0x938: {  	v43 =	vadd.s32 v40, v43;
	_ =	sdelay $0x3  }
0x939: {  	v42 =	vperm.xlane v42, v41  }
0x93a: {  	[tilespmem:s16], [sflag:$0x5] =	stream.indirect_vreg.gather [hbm4b:s8+s2], $0x80, v43, vm0, $0xb8;
	[tilespmem:$0x1E680] =	vst v63  }
0x93b: {  	v42 =	vadd.s32 v40, v42  }
0x93c: {  	[tilespmem:s10], [sflag:$0x5] =	stream.indirect_vreg.gather [hbm4b:s9+s2], $0x80, v43, vm0, $0xb8;
	[tilespmem:$0x1E680] =	vst v63  }
0x93d: {  	_ = 	snop  }
0x93e: {  	[tilespmem:s3], [sflag:$0x5] =	stream.indirect_vreg.gather [hbm4b:s29+s2], $0x80, v43, vm0, $0xb8;
	[tilespmem:$0x1E680] =	vst v63  }
0x93f: {  	s12 =	simm.s32 $0x1E80  }
0x940: {  	[tilespmem:s12], [sflag:$0x5] =	stream.indirect_vreg.gather [hbm4b:s8+s2], $0x80, v42, vm0, $0xb8;
	[tilespmem:$0x1E680] =	vst v63  }
0x941: {  	_ = 	snop  }
0x942: {  	[tilespmem:s17], [sflag:$0x5] =	stream.indirect_vreg.gather [hbm4b:s9+s2], $0x80, v42, vm0, $0xb8;
	[tilespmem:$0x1E680] =	vst v63  }
0x943: {  	s1 =	simm.s32 $0x2E80  }
0x944: {  	[tilespmem:s1], [sflag:$0x5] =	stream.indirect_vreg.gather [hbm4b:s29+s2], $0x80, v42, vm0, $0xb8;
	[tilespmem:$0x1E680] =	vst v63  }
0x945: {  	v42 =	vld [tilespmem:$0x250];
	_ =	sdelay $0x4  }
0x946: {  	v56 =	vshrl.u32 v42, $0x3  }
0x947: {  	v43 =	vmul.u32 $0x30, v56  }
0x948: {  	v42 =	vand.u32 $0x7, v42  }
0x949: {  	v42 =	vor.u32 v42, v43  }
0x94a: {  	v43 =	vperm.xlane v42, v39;
	_ =	sdelay $0x1  }
0x94b: {  	v43 =	vadd.s32 v40, v43;
	_ =	sdelay $0x3  }
0x94c: {  	v42 =	vperm.xlane v42, v41  }
0x94d: {  	[tilespmem:s15], [sflag:$0x5] =	stream.indirect_vreg.gather [hbm4b:s8+s2], $0x80, v43, vm0, $0xb8;
	[tilespmem:$0x1E680] =	vst v63  }
0x94e: {  	v42 =	vadd.s32 v40, v42  }
0x94f: {  	[tilespmem:s26], [sflag:$0x5] =	stream.indirect_vreg.gather [hbm4b:s9+s2], $0x80, v43, vm0, $0xb8;
	[tilespmem:$0x1E680] =	vst v63  }
0x950: {  	_ = 	snop  }
0x951: {  	[tilespmem:s28], [sflag:$0x5] =	stream.indirect_vreg.gather [hbm4b:s29+s2], $0x80, v43, vm0, $0xb8;
	[tilespmem:$0x1E680] =	vst v63  }
0x952: {  	_ = 	snop  }
0x953: {  	[tilespmem:s21], [sflag:$0x5] =	stream.indirect_vreg.gather [hbm4b:s8+s2], $0x80, v42, vm0, $0xb8;
	[tilespmem:$0x1E680] =	vst v63  }
0x954: {  	_ = 	snop  }
0x955: {  	[tilespmem:s20], [sflag:$0x5] =	stream.indirect_vreg.gather [hbm4b:s9+s2], $0x80, v42, vm0, $0xb8;
	[tilespmem:$0x1E680] =	vst v63  }
0x956: {  	_ = 	snop  }
0x957: {  	[tilespmem:s6], [sflag:$0x5] =	stream.indirect_vreg.gather [hbm4b:s29+s2], $0x80, v42, vm0, $0xb8;
	[tilespmem:$0x1E680] =	vst v63  }
0x958: {  	v42 =	vld [tilespmem:$0x260];
	_ =	sdelay $0x4  }
0x959: {  	v57 =	vshrl.u32 v42, $0x3  }
0x95a: {  	v43 =	vmul.u32 $0x30, v57  }
0x95b: {  	v42 =	vand.u32 $0x7, v42  }
0x95c: {  	v42 =	vor.u32 v42, v43  }
0x95d: {  	v43 =	vperm.xlane v42, v39;
	_ =	sdelay $0x1  }
0x95e: {  	v43 =	vadd.s32 v40, v43;
	_ =	sdelay $0x3  }
0x95f: {  	v42 =	vperm.xlane v42, v41  }
0x960: {  	[tilespmem:s11], [sflag:$0x5] =	stream.indirect_vreg.gather [hbm4b:s8+s2], $0x80, v43, vm0, $0xb8;
	[tilespmem:$0x1E680] =	vst v63  }
0x961: {  	v42 =	vadd.s32 v40, v42  }
0x962: {  	[tilespmem:s31], [sflag:$0x5] =	stream.indirect_vreg.gather [hbm4b:s9+s2], $0x80, v43, vm0, $0xb8;
	[tilespmem:$0x1E680] =	vst v63  }
0x963: {  	_ = 	snop  }
0x964: {  	[tilespmem:s22], [sflag:$0x5] =	stream.indirect_vreg.gather [hbm4b:s29+s2], $0x80, v43, vm0, $0xb8;
	[tilespmem:$0x1E680] =	vst v63  }
0x965: {  	_ = 	snop  }
0x966: {  	[tilespmem:s30], [sflag:$0x5] =	stream.indirect_vreg.gather [hbm4b:s8+s2], $0x80, v42, vm0, $0xb8;
	[tilespmem:$0x1E680] =	vst v63  }
0x967: {  	_ = 	snop  }
0x968: {  	[tilespmem:s24], [sflag:$0x5] =	stream.indirect_vreg.gather [hbm4b:s9+s2], $0x80, v42, vm0, $0xb8;
	[tilespmem:$0x1E680] =	vst v63  }
0x969: {  	_ = 	snop  }
0x96a: {  	[tilespmem:s19], [sflag:$0x5] =	stream.indirect_vreg.gather [hbm4b:s29+s2], $0x80, v42, vm0, $0xb8;
	[tilespmem:$0x1E680] =	vst v63  }
0x96b: {  	v42 =	vld [tilespmem:$0x270];
	_ =	sdelay $0x4  }
0x96c: {  	v58 =	vshrl.u32 v42, $0x3  }
0x96d: {  	v43 =	vmul.u32 $0x30, v58  }
0x96e: {  	v42 =	vand.u32 $0x7, v42  }
0x96f: {  	v42 =	vor.u32 v42, v43  }
0x970: {  	v43 =	vperm.xlane v42, v39;
	_ =	sdelay $0x1  }
0x971: {  	v43 =	vadd.s32 v40, v43;
	_ =	sdelay $0x3  }
0x972: {  	s1 =	simm.s32 $0x9680;
	v42 =	vperm.xlane v42, v41  }
0x973: {  	[tilespmem:s1], [sflag:$0x5] =	stream.indirect_vreg.gather [hbm4b:s8+s2], $0x80, v43, vm0, $0xb8;
	[tilespmem:$0x1E680] =	vst v63  }
0x974: {  	v42 =	vadd.s32 v40, v42  }
0x975: {  	[tilespmem:s18], [sflag:$0x5] =	stream.indirect_vreg.gather [hbm4b:s9+s2], $0x80, v43, vm0, $0xb8;
	[tilespmem:$0x1E680] =	vst v63  }
0x976: {  	_ = 	snop  }
0x977: {  	[tilespmem:s5], [sflag:$0x5] =	stream.indirect_vreg.gather [hbm4b:s29+s2], $0x80, v43, vm0, $0xb8;
	[tilespmem:$0x1E680] =	vst v63  }
0x978: {  	_ = 	snop  }
0x979: {  	[tilespmem:s4], [sflag:$0x5] =	stream.indirect_vreg.gather [hbm4b:s8+s2], $0x80, v42, vm0, $0xb8;
	[tilespmem:$0x1E680] =	vst v63  }
0x97a: {  	_ = 	snop  }
0x97b: {  	[tilespmem:s0], [sflag:$0x5] =	stream.indirect_vreg.gather [hbm4b:s9+s2], $0x80, v42, vm0, $0xb8;
	[tilespmem:$0x1E680] =	vst v63  }
0x97c: {  	_ = 	snop  }
0x97d: {  	[tilespmem:s23], [sflag:$0x5] =	stream.indirect_vreg.gather [hbm4b:s29+s2], $0x80, v42, vm0, $0xb8;
	[tilespmem:$0x1E680] =	vst v63  }
0x97e: {  	_ =	swait.ge [sflag:s14], $0xC000  }
0x97f: {  	[sflag:s14] =	ssyncset.done $0x0  }
0x980: {  	[sflag:s14] =	ssyncadd.s32 $0xFFFF4000  }
0x981: {  	v59 =	vld [tilespmem:$0x480];
	_ =	sdelay $0x4  }
0x982: {  	v60 =	vshrl.u32 v59, $0x3  }
0x983: {  	v43 =	vmul.u32 $0x30, v60  }
0x984: {  	v42 =	vand.u32 $0x7, v59  }
0x985: {  	v42 =	vor.u32 v42, v43  }
0x986: {  	v43 =	vperm.xlane v42, v39;
	_ =	sdelay $0x1  }
0x987: {  	v43 =	vadd.s32 v40, v43;
	_ =	sdelay $0x3  }
0x988: {  	v42 =	vperm.xlane v42, v41  }
0x989: {  	[hbm4b:s13+s2] =	stream.indirect_vreg.scatter [tilespmem:s16], [sflag:$0x5], $0x80, v43, vm0, $0xb8;
	[tilespmem:$0x1E680] =	vst v63  }
0x98a: {  	v42 =	vadd.s32 v40, v42  }
0x98b: {  	[hbm4b:s25+s2] =	stream.indirect_vreg.scatter [tilespmem:s10], [sflag:$0x5], $0x80, v43, vm0, $0xb8;
	[tilespmem:$0x1E680] =	vst v63  }
0x98c: {  	_ = 	snop  }
0x98d: {  	[hbm4b:s7+s2] =	stream.indirect_vreg.scatter [tilespmem:s3], [sflag:$0x5], $0x80, v43, vm0, $0xb8;
	[tilespmem:$0x1E680] =	vst v63  }
0x98e: {  	_ = 	snop  }
0x98f: {  	[hbm4b:s13+s2] =	stream.indirect_vreg.scatter [tilespmem:s12], [sflag:$0x5], $0x80, v42, vm0, $0xb8;
	[tilespmem:$0x1E680] =	vst v63  }
0x990: {  	_ = 	snop  }
0x991: {  	[hbm4b:s25+s2] =	stream.indirect_vreg.scatter [tilespmem:s17], [sflag:$0x5], $0x80, v42, vm0, $0xb8;
	[tilespmem:$0x1E680] =	vst v63  }
0x992: {  	s12 =	simm.s32 $0x2E80  }
0x993: {  	[hbm4b:s7+s2] =	stream.indirect_vreg.scatter [tilespmem:s12], [sflag:$0x5], $0x80, v42, vm0, $0xb8;
	[tilespmem:$0x1E680] =	vst v63  }
0x994: {  	v42 =	vld [tilespmem:$0x490];
	_ =	sdelay $0x4  }
0x995: {  	v61 =	vshrl.u32 v42, $0x3  }
0x996: {  	v43 =	vmul.u32 $0x30, v61  }
0x997: {  	v42 =	vand.u32 $0x7, v42  }
0x998: {  	v42 =	vor.u32 v42, v43  }
0x999: {  	v43 =	vperm.xlane v42, v39;
	_ =	sdelay $0x1  }
0x99a: {  	v43 =	vadd.s32 v40, v43;
	_ =	sdelay $0x3  }
0x99b: {  	v42 =	vperm.xlane v42, v41  }
0x99c: {  	[hbm4b:s13+s2] =	stream.indirect_vreg.scatter [tilespmem:s15], [sflag:$0x5], $0x80, v43, vm0, $0xb8;
	[tilespmem:$0x1E680] =	vst v63  }
0x99d: {  	v42 =	vadd.s32 v40, v42  }
0x99e: {  	[hbm4b:s25+s2] =	stream.indirect_vreg.scatter [tilespmem:s26], [sflag:$0x5], $0x80, v43, vm0, $0xb8;
	[tilespmem:$0x1E680] =	vst v63  }
0x99f: {  	_ = 	snop  }
0x9a0: {  	[hbm4b:s7+s2] =	stream.indirect_vreg.scatter [tilespmem:s28], [sflag:$0x5], $0x80, v43, vm0, $0xb8;
	[tilespmem:$0x1E680] =	vst v63  }
0x9a1: {  	_ = 	snop  }
0x9a2: {  	[hbm4b:s13+s2] =	stream.indirect_vreg.scatter [tilespmem:s21], [sflag:$0x5], $0x80, v42, vm0, $0xb8;
	[tilespmem:$0x1E680] =	vst v63  }
0x9a3: {  	_ = 	snop  }
0x9a4: {  	[hbm4b:s25+s2] =	stream.indirect_vreg.scatter [tilespmem:s20], [sflag:$0x5], $0x80, v42, vm0, $0xb8;
	[tilespmem:$0x1E680] =	vst v63  }
0x9a5: {  	_ = 	snop  }
0x9a6: {  	[hbm4b:s7+s2] =	stream.indirect_vreg.scatter [tilespmem:s6], [sflag:$0x5], $0x80, v42, vm0, $0xb8;
	[tilespmem:$0x1E680] =	vst v63  }
0x9a7: {  	v42 =	vld [tilespmem:$0x4A0];
	_ =	sdelay $0x4  }
0x9a8: {  	v62 =	vshrl.u32 v42, $0x3  }
0x9a9: {  	v43 =	vmul.u32 $0x30, v62  }
0x9aa: {  	v42 =	vand.u32 $0x7, v42  }
0x9ab: {  	v42 =	vor.u32 v42, v43  }
0x9ac: {  	v43 =	vperm.xlane v42, v39;
	_ =	sdelay $0x1  }
0x9ad: {  	v43 =	vadd.s32 v40, v43;
	_ =	sdelay $0x3  }
0x9ae: {  	v42 =	vperm.xlane v42, v41  }
0x9af: {  	[hbm4b:s13+s2] =	stream.indirect_vreg.scatter [tilespmem:s11], [sflag:$0x5], $0x80, v43, vm0, $0xb8;
	[tilespmem:$0x1E680] =	vst v63  }
0x9b0: {  	v42 =	vadd.s32 v40, v42  }
0x9b1: {  	[hbm4b:s25+s2] =	stream.indirect_vreg.scatter [tilespmem:s31], [sflag:$0x5], $0x80, v43, vm0, $0xb8;
	[tilespmem:$0x1E680] =	vst v63  }
0x9b2: {  	_ = 	snop  }
0x9b3: {  	[hbm4b:s7+s2] =	stream.indirect_vreg.scatter [tilespmem:s22], [sflag:$0x5], $0x80, v43, vm0, $0xb8;
	[tilespmem:$0x1E680] =	vst v63  }
0x9b4: {  	_ = 	snop  }
0x9b5: {  	[hbm4b:s13+s2] =	stream.indirect_vreg.scatter [tilespmem:s30], [sflag:$0x5], $0x80, v42, vm0, $0xb8;
	[tilespmem:$0x1E680] =	vst v63  }
0x9b6: {  	_ = 	snop  }
0x9b7: {  	[hbm4b:s25+s2] =	stream.indirect_vreg.scatter [tilespmem:s24], [sflag:$0x5], $0x80, v42, vm0, $0xb8;
	[tilespmem:$0x1E680] =	vst v63  }
0x9b8: {  	_ = 	snop  }
0x9b9: {  	[hbm4b:s7+s2] =	stream.indirect_vreg.scatter [tilespmem:s19], [sflag:$0x5], $0x80, v42, vm0, $0xb8;
	[tilespmem:$0x1E680] =	vst v63  }
0x9ba: {  	v42 =	vld [tilespmem:$0x4B0];
	_ =	sdelay $0x4  }
0x9bb: {  	v63 =	vshrl.u32 v42, $0x3  }
0x9bc: {  	v43 =	vmul.u32 $0x30, v63  }
0x9bd: {  	v42 =	vand.u32 $0x7, v42  }
0x9be: {  	v42 =	vor.u32 v42, v43  }
0x9bf: {  	v43 =	vperm.xlane v42, v39;
	_ =	sdelay $0x1  }
0x9c0: {  	v43 =	vadd.s32 v40, v43;
	_ =	sdelay $0x3  }
0x9c1: {  	v42 =	vperm.xlane v42, v41  }
0x9c2: {  	[hbm4b:s13+s2] =	stream.indirect_vreg.scatter [tilespmem:s1], [sflag:$0x5], $0x80, v43, vm0, $0xb8;
	[tilespmem:$0x1E680] =	vst v63  }
0x9c3: {  	v42 =	vadd.s32 v40, v42  }
0x9c4: {  	[hbm4b:s25+s2] =	stream.indirect_vreg.scatter [tilespmem:s18], [sflag:$0x5], $0x80, v43, vm0, $0xb8;
	[tilespmem:$0x1E680] =	vst v63  }
0x9c5: {  	_ = 	snop  }
0x9c6: {  	[hbm4b:s7+s2] =	stream.indirect_vreg.scatter [tilespmem:s5], [sflag:$0x5], $0x80, v43, vm0, $0xb8;
	[tilespmem:$0x1E680] =	vst v63  }
0x9c7: {  	_ = 	snop  }
0x9c8: {  	[hbm4b:s13+s2] =	stream.indirect_vreg.scatter [tilespmem:s4], [sflag:$0x5], $0x80, v42, vm0, $0xb8;
	[tilespmem:$0x1E680] =	vst v63  }
0x9c9: {  	_ = 	snop  }
0x9ca: {  	[hbm4b:s25+s2] =	stream.indirect_vreg.scatter [tilespmem:s0], [sflag:$0x5], $0x80, v42, vm0, $0xb8;
	[tilespmem:$0x1E680] =	vst v63  }
0x9cb: {  	_ = 	snop  }
0x9cc: {  	[hbm4b:s7+s2] =	stream.indirect_vreg.scatter [tilespmem:s23], [sflag:$0x5], $0x80, v42, vm0, $0xb8;
	[tilespmem:$0x1E680] =	vst v63  }
.Ltmp11:
0x9cd: {  	_ = 	snop;
	(pc) =	sbr.rel @p2 .LBB2_13-.Ltmp11, $4  }
.Ltmp12:
0x9ce: {  	_ = 	snop;
	(pc) =	sbr.rel @!p2 .LBB2_14-.Ltmp12, $4  }
0x9cf: {  	_ =	swait.ge [sflag:s14], $0xC000  }
0x9d0: {  	[sflag:s14] =	ssyncset.done $0x0  }
0x9d1: {  	p1 =	por $0x0, $0x0;
	s25 =	simm.s32 $0x6680;
	[sflag:s14] =	ssyncadd.s32 $0xFFFF4000  }
0x9d2: {  	_ = 	snop  }
.LBB2_12:
.Ltmp13:
0x9d3: {  	(pc) =	sbr.rel @!p2 .LBB2_14-.Ltmp13, $2  }
0x9d4: {  	_ =	sdelay $0x2  }
0x9d5: {  	p1 =	por $0x0, $0x0;
	s25 =	simm.s32 $0x6680  }
.LBB2_13:
0x9d6: {  	v42 =	vld [tilespmem:$0x280];
	_ =	sdelay $0x4  }
0x9d7: {  	v43 =	vshrl.u32 v42, $0x3  }
0x9d8: {  	v43 =	vmul.u32 $0x30, v43  }
0x9d9: {  	v42 =	vand.u32 $0x7, v42  }
0x9da: {  	v42 =	vor.u32 v42, v43  }
0x9db: {  	v43 =	vperm.xlane v42, v39;
	_ =	sdelay $0x1  }
0x9dc: {  	v43 =	vadd.s32 v40, v43;
	_ =	sdelay $0x3  }
0x9dd: {  	v42 =	vperm.xlane v42, v41  }
0x9de: {  	[tilespmem:s16], [sflag:$0x5] =	stream.indirect_vreg.gather [hbm4b:s8+s2], $0x80, v43, vm0, $0xb8;
	[tilespmem:$0x1E680] =	vst v63  }
0x9df: {  	v42 =	vadd.s32 v40, v42  }
0x9e0: {  	[tilespmem:s10], [sflag:$0x5] =	stream.indirect_vreg.gather [hbm4b:s9+s2], $0x80, v43, vm0, $0xb8;
	[tilespmem:$0x1E680] =	vst v63  }
0x9e1: {  	_ = 	snop  }
0x9e2: {  	[tilespmem:s3], [sflag:$0x5] =	stream.indirect_vreg.gather [hbm4b:s29+s2], $0x80, v43, vm0, $0xb8;
	[tilespmem:$0x1E680] =	vst v63  }
0x9e3: {  	s12 =	simm.s32 $0x1E80  }
0x9e4: {  	[tilespmem:s12], [sflag:$0x5] =	stream.indirect_vreg.gather [hbm4b:s8+s2], $0x80, v42, vm0, $0xb8;
	[tilespmem:$0x1E680] =	vst v63  }
0x9e5: {  	_ = 	snop  }
0x9e6: {  	[tilespmem:s17], [sflag:$0x5] =	stream.indirect_vreg.gather [hbm4b:s9+s2], $0x80, v42, vm0, $0xb8;
	[tilespmem:$0x1E680] =	vst v63  }
0x9e7: {  	s1 =	simm.s32 $0x2E80  }
0x9e8: {  	[tilespmem:s1], [sflag:$0x5] =	stream.indirect_vreg.gather [hbm4b:s29+s2], $0x80, v42, vm0, $0xb8;
	[tilespmem:$0x1E680] =	vst v63  }
0x9e9: {  	v42 =	vld [tilespmem:$0x290];
	_ =	sdelay $0x4  }
0x9ea: {  	v56 =	vshrl.u32 v42, $0x3  }
0x9eb: {  	v43 =	vmul.u32 $0x30, v56  }
0x9ec: {  	v42 =	vand.u32 $0x7, v42  }
0x9ed: {  	v42 =	vor.u32 v42, v43  }
0x9ee: {  	v43 =	vperm.xlane v42, v39;
	_ =	sdelay $0x1  }
0x9ef: {  	v43 =	vadd.s32 v40, v43;
	_ =	sdelay $0x3  }
0x9f0: {  	s11 =	simm.s32 $0x3680;
	v42 =	vperm.xlane v42, v41  }
0x9f1: {  	[tilespmem:s11], [sflag:$0x5] =	stream.indirect_vreg.gather [hbm4b:s8+s2], $0x80, v43, vm0, $0xb8;
	[tilespmem:$0x1E680] =	vst v63  }
0x9f2: {  	v42 =	vadd.s32 v40, v42  }
0x9f3: {  	[tilespmem:s26], [sflag:$0x5] =	stream.indirect_vreg.gather [hbm4b:s9+s2], $0x80, v43, vm0, $0xb8;
	[tilespmem:$0x1E680] =	vst v63  }
0x9f4: {  	_ = 	snop  }
0x9f5: {  	[tilespmem:s28], [sflag:$0x5] =	stream.indirect_vreg.gather [hbm4b:s29+s2], $0x80, v43, vm0, $0xb8;
	[tilespmem:$0x1E680] =	vst v63  }
0x9f6: {  	_ = 	snop  }
0x9f7: {  	[tilespmem:s21], [sflag:$0x5] =	stream.indirect_vreg.gather [hbm4b:s8+s2], $0x80, v42, vm0, $0xb8;
	[tilespmem:$0x1E680] =	vst v63  }
0x9f8: {  	_ = 	snop  }
0x9f9: {  	[tilespmem:s20], [sflag:$0x5] =	stream.indirect_vreg.gather [hbm4b:s9+s2], $0x80, v42, vm0, $0xb8;
	[tilespmem:$0x1E680] =	vst v63  }
0x9fa: {  	_ = 	snop  }
0x9fb: {  	[tilespmem:s6], [sflag:$0x5] =	stream.indirect_vreg.gather [hbm4b:s29+s2], $0x80, v42, vm0, $0xb8;
	[tilespmem:$0x1E680] =	vst v63  }
0x9fc: {  	v42 =	vld [tilespmem:$0x2A0];
	_ =	sdelay $0x4  }
0x9fd: {  	v57 =	vshrl.u32 v42, $0x3  }
0x9fe: {  	v43 =	vmul.u32 $0x30, v57  }
0x9ff: {  	v42 =	vand.u32 $0x7, v42  }
0xa00: {  	v42 =	vor.u32 v42, v43  }
0xa01: {  	v43 =	vperm.xlane v42, v39;
	_ =	sdelay $0x1  }
0xa02: {  	v43 =	vadd.s32 v40, v43;
	_ =	sdelay $0x3  }
0xa03: {  	v42 =	vperm.xlane v42, v41  }
0xa04: {  	[tilespmem:s25], [sflag:$0x5] =	stream.indirect_vreg.gather [hbm4b:s8+s2], $0x80, v43, vm0, $0xb8;
	[tilespmem:$0x1E680] =	vst v63  }
0xa05: {  	v42 =	vadd.s32 v40, v42  }
0xa06: {  	[tilespmem:s31], [sflag:$0x5] =	stream.indirect_vreg.gather [hbm4b:s9+s2], $0x80, v43, vm0, $0xb8;
	[tilespmem:$0x1E680] =	vst v63  }
0xa07: {  	_ = 	snop  }
0xa08: {  	[tilespmem:s22], [sflag:$0x5] =	stream.indirect_vreg.gather [hbm4b:s29+s2], $0x80, v43, vm0, $0xb8;
	[tilespmem:$0x1E680] =	vst v63  }
0xa09: {  	_ = 	snop  }
0xa0a: {  	[tilespmem:s30], [sflag:$0x5] =	stream.indirect_vreg.gather [hbm4b:s8+s2], $0x80, v42, vm0, $0xb8;
	[tilespmem:$0x1E680] =	vst v63  }
0xa0b: {  	_ = 	snop  }
0xa0c: {  	[tilespmem:s24], [sflag:$0x5] =	stream.indirect_vreg.gather [hbm4b:s9+s2], $0x80, v42, vm0, $0xb8;
	[tilespmem:$0x1E680] =	vst v63  }
0xa0d: {  	_ = 	snop  }
0xa0e: {  	[tilespmem:s19], [sflag:$0x5] =	stream.indirect_vreg.gather [hbm4b:s29+s2], $0x80, v42, vm0, $0xb8;
	[tilespmem:$0x1E680] =	vst v63  }
0xa0f: {  	v42 =	vld [tilespmem:$0x2B0];
	_ =	sdelay $0x4  }
0xa10: {  	v58 =	vshrl.u32 v42, $0x3  }
0xa11: {  	v43 =	vmul.u32 $0x30, v58  }
0xa12: {  	v42 =	vand.u32 $0x7, v42  }
0xa13: {  	v42 =	vor.u32 v42, v43  }
0xa14: {  	v43 =	vperm.xlane v42, v39;
	_ =	sdelay $0x1  }
0xa15: {  	v43 =	vadd.s32 v40, v43;
	_ =	sdelay $0x3  }
0xa16: {  	s15 =	simm.s32 $0x9680;
	v42 =	vperm.xlane v42, v41  }
0xa17: {  	[tilespmem:s15], [sflag:$0x5] =	stream.indirect_vreg.gather [hbm4b:s8+s2], $0x80, v43, vm0, $0xb8;
	[tilespmem:$0x1E680] =	vst v63  }
0xa18: {  	v42 =	vadd.s32 v40, v42  }
0xa19: {  	[tilespmem:s18], [sflag:$0x5] =	stream.indirect_vreg.gather [hbm4b:s9+s2], $0x80, v43, vm0, $0xb8;
	[tilespmem:$0x1E680] =	vst v63  }
0xa1a: {  	_ = 	snop  }
0xa1b: {  	[tilespmem:s5], [sflag:$0x5] =	stream.indirect_vreg.gather [hbm4b:s29+s2], $0x80, v43, vm0, $0xb8;
	[tilespmem:$0x1E680] =	vst v63  }
0xa1c: {  	_ = 	snop  }
0xa1d: {  	[tilespmem:s4], [sflag:$0x5] =	stream.indirect_vreg.gather [hbm4b:s8+s2], $0x80, v42, vm0, $0xb8;
	[tilespmem:$0x1E680] =	vst v63  }
0xa1e: {  	_ = 	snop  }
0xa1f: {  	[tilespmem:s0], [sflag:$0x5] =	stream.indirect_vreg.gather [hbm4b:s9+s2], $0x80, v42, vm0, $0xb8;
	[tilespmem:$0x1E680] =	vst v63  }
0xa20: {  	_ = 	snop  }
0xa21: {  	[tilespmem:s23], [sflag:$0x5] =	stream.indirect_vreg.gather [hbm4b:s29+s2], $0x80, v42, vm0, $0xb8;
	[tilespmem:$0x1E680] =	vst v63  }
0xa22: {  	_ =	swait.ge [sflag:s14], $0xC000  }
0xa23: {  	[sflag:s14] =	ssyncset.done $0x0  }
0xa24: {  	[sflag:s14] =	ssyncadd.s32 $0xFFFF4000  }
0xa25: {  	v59 =	vld [tilespmem:$0x500];
	_ =	sdelay $0x4  }
0xa26: {  	v60 =	vshrl.u32 v59, $0x3  }
0xa27: {  	v43 =	vmul.u32 $0x30, v60  }
0xa28: {  	v42 =	vand.u32 $0x7, v59  }
0xa29: {  	v42 =	vor.u32 v42, v43  }
0xa2a: {  	v43 =	vperm.xlane v42, v39;
	_ =	sdelay $0x1  }
0xa2b: {  	v43 =	vadd.s32 v40, v43;
	_ =	sdelay $0x3  }
0xa2c: {  	s29 =	sld [smem:$0x7F6];
	v42 =	vperm.xlane v42, v41  }
0xa2d: {  	[hbm4b:s13+s2] =	stream.indirect_vreg.scatter [tilespmem:s16], [sflag:$0x5], $0x80, v43, vm0, $0xb8;
	[tilespmem:$0x1E680] =	vst v63  }
0xa2e: {  	v42 =	vadd.s32 v40, v42  }
0xa2f: {  	[hbm4b:s29+s2] =	stream.indirect_vreg.scatter [tilespmem:s10], [sflag:$0x5], $0x80, v43, vm0, $0xb8;
	[tilespmem:$0x1E680] =	vst v63  }
0xa30: {  	_ = 	snop  }
0xa31: {  	[hbm4b:s7+s2] =	stream.indirect_vreg.scatter [tilespmem:s3], [sflag:$0x5], $0x80, v43, vm0, $0xb8;
	[tilespmem:$0x1E680] =	vst v63  }
0xa32: {  	_ = 	snop  }
0xa33: {  	[hbm4b:s13+s2] =	stream.indirect_vreg.scatter [tilespmem:s12], [sflag:$0x5], $0x80, v42, vm0, $0xb8;
	[tilespmem:$0x1E680] =	vst v63  }
0xa34: {  	_ = 	snop  }
0xa35: {  	[hbm4b:s29+s2] =	stream.indirect_vreg.scatter [tilespmem:s17], [sflag:$0x5], $0x80, v42, vm0, $0xb8;
	[tilespmem:$0x1E680] =	vst v63  }
0xa36: {  	s12 =	simm.s32 $0x2E80  }
0xa37: {  	[hbm4b:s7+s2] =	stream.indirect_vreg.scatter [tilespmem:s12], [sflag:$0x5], $0x80, v42, vm0, $0xb8;
	[tilespmem:$0x1E680] =	vst v63  }
0xa38: {  	v42 =	vld [tilespmem:$0x510];
	_ =	sdelay $0x4  }
0xa39: {  	v61 =	vshrl.u32 v42, $0x3  }
0xa3a: {  	v43 =	vmul.u32 $0x30, v61  }
0xa3b: {  	v42 =	vand.u32 $0x7, v42  }
0xa3c: {  	v42 =	vor.u32 v42, v43  }
0xa3d: {  	v43 =	vperm.xlane v42, v39;
	_ =	sdelay $0x1  }
0xa3e: {  	v43 =	vadd.s32 v40, v43;
	_ =	sdelay $0x3  }
0xa3f: {  	v42 =	vperm.xlane v42, v41  }
0xa40: {  	[hbm4b:s13+s2] =	stream.indirect_vreg.scatter [tilespmem:s11], [sflag:$0x5], $0x80, v43, vm0, $0xb8;
	[tilespmem:$0x1E680] =	vst v63  }
0xa41: {  	v42 =	vadd.s32 v40, v42  }
0xa42: {  	[hbm4b:s29+s2] =	stream.indirect_vreg.scatter [tilespmem:s26], [sflag:$0x5], $0x80, v43, vm0, $0xb8;
	[tilespmem:$0x1E680] =	vst v63  }
0xa43: {  	_ = 	snop  }
0xa44: {  	[hbm4b:s7+s2] =	stream.indirect_vreg.scatter [tilespmem:s28], [sflag:$0x5], $0x80, v43, vm0, $0xb8;
	[tilespmem:$0x1E680] =	vst v63  }
0xa45: {  	_ = 	snop  }
0xa46: {  	[hbm4b:s13+s2] =	stream.indirect_vreg.scatter [tilespmem:s21], [sflag:$0x5], $0x80, v42, vm0, $0xb8;
	[tilespmem:$0x1E680] =	vst v63  }
0xa47: {  	_ = 	snop  }
0xa48: {  	[hbm4b:s29+s2] =	stream.indirect_vreg.scatter [tilespmem:s20], [sflag:$0x5], $0x80, v42, vm0, $0xb8;
	[tilespmem:$0x1E680] =	vst v63  }
0xa49: {  	_ = 	snop  }
0xa4a: {  	[hbm4b:s7+s2] =	stream.indirect_vreg.scatter [tilespmem:s6], [sflag:$0x5], $0x80, v42, vm0, $0xb8;
	[tilespmem:$0x1E680] =	vst v63  }
0xa4b: {  	v42 =	vld [tilespmem:$0x520];
	_ =	sdelay $0x4  }
0xa4c: {  	v62 =	vshrl.u32 v42, $0x3  }
0xa4d: {  	v43 =	vmul.u32 $0x30, v62  }
0xa4e: {  	v42 =	vand.u32 $0x7, v42  }
0xa4f: {  	v42 =	vor.u32 v42, v43  }
0xa50: {  	v43 =	vperm.xlane v42, v39;
	_ =	sdelay $0x1  }
0xa51: {  	v43 =	vadd.s32 v40, v43;
	_ =	sdelay $0x3  }
0xa52: {  	v42 =	vperm.xlane v42, v41  }
0xa53: {  	[hbm4b:s13+s2] =	stream.indirect_vreg.scatter [tilespmem:s25], [sflag:$0x5], $0x80, v43, vm0, $0xb8;
	[tilespmem:$0x1E680] =	vst v63  }
0xa54: {  	v42 =	vadd.s32 v40, v42  }
0xa55: {  	[hbm4b:s29+s2] =	stream.indirect_vreg.scatter [tilespmem:s31], [sflag:$0x5], $0x80, v43, vm0, $0xb8;
	[tilespmem:$0x1E680] =	vst v63  }
0xa56: {  	_ = 	snop  }
0xa57: {  	[hbm4b:s7+s2] =	stream.indirect_vreg.scatter [tilespmem:s22], [sflag:$0x5], $0x80, v43, vm0, $0xb8;
	[tilespmem:$0x1E680] =	vst v63  }
0xa58: {  	_ = 	snop  }
0xa59: {  	[hbm4b:s13+s2] =	stream.indirect_vreg.scatter [tilespmem:s30], [sflag:$0x5], $0x80, v42, vm0, $0xb8;
	[tilespmem:$0x1E680] =	vst v63  }
0xa5a: {  	_ = 	snop  }
0xa5b: {  	[hbm4b:s29+s2] =	stream.indirect_vreg.scatter [tilespmem:s24], [sflag:$0x5], $0x80, v42, vm0, $0xb8;
	[tilespmem:$0x1E680] =	vst v63  }
0xa5c: {  	_ = 	snop  }
0xa5d: {  	[hbm4b:s7+s2] =	stream.indirect_vreg.scatter [tilespmem:s19], [sflag:$0x5], $0x80, v42, vm0, $0xb8;
	[tilespmem:$0x1E680] =	vst v63  }
0xa5e: {  	v42 =	vld [tilespmem:$0x530];
	_ =	sdelay $0x4  }
0xa5f: {  	v63 =	vshrl.u32 v42, $0x3  }
0xa60: {  	v43 =	vmul.u32 $0x30, v63  }
0xa61: {  	v42 =	vand.u32 $0x7, v42  }
0xa62: {  	v42 =	vor.u32 v42, v43  }
0xa63: {  	v43 =	vperm.xlane v42, v39;
	_ =	sdelay $0x1  }
0xa64: {  	v43 =	vadd.s32 v40, v43;
	_ =	sdelay $0x3  }
0xa65: {  	v42 =	vperm.xlane v42, v41  }
0xa66: {  	[hbm4b:s13+s2] =	stream.indirect_vreg.scatter [tilespmem:s15], [sflag:$0x5], $0x80, v43, vm0, $0xb8;
	[tilespmem:$0x1E680] =	vst v63  }
0xa67: {  	v42 =	vadd.s32 v40, v42  }
0xa68: {  	[hbm4b:s29+s2] =	stream.indirect_vreg.scatter [tilespmem:s18], [sflag:$0x5], $0x80, v43, vm0, $0xb8;
	[tilespmem:$0x1E680] =	vst v63  }
0xa69: {  	_ = 	snop  }
0xa6a: {  	[hbm4b:s7+s2] =	stream.indirect_vreg.scatter [tilespmem:s5], [sflag:$0x5], $0x80, v43, vm0, $0xb8;
	[tilespmem:$0x1E680] =	vst v63  }
0xa6b: {  	_ = 	snop  }
0xa6c: {  	[hbm4b:s13+s2] =	stream.indirect_vreg.scatter [tilespmem:s4], [sflag:$0x5], $0x80, v42, vm0, $0xb8;
	[tilespmem:$0x1E680] =	vst v63  }
0xa6d: {  	_ = 	snop  }
0xa6e: {  	[hbm4b:s29+s2] =	stream.indirect_vreg.scatter [tilespmem:s0], [sflag:$0x5], $0x80, v42, vm0, $0xb8;
	[tilespmem:$0x1E680] =	vst v63  }
0xa6f: {  	_ = 	snop  }
0xa70: {  	[hbm4b:s7+s2] =	stream.indirect_vreg.scatter [tilespmem:s23], [sflag:$0x5], $0x80, v42, vm0, $0xb8;
	[tilespmem:$0x1E680] =	vst v63  }
0xa71: {  	_ =	swait.ge [sflag:s14], $0xC000  }
0xa72: {  	[sflag:s14] =	ssyncset.done $0x0  }
0xa73: {  	p1 =	por $0x1, $0x1;
	[sflag:s14] =	ssyncadd.s32 $0xFFFF4000  }
.LBB2_14:
0xa74: {  	v42 =	vld [tilespmem:$0x200];
	_ =	sdelay $0x4  }
0xa75: {  	v43 =	vshrl.u32 v42, $0x3  }
0xa76: {  	v43 =	vmul.u32 $0x30, v43  }
0xa77: {  	v42 =	vand.u32 $0x7, v42  }
0xa78: {  	v42 =	vor.u32 v42, v43  }
0xa79: {  	v43 =	vperm.xlane v42, v39;
	_ =	sdelay $0x1  }
0xa7a: {  	v43 =	vadd.s32 v40, v43;
	_ =	sdelay $0x2  }
0xa7b: {  	s8 =	rddreg [dreg:$0x7]  }
0xa7c: {  	s7 =	sld [smem:$0x7F8];
	v42 =	vperm.xlane v42, v41  }
0xa7d: {  	[tilespmem:s16], [sflag:$0x5] =	stream.indirect_vreg.gather [hbm4b:s8+s2], $0x80, v43, vm0, $0xb8;
	[tilespmem:$0x1E680] =	vst v63  }
0xa7e: {  	s11 =	sld [smem:$0x7F9];
	v42 =	vadd.s32 v40, v42  }
0xa7f: {  	[tilespmem:s10], [sflag:$0x5] =	stream.indirect_vreg.gather [hbm4b:s7+s2], $0x80, v43, vm0, $0xb8;
	[tilespmem:$0x1E680] =	vst v63  }
0xa80: {  	_ = 	snop  }
0xa81: {  	[tilespmem:s3], [sflag:$0x5] =	stream.indirect_vreg.gather [hbm4b:s11+s2], $0x80, v43, vm0, $0xb8;
	[tilespmem:$0x1E680] =	vst v63  }
0xa82: {  	s13 =	simm.s32 $0x1E80  }
0xa83: {  	[tilespmem:s13], [sflag:$0x5] =	stream.indirect_vreg.gather [hbm4b:s8+s2], $0x80, v42, vm0, $0xb8;
	[tilespmem:$0x1E680] =	vst v63  }
0xa84: {  	_ = 	snop  }
0xa85: {  	[tilespmem:s17], [sflag:$0x5] =	stream.indirect_vreg.gather [hbm4b:s7+s2], $0x80, v42, vm0, $0xb8;
	[tilespmem:$0x1E680] =	vst v63  }
0xa86: {  	_ = 	snop  }
0xa87: {  	[tilespmem:s12], [sflag:$0x5] =	stream.indirect_vreg.gather [hbm4b:s11+s2], $0x80, v42, vm0, $0xb8;
	[tilespmem:$0x1E680] =	vst v63  }
0xa88: {  	v42 =	vld [tilespmem:$0x210];
	_ =	sdelay $0x4  }
0xa89: {  	v56 =	vshrl.u32 v42, $0x3  }
0xa8a: {  	v43 =	vmul.u32 $0x30, v56  }
0xa8b: {  	v42 =	vand.u32 $0x7, v42  }
0xa8c: {  	v42 =	vor.u32 v42, v43  }
0xa8d: {  	v43 =	vperm.xlane v42, v39;
	_ =	sdelay $0x1  }
0xa8e: {  	v43 =	vadd.s32 v40, v43;
	_ =	sdelay $0x3  }
0xa8f: {  	s12 =	simm.s32 $0x3680;
	v42 =	vperm.xlane v42, v41  }
0xa90: {  	[tilespmem:s12], [sflag:$0x5] =	stream.indirect_vreg.gather [hbm4b:s8+s2], $0x80, v43, vm0, $0xb8;
	[tilespmem:$0x1E680] =	vst v63  }
0xa91: {  	v42 =	vadd.s32 v40, v42  }
0xa92: {  	[tilespmem:s26], [sflag:$0x5] =	stream.indirect_vreg.gather [hbm4b:s7+s2], $0x80, v43, vm0, $0xb8;
	[tilespmem:$0x1E680] =	vst v63  }
0xa93: {  	_ = 	snop  }
0xa94: {  	[tilespmem:s28], [sflag:$0x5] =	stream.indirect_vreg.gather [hbm4b:s11+s2], $0x80, v43, vm0, $0xb8;
	[tilespmem:$0x1E680] =	vst v63  }
0xa95: {  	_ = 	snop  }
0xa96: {  	[tilespmem:s21], [sflag:$0x5] =	stream.indirect_vreg.gather [hbm4b:s8+s2], $0x80, v42, vm0, $0xb8;
	[tilespmem:$0x1E680] =	vst v63  }
0xa97: {  	_ = 	snop  }
0xa98: {  	[tilespmem:s20], [sflag:$0x5] =	stream.indirect_vreg.gather [hbm4b:s7+s2], $0x80, v42, vm0, $0xb8;
	[tilespmem:$0x1E680] =	vst v63  }
0xa99: {  	_ = 	snop  }
0xa9a: {  	[tilespmem:s6], [sflag:$0x5] =	stream.indirect_vreg.gather [hbm4b:s11+s2], $0x80, v42, vm0, $0xb8;
	[tilespmem:$0x1E680] =	vst v63  }
0xa9b: {  	v42 =	vld [tilespmem:$0x220];
	_ =	sdelay $0x4  }
0xa9c: {  	v57 =	vshrl.u32 v42, $0x3  }
0xa9d: {  	v43 =	vmul.u32 $0x30, v57  }
0xa9e: {  	v42 =	vand.u32 $0x7, v42  }
0xa9f: {  	v42 =	vor.u32 v42, v43  }
0xaa0: {  	v43 =	vperm.xlane v42, v39;
	_ =	sdelay $0x1  }
0xaa1: {  	v43 =	vadd.s32 v40, v43;
	_ =	sdelay $0x3  }
0xaa2: {  	v42 =	vperm.xlane v42, v41  }
0xaa3: {  	[tilespmem:s25], [sflag:$0x5] =	stream.indirect_vreg.gather [hbm4b:s8+s2], $0x80, v43, vm0, $0xb8;
	[tilespmem:$0x1E680] =	vst v63  }
0xaa4: {  	v42 =	vadd.s32 v40, v42  }
0xaa5: {  	[tilespmem:s31], [sflag:$0x5] =	stream.indirect_vreg.gather [hbm4b:s7+s2], $0x80, v43, vm0, $0xb8;
	[tilespmem:$0x1E680] =	vst v63  }
0xaa6: {  	_ = 	snop  }
0xaa7: {  	[tilespmem:s22], [sflag:$0x5] =	stream.indirect_vreg.gather [hbm4b:s11+s2], $0x80, v43, vm0, $0xb8;
	[tilespmem:$0x1E680] =	vst v63  }
0xaa8: {  	_ = 	snop  }
0xaa9: {  	[tilespmem:s30], [sflag:$0x5] =	stream.indirect_vreg.gather [hbm4b:s8+s2], $0x80, v42, vm0, $0xb8;
	[tilespmem:$0x1E680] =	vst v63  }
0xaaa: {  	s1 =	simm.s32 $0x8680  }
0xaab: {  	[tilespmem:s1], [sflag:$0x5] =	stream.indirect_vreg.gather [hbm4b:s7+s2], $0x80, v42, vm0, $0xb8;
	[tilespmem:$0x1E680] =	vst v63  }
0xaac: {  	_ = 	snop  }
0xaad: {  	[tilespmem:s19], [sflag:$0x5] =	stream.indirect_vreg.gather [hbm4b:s11+s2], $0x80, v42, vm0, $0xb8;
	[tilespmem:$0x1E680] =	vst v63  }
0xaae: {  	v42 =	vld [tilespmem:$0x230];
	_ =	sdelay $0x4  }
0xaaf: {  	v58 =	vshrl.u32 v42, $0x3  }
0xab0: {  	v43 =	vmul.u32 $0x30, v58  }
0xab1: {  	v42 =	vand.u32 $0x7, v42  }
0xab2: {  	v42 =	vor.u32 v42, v43  }
0xab3: {  	v43 =	vperm.xlane v42, v39;
	_ =	sdelay $0x1  }
0xab4: {  	v43 =	vadd.s32 v40, v43;
	_ =	sdelay $0x3  }
0xab5: {  	s1 =	simm.s32 $0x9680;
	v42 =	vperm.xlane v42, v41  }
0xab6: {  	[tilespmem:s1], [sflag:$0x5] =	stream.indirect_vreg.gather [hbm4b:s8+s2], $0x80, v43, vm0, $0xb8;
	[tilespmem:$0x1E680] =	vst v63  }
0xab7: {  	v42 =	vadd.s32 v40, v42  }
0xab8: {  	[tilespmem:s18], [sflag:$0x5] =	stream.indirect_vreg.gather [hbm4b:s7+s2], $0x80, v43, vm0, $0xb8;
	[tilespmem:$0x1E680] =	vst v63  }
0xab9: {  	_ = 	snop  }
0xaba: {  	[tilespmem:s5], [sflag:$0x5] =	stream.indirect_vreg.gather [hbm4b:s11+s2], $0x80, v43, vm0, $0xb8;
	[tilespmem:$0x1E680] =	vst v63  }
0xabb: {  	_ = 	snop  }
0xabc: {  	[tilespmem:s4], [sflag:$0x5] =	stream.indirect_vreg.gather [hbm4b:s8+s2], $0x80, v42, vm0, $0xb8;
	[tilespmem:$0x1E680] =	vst v63  }
0xabd: {  	_ = 	snop  }
0xabe: {  	[tilespmem:s0], [sflag:$0x5] =	stream.indirect_vreg.gather [hbm4b:s7+s2], $0x80, v42, vm0, $0xb8;
	[tilespmem:$0x1E680] =	vst v63  }
0xabf: {  	_ = 	snop  }
0xac0: {  	[tilespmem:s23], [sflag:$0x5] =	stream.indirect_vreg.gather [hbm4b:s11+s2], $0x80, v42, vm0, $0xb8;
	[tilespmem:$0x1E680] =	vst v63  }
0xac1: {  	_ =	swait.ge [sflag:s14], $0xC000  }
0xac2: {  	[sflag:s14] =	ssyncset.done $0x0  }
0xac3: {  	[sflag:s14] =	ssyncadd.s32 $0xFFFF4000  }
0xac4: {  	v59 =	vld [tilespmem:$0x400];
	_ =	sdelay $0x4  }
0xac5: {  	v60 =	vshrl.u32 v59, $0x3  }
0xac6: {  	v43 =	vmul.u32 $0x30, v60  }
0xac7: {  	v42 =	vand.u32 $0x7, v59  }
0xac8: {  	v42 =	vor.u32 v42, v43  }
0xac9: {  	v43 =	vperm.xlane v42, v39;
	_ =	sdelay $0x1  }
0xaca: {  	v43 =	vadd.s32 v40, v43;
	_ =	sdelay $0x2  }
0xacb: {  	s25 =	rddreg [dreg:$0x13]  }
0xacc: {  	s9 =	sld [smem:$0x7FA];
	v42 =	vperm.xlane v42, v41  }
0xacd: {  	[hbm4b:s25+s2] =	stream.indirect_vreg.scatter [tilespmem:s16], [sflag:$0x5], $0x80, v43, vm0, $0xb8;
	[tilespmem:$0x1E680] =	vst v63  }
0xace: {  	s29 =	sld [smem:$0x7FD];
	v42 =	vadd.s32 v40, v42  }
0xacf: {  	[hbm4b:s9+s2] =	stream.indirect_vreg.scatter [tilespmem:s10], [sflag:$0x5], $0x80, v43, vm0, $0xb8;
	[tilespmem:$0x1E680] =	vst v63  }
0xad0: {  	_ = 	snop  }
0xad1: {  	[hbm4b:s29+s2] =	stream.indirect_vreg.scatter [tilespmem:s3], [sflag:$0x5], $0x80, v43, vm0, $0xb8;
	[tilespmem:$0x1E680] =	vst v63  }
0xad2: {  	_ = 	snop  }
0xad3: {  	[hbm4b:s25+s2] =	stream.indirect_vreg.scatter [tilespmem:s13], [sflag:$0x5], $0x80, v42, vm0, $0xb8;
	[tilespmem:$0x1E680] =	vst v63  }
0xad4: {  	_ = 	snop  }
0xad5: {  	[hbm4b:s9+s2] =	stream.indirect_vreg.scatter [tilespmem:s17], [sflag:$0x5], $0x80, v42, vm0, $0xb8;
	[tilespmem:$0x1E680] =	vst v63  }
0xad6: {  	s15 =	simm.s32 $0x2E80  }
0xad7: {  	[hbm4b:s29+s2] =	stream.indirect_vreg.scatter [tilespmem:s15], [sflag:$0x5], $0x80, v42, vm0, $0xb8;
	[tilespmem:$0x1E680] =	vst v63  }
0xad8: {  	v42 =	vld [tilespmem:$0x410];
	_ =	sdelay $0x4  }
0xad9: {  	v61 =	vshrl.u32 v42, $0x3  }
0xada: {  	v43 =	vmul.u32 $0x30, v61  }
0xadb: {  	v42 =	vand.u32 $0x7, v42  }
0xadc: {  	v42 =	vor.u32 v42, v43  }
0xadd: {  	v43 =	vperm.xlane v42, v39;
	_ =	sdelay $0x1  }
0xade: {  	v43 =	vadd.s32 v40, v43;
	_ =	sdelay $0x3  }
0xadf: {  	v42 =	vperm.xlane v42, v41  }
0xae0: {  	[hbm4b:s25+s2] =	stream.indirect_vreg.scatter [tilespmem:s12], [sflag:$0x5], $0x80, v43, vm0, $0xb8;
	[tilespmem:$0x1E680] =	vst v63  }
0xae1: {  	v42 =	vadd.s32 v40, v42  }
0xae2: {  	[hbm4b:s9+s2] =	stream.indirect_vreg.scatter [tilespmem:s26], [sflag:$0x5], $0x80, v43, vm0, $0xb8;
	[tilespmem:$0x1E680] =	vst v63  }
0xae3: {  	_ = 	snop  }
0xae4: {  	[hbm4b:s29+s2] =	stream.indirect_vreg.scatter [tilespmem:s28], [sflag:$0x5], $0x80, v43, vm0, $0xb8;
	[tilespmem:$0x1E680] =	vst v63  }
0xae5: {  	_ = 	snop  }
0xae6: {  	[hbm4b:s25+s2] =	stream.indirect_vreg.scatter [tilespmem:s21], [sflag:$0x5], $0x80, v42, vm0, $0xb8;
	[tilespmem:$0x1E680] =	vst v63  }
0xae7: {  	_ = 	snop  }
0xae8: {  	[hbm4b:s9+s2] =	stream.indirect_vreg.scatter [tilespmem:s20], [sflag:$0x5], $0x80, v42, vm0, $0xb8;
	[tilespmem:$0x1E680] =	vst v63  }
0xae9: {  	s6 =	simm.s32 $0x5E80  }
0xaea: {  	[hbm4b:s29+s2] =	stream.indirect_vreg.scatter [tilespmem:s6], [sflag:$0x5], $0x80, v42, vm0, $0xb8;
	[tilespmem:$0x1E680] =	vst v63  }
0xaeb: {  	v42 =	vld [tilespmem:$0x420];
	_ =	sdelay $0x4  }
0xaec: {  	v62 =	vshrl.u32 v42, $0x3  }
0xaed: {  	v43 =	vmul.u32 $0x30, v62  }
0xaee: {  	v42 =	vand.u32 $0x7, v42  }
0xaef: {  	v42 =	vor.u32 v42, v43  }
0xaf0: {  	v43 =	vperm.xlane v42, v39;
	_ =	sdelay $0x1  }
0xaf1: {  	v43 =	vadd.s32 v40, v43;
	_ =	sdelay $0x3  }
0xaf2: {  	s0 =	simm.s32 $0x6680;
	v42 =	vperm.xlane v42, v41  }
0xaf3: {  	[hbm4b:s25+s2] =	stream.indirect_vreg.scatter [tilespmem:s0], [sflag:$0x5], $0x80, v43, vm0, $0xb8;
	[tilespmem:$0x1E680] =	vst v63  }
0xaf4: {  	s31 =	simm.s32 $0x6E80;
	v42 =	vadd.s32 v40, v42  }
0xaf5: {  	[hbm4b:s9+s2] =	stream.indirect_vreg.scatter [tilespmem:s31], [sflag:$0x5], $0x80, v43, vm0, $0xb8;
	[tilespmem:$0x1E680] =	vst v63  }
0xaf6: {  	_ = 	snop  }
0xaf7: {  	[hbm4b:s29+s2] =	stream.indirect_vreg.scatter [tilespmem:s22], [sflag:$0x5], $0x80, v43, vm0, $0xb8;
	[tilespmem:$0x1E680] =	vst v63  }
0xaf8: {  	s30 =	simm.s32 $0x7E80  }
0xaf9: {  	[hbm4b:s25+s2] =	stream.indirect_vreg.scatter [tilespmem:s30], [sflag:$0x5], $0x80, v42, vm0, $0xb8;
	[tilespmem:$0x1E680] =	vst v63  }
0xafa: {  	s15 =	simm.s32 $0x8680  }
0xafb: {  	[hbm4b:s9+s2] =	stream.indirect_vreg.scatter [tilespmem:s15], [sflag:$0x5], $0x80, v42, vm0, $0xb8;
	[tilespmem:$0x1E680] =	vst v63  }
0xafc: {  	_ = 	snop  }
0xafd: {  	[hbm4b:s29+s2] =	stream.indirect_vreg.scatter [tilespmem:s19], [sflag:$0x5], $0x80, v42, vm0, $0xb8;
	[tilespmem:$0x1E680] =	vst v63  }
0xafe: {  	v42 =	vld [tilespmem:$0x430];
	_ =	sdelay $0x4  }
0xaff: {  	v63 =	vshrl.u32 v42, $0x3  }
0xb00: {  	v43 =	vmul.u32 $0x30, v63  }
0xb01: {  	v42 =	vand.u32 $0x7, v42  }
0xb02: {  	v42 =	vor.u32 v42, v43  }
0xb03: {  	v43 =	vperm.xlane v42, v39;
	_ =	sdelay $0x1  }
0xb04: {  	v43 =	vadd.s32 v40, v43;
	_ =	sdelay $0x3  }
0xb05: {  	v42 =	vperm.xlane v42, v41  }
0xb06: {  	[hbm4b:s25+s2] =	stream.indirect_vreg.scatter [tilespmem:s1], [sflag:$0x5], $0x80, v43, vm0, $0xb8;
	[tilespmem:$0x1E680] =	vst v63  }
0xb07: {  	v42 =	vadd.s32 v40, v42  }
0xb08: {  	[hbm4b:s9+s2] =	stream.indirect_vreg.scatter [tilespmem:s18], [sflag:$0x5], $0x80, v43, vm0, $0xb8;
	[tilespmem:$0x1E680] =	vst v63  }
0xb09: {  	_ = 	snop  }
0xb0a: {  	[hbm4b:s29+s2] =	stream.indirect_vreg.scatter [tilespmem:s5], [sflag:$0x5], $0x80, v43, vm0, $0xb8;
	[tilespmem:$0x1E680] =	vst v63  }
0xb0b: {  	_ = 	snop  }
0xb0c: {  	[hbm4b:s25+s2] =	stream.indirect_vreg.scatter [tilespmem:s4], [sflag:$0x5], $0x80, v42, vm0, $0xb8;
	[tilespmem:$0x1E680] =	vst v63  }
0xb0d: {  	s24 =	simm.s32 $0xB680  }
0xb0e: {  	[hbm4b:s9+s2] =	stream.indirect_vreg.scatter [tilespmem:s24], [sflag:$0x5], $0x80, v42, vm0, $0xb8;
	[tilespmem:$0x1E680] =	vst v63  }
.Ltmp14:
0xb0f: {  	s23 =	simm.s32 $0xBE80;
	(pc) =	sbr.rel @p0 .LBB2_16-.Ltmp14, $4  }
0xb10: {  	[hbm4b:s29+s2] =	stream.indirect_vreg.scatter [tilespmem:s23], [sflag:$0x5], $0x80, v42, vm0, $0xb8;
	[tilespmem:$0x1E680] =	vst v63  }
0xb11: {  	_ =	swait.ge [sflag:s14], $0xC000  }
0xb12: {  	s19 =	simm.s32 $0xAE80;
	[sflag:s14] =	ssyncset.done $0x0  }
0xb13: {  	s5 =	simm.s32 $0x680;
	s4 =	simm.s32 $0x2E80;
	[sflag:s14] =	ssyncadd.s32 $0xFFFF4000  }
0xb14: {  	v42 =	vld [tilespmem:$0x240];
	_ =	sdelay $0x4  }
0xb15: {  	v43 =	vshrl.u32 v42, $0x3  }
0xb16: {  	v43 =	vmul.u32 $0x30, v43  }
0xb17: {  	v42 =	vand.u32 $0x7, v42  }
0xb18: {  	v42 =	vor.u32 v42, v43  }
0xb19: {  	v43 =	vperm.xlane v42, v39;
	_ =	sdelay $0x1  }
0xb1a: {  	v43 =	vadd.s32 v40, v43;
	_ =	sdelay $0x3  }
0xb1b: {  	v42 =	vperm.xlane v42, v41  }
0xb1c: {  	[tilespmem:s5], [sflag:$0x5] =	stream.indirect_vreg.gather [hbm4b:s8+s2], $0x80, v43, vm0, $0xb8;
	[tilespmem:$0x1E680] =	vst v63  }
0xb1d: {  	v42 =	vadd.s32 v40, v42  }
0xb1e: {  	[tilespmem:s10], [sflag:$0x5] =	stream.indirect_vreg.gather [hbm4b:s7+s2], $0x80, v43, vm0, $0xb8;
	[tilespmem:$0x1E680] =	vst v63  }
0xb1f: {  	_ = 	snop  }
0xb20: {  	[tilespmem:s3], [sflag:$0x5] =	stream.indirect_vreg.gather [hbm4b:s11+s2], $0x80, v43, vm0, $0xb8;
	[tilespmem:$0x1E680] =	vst v63  }
0xb21: {  	s13 =	simm.s32 $0x1E80  }
0xb22: {  	[tilespmem:s13], [sflag:$0x5] =	stream.indirect_vreg.gather [hbm4b:s8+s2], $0x80, v42, vm0, $0xb8;
	[tilespmem:$0x1E680] =	vst v63  }
0xb23: {  	_ = 	snop  }
0xb24: {  	[tilespmem:s17], [sflag:$0x5] =	stream.indirect_vreg.gather [hbm4b:s7+s2], $0x80, v42, vm0, $0xb8;
	[tilespmem:$0x1E680] =	vst v63  }
0xb25: {  	_ = 	snop  }
0xb26: {  	[tilespmem:s4], [sflag:$0x5] =	stream.indirect_vreg.gather [hbm4b:s11+s2], $0x80, v42, vm0, $0xb8;
	[tilespmem:$0x1E680] =	vst v63  }
0xb27: {  	v42 =	vld [tilespmem:$0x250];
	_ =	sdelay $0x4  }
0xb28: {  	v56 =	vshrl.u32 v42, $0x3  }
0xb29: {  	v43 =	vmul.u32 $0x30, v56  }
0xb2a: {  	v42 =	vand.u32 $0x7, v42  }
0xb2b: {  	v42 =	vor.u32 v42, v43  }
0xb2c: {  	v43 =	vperm.xlane v42, v39;
	_ =	sdelay $0x1  }
0xb2d: {  	v43 =	vadd.s32 v40, v43;
	_ =	sdelay $0x3  }
0xb2e: {  	s12 =	simm.s32 $0x3680;
	v42 =	vperm.xlane v42, v41  }
0xb2f: {  	[tilespmem:s12], [sflag:$0x5] =	stream.indirect_vreg.gather [hbm4b:s8+s2], $0x80, v43, vm0, $0xb8;
	[tilespmem:$0x1E680] =	vst v63  }
0xb30: {  	s0 =	simm.s32 $0x3E80;
	v42 =	vadd.s32 v40, v42  }
0xb31: {  	[tilespmem:s0], [sflag:$0x5] =	stream.indirect_vreg.gather [hbm4b:s7+s2], $0x80, v43, vm0, $0xb8;
	[tilespmem:$0x1E680] =	vst v63  }
0xb32: {  	s26 =	simm.s32 $0x4680  }
0xb33: {  	[tilespmem:s26], [sflag:$0x5] =	stream.indirect_vreg.gather [hbm4b:s11+s2], $0x80, v43, vm0, $0xb8;
	[tilespmem:$0x1E680] =	vst v63  }
0xb34: {  	s28 =	simm.s32 $0x4E80  }
0xb35: {  	[tilespmem:s28], [sflag:$0x5] =	stream.indirect_vreg.gather [hbm4b:s8+s2], $0x80, v42, vm0, $0xb8;
	[tilespmem:$0x1E680] =	vst v63  }
0xb36: {  	s16 =	simm.s32 $0x5680  }
0xb37: {  	[tilespmem:s16], [sflag:$0x5] =	stream.indirect_vreg.gather [hbm4b:s7+s2], $0x80, v42, vm0, $0xb8;
	[tilespmem:$0x1E680] =	vst v63  }
0xb38: {  	_ = 	snop  }
0xb39: {  	[tilespmem:s6], [sflag:$0x5] =	stream.indirect_vreg.gather [hbm4b:s11+s2], $0x80, v42, vm0, $0xb8;
	[tilespmem:$0x1E680] =	vst v63  }
0xb3a: {  	v42 =	vld [tilespmem:$0x260];
	_ =	sdelay $0x4  }
0xb3b: {  	v57 =	vshrl.u32 v42, $0x3  }
0xb3c: {  	v43 =	vmul.u32 $0x30, v57  }
0xb3d: {  	v42 =	vand.u32 $0x7, v42  }
0xb3e: {  	v42 =	vor.u32 v42, v43  }
0xb3f: {  	v43 =	vperm.xlane v42, v39;
	_ =	sdelay $0x1  }
0xb40: {  	v43 =	vadd.s32 v40, v43;
	_ =	sdelay $0x3  }
0xb41: {  	s18 =	simm.s32 $0x6680;
	v42 =	vperm.xlane v42, v41  }
0xb42: {  	[tilespmem:s18], [sflag:$0x5] =	stream.indirect_vreg.gather [hbm4b:s8+s2], $0x80, v43, vm0, $0xb8;
	[tilespmem:$0x1E680] =	vst v63  }
0xb43: {  	v42 =	vadd.s32 v40, v42  }
0xb44: {  	[tilespmem:s31], [sflag:$0x5] =	stream.indirect_vreg.gather [hbm4b:s7+s2], $0x80, v43, vm0, $0xb8;
	[tilespmem:$0x1E680] =	vst v63  }
0xb45: {  	_ = 	snop  }
0xb46: {  	[tilespmem:s22], [sflag:$0x5] =	stream.indirect_vreg.gather [hbm4b:s11+s2], $0x80, v43, vm0, $0xb8;
	[tilespmem:$0x1E680] =	vst v63  }
0xb47: {  	_ = 	snop  }
0xb48: {  	[tilespmem:s30], [sflag:$0x5] =	stream.indirect_vreg.gather [hbm4b:s8+s2], $0x80, v42, vm0, $0xb8;
	[tilespmem:$0x1E680] =	vst v63  }
0xb49: {  	_ = 	snop  }
0xb4a: {  	[tilespmem:s15], [sflag:$0x5] =	stream.indirect_vreg.gather [hbm4b:s7+s2], $0x80, v42, vm0, $0xb8;
	[tilespmem:$0x1E680] =	vst v63  }
0xb4b: {  	s1 =	simm.s32 $0x8E80  }
0xb4c: {  	[tilespmem:s1], [sflag:$0x5] =	stream.indirect_vreg.gather [hbm4b:s11+s2], $0x80, v42, vm0, $0xb8;
	[tilespmem:$0x1E680] =	vst v63  }
0xb4d: {  	v42 =	vld [tilespmem:$0x270];
	_ =	sdelay $0x4  }
0xb4e: {  	v58 =	vshrl.u32 v42, $0x3  }
0xb4f: {  	v43 =	vmul.u32 $0x30, v58  }
0xb50: {  	v42 =	vand.u32 $0x7, v42  }
0xb51: {  	v42 =	vor.u32 v42, v43  }
0xb52: {  	v43 =	vperm.xlane v42, v39;
	_ =	sdelay $0x1  }
0xb53: {  	v43 =	vadd.s32 v40, v43;
	_ =	sdelay $0x3  }
0xb54: {  	s1 =	simm.s32 $0x9680;
	v42 =	vperm.xlane v42, v41  }
0xb55: {  	[tilespmem:s1], [sflag:$0x5] =	stream.indirect_vreg.gather [hbm4b:s8+s2], $0x80, v43, vm0, $0xb8;
	[tilespmem:$0x1E680] =	vst v63  }
0xb56: {  	s21 =	simm.s32 $0x9E80;
	v42 =	vadd.s32 v40, v42  }
0xb57: {  	[tilespmem:s21], [sflag:$0x5] =	stream.indirect_vreg.gather [hbm4b:s7+s2], $0x80, v43, vm0, $0xb8;
	[tilespmem:$0x1E680] =	vst v63  }
0xb58: {  	s20 =	simm.s32 $0xA680  }
0xb59: {  	[tilespmem:s20], [sflag:$0x5] =	stream.indirect_vreg.gather [hbm4b:s11+s2], $0x80, v43, vm0, $0xb8;
	[tilespmem:$0x1E680] =	vst v63  }
0xb5a: {  	_ = 	snop  }
0xb5b: {  	[tilespmem:s19], [sflag:$0x5] =	stream.indirect_vreg.gather [hbm4b:s8+s2], $0x80, v42, vm0, $0xb8;
	[tilespmem:$0x1E680] =	vst v63  }
0xb5c: {  	_ = 	snop  }
0xb5d: {  	[tilespmem:s24], [sflag:$0x5] =	stream.indirect_vreg.gather [hbm4b:s7+s2], $0x80, v42, vm0, $0xb8;
	[tilespmem:$0x1E680] =	vst v63  }
0xb5e: {  	_ = 	snop  }
0xb5f: {  	[tilespmem:s23], [sflag:$0x5] =	stream.indirect_vreg.gather [hbm4b:s11+s2], $0x80, v42, vm0, $0xb8;
	[tilespmem:$0x1E680] =	vst v63  }
0xb60: {  	_ =	swait.ge [sflag:s14], $0xC000  }
0xb61: {  	[sflag:s14] =	ssyncset.done $0x0  }
0xb62: {  	[sflag:s14] =	ssyncadd.s32 $0xFFFF4000  }
0xb63: {  	v59 =	vld [tilespmem:$0x480];
	_ =	sdelay $0x4  }
0xb64: {  	v60 =	vshrl.u32 v59, $0x3  }
0xb65: {  	v43 =	vmul.u32 $0x30, v60  }
0xb66: {  	v42 =	vand.u32 $0x7, v59  }
0xb67: {  	v42 =	vor.u32 v42, v43  }
0xb68: {  	v43 =	vperm.xlane v42, v39;
	_ =	sdelay $0x1  }
0xb69: {  	v43 =	vadd.s32 v40, v43;
	_ =	sdelay $0x3  }
0xb6a: {  	v42 =	vperm.xlane v42, v41  }
0xb6b: {  	[hbm4b:s25+s2] =	stream.indirect_vreg.scatter [tilespmem:s5], [sflag:$0x5], $0x80, v43, vm0, $0xb8;
	[tilespmem:$0x1E680] =	vst v63  }
0xb6c: {  	v42 =	vadd.s32 v40, v42  }
0xb6d: {  	[hbm4b:s9+s2] =	stream.indirect_vreg.scatter [tilespmem:s10], [sflag:$0x5], $0x80, v43, vm0, $0xb8;
	[tilespmem:$0x1E680] =	vst v63  }
0xb6e: {  	_ = 	snop  }
0xb6f: {  	[hbm4b:s29+s2] =	stream.indirect_vreg.scatter [tilespmem:s3], [sflag:$0x5], $0x80, v43, vm0, $0xb8;
	[tilespmem:$0x1E680] =	vst v63  }
0xb70: {  	_ = 	snop  }
0xb71: {  	[hbm4b:s25+s2] =	stream.indirect_vreg.scatter [tilespmem:s13], [sflag:$0x5], $0x80, v42, vm0, $0xb8;
	[tilespmem:$0x1E680] =	vst v63  }
0xb72: {  	_ = 	snop  }
0xb73: {  	[hbm4b:s9+s2] =	stream.indirect_vreg.scatter [tilespmem:s17], [sflag:$0x5], $0x80, v42, vm0, $0xb8;
	[tilespmem:$0x1E680] =	vst v63  }
0xb74: {  	_ = 	snop  }
0xb75: {  	[hbm4b:s29+s2] =	stream.indirect_vreg.scatter [tilespmem:s4], [sflag:$0x5], $0x80, v42, vm0, $0xb8;
	[tilespmem:$0x1E680] =	vst v63  }
0xb76: {  	v42 =	vld [tilespmem:$0x490];
	_ =	sdelay $0x4  }
0xb77: {  	v61 =	vshrl.u32 v42, $0x3  }
0xb78: {  	v43 =	vmul.u32 $0x30, v61  }
0xb79: {  	v42 =	vand.u32 $0x7, v42  }
0xb7a: {  	v42 =	vor.u32 v42, v43  }
0xb7b: {  	v43 =	vperm.xlane v42, v39;
	_ =	sdelay $0x1  }
0xb7c: {  	v43 =	vadd.s32 v40, v43;
	_ =	sdelay $0x3  }
0xb7d: {  	v42 =	vperm.xlane v42, v41  }
0xb7e: {  	[hbm4b:s25+s2] =	stream.indirect_vreg.scatter [tilespmem:s12], [sflag:$0x5], $0x80, v43, vm0, $0xb8;
	[tilespmem:$0x1E680] =	vst v63  }
0xb7f: {  	v42 =	vadd.s32 v40, v42  }
0xb80: {  	[hbm4b:s9+s2] =	stream.indirect_vreg.scatter [tilespmem:s0], [sflag:$0x5], $0x80, v43, vm0, $0xb8;
	[tilespmem:$0x1E680] =	vst v63  }
0xb81: {  	_ = 	snop  }
0xb82: {  	[hbm4b:s29+s2] =	stream.indirect_vreg.scatter [tilespmem:s26], [sflag:$0x5], $0x80, v43, vm0, $0xb8;
	[tilespmem:$0x1E680] =	vst v63  }
0xb83: {  	_ = 	snop  }
0xb84: {  	[hbm4b:s25+s2] =	stream.indirect_vreg.scatter [tilespmem:s28], [sflag:$0x5], $0x80, v42, vm0, $0xb8;
	[tilespmem:$0x1E680] =	vst v63  }
0xb85: {  	_ = 	snop  }
0xb86: {  	[hbm4b:s9+s2] =	stream.indirect_vreg.scatter [tilespmem:s16], [sflag:$0x5], $0x80, v42, vm0, $0xb8;
	[tilespmem:$0x1E680] =	vst v63  }
0xb87: {  	_ = 	snop  }
0xb88: {  	[hbm4b:s29+s2] =	stream.indirect_vreg.scatter [tilespmem:s6], [sflag:$0x5], $0x80, v42, vm0, $0xb8;
	[tilespmem:$0x1E680] =	vst v63  }
0xb89: {  	v42 =	vld [tilespmem:$0x4A0];
	_ =	sdelay $0x4  }
0xb8a: {  	v62 =	vshrl.u32 v42, $0x3  }
0xb8b: {  	v43 =	vmul.u32 $0x30, v62  }
0xb8c: {  	v42 =	vand.u32 $0x7, v42  }
0xb8d: {  	v42 =	vor.u32 v42, v43  }
0xb8e: {  	v43 =	vperm.xlane v42, v39;
	_ =	sdelay $0x1  }
0xb8f: {  	v43 =	vadd.s32 v40, v43;
	_ =	sdelay $0x3  }
0xb90: {  	v42 =	vperm.xlane v42, v41  }
0xb91: {  	[hbm4b:s25+s2] =	stream.indirect_vreg.scatter [tilespmem:s18], [sflag:$0x5], $0x80, v43, vm0, $0xb8;
	[tilespmem:$0x1E680] =	vst v63  }
0xb92: {  	v42 =	vadd.s32 v40, v42  }
0xb93: {  	[hbm4b:s9+s2] =	stream.indirect_vreg.scatter [tilespmem:s31], [sflag:$0x5], $0x80, v43, vm0, $0xb8;
	[tilespmem:$0x1E680] =	vst v63  }
0xb94: {  	_ = 	snop  }
0xb95: {  	[hbm4b:s29+s2] =	stream.indirect_vreg.scatter [tilespmem:s22], [sflag:$0x5], $0x80, v43, vm0, $0xb8;
	[tilespmem:$0x1E680] =	vst v63  }
0xb96: {  	_ = 	snop  }
0xb97: {  	[hbm4b:s25+s2] =	stream.indirect_vreg.scatter [tilespmem:s30], [sflag:$0x5], $0x80, v42, vm0, $0xb8;
	[tilespmem:$0x1E680] =	vst v63  }
0xb98: {  	_ = 	snop  }
0xb99: {  	[hbm4b:s9+s2] =	stream.indirect_vreg.scatter [tilespmem:s15], [sflag:$0x5], $0x80, v42, vm0, $0xb8;
	[tilespmem:$0x1E680] =	vst v63  }
0xb9a: {  	s31 =	simm.s32 $0x8E80  }
0xb9b: {  	[hbm4b:s29+s2] =	stream.indirect_vreg.scatter [tilespmem:s31], [sflag:$0x5], $0x80, v42, vm0, $0xb8;
	[tilespmem:$0x1E680] =	vst v63  }
0xb9c: {  	v42 =	vld [tilespmem:$0x4B0];
	_ =	sdelay $0x4  }
0xb9d: {  	v63 =	vshrl.u32 v42, $0x3  }
0xb9e: {  	v43 =	vmul.u32 $0x30, v63  }
0xb9f: {  	v42 =	vand.u32 $0x7, v42  }
0xba0: {  	v42 =	vor.u32 v42, v43  }
0xba1: {  	v43 =	vperm.xlane v42, v39;
	_ =	sdelay $0x1  }
0xba2: {  	v43 =	vadd.s32 v40, v43;
	_ =	sdelay $0x3  }
0xba3: {  	v42 =	vperm.xlane v42, v41  }
0xba4: {  	[hbm4b:s25+s2] =	stream.indirect_vreg.scatter [tilespmem:s1], [sflag:$0x5], $0x80, v43, vm0, $0xb8;
	[tilespmem:$0x1E680] =	vst v63  }
0xba5: {  	v42 =	vadd.s32 v40, v42  }
0xba6: {  	[hbm4b:s9+s2] =	stream.indirect_vreg.scatter [tilespmem:s21], [sflag:$0x5], $0x80, v43, vm0, $0xb8;
	[tilespmem:$0x1E680] =	vst v63  }
0xba7: {  	_ = 	snop  }
0xba8: {  	[hbm4b:s29+s2] =	stream.indirect_vreg.scatter [tilespmem:s20], [sflag:$0x5], $0x80, v43, vm0, $0xb8;
	[tilespmem:$0x1E680] =	vst v63  }
0xba9: {  	_ = 	snop  }
0xbaa: {  	[hbm4b:s25+s2] =	stream.indirect_vreg.scatter [tilespmem:s19], [sflag:$0x5], $0x80, v42, vm0, $0xb8;
	[tilespmem:$0x1E680] =	vst v63  }
0xbab: {  	_ = 	snop  }
0xbac: {  	[hbm4b:s9+s2] =	stream.indirect_vreg.scatter [tilespmem:s24], [sflag:$0x5], $0x80, v42, vm0, $0xb8;
	[tilespmem:$0x1E680] =	vst v63  }
0xbad: {  	_ = 	snop  }
0xbae: {  	[hbm4b:s29+s2] =	stream.indirect_vreg.scatter [tilespmem:s23], [sflag:$0x5], $0x80, v42, vm0, $0xb8;
	[tilespmem:$0x1E680] =	vst v63  }
.Ltmp15:
0xbaf: {  	_ = 	snop;
	(pc) =	sbr.rel @p1 .LBB2_17-.Ltmp15, $4  }
.Ltmp16:
0xbb0: {  	_ = 	snop;
	(pc) =	sbr.rel @!p1 .LBB2_18-.Ltmp16, $4  }
0xbb1: {  	_ =	swait.ge [sflag:s14], $0xC000  }
0xbb2: {  	s26 =	simm.s32 $0x4680;
	[sflag:s14] =	ssyncset.done $0x0  }
0xbb3: {  	s28 =	simm.s32 $0x4E80;
	s6 =	rddreg [dreg:$0x1a];
	[sflag:s14] =	ssyncadd.s32 $0xFFFF4000  }
0xbb4: {  	_ = 	snop  }
.LBB2_16:
.Ltmp17:
0xbb5: {  	(pc) =	sbr.rel @!p1 .LBB2_18-.Ltmp17, $4  }
.Ltmp18:
0xbb6: {  	(pc) =	sbr.rel @p1 .LBB2_17-.Ltmp18, $4  }
0xbb7: {  	_ = 	snop  }
0xbb8: {  	_ = 	snop  }
0xbb9: {  	s6 =	rddreg [dreg:$0x1a];
	s26 =	simm.s32 $0x4680;
	s28 =	simm.s32 $0x4E80  }
0xbba: {  	_ = 	snop  }
.LBB2_19:
0xbbb: {  	_ =	sfence.sel $0x180000  }
0xbbc: {  	[bflag:$0x0] =	sbarrier.arrive $0xFFFF  }
0xbbd: {  	_ =	strace $0x90000047  }
0xbbe: {  	s0 =	stileid.u32;
	[bflag:$0x2] =	sbarrier.arrive $0xFFFF  }
0xbbf: {  	p0 =	sne.s32 s0, $0x0;
	s0 =	rddreg [dreg:$0x2]  }
0xbc0: {  	s0 =	sadd.s32 @!p0 $0x100000, s0  }
0xbc1: {  	[sflag:s0] =	ssyncadd.tile.s32 @!p0 $0x1;
	_ =	shalt  }
.Lfunc_end2:
_tile_overlayer_lowered:
.L_overlay_start_2:
0xbc2: {  	(tag) =	ssettag $0x2  }
0xbc3: {  	s0 =	rddreg [dreg:$0x0];
	s2 =	stileid.u32  }
0xbc4: {  	s1 =	rddreg [dreg:$0x1];
	p0 =	sne.s32 s2, $0x0  }
0xbc5: {  	s3 =	rddreg [dreg:$0x2];
	[bflag:$0x3] =	sbarrier.arrive $0xFFFF;
	s2 =	simm.s32 @!p0 $0x1C06  }
0xbc6: {  	[timem:s3], [sflag:s2] =	dma.local @!p0 [hbm:s0], s1  }
0xbc7: {  	s0 =	simm.s32 @!p0 $0x6  }
0xbc8: {  	_ =	swait.ge @!p0 [sflag:s0], s1  }
0xbc9: {  	s1 =	ssub.s32 @!p0 $0x0, s1;
	[sflag:s0] =	ssyncset.done @!p0 $0x0  }
0xbca: {  	[sflag:s0] =	ssyncadd.s32 @!p0 s1  }
0xbcb: {  	[bflag:$0x3] =	sbarrier.arrive $0xFFFF  }
0xbcc: {  	_ =	shalt  }

</sc_bundles>
